<compile_context>
chip_gen: v7x
topology: tpu7x:2x2x1
jax: 0.10.2.dev20260603
libtpu: 0.0.44.dev20260713+nightly
codegen_flags: <defaults>
</compile_context>

<pallas_src>
import functools

import jax
import jax.numpy as jnp
from jax import lax
from jax.experimental import pallas as pl
from jax.experimental.pallas import tpu as pltpu
from jax.experimental.pallas import tpu_sc as plsc

MEM_DIM = 512
IN_DIM = 512
N_LEAF = 8192
N_CHILD = 4096
B = 16
S = 32
P = B * S
NWORKERS = 32
PER_W = P // NWORKERS

@functools.cache
def _sc_gather_make():
    mesh = plsc.VectorSubcoreMesh(core_axis_name="c", subcore_axis_name="s")
    f32 = jnp.float32
    i32 = jnp.int32
    out_type = (
        jax.ShapeDtypeStruct((3 * P, IN_DIM), f32),
        jax.ShapeDtypeStruct((4 * P,), f32),
    )
    scratch = [
        pltpu.VMEM((PER_W,), i32),
        pltpu.VMEM((PER_W,), i32),
        pltpu.VMEM((PER_W,), i32),
        pltpu.VMEM((PER_W,), i32),
        pltpu.VMEM((PER_W,), i32),
        pltpu.VMEM((PER_W,), i32),
        pltpu.VMEM((PER_W,), i32),
        pltpu.VMEM((3 * PER_W,), i32),
        pltpu.VMEM((3 * PER_W, IN_DIM), f32),
        pltpu.VMEM((4 * PER_W,), f32),
        pltpu.SemaphoreType.DMA,
        pltpu.SemaphoreType.DMA,
    ]

    @functools.partial(pl.kernel, mesh=mesh, out_type=out_type,
                       scratch_types=scratch,
                       compiler_params=pltpu.CompilerParams(
                           needs_layout_passes=False))
    def sc_gather(ctx_hbm, lw_hbm, cw_hbm, ci_hbm, embed_hbm,
                  rows_out, mk_out,
                  cidx_v, cwv_v, lwv_v, ci0_v, ci1_v, w0_v, w1_v,
                  ri_v, rows_v, mk_v, sem, osem):
        wid = lax.axis_index("s") * 2 + lax.axis_index("c")
        base = wid * PER_W
        iota = lax.iota(jnp.int32, PER_W)
        pltpu.async_copy(ctx_hbm.at[iota * S + wid], cidx_v, sem).wait()

        cidx = cidx_v[...]
        is_child = cidx > N_LEAF
        is_leaf = (cidx > 0) & (cidx <= N_LEAF)
        n_safe = jnp.where(is_child, cidx - (1 + N_LEAF), 0)
        leaf_i = jnp.where(is_leaf, cidx - 1, 0)
        g1 = pltpu.async_copy(cw_hbm.at[n_safe], cwv_v, sem)
        g2 = pltpu.async_copy(lw_hbm.at[leaf_i], lwv_v, sem)
        g3 = pltpu.async_copy(ci_hbm.at[n_safe], ci0_v, sem)
        g4 = pltpu.async_copy(ci_hbm.at[N_CHILD + n_safe], ci1_v, sem)
        g1.wait()
        g2.wait()
        g3.wait()
        g4.wait()

        wx = jnp.where(is_child, cwv_v[...], lwv_v[...])
        ci0 = ci0_v[...]
        ci1 = ci1_v[...]
        m0 = is_child & (ci0 > 0)
        m1 = is_child & (ci1 > 0)
        g5 = pltpu.async_copy(lw_hbm.at[jnp.where(m0, ci0 - 1, 0)], w0_v, sem)
        g6 = pltpu.async_copy(lw_hbm.at[jnp.where(m1, ci1 - 1, 0)], w1_v, sem)
        ri_v[pl.ds(0, PER_W)] = wx

        one = jnp.float32(1.0)
        zero = jnp.float32(0.0)
        slot = iota * 4
        plsc.store_scatter(mk_v, [slot], jnp.where(is_child | is_leaf, one, zero))
        plsc.store_scatter(mk_v, [slot + 1], jnp.where(m0, one, zero))
        plsc.store_scatter(mk_v, [slot + 2], jnp.where(m1, one, zero))
        plsc.store_scatter(mk_v, [slot + 3], jnp.where(is_child, one, zero))
        cm = pltpu.async_copy(mk_v, mk_out.at[pl.ds(4 * base, 4 * PER_W)], osem)

        g5.wait()
        g6.wait()
        ri_v[pl.ds(PER_W, PER_W)] = w0_v[...]
        ri_v[pl.ds(2 * PER_W, PER_W)] = w1_v[...]
        pltpu.async_copy(embed_hbm.at[ri_v], rows_v, sem).wait()
        co = pltpu.async_copy(rows_v, rows_out.at[pl.ds(3 * base, 3 * PER_W)],
                              osem)
        cm.wait()
        co.wait()

    return sc_gather


def _tc_body(rows_ref, mk_ref,
             ioux_W_ref, iouh_W_ref, ioux_b_ref, iouh_b_ref,
             wih_f_ref, wih_b_ref, whh_f_ref, whh_b_ref,
             bih_f_ref, bih_b_ref, bhh_f_ref, bhh_b_ref,
             out_ref, gif_ref, gib_ref, bwd_ref,
             wfv_ref, wbv_ref, hfv_ref, hbv_ref, wsem, hsem):
    H = MEM_DIM
    dn = (((1,), (1,)), ((), ()))

    cw1 = pltpu.async_copy(wih_f_ref, wfv_ref, wsem)
    cw2 = pltpu.async_copy(wih_b_ref, wbv_ref, wsem)
    ch1 = pltpu.async_copy(whh_f_ref, hfv_ref, hsem)
    ch2 = pltpu.async_copy(whh_b_ref, hbv_ref, hsem)

    x_raw = rows_ref[:, 0].reshape(P, IN_DIM)
    c0_raw = rows_ref[:, 1].reshape(P, IN_DIM)
    c1_raw = rows_ref[:, 2].reshape(P, IN_DIM)
    X = x_raw * mk_ref[:, 0:1]
    HS = c0_raw * mk_ref[:, 1:2] + c1_raw * mk_ref[:, 2:3]
    iou = (lax.dot_general(X, ioux_W_ref[...], dn)
           + lax.dot_general(HS, iouh_W_ref[...], dn)
           + (ioux_b_ref[...] + iouh_b_ref[...]))
    i = jax.nn.sigmoid(iou[:, :H])
    o = jax.nn.sigmoid(iou[:, H:2 * H])
    u = jnp.tanh(iou[:, 2 * H:])
    h_op = o * jnp.tanh(i * u)
    mc = mk_ref[:, 3:4]
    enc = mc * h_op + (1.0 - mc) * X

    cw1.wait()
    cw2.wait()
    gif_ref[...] = (lax.dot_general(enc, wfv_ref[...], dn)
                    + bih_f_ref[...]).reshape(S, B, 3 * H)
    gib_ref[...] = (lax.dot_general(enc, wbv_ref[...], dn)
                    + bih_b_ref[...]).reshape(S, B, 3 * H)
    ch1.wait()
    ch2.wait()

    def step(t, carry):
        h_f, h_b = carry
        gi_f = gif_ref[t]
        gi_b = gib_ref[S - 1 - t]
        r_f = jax.nn.sigmoid(
            gi_f[:, :H] + lax.dot_general(h_f, hfv_ref[:H], dn)
            + bhh_f_ref[:, :H])
        r_b = jax.nn.sigmoid(
            gi_b[:, :H] + lax.dot_general(h_b, hbv_ref[:H], dn)
            + bhh_b_ref[:, :H])
        z_f = jax.nn.sigmoid(
            gi_f[:, H:2 * H] + lax.dot_general(h_f, hfv_ref[H:2 * H], dn)
            + bhh_f_ref[:, H:2 * H])
        z_b = jax.nn.sigmoid(
            gi_b[:, H:2 * H] + lax.dot_general(h_b, hbv_ref[H:2 * H], dn)
            + bhh_b_ref[:, H:2 * H])
        n_f = jnp.tanh(
            gi_f[:, 2 * H:]
            + r_f * (lax.dot_general(h_f, hfv_ref[2 * H:], dn)
                     + bhh_f_ref[:, 2 * H:]))
        n_b = jnp.tanh(
            gi_b[:, 2 * H:]
            + r_b * (lax.dot_general(h_b, hbv_ref[2 * H:], dn)
                     + bhh_b_ref[:, 2 * H:]))
        h_f = (1.0 - z_f) * n_f + z_f * h_f
        h_b = (1.0 - z_b) * n_b + z_b * h_b
        out_ref[:, pl.ds(t, 1)] = h_f[:, None]
        bwd_ref[:, pl.ds(S - 1 - t, 1)] = h_b[:, None]
        return h_f, h_b

    h0 = jnp.zeros((B, MEM_DIM), jnp.float32)
    carry = (h0, h0)
    for t in range(S):
        carry = step(t, carry)
    out_ref[...] += bwd_ref[...]


def _tc_call(rows4, mk4,
             ioux_W, iouh_W, ioux_b, iouh_b, wih_f, wih_b, whh_f, whh_b,
             bih_f, bih_b, bhh_f, bhh_b):
    vspec = pl.BlockSpec(memory_space=pltpu.MemorySpace.VMEM)
    hspec = pl.BlockSpec(memory_space=pltpu.MemorySpace.HBM)
    return pl.pallas_call(
        _tc_body,
        out_shape=jax.ShapeDtypeStruct((B, S, MEM_DIM), jnp.float32),
        in_specs=[vspec, vspec, vspec, vspec, vspec, vspec,
                  hspec, hspec, hspec, hspec,
                  vspec, vspec, vspec, vspec],
        scratch_shapes=[
            pltpu.VMEM((S, B, 3 * MEM_DIM), jnp.float32),
            pltpu.VMEM((S, B, 3 * MEM_DIM), jnp.float32),
            pltpu.VMEM((B, S, MEM_DIM), jnp.float32),
            pltpu.VMEM((3 * MEM_DIM, MEM_DIM), jnp.float32),
            pltpu.VMEM((3 * MEM_DIM, MEM_DIM), jnp.float32),
            pltpu.VMEM((3 * MEM_DIM, MEM_DIM), jnp.float32),
            pltpu.VMEM((3 * MEM_DIM, MEM_DIM), jnp.float32),
            pltpu.SemaphoreType.DMA,
            pltpu.SemaphoreType.DMA,
        ],
    )(rows4, mk4,
      ioux_W, iouh_W, ioux_b, iouh_b, wih_f, wih_b, whh_f, whh_b,
      bih_f, bih_b, bhh_f, bhh_b)


def kernel(embed, leaf_word_idx, child_word_idx, child_idx, contexts_idx,
           ioux_W, ioux_b, iouh_W, iouh_b, fx_W, fx_b, fh_W, fh_b,
           Wih_f, Whh_f, bih_f, bhh_f, Wih_b, Whh_b, bih_b, bhh_b):
    rows_blk, mk_flat = _sc_gather_make()(
        contexts_idx.reshape(-1).astype(jnp.int32),
        leaf_word_idx.astype(jnp.int32),
        child_word_idx.astype(jnp.int32),
        child_idx.astype(jnp.int32).reshape(-1), embed)

    out = _tc_call(
        rows_blk.reshape(NWORKERS, 3, PER_W, IN_DIM), mk_flat.reshape(P, 4),
        ioux_W, iouh_W,
        ioux_b.reshape(1, 3 * MEM_DIM), iouh_b.reshape(1, 3 * MEM_DIM),
        Wih_f, Wih_b, Whh_f, Whh_b,
        bih_f.reshape(1, 3 * MEM_DIM), bih_b.reshape(1, 3 * MEM_DIM),
        bhh_f.reshape(1, 3 * MEM_DIM), bhh_b.reshape(1, 3 * MEM_DIM))
    return out

# --- scband reference (transcript-rebuilt; emitter-appended) ---
"""Pipeline reference for scband-input-module-10058813407244 (READ-ONLY COPY).

The authoritative reference and input builder live on the scoring server;
editing this copy changes nothing except your own understanding.
"""

import jax, jax.numpy as jnp
import numpy as np

MEM_DIM = 512
IN_DIM = 512
VOCAB = 32000
N_LEAF = 8192
N_CHILD = 4096
ARITY = 2
B = 16
S = 32


def _linear_params(k, out_d, in_d, scale=0.02):
    kw, kb = jax.random.split(k)
    W = jax.random.normal(kw, (out_d, in_d), jnp.float32) * scale
    b = jax.random.normal(kb, (out_d,), jnp.float32) * scale
    return W, b


def setup_inputs(seed: int = 0) -> dict:
    key = jax.random.key(seed)
    ks = jax.random.split(key, 16)
    embed = jax.random.normal(ks[0], (VOCAB, IN_DIM), jnp.float32)
    leaf_word_idx = jax.random.randint(ks[1], (N_LEAF,), 0, VOCAB)
    child_word_idx = jax.random.randint(ks[2], (N_CHILD,), 0, VOCAB)
    child_idx = jax.random.randint(ks[3], (ARITY, N_CHILD), 0, 1 + N_LEAF)
    contexts_idx = jax.random.randint(ks[4], (B, S), 0, 1 + N_LEAF + N_CHILD)
    ioux_W, ioux_b = _linear_params(ks[5], 3 * MEM_DIM, IN_DIM)
    iouh_W, iouh_b = _linear_params(ks[6], 3 * MEM_DIM, MEM_DIM)
    fx_W, fx_b = _linear_params(ks[7], MEM_DIM, IN_DIM)
    fh_W, fh_b = _linear_params(ks[8], MEM_DIM, MEM_DIM)
    Wih_f, bih_f = _linear_params(ks[9], 3 * MEM_DIM, MEM_DIM)
    Whh_f, bhh_f = _linear_params(ks[10], 3 * MEM_DIM, MEM_DIM)
    Wih_b, bih_b = _linear_params(ks[11], 3 * MEM_DIM, MEM_DIM)
    Whh_b, bhh_b = _linear_params(ks[12], 3 * MEM_DIM, MEM_DIM)
    return {
        'embed': embed,
        'leaf_word_idx': leaf_word_idx,
        'child_word_idx': child_word_idx,
        'child_idx': child_idx,
        'contexts_idx': contexts_idx,
        'ioux_W': ioux_W, 'ioux_b': ioux_b,
        'iouh_W': iouh_W, 'iouh_b': iouh_b,
        'fx_W': fx_W, 'fx_b': fx_b,
        'fh_W': fh_W, 'fh_b': fh_b,
        'Wih_f': Wih_f, 'Whh_f': Whh_f, 'bih_f': bih_f, 'bhh_f': bhh_f,
        'Wih_b': Wih_b, 'Whh_b': Whh_b, 'bih_b': bih_b, 'bhh_b': bhh_b,
    }


def _gru_dir(xs, Wih, Whh, bih, bhh):
    # xs: (B, S, H) torch-style GRU cell, batch_first
    Bn = xs.shape[0]
    H = Whh.shape[1]

    def step(h, x):
        gi = x @ Wih.T + bih
        gh = h @ Whh.T + bhh
        i_r, i_z, i_n = jnp.split(gi, 3, axis=-1)
        h_r, h_z, h_n = jnp.split(gh, 3, axis=-1)
        r = jax.nn.sigmoid(i_r + h_r)
        z = jax.nn.sigmoid(i_z + h_z)
        n = jnp.tanh(i_n + r * h_n)
        h_new = (1.0 - z) * n + z * h
        return h_new, h_new

    h0 = jnp.zeros((Bn, H), xs.dtype)
    _, ys = jax.lax.scan(step, h0, jnp.swapaxes(xs, 0, 1))
    return jnp.swapaxes(ys, 0, 1)


def _forward(embed, ioux_W, ioux_b, iouh_W, iouh_b, fx_W, fx_b, fh_W, fh_b,
             Wih_f, Whh_f, bih_f, bhh_f, Wih_b, Whh_b, bih_b, bhh_b,
             leaf_word_idx, child_word_idx, child_idx, contexts_idx):
    # --- leaf ops (spin.leaf): c = 0, h = embedded inputs; pool slot 0 is the zero pad ---
    inputs_leaf = embed[leaf_word_idx][None]  # (1, N_LEAF, IN_DIM)
    c = jnp.concatenate([jnp.zeros((1, 1, MEM_DIM), jnp.float32),
                         jnp.zeros((1, N_LEAF, MEM_DIM), jnp.float32)], axis=1)
    h = jnp.concatenate([jnp.zeros((1, 1, MEM_DIM), jnp.float32), inputs_leaf], axis=1)

    # --- one depth level of child ops (unfold.gather + spin.child / treelstm) ---
    inputs_ch = embed[child_word_idx][None]  # (1, N_CHILD, IN_DIM)
    child_c = c[0][child_idx]  # (ARITY, N_CHILD, MEM_DIM)
    child_h = h[0][child_idx]
    child_h_sum = jnp.sum(child_h, axis=0, keepdims=True)
    iou = (inputs_ch @ ioux_W.T + ioux_b) + (child_h_sum @ iouh_W.T + iouh_b)
    i, o, u = jnp.split(iou, 3, axis=-1)
    i = jax.nn.sigmoid(i)
    o = jax.nn.sigmoid(o)
    u = jnp.tanh(u)
    f = jax.nn.sigmoid((inputs_ch @ fx_W.T + fx_b) + (child_h @ fh_W.T + fh_b))
    fc = jnp.sum(f * child_c, axis=0, keepdims=True)
    c_op = i * u + fc
    h_op = o * jnp.tanh(c_op)
    c = jnp.concatenate([c, c_op], axis=1)
    h = jnp.concatenate([h, h_op], axis=1)

    # --- form_batch: gather sentence roots per context (equal lengths -> no pad) ---
    enc = h[0][contexts_idx]  # (B, S, MEM_DIM)

    # --- bidirectional GRU; facts = fwd half + bwd half ---
    fwd = _gru_dir(enc, Wih_f, Whh_f, bih_f, bhh_f)
    bwd = _gru_dir(enc[:, ::-1], Wih_b, Whh_b, bih_b, bhh_b)[:, ::-1]
    return fwd + bwd


def reference(embed, leaf_word_idx, child_word_idx, child_idx, contexts_idx,
              ioux_W, ioux_b, iouh_W, iouh_b, fx_W, fx_b, fh_W, fh_b,
              Wih_f, Whh_f, bih_f, bhh_f, Wih_b, Whh_b, bih_b, bhh_b):
    return _forward(embed, ioux_W, ioux_b, iouh_W, iouh_b, fx_W, fx_b, fh_W, fh_b,
                    Wih_f, Whh_f, bih_f, bhh_f, Wih_b, Whh_b, bih_b, bhh_b,
                    leaf_word_idx, child_word_idx, child_idx, contexts_idx)

if __name__ == "__main__":
    import jax
    _d = setup_inputs()
    print(jax.jit(kernel)(*tuple(_d.values())))

</pallas_src>

<mosaic_0001>
#map = affine_map<(d0, d1) -> (0)>
#map1 = affine_map<(d0, d1) -> (0, 0)>
module attributes {stable_mosaic.version = 14 : i64} {
  func.func @sc_gather(%arg0: i32, %arg1: i32, %arg2: memref<512xi32, #tpu.memory_space<hbm>>, %arg3: memref<8192xi32, #tpu.memory_space<hbm>>, %arg4: memref<4096xi32, #tpu.memory_space<hbm>>, %arg5: memref<8192xi32, #tpu.memory_space<hbm>>, %arg6: memref<32000x512xf32, #tpu.memory_space<hbm>>, %arg7: memref<1536x512xf32, #tpu.memory_space<hbm>>, %arg8: memref<2048xf32, #tpu.memory_space<hbm>>, %arg9: memref<16xi32, #tpu.memory_space<vmem>>, %arg10: memref<16xi32, #tpu.memory_space<vmem>>, %arg11: memref<16xi32, #tpu.memory_space<vmem>>, %arg12: memref<16xi32, #tpu.memory_space<vmem>>, %arg13: memref<16xi32, #tpu.memory_space<vmem>>, %arg14: memref<16xi32, #tpu.memory_space<vmem>>, %arg15: memref<16xi32, #tpu.memory_space<vmem>>, %arg16: memref<48xi32, #tpu.memory_space<vmem>>, %arg17: memref<48x512xf32, #tpu.memory_space<vmem>>, %arg18: memref<64xf32, #tpu.memory_space<vmem>>, %arg19: memref<!tpu.dma_semaphore, #tpu.memory_space<semaphore_mem>>, %arg20: memref<!tpu.dma_semaphore, #tpu.memory_space<semaphore_mem>>) attributes {dimension_semantics = [#tpu.dimension_semantics<core_parallel>, #tpu.dimension_semantics<subcore_parallel>], iteration_bounds = array<i64: 2, 16>, scalar_prefetch = 0 : i64, scratch_operands = 12 : i64, tpu.core_type = #tpu.core_type<sc_vector_subcore>, window_params = [{transform_indices = #map}, {transform_indices = #map}, {transform_indices = #map}, {transform_indices = #map}, {transform_indices = #map1}, {transform_indices = #map1}, {transform_indices = #map}]} {
    %mul3A = arith.constant 2 : i32
    %mul3A_0 = arith.muli %arg1, %mul3A : i32
    %add3A = arith.addi %mul3A_0, %arg0 : i32
    %mul3A_1 = arith.constant 16 : i32
    %mul3A_2 = arith.muli %add3A, %mul3A_1 : i32
    %iota3A = tpu.iota {dimensions = array<i32: 0>} : vector<16xi32>
    %mul3A_3 = arith.constant 32 : i32
    %mul3A_4 = vector.broadcast %mul3A_3 : i32 to vector<16xi32>
    %mul3A_5 = arith.muli %iota3A, %mul3A_4 : vector<16xi32>
    %add3A_6 = vector.broadcast %add3A : i32 to vector<16xi32>
    %add3A_7 = arith.addi %mul3A_5, %add3A_6 : vector<16xi32>
    %dma_start3A = arith.constant 0 : i32
    %dma_start3A_8 = tpu.memref_slice %arg2[%dma_start3A] : memref<512xi32, #tpu.memory_space<hbm>> -> memref<512xi32, #tpu.memory_space<hbm>>
    tpu.enqueue_indirect_dma source(%dma_start3A_8 : memref<512xi32, #tpu.memory_space<hbm>>) target(%arg9 : memref<16xi32, #tpu.memory_space<vmem>>) offsets(%add3A_7 : vector<16xi32>) semaphore(%arg19 : memref<!tpu.dma_semaphore, #tpu.memory_space<semaphore_mem>>)
    %dma_wait3A = arith.constant 0 : i32
    %dma_wait3A_9 = tpu.memref_slice %arg2[%dma_wait3A] : memref<512xi32, #tpu.memory_space<hbm>> -> memref<512xi32, #tpu.memory_space<hbm>>
    tpu.wait_indirect_dma semaphore(%arg19 : memref<!tpu.dma_semaphore, #tpu.memory_space<semaphore_mem>>) src(%dma_wait3A_9 : memref<512xi32, #tpu.memory_space<hbm>>) dst(%arg9 : memref<16xi32, #tpu.memory_space<vmem>>)
    %get3A = arith.constant 0 : index
    %get3A_10 = tpu.vector_load %arg9[%get3A] {strides = array<i32>} : memref<16xi32, #tpu.memory_space<vmem>>, vector<16xi32>,
    %gt3A = arith.constant 8192 : i32
    %gt3A_11 = vector.broadcast %gt3A : i32 to vector<16xi32>
    %gt3A_12 = arith.cmpi sgt, %get3A_10, %gt3A_11 : vector<16xi32>
    %gt3A_13 = arith.constant 0 : i32
    %gt3A_14 = vector.broadcast %gt3A_13 : i32 to vector<16xi32>
    %gt3A_15 = arith.cmpi sgt, %get3A_10, %gt3A_14 : vector<16xi32>
    %le3A = arith.constant 8192 : i32
    %le3A_16 = vector.broadcast %le3A : i32 to vector<16xi32>
    %le3A_17 = arith.cmpi sle, %get3A_10, %le3A_16 : vector<16xi32>
    %and3A = arith.andi %gt3A_15, %le3A_17 : vector<16xi1>
    %sub3A = arith.constant 8193 : i32
    %sub3A_18 = vector.broadcast %sub3A : i32 to vector<16xi32>
    %sub3A_19 = arith.subi %get3A_10, %sub3A_18 : vector<16xi32>
    %jit3A = arith.constant 0 : i32
    %broadcast_in_dim3A = vector.broadcast %jit3A : i32 to vector<16xi32>
    %select_n3A = arith.select %gt3A_12, %sub3A_19, %broadcast_in_dim3A : vector<16xi1>, vector<16xi32>
    %sub3A_20 = arith.constant 1 : i32
    %sub3A_21 = vector.broadcast %sub3A_20 : i32 to vector<16xi32>
    %sub3A_22 = arith.subi %get3A_10, %sub3A_21 : vector<16xi32>
    %jit3A_23 = arith.constant 0 : i32
    %broadcast_in_dim3A_24 = vector.broadcast %jit3A_23 : i32 to vector<16xi32>
    %select_n3A_25 = arith.select %and3A, %sub3A_22, %broadcast_in_dim3A_24 : vector<16xi1>, vector<16xi32>
    %dma_start3A_26 = arith.constant 0 : i32
    %dma_start3A_27 = tpu.memref_slice %arg4[%dma_start3A_26] : memref<4096xi32, #tpu.memory_space<hbm>> -> memref<4096xi32, #tpu.memory_space<hbm>>
    tpu.enqueue_indirect_dma source(%dma_start3A_27 : memref<4096xi32, #tpu.memory_space<hbm>>) target(%arg10 : memref<16xi32, #tpu.memory_space<vmem>>) offsets(%select_n3A : vector<16xi32>) semaphore(%arg19 : memref<!tpu.dma_semaphore, #tpu.memory_space<semaphore_mem>>)
    %dma_start3A_28 = arith.constant 0 : i32
    %dma_start3A_29 = tpu.memref_slice %arg3[%dma_start3A_28] : memref<8192xi32, #tpu.memory_space<hbm>> -> memref<8192xi32, #tpu.memory_space<hbm>>
    tpu.enqueue_indirect_dma source(%dma_start3A_29 : memref<8192xi32, #tpu.memory_space<hbm>>) target(%arg11 : memref<16xi32, #tpu.memory_space<vmem>>) offsets(%select_n3A_25 : vector<16xi32>) semaphore(%arg19 : memref<!tpu.dma_semaphore, #tpu.memory_space<semaphore_mem>>)
    %dma_start3A_30 = arith.constant 0 : i32
    %dma_start3A_31 = tpu.memref_slice %arg5[%dma_start3A_30] : memref<8192xi32, #tpu.memory_space<hbm>> -> memref<8192xi32, #tpu.memory_space<hbm>>
    tpu.enqueue_indirect_dma source(%dma_start3A_31 : memref<8192xi32, #tpu.memory_space<hbm>>) target(%arg12 : memref<16xi32, #tpu.memory_space<vmem>>) offsets(%select_n3A : vector<16xi32>) semaphore(%arg19 : memref<!tpu.dma_semaphore, #tpu.memory_space<semaphore_mem>>)
    %add3A_32 = arith.constant 4096 : i32
    %add3A_33 = vector.broadcast %add3A_32 : i32 to vector<16xi32>
    %add3A_34 = arith.addi %add3A_33, %select_n3A : vector<16xi32>
    %dma_start3A_35 = arith.constant 0 : i32
    %dma_start3A_36 = tpu.memref_slice %arg5[%dma_start3A_35] : memref<8192xi32, #tpu.memory_space<hbm>> -> memref<8192xi32, #tpu.memory_space<hbm>>
    tpu.enqueue_indirect_dma source(%dma_start3A_36 : memref<8192xi32, #tpu.memory_space<hbm>>) target(%arg13 : memref<16xi32, #tpu.memory_space<vmem>>) offsets(%add3A_34 : vector<16xi32>) semaphore(%arg19 : memref<!tpu.dma_semaphore, #tpu.memory_space<semaphore_mem>>)
    %dma_wait3A_37 = arith.constant 0 : i32
    %dma_wait3A_38 = tpu.memref_slice %arg4[%dma_wait3A_37] : memref<4096xi32, #tpu.memory_space<hbm>> -> memref<4096xi32, #tpu.memory_space<hbm>>
    tpu.wait_indirect_dma semaphore(%arg19 : memref<!tpu.dma_semaphore, #tpu.memory_space<semaphore_mem>>) src(%dma_wait3A_38 : memref<4096xi32, #tpu.memory_space<hbm>>) dst(%arg10 : memref<16xi32, #tpu.memory_space<vmem>>)
    %dma_wait3A_39 = arith.constant 0 : i32
    %dma_wait3A_40 = tpu.memref_slice %arg3[%dma_wait3A_39] : memref<8192xi32, #tpu.memory_space<hbm>> -> memref<8192xi32, #tpu.memory_space<hbm>>
    tpu.wait_indirect_dma semaphore(%arg19 : memref<!tpu.dma_semaphore, #tpu.memory_space<semaphore_mem>>) src(%dma_wait3A_40 : memref<8192xi32, #tpu.memory_space<hbm>>) dst(%arg11 : memref<16xi32, #tpu.memory_space<vmem>>)
    %dma_wait3A_41 = arith.constant 0 : i32
    %dma_wait3A_42 = tpu.memref_slice %arg5[%dma_wait3A_41] : memref<8192xi32, #tpu.memory_space<hbm>> -> memref<8192xi32, #tpu.memory_space<hbm>>
    tpu.wait_indirect_dma semaphore(%arg19 : memref<!tpu.dma_semaphore, #tpu.memory_space<semaphore_mem>>) src(%dma_wait3A_42 : memref<8192xi32, #tpu.memory_space<hbm>>) dst(%arg12 : memref<16xi32, #tpu.memory_space<vmem>>)
    %dma_wait3A_43 = arith.constant 0 : i32
    %dma_wait3A_44 = tpu.memref_slice %arg5[%dma_wait3A_43] : memref<8192xi32, #tpu.memory_space<hbm>> -> memref<8192xi32, #tpu.memory_space<hbm>>
    tpu.wait_indirect_dma semaphore(%arg19 : memref<!tpu.dma_semaphore, #tpu.memory_space<semaphore_mem>>) src(%dma_wait3A_44 : memref<8192xi32, #tpu.memory_space<hbm>>) dst(%arg13 : memref<16xi32, #tpu.memory_space<vmem>>)
    %get3A_45 = arith.constant 0 : index
    %get3A_46 = tpu.vector_load %arg10[%get3A_45] {strides = array<i32>} : memref<16xi32, #tpu.memory_space<vmem>>, vector<16xi32>,
    %get3A_47 = arith.constant 0 : index
    %get3A_48 = tpu.vector_load %arg11[%get3A_47] {strides = array<i32>} : memref<16xi32, #tpu.memory_space<vmem>>, vector<16xi32>,
    %select_n3A_49 = arith.select %gt3A_12, %get3A_46, %get3A_48 : vector<16xi1>, vector<16xi32>
    %get3A_50 = arith.constant 0 : index
    %get3A_51 = tpu.vector_load %arg12[%get3A_50] {strides = array<i32>} : memref<16xi32, #tpu.memory_space<vmem>>, vector<16xi32>,
    %get3A_52 = arith.constant 0 : index
    %get3A_53 = tpu.vector_load %arg13[%get3A_52] {strides = array<i32>} : memref<16xi32, #tpu.memory_space<vmem>>, vector<16xi32>,
    %gt3A_54 = arith.constant 0 : i32
    %gt3A_55 = vector.broadcast %gt3A_54 : i32 to vector<16xi32>
    %gt3A_56 = arith.cmpi sgt, %get3A_51, %gt3A_55 : vector<16xi32>
    %and3A_57 = arith.andi %gt3A_12, %gt3A_56 : vector<16xi1>
    %gt3A_58 = arith.constant 0 : i32
    %gt3A_59 = vector.broadcast %gt3A_58 : i32 to vector<16xi32>
    %gt3A_60 = arith.cmpi sgt, %get3A_53, %gt3A_59 : vector<16xi32>
    %and3A_61 = arith.andi %gt3A_12, %gt3A_60 : vector<16xi1>
    %sub3A_62 = arith.constant 1 : i32
    %sub3A_63 = vector.broadcast %sub3A_62 : i32 to vector<16xi32>
    %sub3A_64 = arith.subi %get3A_51, %sub3A_63 : vector<16xi32>
    %jit3A_65 = arith.constant 0 : i32
    %broadcast_in_dim3A_66 = vector.broadcast %jit3A_65 : i32 to vector<16xi32>
    %select_n3A_67 = arith.select %and3A_57, %sub3A_64, %broadcast_in_dim3A_66 : vector<16xi1>, vector<16xi32>
    %dma_start3A_68 = arith.constant 0 : i32
    %dma_start3A_69 = tpu.memref_slice %arg3[%dma_start3A_68] : memref<8192xi32, #tpu.memory_space<hbm>> -> memref<8192xi32, #tpu.memory_space<hbm>>
    tpu.enqueue_indirect_dma source(%dma_start3A_69 : memref<8192xi32, #tpu.memory_space<hbm>>) target(%arg14 : memref<16xi32, #tpu.memory_space<vmem>>) offsets(%select_n3A_67 : vector<16xi32>) semaphore(%arg19 : memref<!tpu.dma_semaphore, #tpu.memory_space<semaphore_mem>>)
    %sub3A_70 = arith.constant 1 : i32
    %sub3A_71 = vector.broadcast %sub3A_70 : i32 to vector<16xi32>
    %sub3A_72 = arith.subi %get3A_53, %sub3A_71 : vector<16xi32>
    %jit3A_73 = arith.constant 0 : i32
    %broadcast_in_dim3A_74 = vector.broadcast %jit3A_73 : i32 to vector<16xi32>
    %select_n3A_75 = arith.select %and3A_61, %sub3A_72, %broadcast_in_dim3A_74 : vector<16xi1>, vector<16xi32>
    %dma_start3A_76 = arith.constant 0 : i32
    %dma_start3A_77 = tpu.memref_slice %arg3[%dma_start3A_76] : memref<8192xi32, #tpu.memory_space<hbm>> -> memref<8192xi32, #tpu.memory_space<hbm>>
    tpu.enqueue_indirect_dma source(%dma_start3A_77 : memref<8192xi32, #tpu.memory_space<hbm>>) target(%arg15 : memref<16xi32, #tpu.memory_space<vmem>>) offsets(%select_n3A_75 : vector<16xi32>) semaphore(%arg19 : memref<!tpu.dma_semaphore, #tpu.memory_space<semaphore_mem>>)
    %swap3A = arith.constant 0 : index
    %swap3A_78 = tpu.vector_load %arg16[%swap3A] {strides = array<i32>} : memref<48xi32, #tpu.memory_space<vmem>>, vector<16xi32>,
    tpu.vector_store %arg16[%swap3A], %select_n3A_49 {strides = array<i32>} : memref<48xi32, #tpu.memory_space<vmem>>, vector<16xi32>,
    %mul3A_79 = arith.constant 4 : i32
    %mul3A_80 = vector.broadcast %mul3A_79 : i32 to vector<16xi32>
    %mul3A_81 = arith.muli %iota3A, %mul3A_80 : vector<16xi32>
    %or3A = arith.ori %gt3A_12, %and3A : vector<16xi1>
    %jit3A_82 = arith.constant 1.000000e+00 : f32
    %jit3A_83 = arith.constant 0.000000e+00 : f32
    %broadcast_in_dim3A_84 = vector.broadcast %jit3A_82 : f32 to vector<16xf32>
    %broadcast_in_dim3A_85 = vector.broadcast %jit3A_83 : f32 to vector<16xf32>
    %select_n3A_86 = arith.select %or3A, %broadcast_in_dim3A_84, %broadcast_in_dim3A_85 : vector<16xi1>, vector<16xf32>
    tpu.vector_store_idx %arg18[%mul3A_81], %select_n3A_86 : memref<64xf32, #tpu.memory_space<vmem>>[vector<16xi32>], vector<16xf32>,
    %add3A_87 = arith.constant 1 : i32
    %add3A_88 = vector.broadcast %add3A_87 : i32 to vector<16xi32>
    %add3A_89 = arith.addi %mul3A_81, %add3A_88 : vector<16xi32>
    %jit3A_90 = arith.constant 1.000000e+00 : f32
    %jit3A_91 = arith.constant 0.000000e+00 : f32
    %broadcast_in_dim3A_92 = vector.broadcast %jit3A_90 : f32 to vector<16xf32>
    %broadcast_in_dim3A_93 = vector.broadcast %jit3A_91 : f32 to vector<16xf32>
    %select_n3A_94 = arith.select %and3A_57, %broadcast_in_dim3A_92, %broadcast_in_dim3A_93 : vector<16xi1>, vector<16xf32>
    tpu.vector_store_idx %arg18[%add3A_89], %select_n3A_94 : memref<64xf32, #tpu.memory_space<vmem>>[vector<16xi32>], vector<16xf32>,
    %add3A_95 = arith.constant 2 : i32
    %add3A_96 = vector.broadcast %add3A_95 : i32 to vector<16xi32>
    %add3A_97 = arith.addi %mul3A_81, %add3A_96 : vector<16xi32>
    %jit3A_98 = arith.constant 1.000000e+00 : f32
    %jit3A_99 = arith.constant 0.000000e+00 : f32
    %broadcast_in_dim3A_100 = vector.broadcast %jit3A_98 : f32 to vector<16xf32>
    %broadcast_in_dim3A_101 = vector.broadcast %jit3A_99 : f32 to vector<16xf32>
    %select_n3A_102 = arith.select %and3A_61, %broadcast_in_dim3A_100, %broadcast_in_dim3A_101 : vector<16xi1>, vector<16xf32>
    tpu.vector_store_idx %arg18[%add3A_97], %select_n3A_102 : memref<64xf32, #tpu.memory_space<vmem>>[vector<16xi32>], vector<16xf32>,
    %add3A_103 = arith.constant 3 : i32
    %add3A_104 = vector.broadcast %add3A_103 : i32 to vector<16xi32>
    %add3A_105 = arith.addi %mul3A_81, %add3A_104 : vector<16xi32>
    %jit3A_106 = arith.constant 1.000000e+00 : f32
    %jit3A_107 = arith.constant 0.000000e+00 : f32
    %broadcast_in_dim3A_108 = vector.broadcast %jit3A_106 : f32 to vector<16xf32>
    %broadcast_in_dim3A_109 = vector.broadcast %jit3A_107 : f32 to vector<16xf32>
    %select_n3A_110 = arith.select %gt3A_12, %broadcast_in_dim3A_108, %broadcast_in_dim3A_109 : vector<16xi1>, vector<16xf32>
    tpu.vector_store_idx %arg18[%add3A_105], %select_n3A_110 : memref<64xf32, #tpu.memory_space<vmem>>[vector<16xi32>], vector<16xf32>,
    %mul3A_111 = arith.constant 4 : i32
    %mul3A_112 = arith.muli %mul3A_111, %mul3A_2 : i32
    %dma_start3A_113 = tpu.memref_slice %arg8[%mul3A_112] : memref<2048xf32, #tpu.memory_space<hbm>> -> memref<64xf32, #tpu.memory_space<hbm>>
    %dma_start3A_114 = tpu.memref_slice %arg8[%mul3A_112] : memref<2048xf32, #tpu.memory_space<hbm>> -> memref<64xf32, #tpu.memory_space<hbm>>
    tpu.enqueue_dma source(%arg18 : memref<64xf32, #tpu.memory_space<vmem>>) target(%dma_start3A_114 : memref<64xf32, #tpu.memory_space<hbm>>) target_semaphore(%arg20 : memref<!tpu.dma_semaphore, #tpu.memory_space<semaphore_mem>>)
    %dma_wait3A_115 = arith.constant 0 : i32
    %dma_wait3A_116 = tpu.memref_slice %arg3[%dma_wait3A_115] : memref<8192xi32, #tpu.memory_space<hbm>> -> memref<8192xi32, #tpu.memory_space<hbm>>
    tpu.wait_indirect_dma semaphore(%arg19 : memref<!tpu.dma_semaphore, #tpu.memory_space<semaphore_mem>>) src(%dma_wait3A_116 : memref<8192xi32, #tpu.memory_space<hbm>>) dst(%arg14 : memref<16xi32, #tpu.memory_space<vmem>>)
    %dma_wait3A_117 = arith.constant 0 : i32
    %dma_wait3A_118 = tpu.memref_slice %arg3[%dma_wait3A_117] : memref<8192xi32, #tpu.memory_space<hbm>> -> memref<8192xi32, #tpu.memory_space<hbm>>
    tpu.wait_indirect_dma semaphore(%arg19 : memref<!tpu.dma_semaphore, #tpu.memory_space<semaphore_mem>>) src(%dma_wait3A_118 : memref<8192xi32, #tpu.memory_space<hbm>>) dst(%arg15 : memref<16xi32, #tpu.memory_space<vmem>>)
    %get3A_119 = arith.constant 0 : index
    %get3A_120 = tpu.vector_load %arg14[%get3A_119] {strides = array<i32>} : memref<16xi32, #tpu.memory_space<vmem>>, vector<16xi32>,
    %swap3A_121 = arith.constant 16 : index
    %swap3A_122 = tpu.vector_load %arg16[%swap3A_121] {strides = array<i32>} : memref<48xi32, #tpu.memory_space<vmem>>, vector<16xi32>,
    tpu.vector_store %arg16[%swap3A_121], %get3A_120 {strides = array<i32>} : memref<48xi32, #tpu.memory_space<vmem>>, vector<16xi32>,
    %get3A_123 = arith.constant 0 : index
    %get3A_124 = tpu.vector_load %arg15[%get3A_123] {strides = array<i32>} : memref<16xi32, #tpu.memory_space<vmem>>, vector<16xi32>,
    %swap3A_125 = arith.constant 32 : index
    %swap3A_126 = tpu.vector_load %arg16[%swap3A_125] {strides = array<i32>} : memref<48xi32, #tpu.memory_space<vmem>>, vector<16xi32>,
    tpu.vector_store %arg16[%swap3A_125], %get3A_124 {strides = array<i32>} : memref<48xi32, #tpu.memory_space<vmem>>, vector<16xi32>,
    %dma_start3A_127 = arith.constant 0 : i32
    %dma_start3A_128 = arith.constant 0 : i32
    %dma_start3A_129 = tpu.memref_slice %arg6[%dma_start3A_127, %dma_start3A_128] : memref<32000x512xf32, #tpu.memory_space<hbm>> -> memref<32000x512xf32, #tpu.memory_space<hbm>>
    tpu.enqueue_indirect_dma source(%dma_start3A_129 : memref<32000x512xf32, #tpu.memory_space<hbm>>) target(%arg17 : memref<48x512xf32, #tpu.memory_space<vmem>>) offsets(%arg16 : memref<48xi32, #tpu.memory_space<vmem>>) semaphore(%arg19 : memref<!tpu.dma_semaphore, #tpu.memory_space<semaphore_mem>>)
    %dma_wait3A_130 = arith.constant 0 : i32
    %dma_wait3A_131 = arith.constant 0 : i32
    %dma_wait3A_132 = tpu.memref_slice %arg6[%dma_wait3A_130, %dma_wait3A_131] : memref<32000x512xf32, #tpu.memory_space<hbm>> -> memref<32000x512xf32, #tpu.memory_space<hbm>>
    tpu.wait_indirect_dma semaphore(%arg19 : memref<!tpu.dma_semaphore, #tpu.memory_space<semaphore_mem>>) src(%dma_wait3A_132 : memref<32000x512xf32, #tpu.memory_space<hbm>>) dst(%arg17 : memref<48x512xf32, #tpu.memory_space<vmem>>)
    %mul3A_133 = arith.constant 3 : i32
    %mul3A_134 = arith.muli %mul3A_133, %mul3A_2 : i32
    %dma_start3A_135 = arith.constant 0 : i32
    %dma_start3A_136 = tpu.memref_slice %arg7[%mul3A_134, %dma_start3A_135] : memref<1536x512xf32, #tpu.memory_space<hbm>> -> memref<48x512xf32, #tpu.memory_space<hbm>>
    %dma_start3A_137 = arith.constant 0 : i32
    %dma_start3A_138 = tpu.memref_slice %arg7[%mul3A_134, %dma_start3A_137] : memref<1536x512xf32, #tpu.memory_space<hbm>> -> memref<48x512xf32, #tpu.memory_space<hbm>>
    tpu.enqueue_dma source(%arg17 : memref<48x512xf32, #tpu.memory_space<vmem>>) target(%dma_start3A_138 : memref<48x512xf32, #tpu.memory_space<hbm>>) target_semaphore(%arg20 : memref<!tpu.dma_semaphore, #tpu.memory_space<semaphore_mem>>)
    %dma_wait3A_139 = tpu.memref_slice %arg8[%mul3A_112] : memref<2048xf32, #tpu.memory_space<hbm>> -> memref<64xf32, #tpu.memory_space<hbm>>
    %dma_wait3A_140 = tpu.memref_slice %arg8[%mul3A_112] : memref<2048xf32, #tpu.memory_space<hbm>> -> memref<64xf32, #tpu.memory_space<hbm>>
    tpu.wait_dma2 semaphore(%arg20 : memref<!tpu.dma_semaphore, #tpu.memory_space<semaphore_mem>>) src(%arg18 : memref<64xf32, #tpu.memory_space<vmem>>) dst(%dma_wait3A_140 : memref<64xf32, #tpu.memory_space<hbm>>)
    %dma_wait3A_141 = arith.constant 0 : i32
    %dma_wait3A_142 = tpu.memref_slice %arg7[%mul3A_134, %dma_wait3A_141] : memref<1536x512xf32, #tpu.memory_space<hbm>> -> memref<48x512xf32, #tpu.memory_space<hbm>>
    %dma_wait3A_143 = arith.constant 0 : i32
    %dma_wait3A_144 = tpu.memref_slice %arg7[%mul3A_134, %dma_wait3A_143] : memref<1536x512xf32, #tpu.memory_space<hbm>> -> memref<48x512xf32, #tpu.memory_space<hbm>>
    tpu.wait_dma2 semaphore(%arg20 : memref<!tpu.dma_semaphore, #tpu.memory_space<semaphore_mem>>) src(%arg17 : memref<48x512xf32, #tpu.memory_space<vmem>>) dst(%dma_wait3A_144 : memref<48x512xf32, #tpu.memory_space<hbm>>)
    return
  }
}

module attributes {stable_mosaic.version = 14 : i64} {
  func.func @_tc_body(%arg0: memref<32x3x16x512xf32, #tpu.memory_space<vmem>>, %arg1: memref<512x4xf32, #tpu.memory_space<vmem>>, %arg2: memref<1536x512xf32, #tpu.memory_space<vmem>>, %arg3: memref<1536x512xf32, #tpu.memory_space<vmem>>, %arg4: memref<1x1536xf32, #tpu.memory_space<vmem>>, %arg5: memref<1x1536xf32, #tpu.memory_space<vmem>>, %arg6: memref<1536x512xf32, #tpu.memory_space<hbm>>, %arg7: memref<1536x512xf32, #tpu.memory_space<hbm>>, %arg8: memref<1536x512xf32, #tpu.memory_space<hbm>>, %arg9: memref<1536x512xf32, #tpu.memory_space<hbm>>, %arg10: memref<1x1536xf32, #tpu.memory_space<vmem>>, %arg11: memref<1x1536xf32, #tpu.memory_space<vmem>>, %arg12: memref<1x1536xf32, #tpu.memory_space<vmem>>, %arg13: memref<1x1536xf32, #tpu.memory_space<vmem>>, %arg14: memref<16x32x512xf32, #tpu.memory_space<vmem>>, %arg15: memref<32x16x1536xf32, #tpu.memory_space<vmem>>, %arg16: memref<32x16x1536xf32, #tpu.memory_space<vmem>>, %arg17: memref<16x32x512xf32, #tpu.memory_space<vmem>>, %arg18: memref<1536x512xf32, #tpu.memory_space<vmem>>, %arg19: memref<1536x512xf32, #tpu.memory_space<vmem>>, %arg20: memref<1536x512xf32, #tpu.memory_space<vmem>>, %arg21: memref<1536x512xf32, #tpu.memory_space<vmem>>, %arg22: memref<!tpu.dma_semaphore, #tpu.memory_space<semaphore_mem>>, %arg23: memref<!tpu.dma_semaphore, #tpu.memory_space<semaphore_mem>>) attributes {dimension_semantics = [], scalar_prefetch = 0 : i64, scratch_operands = 9 : i64, tpu.core_type = #tpu.core_type<tc>} {
    tpu.enqueue_dma source(%arg6 : memref<1536x512xf32, #tpu.memory_space<hbm>>) target(%arg18 : memref<1536x512xf32, #tpu.memory_space<vmem>>) target_semaphore(%arg22 : memref<!tpu.dma_semaphore, #tpu.memory_space<semaphore_mem>>)
    tpu.enqueue_dma source(%arg7 : memref<1536x512xf32, #tpu.memory_space<hbm>>) target(%arg19 : memref<1536x512xf32, #tpu.memory_space<vmem>>) target_semaphore(%arg22 : memref<!tpu.dma_semaphore, #tpu.memory_space<semaphore_mem>>)
    tpu.enqueue_dma source(%arg8 : memref<1536x512xf32, #tpu.memory_space<hbm>>) target(%arg20 : memref<1536x512xf32, #tpu.memory_space<vmem>>) target_semaphore(%arg23 : memref<!tpu.dma_semaphore, #tpu.memory_space<semaphore_mem>>)
    tpu.enqueue_dma source(%arg9 : memref<1536x512xf32, #tpu.memory_space<hbm>>) target(%arg21 : memref<1536x512xf32, #tpu.memory_space<vmem>>) target_semaphore(%arg23 : memref<!tpu.dma_semaphore, #tpu.memory_space<semaphore_mem>>)
    %get3A = arith.constant 0 : index
    %get3A_0 = arith.constant 0 : index
    %get3A_1 = arith.constant 0 : index
    %get3A_2 = arith.constant 0 : index
    %get3A_3 = vector.load %arg0[%get3A, %get3A_0, %get3A_1, %get3A_2] : memref<32x3x16x512xf32, #tpu.memory_space<vmem>>, vector<32x1x16x512xf32>
    %get3A_4 = vector.shape_cast %get3A_3 : vector<32x1x16x512xf32> to vector<32x16x512xf32>
    %reshape3A = vector.shape_cast %get3A_4 : vector<32x16x512xf32> to vector<512x512xf32>
    %get3A_5 = arith.constant 0 : index
    %get3A_6 = arith.constant 1 : index
    %get3A_7 = arith.constant 0 : index
    %get3A_8 = arith.constant 0 : index
    %get3A_9 = vector.load %arg0[%get3A_5, %get3A_6, %get3A_7, %get3A_8] : memref<32x3x16x512xf32, #tpu.memory_space<vmem>>, vector<32x1x16x512xf32>
    %get3A_10 = vector.shape_cast %get3A_9 : vector<32x1x16x512xf32> to vector<32x16x512xf32>
    %reshape3A_11 = vector.shape_cast %get3A_10 : vector<32x16x512xf32> to vector<512x512xf32>
    %get3A_12 = arith.constant 0 : index
    %get3A_13 = arith.constant 2 : index
    %get3A_14 = arith.constant 0 : index
    %get3A_15 = arith.constant 0 : index
    %get3A_16 = vector.load %arg0[%get3A_12, %get3A_13, %get3A_14, %get3A_15] : memref<32x3x16x512xf32, #tpu.memory_space<vmem>>, vector<32x1x16x512xf32>
    %get3A_17 = vector.shape_cast %get3A_16 : vector<32x1x16x512xf32> to vector<32x16x512xf32>
    %reshape3A_18 = vector.shape_cast %get3A_17 : vector<32x16x512xf32> to vector<512x512xf32>
    %get3A_19 = arith.constant 0 : index
    %get3A_20 = arith.constant 0 : index
    %get3A_21 = vector.load %arg1[%get3A_19, %get3A_20] : memref<512x4xf32, #tpu.memory_space<vmem>>, vector<512x1xf32>
    %mul3A = vector.broadcast %get3A_21 : vector<512x1xf32> to vector<512x512xf32>
    %mul3A_22 = arith.mulf %reshape3A, %mul3A : vector<512x512xf32>
    %get3A_23 = arith.constant 0 : index
    %get3A_24 = arith.constant 1 : index
    %get3A_25 = vector.load %arg1[%get3A_23, %get3A_24] : memref<512x4xf32, #tpu.memory_space<vmem>>, vector<512x1xf32>
    %mul3A_26 = vector.broadcast %get3A_25 : vector<512x1xf32> to vector<512x512xf32>
    %mul3A_27 = arith.mulf %reshape3A_11, %mul3A_26 : vector<512x512xf32>
    %get3A_28 = arith.constant 0 : index
    %get3A_29 = arith.constant 2 : index
    %get3A_30 = vector.load %arg1[%get3A_28, %get3A_29] : memref<512x4xf32, #tpu.memory_space<vmem>>, vector<512x1xf32>
    %mul3A_31 = vector.broadcast %get3A_30 : vector<512x1xf32> to vector<512x512xf32>
    %mul3A_32 = arith.mulf %reshape3A_18, %mul3A_31 : vector<512x512xf32>
    %add3A = arith.addf %mul3A_27, %mul3A_32 : vector<512x512xf32>
    %get3A_33 = arith.constant 0 : index
    %get3A_34 = arith.constant 0 : index
    %get3A_35 = vector.load %arg2[%get3A_33, %get3A_34] : memref<1536x512xf32, #tpu.memory_space<vmem>>, vector<1536x512xf32>
    %dot_general3A = arith.constant dense<0.000000e+00> : vector<512x1536xf32>
    %dot_general3A_36 = tpu.matmul %mul3A_22, %get3A_35, %dot_general3A {dimension_numbers = #tpu.dot_dimension_numbers<[1], [1], [0], [0], [0, 0, 1, 0], [], []>, transpose_lhs_hint = false} : vector<512x512xf32>, vector<1536x512xf32>, vector<512x1536xf32> -> vector<512x1536xf32>
    %get3A_37 = arith.constant 0 : index
    %get3A_38 = arith.constant 0 : index
    %get3A_39 = vector.load %arg3[%get3A_37, %get3A_38] : memref<1536x512xf32, #tpu.memory_space<vmem>>, vector<1536x512xf32>
    %dot_general3A_40 = arith.constant dense<0.000000e+00> : vector<512x1536xf32>
    %dot_general3A_41 = tpu.matmul %add3A, %get3A_39, %dot_general3A_40 {dimension_numbers = #tpu.dot_dimension_numbers<[1], [1], [0], [0], [0, 0, 1, 0], [], []>, transpose_lhs_hint = false} : vector<512x512xf32>, vector<1536x512xf32>, vector<512x1536xf32> -> vector<512x1536xf32>
    %add3A_42 = arith.addf %dot_general3A_36, %dot_general3A_41 : vector<512x1536xf32>
    %get3A_43 = arith.constant 0 : index
    %get3A_44 = arith.constant 0 : index
    %get3A_45 = vector.load %arg4[%get3A_43, %get3A_44] : memref<1x1536xf32, #tpu.memory_space<vmem>>, vector<1x1536xf32>
    %get3A_46 = arith.constant 0 : index
    %get3A_47 = arith.constant 0 : index
    %get3A_48 = vector.load %arg5[%get3A_46, %get3A_47] : memref<1x1536xf32, #tpu.memory_space<vmem>>, vector<1x1536xf32>
    %add3A_49 = arith.addf %get3A_45, %get3A_48 : vector<1x1536xf32>
    %add3A_50 = vector.broadcast %add3A_49 : vector<1x1536xf32> to vector<512x1536xf32>
    %add3A_51 = arith.addf %add3A_42, %add3A_50 : vector<512x1536xf32>
    %slice3A = vector.extract_strided_slice %add3A_51 {offsets = [0, 0], sizes = [512, 512], strides = [1, 1]} : vector<512x1536xf32> to vector<512x512xf32>
    %logistic3A = arith.negf %slice3A : vector<512x512xf32>
    %logistic3A_52 = math.exp %logistic3A : vector<512x512xf32>
    %logistic3A_53 = arith.constant 1.000000e+00 : f32
    %logistic3A_54 = vector.broadcast %logistic3A_53 : f32 to vector<512x512xf32>
    %logistic3A_55 = arith.addf %logistic3A_54, %logistic3A_52 : vector<512x512xf32>
    %logistic3A_56 = arith.divf %logistic3A_54, %logistic3A_55 : vector<512x512xf32>
    %slice3A_57 = vector.extract_strided_slice %add3A_51 {offsets = [0, 512], sizes = [512, 512], strides = [1, 1]} : vector<512x1536xf32> to vector<512x512xf32>
    %logistic3A_58 = arith.negf %slice3A_57 : vector<512x512xf32>
    %logistic3A_59 = math.exp %logistic3A_58 : vector<512x512xf32>
    %logistic3A_60 = arith.constant 1.000000e+00 : f32
    %logistic3A_61 = vector.broadcast %logistic3A_60 : f32 to vector<512x512xf32>
    %logistic3A_62 = arith.addf %logistic3A_61, %logistic3A_59 : vector<512x512xf32>
    %logistic3A_63 = arith.divf %logistic3A_61, %logistic3A_62 : vector<512x512xf32>
    %slice3A_64 = vector.extract_strided_slice %add3A_51 {offsets = [0, 1024], sizes = [512, 512], strides = [1, 1]} : vector<512x1536xf32> to vector<512x512xf32>
    %tanh3A = math.tanh %slice3A_64 : vector<512x512xf32>
    %mul3A_65 = arith.mulf %logistic3A_56, %tanh3A : vector<512x512xf32>
    %tanh3A_66 = math.tanh %mul3A_65 : vector<512x512xf32>
    %mul3A_67 = arith.mulf %logistic3A_63, %tanh3A_66 : vector<512x512xf32>
    %get3A_68 = arith.constant 0 : index
    %get3A_69 = arith.constant 3 : index
    %get3A_70 = vector.load %arg1[%get3A_68, %get3A_69] : memref<512x4xf32, #tpu.memory_space<vmem>>, vector<512x1xf32>
    %mul3A_71 = vector.broadcast %get3A_70 : vector<512x1xf32> to vector<512x512xf32>
    %mul3A_72 = arith.mulf %mul3A_71, %mul3A_67 : vector<512x512xf32>
    %sub3A = arith.constant 1.000000e+00 : f32
    %sub3A_73 = vector.broadcast %sub3A : f32 to vector<512x1xf32>
    %sub3A_74 = arith.subf %sub3A_73, %get3A_70 : vector<512x1xf32>
    %mul3A_75 = vector.broadcast %sub3A_74 : vector<512x1xf32> to vector<512x512xf32>
    %mul3A_76 = arith.mulf %mul3A_75, %mul3A_22 : vector<512x512xf32>
    %add3A_77 = arith.addf %mul3A_72, %mul3A_76 : vector<512x512xf32>
    tpu.wait_dma2 semaphore(%arg22 : memref<!tpu.dma_semaphore, #tpu.memory_space<semaphore_mem>>) src(%arg6 : memref<1536x512xf32, #tpu.memory_space<hbm>>) dst(%arg18 : memref<1536x512xf32, #tpu.memory_space<vmem>>)
    tpu.wait_dma2 semaphore(%arg22 : memref<!tpu.dma_semaphore, #tpu.memory_space<semaphore_mem>>) src(%arg7 : memref<1536x512xf32, #tpu.memory_space<hbm>>) dst(%arg19 : memref<1536x512xf32, #tpu.memory_space<vmem>>)
    %get3A_78 = arith.constant 0 : index
    %get3A_79 = arith.constant 0 : index
    %get3A_80 = vector.load %arg18[%get3A_78, %get3A_79] : memref<1536x512xf32, #tpu.memory_space<vmem>>, vector<1536x512xf32>
    %dot_general3A_81 = arith.constant dense<0.000000e+00> : vector<512x1536xf32>
    %dot_general3A_82 = tpu.matmul %add3A_77, %get3A_80, %dot_general3A_81 {dimension_numbers = #tpu.dot_dimension_numbers<[1], [1], [0], [0], [0, 0, 1, 0], [], []>, transpose_lhs_hint = false} : vector<512x512xf32>, vector<1536x512xf32>, vector<512x1536xf32> -> vector<512x1536xf32>
    %get3A_83 = arith.constant 0 : index
    %get3A_84 = arith.constant 0 : index
    %get3A_85 = vector.load %arg10[%get3A_83, %get3A_84] : memref<1x1536xf32, #tpu.memory_space<vmem>>, vector<1x1536xf32>
    %add3A_86 = vector.broadcast %get3A_85 : vector<1x1536xf32> to vector<512x1536xf32>
    %add3A_87 = arith.addf %dot_general3A_82, %add3A_86 : vector<512x1536xf32>
    %reshape3A_88 = vector.shape_cast %add3A_87 : vector<512x1536xf32> to vector<32x16x1536xf32>
    %swap3A = arith.constant 0 : index
    %swap3A_89 = arith.constant 0 : index
    %swap3A_90 = arith.constant 0 : index
    %swap3A_91 = vector.load %arg15[%swap3A, %swap3A_89, %swap3A_90] : memref<32x16x1536xf32, #tpu.memory_space<vmem>>, vector<32x16x1536xf32>
    tpu.vector_store %arg15[%swap3A, %swap3A_89, %swap3A_90], %reshape3A_88 {strides = array<i32>} : memref<32x16x1536xf32, #tpu.memory_space<vmem>>, vector<32x16x1536xf32>,
    %get3A_92 = arith.constant 0 : index
    %get3A_93 = arith.constant 0 : index
    %get3A_94 = vector.load %arg19[%get3A_92, %get3A_93] : memref<1536x512xf32, #tpu.memory_space<vmem>>, vector<1536x512xf32>
    %dot_general3A_95 = arith.constant dense<0.000000e+00> : vector<512x1536xf32>
    %dot_general3A_96 = tpu.matmul %add3A_77, %get3A_94, %dot_general3A_95 {dimension_numbers = #tpu.dot_dimension_numbers<[1], [1], [0], [0], [0, 0, 1, 0], [], []>, transpose_lhs_hint = false} : vector<512x512xf32>, vector<1536x512xf32>, vector<512x1536xf32> -> vector<512x1536xf32>
    %get3A_97 = arith.constant 0 : index
    %get3A_98 = arith.constant 0 : index
    %get3A_99 = vector.load %arg11[%get3A_97, %get3A_98] : memref<1x1536xf32, #tpu.memory_space<vmem>>, vector<1x1536xf32>
    %add3A_100 = vector.broadcast %get3A_99 : vector<1x1536xf32> to vector<512x1536xf32>
    %add3A_101 = arith.addf %dot_general3A_96, %add3A_100 : vector<512x1536xf32>
    %reshape3A_102 = vector.shape_cast %add3A_101 : vector<512x1536xf32> to vector<32x16x1536xf32>
    %swap3A_103 = arith.constant 0 : index
    %swap3A_104 = arith.constant 0 : index
    %swap3A_105 = arith.constant 0 : index
    %swap3A_106 = vector.load %arg16[%swap3A_103, %swap3A_104, %swap3A_105] : memref<32x16x1536xf32, #tpu.memory_space<vmem>>, vector<32x16x1536xf32>
    tpu.vector_store %arg16[%swap3A_103, %swap3A_104, %swap3A_105], %reshape3A_102 {strides = array<i32>} : memref<32x16x1536xf32, #tpu.memory_space<vmem>>, vector<32x16x1536xf32>,
    tpu.wait_dma2 semaphore(%arg23 : memref<!tpu.dma_semaphore, #tpu.memory_space<semaphore_mem>>) src(%arg8 : memref<1536x512xf32, #tpu.memory_space<hbm>>) dst(%arg20 : memref<1536x512xf32, #tpu.memory_space<vmem>>)
    tpu.wait_dma2 semaphore(%arg23 : memref<!tpu.dma_semaphore, #tpu.memory_space<semaphore_mem>>) src(%arg9 : memref<1536x512xf32, #tpu.memory_space<hbm>>) dst(%arg21 : memref<1536x512xf32, #tpu.memory_space<vmem>>)
    %broadcast_in_dim3A = arith.constant 0.000000e+00 : f32
    %broadcast_in_dim3A_107 = vector.broadcast %broadcast_in_dim3A : f32 to vector<16x512xf32>
    %get3A_108 = arith.constant 0 : index
    %get3A_109 = arith.constant 0 : index
    %get3A_110 = arith.constant 0 : index
    %get3A_111 = vector.load %arg15[%get3A_108, %get3A_109, %get3A_110] : memref<32x16x1536xf32, #tpu.memory_space<vmem>>, vector<1x16x1536xf32>
    %get3A_112 = vector.shape_cast %get3A_111 : vector<1x16x1536xf32> to vector<16x1536xf32>
    %get3A_113 = arith.constant 31 : index
    %get3A_114 = arith.constant 0 : index
    %get3A_115 = arith.constant 0 : index
    %get3A_116 = vector.load %arg16[%get3A_113, %get3A_114, %get3A_115] : memref<32x16x1536xf32, #tpu.memory_space<vmem>>, vector<1x16x1536xf32>
    %get3A_117 = vector.shape_cast %get3A_116 : vector<1x16x1536xf32> to vector<16x1536xf32>
    %slice3A_118 = vector.extract_strided_slice %get3A_112 {offsets = [0, 0], sizes = [16, 512], strides = [1, 1]} : vector<16x1536xf32> to vector<16x512xf32>
    %get3A_119 = arith.constant 0 : index
    %get3A_120 = arith.constant 0 : index
    %get3A_121 = vector.load %arg20[%get3A_119, %get3A_120] : memref<1536x512xf32, #tpu.memory_space<vmem>>, vector<512x512xf32>
    %dot_general3A_122 = arith.constant dense<0.000000e+00> : vector<16x512xf32>
    %dot_general3A_123 = tpu.matmul %broadcast_in_dim3A_107, %get3A_121, %dot_general3A_122 {dimension_numbers = #tpu.dot_dimension_numbers<[1], [1], [0], [0], [0, 0, 1, 0], [], []>, transpose_lhs_hint = false} : vector<16x512xf32>, vector<512x512xf32>, vector<16x512xf32> -> vector<16x512xf32>
    %add3A_124 = arith.addf %slice3A_118, %dot_general3A_123 : vector<16x512xf32>
    %get3A_125 = arith.constant 0 : index
    %get3A_126 = arith.constant 0 : index
    %get3A_127 = vector.load %arg12[%get3A_125, %get3A_126] : memref<1x1536xf32, #tpu.memory_space<vmem>>, vector<1x512xf32>
    %add3A_128 = vector.broadcast %get3A_127 : vector<1x512xf32> to vector<16x512xf32>
    %add3A_129 = arith.addf %add3A_124, %add3A_128 : vector<16x512xf32>
    %logistic3A_130 = arith.negf %add3A_129 : vector<16x512xf32>
    %logistic3A_131 = math.exp %logistic3A_130 : vector<16x512xf32>
    %logistic3A_132 = arith.constant 1.000000e+00 : f32
    %logistic3A_133 = vector.broadcast %logistic3A_132 : f32 to vector<16x512xf32>
    %logistic3A_134 = arith.addf %logistic3A_133, %logistic3A_131 : vector<16x512xf32>
    %logistic3A_135 = arith.divf %logistic3A_133, %logistic3A_134 : vector<16x512xf32>
    %slice3A_136 = vector.extract_strided_slice %get3A_117 {offsets = [0, 0], sizes = [16, 512], strides = [1, 1]} : vector<16x1536xf32> to vector<16x512xf32>
    %get3A_137 = arith.constant 0 : index
    %get3A_138 = arith.constant 0 : index
    %get3A_139 = vector.load %arg21[%get3A_137, %get3A_138] : memref<1536x512xf32, #tpu.memory_space<vmem>>, vector<512x512xf32>
    %dot_general3A_140 = arith.constant dense<0.000000e+00> : vector<16x512xf32>
    %dot_general3A_141 = tpu.matmul %broadcast_in_dim3A_107, %get3A_139, %dot_general3A_140 {dimension_numbers = #tpu.dot_dimension_numbers<[1], [1], [0], [0], [0, 0, 1, 0], [], []>, transpose_lhs_hint = false} : vector<16x512xf32>, vector<512x512xf32>, vector<16x512xf32> -> vector<16x512xf32>
    %add3A_142 = arith.addf %slice3A_136, %dot_general3A_141 : vector<16x512xf32>
    %get3A_143 = arith.constant 0 : index
    %get3A_144 = arith.constant 0 : index
    %get3A_145 = vector.load %arg13[%get3A_143, %get3A_144] : memref<1x1536xf32, #tpu.memory_space<vmem>>, vector<1x512xf32>
    %add3A_146 = vector.broadcast %get3A_145 : vector<1x512xf32> to vector<16x512xf32>
    %add3A_147 = arith.addf %add3A_142, %add3A_146 : vector<16x512xf32>
    %logistic3A_148 = arith.negf %add3A_147 : vector<16x512xf32>
    %logistic3A_149 = math.exp %logistic3A_148 : vector<16x512xf32>
    %logistic3A_150 = arith.constant 1.000000e+00 : f32
    %logistic3A_151 = vector.broadcast %logistic3A_150 : f32 to vector<16x512xf32>
    %logistic3A_152 = arith.addf %logistic3A_151, %logistic3A_149 : vector<16x512xf32>
    %logistic3A_153 = arith.divf %logistic3A_151, %logistic3A_152 : vector<16x512xf32>
    %slice3A_154 = vector.extract_strided_slice %get3A_112 {offsets = [0, 512], sizes = [16, 512], strides = [1, 1]} : vector<16x1536xf32> to vector<16x512xf32>
    %get3A_155 = arith.constant 512 : index
    %get3A_156 = arith.constant 0 : index
    %get3A_157 = vector.load %arg20[%get3A_155, %get3A_156] : memref<1536x512xf32, #tpu.memory_space<vmem>>, vector<512x512xf32>
    %dot_general3A_158 = arith.constant dense<0.000000e+00> : vector<16x512xf32>
    %dot_general3A_159 = tpu.matmul %broadcast_in_dim3A_107, %get3A_157, %dot_general3A_158 {dimension_numbers = #tpu.dot_dimension_numbers<[1], [1], [0], [0], [0, 0, 1, 0], [], []>, transpose_lhs_hint = false} : vector<16x512xf32>, vector<512x512xf32>, vector<16x512xf32> -> vector<16x512xf32>
    %add3A_160 = arith.addf %slice3A_154, %dot_general3A_159 : vector<16x512xf32>
    %get3A_161 = arith.constant 0 : index
    %get3A_162 = arith.constant 512 : index
    %get3A_163 = vector.load %arg12[%get3A_161, %get3A_162] : memref<1x1536xf32, #tpu.memory_space<vmem>>, vector<1x512xf32>
    %add3A_164 = vector.broadcast %get3A_163 : vector<1x512xf32> to vector<16x512xf32>
    %add3A_165 = arith.addf %add3A_160, %add3A_164 : vector<16x512xf32>
    %logistic3A_166 = arith.negf %add3A_165 : vector<16x512xf32>
    %logistic3A_167 = math.exp %logistic3A_166 : vector<16x512xf32>
    %logistic3A_168 = arith.constant 1.000000e+00 : f32
    %logistic3A_169 = vector.broadcast %logistic3A_168 : f32 to vector<16x512xf32>
    %logistic3A_170 = arith.addf %logistic3A_169, %logistic3A_167 : vector<16x512xf32>
    %logistic3A_171 = arith.divf %logistic3A_169, %logistic3A_170 : vector<16x512xf32>
    %slice3A_172 = vector.extract_strided_slice %get3A_117 {offsets = [0, 512], sizes = [16, 512], strides = [1, 1]} : vector<16x1536xf32> to vector<16x512xf32>
    %get3A_173 = arith.constant 512 : index
    %get3A_174 = arith.constant 0 : index
    %get3A_175 = vector.load %arg21[%get3A_173, %get3A_174] : memref<1536x512xf32, #tpu.memory_space<vmem>>, vector<512x512xf32>
    %dot_general3A_176 = arith.constant dense<0.000000e+00> : vector<16x512xf32>
    %dot_general3A_177 = tpu.matmul %broadcast_in_dim3A_107, %get3A_175, %dot_general3A_176 {dimension_numbers = #tpu.dot_dimension_numbers<[1], [1], [0], [0], [0, 0, 1, 0], [], []>, transpose_lhs_hint = false} : vector<16x512xf32>, vector<512x512xf32>, vector<16x512xf32> -> vector<16x512xf32>
    %add3A_178 = arith.addf %slice3A_172, %dot_general3A_177 : vector<16x512xf32>
    %get3A_179 = arith.constant 0 : index
    %get3A_180 = arith.constant 512 : index
    %get3A_181 = vector.load %arg13[%get3A_179, %get3A_180] : memref<1x1536xf32, #tpu.memory_space<vmem>>, vector<1x512xf32>
    %add3A_182 = vector.broadcast %get3A_181 : vector<1x512xf32> to vector<16x512xf32>
    %add3A_183 = arith.addf %add3A_178, %add3A_182 : vector<16x512xf32>
    %logistic3A_184 = arith.negf %add3A_183 : vector<16x512xf32>
    %logistic3A_185 = math.exp %logistic3A_184 : vector<16x512xf32>
    %logistic3A_186 = arith.constant 1.000000e+00 : f32
    %logistic3A_187 = vector.broadcast %logistic3A_186 : f32 to vector<16x512xf32>
    %logistic3A_188 = arith.addf %logistic3A_187, %logistic3A_185 : vector<16x512xf32>
    %logistic3A_189 = arith.divf %logistic3A_187, %logistic3A_188 : vector<16x512xf32>
    %slice3A_190 = vector.extract_strided_slice %get3A_112 {offsets = [0, 1024], sizes = [16, 512], strides = [1, 1]} : vector<16x1536xf32> to vector<16x512xf32>
    %get3A_191 = arith.constant 1024 : index
    %get3A_192 = arith.constant 0 : index
    %get3A_193 = vector.load %arg20[%get3A_191, %get3A_192] : memref<1536x512xf32, #tpu.memory_space<vmem>>, vector<512x512xf32>
    %dot_general3A_194 = arith.constant dense<0.000000e+00> : vector<16x512xf32>
    %dot_general3A_195 = tpu.matmul %broadcast_in_dim3A_107, %get3A_193, %dot_general3A_194 {dimension_numbers = #tpu.dot_dimension_numbers<[1], [1], [0], [0], [0, 0, 1, 0], [], []>, transpose_lhs_hint = false} : vector<16x512xf32>, vector<512x512xf32>, vector<16x512xf32> -> vector<16x512xf32>
    %get3A_196 = arith.constant 0 : index
    %get3A_197 = arith.constant 1024 : index
    %get3A_198 = vector.load %arg12[%get3A_196, %get3A_197] : memref<1x1536xf32, #tpu.memory_space<vmem>>, vector<1x512xf32>
    %add3A_199 = vector.broadcast %get3A_198 : vector<1x512xf32> to vector<16x512xf32>
    %add3A_200 = arith.addf %dot_general3A_195, %add3A_199 : vector<16x512xf32>
    %mul3A_201 = arith.mulf %logistic3A_135, %add3A_200 : vector<16x512xf32>
    %add3A_202 = arith.addf %slice3A_190, %mul3A_201 : vector<16x512xf32>
    %tanh3A_203 = math.tanh %add3A_202 : vector<16x512xf32>
    %slice3A_204 = vector.extract_strided_slice %get3A_117 {offsets = [0, 1024], sizes = [16, 512], strides = [1, 1]} : vector<16x1536xf32> to vector<16x512xf32>
    %get3A_205 = arith.constant 1024 : index
    %get3A_206 = arith.constant 0 : index
    %get3A_207 = vector.load %arg21[%get3A_205, %get3A_206] : memref<1536x512xf32, #tpu.memory_space<vmem>>, vector<512x512xf32>
    %dot_general3A_208 = arith.constant dense<0.000000e+00> : vector<16x512xf32>
    %dot_general3A_209 = tpu.matmul %broadcast_in_dim3A_107, %get3A_207, %dot_general3A_208 {dimension_numbers = #tpu.dot_dimension_numbers<[1], [1], [0], [0], [0, 0, 1, 0], [], []>, transpose_lhs_hint = false} : vector<16x512xf32>, vector<512x512xf32>, vector<16x512xf32> -> vector<16x512xf32>
    %get3A_210 = arith.constant 0 : index
    %get3A_211 = arith.constant 1024 : index
    %get3A_212 = vector.load %arg13[%get3A_210, %get3A_211] : memref<1x1536xf32, #tpu.memory_space<vmem>>, vector<1x512xf32>
    %add3A_213 = vector.broadcast %get3A_212 : vector<1x512xf32> to vector<16x512xf32>
    %add3A_214 = arith.addf %dot_general3A_209, %add3A_213 : vector<16x512xf32>
    %mul3A_215 = arith.mulf %logistic3A_153, %add3A_214 : vector<16x512xf32>
    %add3A_216 = arith.addf %slice3A_204, %mul3A_215 : vector<16x512xf32>
    %tanh3A_217 = math.tanh %add3A_216 : vector<16x512xf32>
    %sub3A_218 = arith.constant 1.000000e+00 : f32
    %sub3A_219 = vector.broadcast %sub3A_218 : f32 to vector<16x512xf32>
    %sub3A_220 = arith.subf %sub3A_219, %logistic3A_171 : vector<16x512xf32>
    %mul3A_221 = arith.mulf %sub3A_220, %tanh3A_203 : vector<16x512xf32>
    %mul3A_222 = arith.mulf %logistic3A_171, %broadcast_in_dim3A_107 : vector<16x512xf32>
    %add3A_223 = arith.addf %mul3A_221, %mul3A_222 : vector<16x512xf32>
    %sub3A_224 = arith.constant 1.000000e+00 : f32
    %sub3A_225 = vector.broadcast %sub3A_224 : f32 to vector<16x512xf32>
    %sub3A_226 = arith.subf %sub3A_225, %logistic3A_189 : vector<16x512xf32>
    %mul3A_227 = arith.mulf %sub3A_226, %tanh3A_217 : vector<16x512xf32>
    %mul3A_228 = arith.mulf %logistic3A_189, %broadcast_in_dim3A_107 : vector<16x512xf32>
    %add3A_229 = arith.addf %mul3A_227, %mul3A_228 : vector<16x512xf32>
    %broadcast_in_dim3A_230 = vector.shape_cast %add3A_223 : vector<16x512xf32> to vector<16x1x512xf32>
    %swap3A_231 = arith.constant 0 : index
    %swap3A_232 = arith.constant 0 : index
    %swap3A_233 = arith.constant 0 : index
    %swap3A_234 = vector.load %arg14[%swap3A_231, %swap3A_232, %swap3A_233] : memref<16x32x512xf32, #tpu.memory_space<vmem>>, vector<16x1x512xf32>
    tpu.vector_store %arg14[%swap3A_231, %swap3A_232, %swap3A_233], %broadcast_in_dim3A_230 {strides = array<i32>} : memref<16x32x512xf32, #tpu.memory_space<vmem>>, vector<16x1x512xf32>,
    %broadcast_in_dim3A_235 = vector.shape_cast %add3A_229 : vector<16x512xf32> to vector<16x1x512xf32>
    %swap3A_236 = arith.constant 0 : index
    %swap3A_237 = arith.constant 31 : index
    %swap3A_238 = arith.constant 0 : index
    %swap3A_239 = vector.load %arg17[%swap3A_236, %swap3A_237, %swap3A_238] : memref<16x32x512xf32, #tpu.memory_space<vmem>>, vector<16x1x512xf32>
    tpu.vector_store %arg17[%swap3A_236, %swap3A_237, %swap3A_238], %broadcast_in_dim3A_235 {strides = array<i32>} : memref<16x32x512xf32, #tpu.memory_space<vmem>>, vector<16x1x512xf32>,
    %get3A_240 = arith.constant 1 : index
    %get3A_241 = arith.constant 0 : index
    %get3A_242 = arith.constant 0 : index
    %get3A_243 = vector.load %arg15[%get3A_240, %get3A_241, %get3A_242] : memref<32x16x1536xf32, #tpu.memory_space<vmem>>, vector<1x16x1536xf32>
    %get3A_244 = vector.shape_cast %get3A_243 : vector<1x16x1536xf32> to vector<16x1536xf32>
    %get3A_245 = arith.constant 30 : index
    %get3A_246 = arith.constant 0 : index
    %get3A_247 = arith.constant 0 : index
    %get3A_248 = vector.load %arg16[%get3A_245, %get3A_246, %get3A_247] : memref<32x16x1536xf32, #tpu.memory_space<vmem>>, vector<1x16x1536xf32>
    %get3A_249 = vector.shape_cast %get3A_248 : vector<1x16x1536xf32> to vector<16x1536xf32>
    %slice3A_250 = vector.extract_strided_slice %get3A_244 {offsets = [0, 0], sizes = [16, 512], strides = [1, 1]} : vector<16x1536xf32> to vector<16x512xf32>
    %get3A_251 = arith.constant 0 : index
    %get3A_252 = arith.constant 0 : index
    %get3A_253 = vector.load %arg20[%get3A_251, %get3A_252] : memref<1536x512xf32, #tpu.memory_space<vmem>>, vector<512x512xf32>
    %dot_general3A_254 = arith.constant dense<0.000000e+00> : vector<16x512xf32>
    %dot_general3A_255 = tpu.matmul %add3A_223, %get3A_253, %dot_general3A_254 {dimension_numbers = #tpu.dot_dimension_numbers<[1], [1], [0], [0], [0, 0, 1, 0], [], []>, transpose_lhs_hint = false} : vector<16x512xf32>, vector<512x512xf32>, vector<16x512xf32> -> vector<16x512xf32>
    %add3A_256 = arith.addf %slice3A_250, %dot_general3A_255 : vector<16x512xf32>
    %get3A_257 = arith.constant 0 : index
    %get3A_258 = arith.constant 0 : index
    %get3A_259 = vector.load %arg12[%get3A_257, %get3A_258] : memref<1x1536xf32, #tpu.memory_space<vmem>>, vector<1x512xf32>
    %add3A_260 = vector.broadcast %get3A_259 : vector<1x512xf32> to vector<16x512xf32>
    %add3A_261 = arith.addf %add3A_256, %add3A_260 : vector<16x512xf32>
    %logistic3A_262 = arith.negf %add3A_261 : vector<16x512xf32>
    %logistic3A_263 = math.exp %logistic3A_262 : vector<16x512xf32>
    %logistic3A_264 = arith.constant 1.000000e+00 : f32
    %logistic3A_265 = vector.broadcast %logistic3A_264 : f32 to vector<16x512xf32>
    %logistic3A_266 = arith.addf %logistic3A_265, %logistic3A_263 : vector<16x512xf32>
    %logistic3A_267 = arith.divf %logistic3A_265, %logistic3A_266 : vector<16x512xf32>
    %slice3A_268 = vector.extract_strided_slice %get3A_249 {offsets = [0, 0], sizes = [16, 512], strides = [1, 1]} : vector<16x1536xf32> to vector<16x512xf32>
    %get3A_269 = arith.constant 0 : index
    %get3A_270 = arith.constant 0 : index
    %get3A_271 = vector.load %arg21[%get3A_269, %get3A_270] : memref<1536x512xf32, #tpu.memory_space<vmem>>, vector<512x512xf32>
    %dot_general3A_272 = arith.constant dense<0.000000e+00> : vector<16x512xf32>
    %dot_general3A_273 = tpu.matmul %add3A_229, %get3A_271, %dot_general3A_272 {dimension_numbers = #tpu.dot_dimension_numbers<[1], [1], [0], [0], [0, 0, 1, 0], [], []>, transpose_lhs_hint = false} : vector<16x512xf32>, vector<512x512xf32>, vector<16x512xf32> -> vector<16x512xf32>
    %add3A_274 = arith.addf %slice3A_268, %dot_general3A_273 : vector<16x512xf32>
    %get3A_275 = arith.constant 0 : index
    %get3A_276 = arith.constant 0 : index
    %get3A_277 = vector.load %arg13[%get3A_275, %get3A_276] : memref<1x1536xf32, #tpu.memory_space<vmem>>, vector<1x512xf32>
    %add3A_278 = vector.broadcast %get3A_277 : vector<1x512xf32> to vector<16x512xf32>
    %add3A_279 = arith.addf %add3A_274, %add3A_278 : vector<16x512xf32>
    %logistic3A_280 = arith.negf %add3A_279 : vector<16x512xf32>
    %logistic3A_281 = math.exp %logistic3A_280 : vector<16x512xf32>
    %logistic3A_282 = arith.constant 1.000000e+00 : f32
    %logistic3A_283 = vector.broadcast %logistic3A_282 : f32 to vector<16x512xf32>
    %logistic3A_284 = arith.addf %logistic3A_283, %logistic3A_281 : vector<16x512xf32>
    %logistic3A_285 = arith.divf %logistic3A_283, %logistic3A_284 : vector<16x512xf32>
    %slice3A_286 = vector.extract_strided_slice %get3A_244 {offsets = [0, 512], sizes = [16, 512], strides = [1, 1]} : vector<16x1536xf32> to vector<16x512xf32>
    %get3A_287 = arith.constant 512 : index
    %get3A_288 = arith.constant 0 : index
    %get3A_289 = vector.load %arg20[%get3A_287, %get3A_288] : memref<1536x512xf32, #tpu.memory_space<vmem>>, vector<512x512xf32>
    %dot_general3A_290 = arith.constant dense<0.000000e+00> : vector<16x512xf32>
    %dot_general3A_291 = tpu.matmul %add3A_223, %get3A_289, %dot_general3A_290 {dimension_numbers = #tpu.dot_dimension_numbers<[1], [1], [0], [0], [0, 0, 1, 0], [], []>, transpose_lhs_hint = false} : vector<16x512xf32>, vector<512x512xf32>, vector<16x512xf32> -> vector<16x512xf32>
    %add3A_292 = arith.addf %slice3A_286, %dot_general3A_291 : vector<16x512xf32>
    %get3A_293 = arith.constant 0 : index
    %get3A_294 = arith.constant 512 : index
    %get3A_295 = vector.load %arg12[%get3A_293, %get3A_294] : memref<1x1536xf32, #tpu.memory_space<vmem>>, vector<1x512xf32>
    %add3A_296 = vector.broadcast %get3A_295 : vector<1x512xf32> to vector<16x512xf32>
    %add3A_297 = arith.addf %add3A_292, %add3A_296 : vector<16x512xf32>
    %logistic3A_298 = arith.negf %add3A_297 : vector<16x512xf32>
    %logistic3A_299 = math.exp %logistic3A_298 : vector<16x512xf32>
    %logistic3A_300 = arith.constant 1.000000e+00 : f32
    %logistic3A_301 = vector.broadcast %logistic3A_300 : f32 to vector<16x512xf32>
    %logistic3A_302 = arith.addf %logistic3A_301, %logistic3A_299 : vector<16x512xf32>
    %logistic3A_303 = arith.divf %logistic3A_301, %logistic3A_302 : vector<16x512xf32>
    %slice3A_304 = vector.extract_strided_slice %get3A_249 {offsets = [0, 512], sizes = [16, 512], strides = [1, 1]} : vector<16x1536xf32> to vector<16x512xf32>
    %get3A_305 = arith.constant 512 : index
    %get3A_306 = arith.constant 0 : index
    %get3A_307 = vector.load %arg21[%get3A_305, %get3A_306] : memref<1536x512xf32, #tpu.memory_space<vmem>>, vector<512x512xf32>
    %dot_general3A_308 = arith.constant dense<0.000000e+00> : vector<16x512xf32>
    %dot_general3A_309 = tpu.matmul %add3A_229, %get3A_307, %dot_general3A_308 {dimension_numbers = #tpu.dot_dimension_numbers<[1], [1], [0], [0], [0, 0, 1, 0], [], []>, transpose_lhs_hint = false} : vector<16x512xf32>, vector<512x512xf32>, vector<16x512xf32> -> vector<16x512xf32>
    %add3A_310 = arith.addf %slice3A_304, %dot_general3A_309 : vector<16x512xf32>
    %get3A_311 = arith.constant 0 : index
    %get3A_312 = arith.constant 512 : index
    %get3A_313 = vector.load %arg13[%get3A_311, %get3A_312] : memref<1x1536xf32, #tpu.memory_space<vmem>>, vector<1x512xf32>
    %add3A_314 = vector.broadcast %get3A_313 : vector<1x512xf32> to vector<16x512xf32>
    %add3A_315 = arith.addf %add3A_310, %add3A_314 : vector<16x512xf32>
    %logistic3A_316 = arith.negf %add3A_315 : vector<16x512xf32>
    %logistic3A_317 = math.exp %logistic3A_316 : vector<16x512xf32>
    %logistic3A_318 = arith.constant 1.000000e+00 : f32
    %logistic3A_319 = vector.broadcast %logistic3A_318 : f32 to vector<16x512xf32>
    %logistic3A_320 = arith.addf %logistic3A_319, %logistic3A_317 : vector<16x512xf32>
    %logistic3A_321 = arith.divf %logistic3A_319, %logistic3A_320 : vector<16x512xf32>
    %slice3A_322 = vector.extract_strided_slice %get3A_244 {offsets = [0, 1024], sizes = [16, 512], strides = [1, 1]} : vector<16x1536xf32> to vector<16x512xf32>
    %get3A_323 = arith.constant 1024 : index
    %get3A_324 = arith.constant 0 : index
    %get3A_325 = vector.load %arg20[%get3A_323, %get3A_324] : memref<1536x512xf32, #tpu.memory_space<vmem>>, vector<512x512xf32>
    %dot_general3A_326 = arith.constant dense<0.000000e+00> : vector<16x512xf32>
    %dot_general3A_327 = tpu.matmul %add3A_223, %get3A_325, %dot_general3A_326 {dimension_numbers = #tpu.dot_dimension_numbers<[1], [1], [0], [0], [0, 0, 1, 0], [], []>, transpose_lhs_hint = false} : vector<16x512xf32>, vector<512x512xf32>, vector<16x512xf32> -> vector<16x512xf32>
    %get3A_328 = arith.constant 0 : index
    %get3A_329 = arith.constant 1024 : index
    %get3A_330 = vector.load %arg12[%get3A_328, %get3A_329] : memref<1x1536xf32, #tpu.memory_space<vmem>>, vector<1x512xf32>
    %add3A_331 = vector.broadcast %get3A_330 : vector<1x512xf32> to vector<16x512xf32>
    %add3A_332 = arith.addf %dot_general3A_327, %add3A_331 : vector<16x512xf32>
    %mul3A_333 = arith.mulf %logistic3A_267, %add3A_332 : vector<16x512xf32>
    %add3A_334 = arith.addf %slice3A_322, %mul3A_333 : vector<16x512xf32>
    %tanh3A_335 = math.tanh %add3A_334 : vector<16x512xf32>
    %slice3A_336 = vector.extract_strided_slice %get3A_249 {offsets = [0, 1024], sizes = [16, 512], strides = [1, 1]} : vector<16x1536xf32> to vector<16x512xf32>
    %get3A_337 = arith.constant 1024 : index
    %get3A_338 = arith.constant 0 : index
    %get3A_339 = vector.load %arg21[%get3A_337, %get3A_338] : memref<1536x512xf32, #tpu.memory_space<vmem>>, vector<512x512xf32>
    %dot_general3A_340 = arith.constant dense<0.000000e+00> : vector<16x512xf32>
    %dot_general3A_341 = tpu.matmul %add3A_229, %get3A_339, %dot_general3A_340 {dimension_numbers = #tpu.dot_dimension_numbers<[1], [1], [0], [0], [0, 0, 1, 0], [], []>, transpose_lhs_hint = false} : vector<16x512xf32>, vector<512x512xf32>, vector<16x512xf32> -> vector<16x512xf32>
    %get3A_342 = arith.constant 0 : index
    %get3A_343 = arith.constant 1024 : index
    %get3A_344 = vector.load %arg13[%get3A_342, %get3A_343] : memref<1x1536xf32, #tpu.memory_space<vmem>>, vector<1x512xf32>
    %add3A_345 = vector.broadcast %get3A_344 : vector<1x512xf32> to vector<16x512xf32>
    %add3A_346 = arith.addf %dot_general3A_341, %add3A_345 : vector<16x512xf32>
    %mul3A_347 = arith.mulf %logistic3A_285, %add3A_346 : vector<16x512xf32>
    %add3A_348 = arith.addf %slice3A_336, %mul3A_347 : vector<16x512xf32>
    %tanh3A_349 = math.tanh %add3A_348 : vector<16x512xf32>
    %sub3A_350 = arith.constant 1.000000e+00 : f32
    %sub3A_351 = vector.broadcast %sub3A_350 : f32 to vector<16x512xf32>
    %sub3A_352 = arith.subf %sub3A_351, %logistic3A_303 : vector<16x512xf32>
    %mul3A_353 = arith.mulf %sub3A_352, %tanh3A_335 : vector<16x512xf32>
    %mul3A_354 = arith.mulf %logistic3A_303, %add3A_223 : vector<16x512xf32>
    %add3A_355 = arith.addf %mul3A_353, %mul3A_354 : vector<16x512xf32>
    %sub3A_356 = arith.constant 1.000000e+00 : f32
    %sub3A_357 = vector.broadcast %sub3A_356 : f32 to vector<16x512xf32>
    %sub3A_358 = arith.subf %sub3A_357, %logistic3A_321 : vector<16x512xf32>
    %mul3A_359 = arith.mulf %sub3A_358, %tanh3A_349 : vector<16x512xf32>
    %mul3A_360 = arith.mulf %logistic3A_321, %add3A_229 : vector<16x512xf32>
    %add3A_361 = arith.addf %mul3A_359, %mul3A_360 : vector<16x512xf32>
    %broadcast_in_dim3A_362 = vector.shape_cast %add3A_355 : vector<16x512xf32> to vector<16x1x512xf32>
    %swap3A_363 = arith.constant 0 : index
    %swap3A_364 = arith.constant 1 : index
    %swap3A_365 = arith.constant 0 : index
    %swap3A_366 = vector.load %arg14[%swap3A_363, %swap3A_364, %swap3A_365] : memref<16x32x512xf32, #tpu.memory_space<vmem>>, vector<16x1x512xf32>
    tpu.vector_store %arg14[%swap3A_363, %swap3A_364, %swap3A_365], %broadcast_in_dim3A_362 {strides = array<i32>} : memref<16x32x512xf32, #tpu.memory_space<vmem>>, vector<16x1x512xf32>,
    %broadcast_in_dim3A_367 = vector.shape_cast %add3A_361 : vector<16x512xf32> to vector<16x1x512xf32>
    %swap3A_368 = arith.constant 0 : index
    %swap3A_369 = arith.constant 30 : index
    %swap3A_370 = arith.constant 0 : index
    %swap3A_371 = vector.load %arg17[%swap3A_368, %swap3A_369, %swap3A_370] : memref<16x32x512xf32, #tpu.memory_space<vmem>>, vector<16x1x512xf32>
    tpu.vector_store %arg17[%swap3A_368, %swap3A_369, %swap3A_370], %broadcast_in_dim3A_367 {strides = array<i32>} : memref<16x32x512xf32, #tpu.memory_space<vmem>>, vector<16x1x512xf32>,
    %get3A_372 = arith.constant 2 : index
    %get3A_373 = arith.constant 0 : index
    %get3A_374 = arith.constant 0 : index
    %get3A_375 = vector.load %arg15[%get3A_372, %get3A_373, %get3A_374] : memref<32x16x1536xf32, #tpu.memory_space<vmem>>, vector<1x16x1536xf32>
    %get3A_376 = vector.shape_cast %get3A_375 : vector<1x16x1536xf32> to vector<16x1536xf32>
    %get3A_377 = arith.constant 29 : index
    %get3A_378 = arith.constant 0 : index
    %get3A_379 = arith.constant 0 : index
    %get3A_380 = vector.load %arg16[%get3A_377, %get3A_378, %get3A_379] : memref<32x16x1536xf32, #tpu.memory_space<vmem>>, vector<1x16x1536xf32>
    %get3A_381 = vector.shape_cast %get3A_380 : vector<1x16x1536xf32> to vector<16x1536xf32>
    %slice3A_382 = vector.extract_strided_slice %get3A_376 {offsets = [0, 0], sizes = [16, 512], strides = [1, 1]} : vector<16x1536xf32> to vector<16x512xf32>
    %get3A_383 = arith.constant 0 : index
    %get3A_384 = arith.constant 0 : index
    %get3A_385 = vector.load %arg20[%get3A_383, %get3A_384] : memref<1536x512xf32, #tpu.memory_space<vmem>>, vector<512x512xf32>
    %dot_general3A_386 = arith.constant dense<0.000000e+00> : vector<16x512xf32>
    %dot_general3A_387 = tpu.matmul %add3A_355, %get3A_385, %dot_general3A_386 {dimension_numbers = #tpu.dot_dimension_numbers<[1], [1], [0], [0], [0, 0, 1, 0], [], []>, transpose_lhs_hint = false} : vector<16x512xf32>, vector<512x512xf32>, vector<16x512xf32> -> vector<16x512xf32>
    %add3A_388 = arith.addf %slice3A_382, %dot_general3A_387 : vector<16x512xf32>
    %get3A_389 = arith.constant 0 : index
    %get3A_390 = arith.constant 0 : index
    %get3A_391 = vector.load %arg12[%get3A_389, %get3A_390] : memref<1x1536xf32, #tpu.memory_space<vmem>>, vector<1x512xf32>
    %add3A_392 = vector.broadcast %get3A_391 : vector<1x512xf32> to vector<16x512xf32>
    %add3A_393 = arith.addf %add3A_388, %add3A_392 : vector<16x512xf32>
    %logistic3A_394 = arith.negf %add3A_393 : vector<16x512xf32>
    %logistic3A_395 = math.exp %logistic3A_394 : vector<16x512xf32>
    %logistic3A_396 = arith.constant 1.000000e+00 : f32
    %logistic3A_397 = vector.broadcast %logistic3A_396 : f32 to vector<16x512xf32>
    %logistic3A_398 = arith.addf %logistic3A_397, %logistic3A_395 : vector<16x512xf32>
    %logistic3A_399 = arith.divf %logistic3A_397, %logistic3A_398 : vector<16x512xf32>
    %slice3A_400 = vector.extract_strided_slice %get3A_381 {offsets = [0, 0], sizes = [16, 512], strides = [1, 1]} : vector<16x1536xf32> to vector<16x512xf32>
    %get3A_401 = arith.constant 0 : index
    %get3A_402 = arith.constant 0 : index
    %get3A_403 = vector.load %arg21[%get3A_401, %get3A_402] : memref<1536x512xf32, #tpu.memory_space<vmem>>, vector<512x512xf32>
    %dot_general3A_404 = arith.constant dense<0.000000e+00> : vector<16x512xf32>
    %dot_general3A_405 = tpu.matmul %add3A_361, %get3A_403, %dot_general3A_404 {dimension_numbers = #tpu.dot_dimension_numbers<[1], [1], [0], [0], [0, 0, 1, 0], [], []>, transpose_lhs_hint = false} : vector<16x512xf32>, vector<512x512xf32>, vector<16x512xf32> -> vector<16x512xf32>
    %add3A_406 = arith.addf %slice3A_400, %dot_general3A_405 : vector<16x512xf32>
    %get3A_407 = arith.constant 0 : index
    %get3A_408 = arith.constant 0 : index
    %get3A_409 = vector.load %arg13[%get3A_407, %get3A_408] : memref<1x1536xf32, #tpu.memory_space<vmem>>, vector<1x512xf32>
    %add3A_410 = vector.broadcast %get3A_409 : vector<1x512xf32> to vector<16x512xf32>
    %add3A_411 = arith.addf %add3A_406, %add3A_410 : vector<16x512xf32>
    %logistic3A_412 = arith.negf %add3A_411 : vector<16x512xf32>
    %logistic3A_413 = math.exp %logistic3A_412 : vector<16x512xf32>
    %logistic3A_414 = arith.constant 1.000000e+00 : f32
    %logistic3A_415 = vector.broadcast %logistic3A_414 : f32 to vector<16x512xf32>
    %logistic3A_416 = arith.addf %logistic3A_415, %logistic3A_413 : vector<16x512xf32>
    %logistic3A_417 = arith.divf %logistic3A_415, %logistic3A_416 : vector<16x512xf32>
    %slice3A_418 = vector.extract_strided_slice %get3A_376 {offsets = [0, 512], sizes = [16, 512], strides = [1, 1]} : vector<16x1536xf32> to vector<16x512xf32>
    %get3A_419 = arith.constant 512 : index
    %get3A_420 = arith.constant 0 : index
    %get3A_421 = vector.load %arg20[%get3A_419, %get3A_420] : memref<1536x512xf32, #tpu.memory_space<vmem>>, vector<512x512xf32>
    %dot_general3A_422 = arith.constant dense<0.000000e+00> : vector<16x512xf32>
    %dot_general3A_423 = tpu.matmul %add3A_355, %get3A_421, %dot_general3A_422 {dimension_numbers = #tpu.dot_dimension_numbers<[1], [1], [0], [0], [0, 0, 1, 0], [], []>, transpose_lhs_hint = false} : vector<16x512xf32>, vector<512x512xf32>, vector<16x512xf32> -> vector<16x512xf32>
    %add3A_424 = arith.addf %slice3A_418, %dot_general3A_423 : vector<16x512xf32>
    %get3A_425 = arith.constant 0 : index
    %get3A_426 = arith.constant 512 : index
    %get3A_427 = vector.load %arg12[%get3A_425, %get3A_426] : memref<1x1536xf32, #tpu.memory_space<vmem>>, vector<1x512xf32>
    %add3A_428 = vector.broadcast %get3A_427 : vector<1x512xf32> to vector<16x512xf32>
    %add3A_429 = arith.addf %add3A_424, %add3A_428 : vector<16x512xf32>
    %logistic3A_430 = arith.negf %add3A_429 : vector<16x512xf32>
    %logistic3A_431 = math.exp %logistic3A_430 : vector<16x512xf32>
    %logistic3A_432 = arith.constant 1.000000e+00 : f32
    %logistic3A_433 = vector.broadcast %logistic3A_432 : f32 to vector<16x512xf32>
    %logistic3A_434 = arith.addf %logistic3A_433, %logistic3A_431 : vector<16x512xf32>
    %logistic3A_435 = arith.divf %logistic3A_433, %logistic3A_434 : vector<16x512xf32>
    %slice3A_436 = vector.extract_strided_slice %get3A_381 {offsets = [0, 512], sizes = [16, 512], strides = [1, 1]} : vector<16x1536xf32> to vector<16x512xf32>
    %get3A_437 = arith.constant 512 : index
    %get3A_438 = arith.constant 0 : index
    %get3A_439 = vector.load %arg21[%get3A_437, %get3A_438] : memref<1536x512xf32, #tpu.memory_space<vmem>>, vector<512x512xf32>
    %dot_general3A_440 = arith.constant dense<0.000000e+00> : vector<16x512xf32>
    %dot_general3A_441 = tpu.matmul %add3A_361, %get3A_439, %dot_general3A_440 {dimension_numbers = #tpu.dot_dimension_numbers<[1], [1], [0], [0], [0, 0, 1, 0], [], []>, transpose_lhs_hint = false} : vector<16x512xf32>, vector<512x512xf32>, vector<16x512xf32> -> vector<16x512xf32>
    %add3A_442 = arith.addf %slice3A_436, %dot_general3A_441 : vector<16x512xf32>
    %get3A_443 = arith.constant 0 : index
    %get3A_444 = arith.constant 512 : index
    %get3A_445 = vector.load %arg13[%get3A_443, %get3A_444] : memref<1x1536xf32, #tpu.memory_space<vmem>>, vector<1x512xf32>
    %add3A_446 = vector.broadcast %get3A_445 : vector<1x512xf32> to vector<16x512xf32>
    %add3A_447 = arith.addf %add3A_442, %add3A_446 : vector<16x512xf32>
    %logistic3A_448 = arith.negf %add3A_447 : vector<16x512xf32>
    %logistic3A_449 = math.exp %logistic3A_448 : vector<16x512xf32>
    %logistic3A_450 = arith.constant 1.000000e+00 : f32
    %logistic3A_451 = vector.broadcast %logistic3A_450 : f32 to vector<16x512xf32>
    %logistic3A_452 = arith.addf %logistic3A_451, %logistic3A_449 : vector<16x512xf32>
    %logistic3A_453 = arith.divf %logistic3A_451, %logistic3A_452 : vector<16x512xf32>
    %slice3A_454 = vector.extract_strided_slice %get3A_376 {offsets = [0, 1024], sizes = [16, 512], strides = [1, 1]} : vector<16x1536xf32> to vector<16x512xf32>
    %get3A_455 = arith.constant 1024 : index
    %get3A_456 = arith.constant 0 : index
    %get3A_457 = vector.load %arg20[%get3A_455, %get3A_456] : memref<1536x512xf32, #tpu.memory_space<vmem>>, vector<512x512xf32>
    %dot_general3A_458 = arith.constant dense<0.000000e+00> : vector<16x512xf32>
    %dot_general3A_459 = tpu.matmul %add3A_355, %get3A_457, %dot_general3A_458 {dimension_numbers = #tpu.dot_dimension_numbers<[1], [1], [0], [0], [0, 0, 1, 0], [], []>, transpose_lhs_hint = false} : vector<16x512xf32>, vector<512x512xf32>, vector<16x512xf32> -> vector<16x512xf32>
    %get3A_460 = arith.constant 0 : index
    %get3A_461 = arith.constant 1024 : index
    %get3A_462 = vector.load %arg12[%get3A_460, %get3A_461] : memref<1x1536xf32, #tpu.memory_space<vmem>>, vector<1x512xf32>
    %add3A_463 = vector.broadcast %get3A_462 : vector<1x512xf32> to vector<16x512xf32>
    %add3A_464 = arith.addf %dot_general3A_459, %add3A_463 : vector<16x512xf32>
    %mul3A_465 = arith.mulf %logistic3A_399, %add3A_464 : vector<16x512xf32>
    %add3A_466 = arith.addf %slice3A_454, %mul3A_465 : vector<16x512xf32>
    %tanh3A_467 = math.tanh %add3A_466 : vector<16x512xf32>
    %slice3A_468 = vector.extract_strided_slice %get3A_381 {offsets = [0, 1024], sizes = [16, 512], strides = [1, 1]} : vector<16x1536xf32> to vector<16x512xf32>
    %get3A_469 = arith.constant 1024 : index
    %get3A_470 = arith.constant 0 : index
    %get3A_471 = vector.load %arg21[%get3A_469, %get3A_470] : memref<1536x512xf32, #tpu.memory_space<vmem>>, vector<512x512xf32>
    %dot_general3A_472 = arith.constant dense<0.000000e+00> : vector<16x512xf32>
    %dot_general3A_473 = tpu.matmul %add3A_361, %get3A_471, %dot_general3A_472 {dimension_numbers = #tpu.dot_dimension_numbers<[1], [1], [0], [0], [0, 0, 1, 0], [], []>, transpose_lhs_hint = false} : vector<16x512xf32>, vector<512x512xf32>, vector<16x512xf32> -> vector<16x512xf32>
    %get3A_474 = arith.constant 0 : index
    %get3A_475 = arith.constant 1024 : index
    %get3A_476 = vector.load %arg13[%get3A_474, %get3A_475] : memref<1x1536xf32, #tpu.memory_space<vmem>>, vector<1x512xf32>
    %add3A_477 = vector.broadcast %get3A_476 : vector<1x512xf32> to vector<16x512xf32>
    %add3A_478 = arith.addf %dot_general3A_473, %add3A_477 : vector<16x512xf32>
    %mul3A_479 = arith.mulf %logistic3A_417, %add3A_478 : vector<16x512xf32>
    %add3A_480 = arith.addf %slice3A_468, %mul3A_479 : vector<16x512xf32>
    %tanh3A_481 = math.tanh %add3A_480 : vector<16x512xf32>
    %sub3A_482 = arith.constant 1.000000e+00 : f32
    %sub3A_483 = vector.broadcast %sub3A_482 : f32 to vector<16x512xf32>
    %sub3A_484 = arith.subf %sub3A_483, %logistic3A_435 : vector<16x512xf32>
    %mul3A_485 = arith.mulf %sub3A_484, %tanh3A_467 : vector<16x512xf32>
    %mul3A_486 = arith.mulf %logistic3A_435, %add3A_355 : vector<16x512xf32>
    %add3A_487 = arith.addf %mul3A_485, %mul3A_486 : vector<16x512xf32>
    %sub3A_488 = arith.constant 1.000000e+00 : f32
    %sub3A_489 = vector.broadcast %sub3A_488 : f32 to vector<16x512xf32>
    %sub3A_490 = arith.subf %sub3A_489, %logistic3A_453 : vector<16x512xf32>
    %mul3A_491 = arith.mulf %sub3A_490, %tanh3A_481 : vector<16x512xf32>
    %mul3A_492 = arith.mulf %logistic3A_453, %add3A_361 : vector<16x512xf32>
    %add3A_493 = arith.addf %mul3A_491, %mul3A_492 : vector<16x512xf32>
    %broadcast_in_dim3A_494 = vector.shape_cast %add3A_487 : vector<16x512xf32> to vector<16x1x512xf32>
    %swap3A_495 = arith.constant 0 : index
    %swap3A_496 = arith.constant 2 : index
    %swap3A_497 = arith.constant 0 : index
    %swap3A_498 = vector.load %arg14[%swap3A_495, %swap3A_496, %swap3A_497] : memref<16x32x512xf32, #tpu.memory_space<vmem>>, vector<16x1x512xf32>
    tpu.vector_store %arg14[%swap3A_495, %swap3A_496, %swap3A_497], %broadcast_in_dim3A_494 {strides = array<i32>} : memref<16x32x512xf32, #tpu.memory_space<vmem>>, vector<16x1x512xf32>,
    %broadcast_in_dim3A_499 = vector.shape_cast %add3A_493 : vector<16x512xf32> to vector<16x1x512xf32>
    %swap3A_500 = arith.constant 0 : index
    %swap3A_501 = arith.constant 29 : index
    %swap3A_502 = arith.constant 0 : index
    %swap3A_503 = vector.load %arg17[%swap3A_500, %swap3A_501, %swap3A_502] : memref<16x32x512xf32, #tpu.memory_space<vmem>>, vector<16x1x512xf32>
    tpu.vector_store %arg17[%swap3A_500, %swap3A_501, %swap3A_502], %broadcast_in_dim3A_499 {strides = array<i32>} : memref<16x32x512xf32, #tpu.memory_space<vmem>>, vector<16x1x512xf32>,
    %get3A_504 = arith.constant 3 : index
    %get3A_505 = arith.constant 0 : index
    %get3A_506 = arith.constant 0 : index
    %get3A_507 = vector.load %arg15[%get3A_504, %get3A_505, %get3A_506] : memref<32x16x1536xf32, #tpu.memory_space<vmem>>, vector<1x16x1536xf32>
    %get3A_508 = vector.shape_cast %get3A_507 : vector<1x16x1536xf32> to vector<16x1536xf32>
    %get3A_509 = arith.constant 28 : index
    %get3A_510 = arith.constant 0 : index
    %get3A_511 = arith.constant 0 : index
    %get3A_512 = vector.load %arg16[%get3A_509, %get3A_510, %get3A_511] : memref<32x16x1536xf32, #tpu.memory_space<vmem>>, vector<1x16x1536xf32>
    %get3A_513 = vector.shape_cast %get3A_512 : vector<1x16x1536xf32> to vector<16x1536xf32>
    %slice3A_514 = vector.extract_strided_slice %get3A_508 {offsets = [0, 0], sizes = [16, 512], strides = [1, 1]} : vector<16x1536xf32> to vector<16x512xf32>
    %get3A_515 = arith.constant 0 : index
    %get3A_516 = arith.constant 0 : index
    %get3A_517 = vector.load %arg20[%get3A_515, %get3A_516] : memref<1536x512xf32, #tpu.memory_space<vmem>>, vector<512x512xf32>
    %dot_general3A_518 = arith.constant dense<0.000000e+00> : vector<16x512xf32>
    %dot_general3A_519 = tpu.matmul %add3A_487, %get3A_517, %dot_general3A_518 {dimension_numbers = #tpu.dot_dimension_numbers<[1], [1], [0], [0], [0, 0, 1, 0], [], []>, transpose_lhs_hint = false} : vector<16x512xf32>, vector<512x512xf32>, vector<16x512xf32> -> vector<16x512xf32>
    %add3A_520 = arith.addf %slice3A_514, %dot_general3A_519 : vector<16x512xf32>
    %get3A_521 = arith.constant 0 : index
    %get3A_522 = arith.constant 0 : index
    %get3A_523 = vector.load %arg12[%get3A_521, %get3A_522] : memref<1x1536xf32, #tpu.memory_space<vmem>>, vector<1x512xf32>
    %add3A_524 = vector.broadcast %get3A_523 : vector<1x512xf32> to vector<16x512xf32>
    %add3A_525 = arith.addf %add3A_520, %add3A_524 : vector<16x512xf32>
    %logistic3A_526 = arith.negf %add3A_525 : vector<16x512xf32>
    %logistic3A_527 = math.exp %logistic3A_526 : vector<16x512xf32>
    %logistic3A_528 = arith.constant 1.000000e+00 : f32
    %logistic3A_529 = vector.broadcast %logistic3A_528 : f32 to vector<16x512xf32>
    %logistic3A_530 = arith.addf %logistic3A_529, %logistic3A_527 : vector<16x512xf32>
    %logistic3A_531 = arith.divf %logistic3A_529, %logistic3A_530 : vector<16x512xf32>
    %slice3A_532 = vector.extract_strided_slice %get3A_513 {offsets = [0, 0], sizes = [16, 512], strides = [1, 1]} : vector<16x1536xf32> to vector<16x512xf32>
    %get3A_533 = arith.constant 0 : index
    %get3A_534 = arith.constant 0 : index
    %get3A_535 = vector.load %arg21[%get3A_533, %get3A_534] : memref<1536x512xf32, #tpu.memory_space<vmem>>, vector<512x512xf32>
    %dot_general3A_536 = arith.constant dense<0.000000e+00> : vector<16x512xf32>
    %dot_general3A_537 = tpu.matmul %add3A_493, %get3A_535, %dot_general3A_536 {dimension_numbers = #tpu.dot_dimension_numbers<[1], [1], [0], [0], [0, 0, 1, 0], [], []>, transpose_lhs_hint = false} : vector<16x512xf32>, vector<512x512xf32>, vector<16x512xf32> -> vector<16x512xf32>
    %add3A_538 = arith.addf %slice3A_532, %dot_general3A_537 : vector<16x512xf32>
    %get3A_539 = arith.constant 0 : index
    %get3A_540 = arith.constant 0 : index
    %get3A_541 = vector.load %arg13[%get3A_539, %get3A_540] : memref<1x1536xf32, #tpu.memory_space<vmem>>, vector<1x512xf32>
    %add3A_542 = vector.broadcast %get3A_541 : vector<1x512xf32> to vector<16x512xf32>
    %add3A_543 = arith.addf %add3A_538, %add3A_542 : vector<16x512xf32>
    %logistic3A_544 = arith.negf %add3A_543 : vector<16x512xf32>
    %logistic3A_545 = math.exp %logistic3A_544 : vector<16x512xf32>
    %logistic3A_546 = arith.constant 1.000000e+00 : f32
    %logistic3A_547 = vector.broadcast %logistic3A_546 : f32 to vector<16x512xf32>
    %logistic3A_548 = arith.addf %logistic3A_547, %logistic3A_545 : vector<16x512xf32>
    %logistic3A_549 = arith.divf %logistic3A_547, %logistic3A_548 : vector<16x512xf32>
    %slice3A_550 = vector.extract_strided_slice %get3A_508 {offsets = [0, 512], sizes = [16, 512], strides = [1, 1]} : vector<16x1536xf32> to vector<16x512xf32>
    %get3A_551 = arith.constant 512 : index
    %get3A_552 = arith.constant 0 : index
    %get3A_553 = vector.load %arg20[%get3A_551, %get3A_552] : memref<1536x512xf32, #tpu.memory_space<vmem>>, vector<512x512xf32>
    %dot_general3A_554 = arith.constant dense<0.000000e+00> : vector<16x512xf32>
    %dot_general3A_555 = tpu.matmul %add3A_487, %get3A_553, %dot_general3A_554 {dimension_numbers = #tpu.dot_dimension_numbers<[1], [1], [0], [0], [0, 0, 1, 0], [], []>, transpose_lhs_hint = false} : vector<16x512xf32>, vector<512x512xf32>, vector<16x512xf32> -> vector<16x512xf32>
    %add3A_556 = arith.addf %slice3A_550, %dot_general3A_555 : vector<16x512xf32>
    %get3A_557 = arith.constant 0 : index
    %get3A_558 = arith.constant 512 : index
    %get3A_559 = vector.load %arg12[%get3A_557, %get3A_558] : memref<1x1536xf32, #tpu.memory_space<vmem>>, vector<1x512xf32>
    %add3A_560 = vector.broadcast %get3A_559 : vector<1x512xf32> to vector<16x512xf32>
    %add3A_561 = arith.addf %add3A_556, %add3A_560 : vector<16x512xf32>
    %logistic3A_562 = arith.negf %add3A_561 : vector<16x512xf32>
    %logistic3A_563 = math.exp %logistic3A_562 : vector<16x512xf32>
    %logistic3A_564 = arith.constant 1.000000e+00 : f32
    %logistic3A_565 = vector.broadcast %logistic3A_564 : f32 to vector<16x512xf32>
    %logistic3A_566 = arith.addf %logistic3A_565, %logistic3A_563 : vector<16x512xf32>
    %logistic3A_567 = arith.divf %logistic3A_565, %logistic3A_566 : vector<16x512xf32>
    %slice3A_568 = vector.extract_strided_slice %get3A_513 {offsets = [0, 512], sizes = [16, 512], strides = [1, 1]} : vector<16x1536xf32> to vector<16x512xf32>
    %get3A_569 = arith.constant 512 : index
    %get3A_570 = arith.constant 0 : index
    %get3A_571 = vector.load %arg21[%get3A_569, %get3A_570] : memref<1536x512xf32, #tpu.memory_space<vmem>>, vector<512x512xf32>
    %dot_general3A_572 = arith.constant dense<0.000000e+00> : vector<16x512xf32>
    %dot_general3A_573 = tpu.matmul %add3A_493, %get3A_571, %dot_general3A_572 {dimension_numbers = #tpu.dot_dimension_numbers<[1], [1], [0], [0], [0, 0, 1, 0], [], []>, transpose_lhs_hint = false} : vector<16x512xf32>, vector<512x512xf32>, vector<16x512xf32> -> vector<16x512xf32>
    %add3A_574 = arith.addf %slice3A_568, %dot_general3A_573 : vector<16x512xf32>
    %get3A_575 = arith.constant 0 : index
    %get3A_576 = arith.constant 512 : index
    %get3A_577 = vector.load %arg13[%get3A_575, %get3A_576] : memref<1x1536xf32, #tpu.memory_space<vmem>>, vector<1x512xf32>
    %add3A_578 = vector.broadcast %get3A_577 : vector<1x512xf32> to vector<16x512xf32>
    %add3A_579 = arith.addf %add3A_574, %add3A_578 : vector<16x512xf32>
    %logistic3A_580 = arith.negf %add3A_579 : vector<16x512xf32>
    %logistic3A_581 = math.exp %logistic3A_580 : vector<16x512xf32>
    %logistic3A_582 = arith.constant 1.000000e+00 : f32
    %logistic3A_583 = vector.broadcast %logistic3A_582 : f32 to vector<16x512xf32>
    %logistic3A_584 = arith.addf %logistic3A_583, %logistic3A_581 : vector<16x512xf32>
    %logistic3A_585 = arith.divf %logistic3A_583, %logistic3A_584 : vector<16x512xf32>
    %slice3A_586 = vector.extract_strided_slice %get3A_508 {offsets = [0, 1024], sizes = [16, 512], strides = [1, 1]} : vector<16x1536xf32> to vector<16x512xf32>
    %get3A_587 = arith.constant 1024 : index
    %get3A_588 = arith.constant 0 : index
    %get3A_589 = vector.load %arg20[%get3A_587, %get3A_588] : memref<1536x512xf32, #tpu.memory_space<vmem>>, vector<512x512xf32>
    %dot_general3A_590 = arith.constant dense<0.000000e+00> : vector<16x512xf32>
    %dot_general3A_591 = tpu.matmul %add3A_487, %get3A_589, %dot_general3A_590 {dimension_numbers = #tpu.dot_dimension_numbers<[1], [1], [0], [0], [0, 0, 1, 0], [], []>, transpose_lhs_hint = false} : vector<16x512xf32>, vector<512x512xf32>, vector<16x512xf32> -> vector<16x512xf32>
    %get3A_592 = arith.constant 0 : index
    %get3A_593 = arith.constant 1024 : index
    %get3A_594 = vector.load %arg12[%get3A_592, %get3A_593] : memref<1x1536xf32, #tpu.memory_space<vmem>>, vector<1x512xf32>
    %add3A_595 = vector.broadcast %get3A_594 : vector<1x512xf32> to vector<16x512xf32>
    %add3A_596 = arith.addf %dot_general3A_591, %add3A_595 : vector<16x512xf32>
    %mul3A_597 = arith.mulf %logistic3A_531, %add3A_596 : vector<16x512xf32>
    %add3A_598 = arith.addf %slice3A_586, %mul3A_597 : vector<16x512xf32>
    %tanh3A_599 = math.tanh %add3A_598 : vector<16x512xf32>
    %slice3A_600 = vector.extract_strided_slice %get3A_513 {offsets = [0, 1024], sizes = [16, 512], strides = [1, 1]} : vector<16x1536xf32> to vector<16x512xf32>
    %get3A_601 = arith.constant 1024 : index
    %get3A_602 = arith.constant 0 : index
    %get3A_603 = vector.load %arg21[%get3A_601, %get3A_602] : memref<1536x512xf32, #tpu.memory_space<vmem>>, vector<512x512xf32>
    %dot_general3A_604 = arith.constant dense<0.000000e+00> : vector<16x512xf32>
    %dot_general3A_605 = tpu.matmul %add3A_493, %get3A_603, %dot_general3A_604 {dimension_numbers = #tpu.dot_dimension_numbers<[1], [1], [0], [0], [0, 0, 1, 0], [], []>, transpose_lhs_hint = false} : vector<16x512xf32>, vector<512x512xf32>, vector<16x512xf32> -> vector<16x512xf32>
    %get3A_606 = arith.constant 0 : index
    %get3A_607 = arith.constant 1024 : index
    %get3A_608 = vector.load %arg13[%get3A_606, %get3A_607] : memref<1x1536xf32, #tpu.memory_space<vmem>>, vector<1x512xf32>
    %add3A_609 = vector.broadcast %get3A_608 : vector<1x512xf32> to vector<16x512xf32>
    %add3A_610 = arith.addf %dot_general3A_605, %add3A_609 : vector<16x512xf32>
    %mul3A_611 = arith.mulf %logistic3A_549, %add3A_610 : vector<16x512xf32>
    %add3A_612 = arith.addf %slice3A_600, %mul3A_611 : vector<16x512xf32>
    %tanh3A_613 = math.tanh %add3A_612 : vector<16x512xf32>
    %sub3A_614 = arith.constant 1.000000e+00 : f32
    %sub3A_615 = vector.broadcast %sub3A_614 : f32 to vector<16x512xf32>
    %sub3A_616 = arith.subf %sub3A_615, %logistic3A_567 : vector<16x512xf32>
    %mul3A_617 = arith.mulf %sub3A_616, %tanh3A_599 : vector<16x512xf32>
    %mul3A_618 = arith.mulf %logistic3A_567, %add3A_487 : vector<16x512xf32>
    %add3A_619 = arith.addf %mul3A_617, %mul3A_618 : vector<16x512xf32>
    %sub3A_620 = arith.constant 1.000000e+00 : f32
    %sub3A_621 = vector.broadcast %sub3A_620 : f32 to vector<16x512xf32>
    %sub3A_622 = arith.subf %sub3A_621, %logistic3A_585 : vector<16x512xf32>
    %mul3A_623 = arith.mulf %sub3A_622, %tanh3A_613 : vector<16x512xf32>
    %mul3A_624 = arith.mulf %logistic3A_585, %add3A_493 : vector<16x512xf32>
    %add3A_625 = arith.addf %mul3A_623, %mul3A_624 : vector<16x512xf32>
    %broadcast_in_dim3A_626 = vector.shape_cast %add3A_619 : vector<16x512xf32> to vector<16x1x512xf32>
    %swap3A_627 = arith.constant 0 : index
    %swap3A_628 = arith.constant 3 : index
    %swap3A_629 = arith.constant 0 : index
    %swap3A_630 = vector.load %arg14[%swap3A_627, %swap3A_628, %swap3A_629] : memref<16x32x512xf32, #tpu.memory_space<vmem>>, vector<16x1x512xf32>
    tpu.vector_store %arg14[%swap3A_627, %swap3A_628, %swap3A_629], %broadcast_in_dim3A_626 {strides = array<i32>} : memref<16x32x512xf32, #tpu.memory_space<vmem>>, vector<16x1x512xf32>,
    %broadcast_in_dim3A_631 = vector.shape_cast %add3A_625 : vector<16x512xf32> to vector<16x1x512xf32>
    %swap3A_632 = arith.constant 0 : index
    %swap3A_633 = arith.constant 28 : index
    %swap3A_634 = arith.constant 0 : index
    %swap3A_635 = vector.load %arg17[%swap3A_632, %swap3A_633, %swap3A_634] : memref<16x32x512xf32, #tpu.memory_space<vmem>>, vector<16x1x512xf32>
    tpu.vector_store %arg17[%swap3A_632, %swap3A_633, %swap3A_634], %broadcast_in_dim3A_631 {strides = array<i32>} : memref<16x32x512xf32, #tpu.memory_space<vmem>>, vector<16x1x512xf32>,
    %get3A_636 = arith.constant 4 : index
    %get3A_637 = arith.constant 0 : index
    %get3A_638 = arith.constant 0 : index
    %get3A_639 = vector.load %arg15[%get3A_636, %get3A_637, %get3A_638] : memref<32x16x1536xf32, #tpu.memory_space<vmem>>, vector<1x16x1536xf32>
    %get3A_640 = vector.shape_cast %get3A_639 : vector<1x16x1536xf32> to vector<16x1536xf32>
    %get3A_641 = arith.constant 27 : index
    %get3A_642 = arith.constant 0 : index
    %get3A_643 = arith.constant 0 : index
    %get3A_644 = vector.load %arg16[%get3A_641, %get3A_642, %get3A_643] : memref<32x16x1536xf32, #tpu.memory_space<vmem>>, vector<1x16x1536xf32>
    %get3A_645 = vector.shape_cast %get3A_644 : vector<1x16x1536xf32> to vector<16x1536xf32>
    %slice3A_646 = vector.extract_strided_slice %get3A_640 {offsets = [0, 0], sizes = [16, 512], strides = [1, 1]} : vector<16x1536xf32> to vector<16x512xf32>
    %get3A_647 = arith.constant 0 : index
    %get3A_648 = arith.constant 0 : index
    %get3A_649 = vector.load %arg20[%get3A_647, %get3A_648] : memref<1536x512xf32, #tpu.memory_space<vmem>>, vector<512x512xf32>
    %dot_general3A_650 = arith.constant dense<0.000000e+00> : vector<16x512xf32>
    %dot_general3A_651 = tpu.matmul %add3A_619, %get3A_649, %dot_general3A_650 {dimension_numbers = #tpu.dot_dimension_numbers<[1], [1], [0], [0], [0, 0, 1, 0], [], []>, transpose_lhs_hint = false} : vector<16x512xf32>, vector<512x512xf32>, vector<16x512xf32> -> vector<16x512xf32>
    %add3A_652 = arith.addf %slice3A_646, %dot_general3A_651 : vector<16x512xf32>
    %get3A_653 = arith.constant 0 : index
    %get3A_654 = arith.constant 0 : index
    %get3A_655 = vector.load %arg12[%get3A_653, %get3A_654] : memref<1x1536xf32, #tpu.memory_space<vmem>>, vector<1x512xf32>
    %add3A_656 = vector.broadcast %get3A_655 : vector<1x512xf32> to vector<16x512xf32>
    %add3A_657 = arith.addf %add3A_652, %add3A_656 : vector<16x512xf32>
    %logistic3A_658 = arith.negf %add3A_657 : vector<16x512xf32>
    %logistic3A_659 = math.exp %logistic3A_658 : vector<16x512xf32>
    %logistic3A_660 = arith.constant 1.000000e+00 : f32
    %logistic3A_661 = vector.broadcast %logistic3A_660 : f32 to vector<16x512xf32>
    %logistic3A_662 = arith.addf %logistic3A_661, %logistic3A_659 : vector<16x512xf32>
    %logistic3A_663 = arith.divf %logistic3A_661, %logistic3A_662 : vector<16x512xf32>
    %slice3A_664 = vector.extract_strided_slice %get3A_645 {offsets = [0, 0], sizes = [16, 512], strides = [1, 1]} : vector<16x1536xf32> to vector<16x512xf32>
    %get3A_665 = arith.constant 0 : index
    %get3A_666 = arith.constant 0 : index
    %get3A_667 = vector.load %arg21[%get3A_665, %get3A_666] : memref<1536x512xf32, #tpu.memory_space<vmem>>, vector<512x512xf32>
    %dot_general3A_668 = arith.constant dense<0.000000e+00> : vector<16x512xf32>
    %dot_general3A_669 = tpu.matmul %add3A_625, %get3A_667, %dot_general3A_668 {dimension_numbers = #tpu.dot_dimension_numbers<[1], [1], [0], [0], [0, 0, 1, 0], [], []>, transpose_lhs_hint = false} : vector<16x512xf32>, vector<512x512xf32>, vector<16x512xf32> -> vector<16x512xf32>
    %add3A_670 = arith.addf %slice3A_664, %dot_general3A_669 : vector<16x512xf32>
    %get3A_671 = arith.constant 0 : index
    %get3A_672 = arith.constant 0 : index
    %get3A_673 = vector.load %arg13[%get3A_671, %get3A_672] : memref<1x1536xf32, #tpu.memory_space<vmem>>, vector<1x512xf32>
    %add3A_674 = vector.broadcast %get3A_673 : vector<1x512xf32> to vector<16x512xf32>
    %add3A_675 = arith.addf %add3A_670, %add3A_674 : vector<16x512xf32>
    %logistic3A_676 = arith.negf %add3A_675 : vector<16x512xf32>
    %logistic3A_677 = math.exp %logistic3A_676 : vector<16x512xf32>
    %logistic3A_678 = arith.constant 1.000000e+00 : f32
    %logistic3A_679 = vector.broadcast %logistic3A_678 : f32 to vector<16x512xf32>
    %logistic3A_680 = arith.addf %logistic3A_679, %logistic3A_677 : vector<16x512xf32>
    %logistic3A_681 = arith.divf %logistic3A_679, %logistic3A_680 : vector<16x512xf32>
    %slice3A_682 = vector.extract_strided_slice %get3A_640 {offsets = [0, 512], sizes = [16, 512], strides = [1, 1]} : vector<16x1536xf32> to vector<16x512xf32>
    %get3A_683 = arith.constant 512 : index
    %get3A_684 = arith.constant 0 : index
    %get3A_685 = vector.load %arg20[%get3A_683, %get3A_684] : memref<1536x512xf32, #tpu.memory_space<vmem>>, vector<512x512xf32>
    %dot_general3A_686 = arith.constant dense<0.000000e+00> : vector<16x512xf32>
    %dot_general3A_687 = tpu.matmul %add3A_619, %get3A_685, %dot_general3A_686 {dimension_numbers = #tpu.dot_dimension_numbers<[1], [1], [0], [0], [0, 0, 1, 0], [], []>, transpose_lhs_hint = false} : vector<16x512xf32>, vector<512x512xf32>, vector<16x512xf32> -> vector<16x512xf32>
    %add3A_688 = arith.addf %slice3A_682, %dot_general3A_687 : vector<16x512xf32>
    %get3A_689 = arith.constant 0 : index
    %get3A_690 = arith.constant 512 : index
    %get3A_691 = vector.load %arg12[%get3A_689, %get3A_690] : memref<1x1536xf32, #tpu.memory_space<vmem>>, vector<1x512xf32>
    %add3A_692 = vector.broadcast %get3A_691 : vector<1x512xf32> to vector<16x512xf32>
    %add3A_693 = arith.addf %add3A_688, %add3A_692 : vector<16x512xf32>
    %logistic3A_694 = arith.negf %add3A_693 : vector<16x512xf32>
    %logistic3A_695 = math.exp %logistic3A_694 : vector<16x512xf32>
    %logistic3A_696 = arith.constant 1.000000e+00 : f32
    %logistic3A_697 = vector.broadcast %logistic3A_696 : f32 to vector<16x512xf32>
    %logistic3A_698 = arith.addf %logistic3A_697, %logistic3A_695 : vector<16x512xf32>
    %logistic3A_699 = arith.divf %logistic3A_697, %logistic3A_698 : vector<16x512xf32>
    %slice3A_700 = vector.extract_strided_slice %get3A_645 {offsets = [0, 512], sizes = [16, 512], strides = [1, 1]} : vector<16x1536xf32> to vector<16x512xf32>
    %get3A_701 = arith.constant 512 : index
    %get3A_702 = arith.constant 0 : index
    %get3A_703 = vector.load %arg21[%get3A_701, %get3A_702] : memref<1536x512xf32, #tpu.memory_space<vmem>>, vector<512x512xf32>
    %dot_general3A_704 = arith.constant dense<0.000000e+00> : vector<16x512xf32>
    %dot_general3A_705 = tpu.matmul %add3A_625, %get3A_703, %dot_general3A_704 {dimension_numbers = #tpu.dot_dimension_numbers<[1], [1], [0], [0], [0, 0, 1, 0], [], []>, transpose_lhs_hint = false} : vector<16x512xf32>, vector<512x512xf32>, vector<16x512xf32> -> vector<16x512xf32>
    %add3A_706 = arith.addf %slice3A_700, %dot_general3A_705 : vector<16x512xf32>
    %get3A_707 = arith.constant 0 : index
    %get3A_708 = arith.constant 512 : index
    %get3A_709 = vector.load %arg13[%get3A_707, %get3A_708] : memref<1x1536xf32, #tpu.memory_space<vmem>>, vector<1x512xf32>
    %add3A_710 = vector.broadcast %get3A_709 : vector<1x512xf32> to vector<16x512xf32>
    %add3A_711 = arith.addf %add3A_706, %add3A_710 : vector<16x512xf32>
    %logistic3A_712 = arith.negf %add3A_711 : vector<16x512xf32>
    %logistic3A_713 = math.exp %logistic3A_712 : vector<16x512xf32>
    %logistic3A_714 = arith.constant 1.000000e+00 : f32
    %logistic3A_715 = vector.broadcast %logistic3A_714 : f32 to vector<16x512xf32>
    %logistic3A_716 = arith.addf %logistic3A_715, %logistic3A_713 : vector<16x512xf32>
    %logistic3A_717 = arith.divf %logistic3A_715, %logistic3A_716 : vector<16x512xf32>
    %slice3A_718 = vector.extract_strided_slice %get3A_640 {offsets = [0, 1024], sizes = [16, 512], strides = [1, 1]} : vector<16x1536xf32> to vector<16x512xf32>
    %get3A_719 = arith.constant 1024 : index
    %get3A_720 = arith.constant 0 : index
    %get3A_721 = vector.load %arg20[%get3A_719, %get3A_720] : memref<1536x512xf32, #tpu.memory_space<vmem>>, vector<512x512xf32>
    %dot_general3A_722 = arith.constant dense<0.000000e+00> : vector<16x512xf32>
    %dot_general3A_723 = tpu.matmul %add3A_619, %get3A_721, %dot_general3A_722 {dimension_numbers = #tpu.dot_dimension_numbers<[1], [1], [0], [0], [0, 0, 1, 0], [], []>, transpose_lhs_hint = false} : vector<16x512xf32>, vector<512x512xf32>, vector<16x512xf32> -> vector<16x512xf32>
    %get3A_724 = arith.constant 0 : index
    %get3A_725 = arith.constant 1024 : index
    %get3A_726 = vector.load %arg12[%get3A_724, %get3A_725] : memref<1x1536xf32, #tpu.memory_space<vmem>>, vector<1x512xf32>
    %add3A_727 = vector.broadcast %get3A_726 : vector<1x512xf32> to vector<16x512xf32>
    %add3A_728 = arith.addf %dot_general3A_723, %add3A_727 : vector<16x512xf32>
    %mul3A_729 = arith.mulf %logistic3A_663, %add3A_728 : vector<16x512xf32>
    %add3A_730 = arith.addf %slice3A_718, %mul3A_729 : vector<16x512xf32>
    %tanh3A_731 = math.tanh %add3A_730 : vector<16x512xf32>
    %slice3A_732 = vector.extract_strided_slice %get3A_645 {offsets = [0, 1024], sizes = [16, 512], strides = [1, 1]} : vector<16x1536xf32> to vector<16x512xf32>
    %get3A_733 = arith.constant 1024 : index
    %get3A_734 = arith.constant 0 : index
    %get3A_735 = vector.load %arg21[%get3A_733, %get3A_734] : memref<1536x512xf32, #tpu.memory_space<vmem>>, vector<512x512xf32>
    %dot_general3A_736 = arith.constant dense<0.000000e+00> : vector<16x512xf32>
    %dot_general3A_737 = tpu.matmul %add3A_625, %get3A_735, %dot_general3A_736 {dimension_numbers = #tpu.dot_dimension_numbers<[1], [1], [0], [0], [0, 0, 1, 0], [], []>, transpose_lhs_hint = false} : vector<16x512xf32>, vector<512x512xf32>, vector<16x512xf32> -> vector<16x512xf32>
    %get3A_738 = arith.constant 0 : index
    %get3A_739 = arith.constant 1024 : index
    %get3A_740 = vector.load %arg13[%get3A_738, %get3A_739] : memref<1x1536xf32, #tpu.memory_space<vmem>>, vector<1x512xf32>
    %add3A_741 = vector.broadcast %get3A_740 : vector<1x512xf32> to vector<16x512xf32>
    %add3A_742 = arith.addf %dot_general3A_737, %add3A_741 : vector<16x512xf32>
    %mul3A_743 = arith.mulf %logistic3A_681, %add3A_742 : vector<16x512xf32>
    %add3A_744 = arith.addf %slice3A_732, %mul3A_743 : vector<16x512xf32>
    %tanh3A_745 = math.tanh %add3A_744 : vector<16x512xf32>
    %sub3A_746 = arith.constant 1.000000e+00 : f32
    %sub3A_747 = vector.broadcast %sub3A_746 : f32 to vector<16x512xf32>
    %sub3A_748 = arith.subf %sub3A_747, %logistic3A_699 : vector<16x512xf32>
    %mul3A_749 = arith.mulf %sub3A_748, %tanh3A_731 : vector<16x512xf32>
    %mul3A_750 = arith.mulf %logistic3A_699, %add3A_619 : vector<16x512xf32>
    %add3A_751 = arith.addf %mul3A_749, %mul3A_750 : vector<16x512xf32>
    %sub3A_752 = arith.constant 1.000000e+00 : f32
    %sub3A_753 = vector.broadcast %sub3A_752 : f32 to vector<16x512xf32>
    %sub3A_754 = arith.subf %sub3A_753, %logistic3A_717 : vector<16x512xf32>
    %mul3A_755 = arith.mulf %sub3A_754, %tanh3A_745 : vector<16x512xf32>
    %mul3A_756 = arith.mulf %logistic3A_717, %add3A_625 : vector<16x512xf32>
    %add3A_757 = arith.addf %mul3A_755, %mul3A_756 : vector<16x512xf32>
    %broadcast_in_dim3A_758 = vector.shape_cast %add3A_751 : vector<16x512xf32> to vector<16x1x512xf32>
    %swap3A_759 = arith.constant 0 : index
    %swap3A_760 = arith.constant 4 : index
    %swap3A_761 = arith.constant 0 : index
    %swap3A_762 = vector.load %arg14[%swap3A_759, %swap3A_760, %swap3A_761] : memref<16x32x512xf32, #tpu.memory_space<vmem>>, vector<16x1x512xf32>
    tpu.vector_store %arg14[%swap3A_759, %swap3A_760, %swap3A_761], %broadcast_in_dim3A_758 {strides = array<i32>} : memref<16x32x512xf32, #tpu.memory_space<vmem>>, vector<16x1x512xf32>,
    %broadcast_in_dim3A_763 = vector.shape_cast %add3A_757 : vector<16x512xf32> to vector<16x1x512xf32>
    %swap3A_764 = arith.constant 0 : index
    %swap3A_765 = arith.constant 27 : index
    %swap3A_766 = arith.constant 0 : index
    %swap3A_767 = vector.load %arg17[%swap3A_764, %swap3A_765, %swap3A_766] : memref<16x32x512xf32, #tpu.memory_space<vmem>>, vector<16x1x512xf32>
    tpu.vector_store %arg17[%swap3A_764, %swap3A_765, %swap3A_766], %broadcast_in_dim3A_763 {strides = array<i32>} : memref<16x32x512xf32, #tpu.memory_space<vmem>>, vector<16x1x512xf32>,
    %get3A_768 = arith.constant 5 : index
    %get3A_769 = arith.constant 0 : index
    %get3A_770 = arith.constant 0 : index
    %get3A_771 = vector.load %arg15[%get3A_768, %get3A_769, %get3A_770] : memref<32x16x1536xf32, #tpu.memory_space<vmem>>, vector<1x16x1536xf32>
    %get3A_772 = vector.shape_cast %get3A_771 : vector<1x16x1536xf32> to vector<16x1536xf32>
    %get3A_773 = arith.constant 26 : index
    %get3A_774 = arith.constant 0 : index
    %get3A_775 = arith.constant 0 : index
    %get3A_776 = vector.load %arg16[%get3A_773, %get3A_774, %get3A_775] : memref<32x16x1536xf32, #tpu.memory_space<vmem>>, vector<1x16x1536xf32>
    %get3A_777 = vector.shape_cast %get3A_776 : vector<1x16x1536xf32> to vector<16x1536xf32>
    %slice3A_778 = vector.extract_strided_slice %get3A_772 {offsets = [0, 0], sizes = [16, 512], strides = [1, 1]} : vector<16x1536xf32> to vector<16x512xf32>
    %get3A_779 = arith.constant 0 : index
    %get3A_780 = arith.constant 0 : index
    %get3A_781 = vector.load %arg20[%get3A_779, %get3A_780] : memref<1536x512xf32, #tpu.memory_space<vmem>>, vector<512x512xf32>
    %dot_general3A_782 = arith.constant dense<0.000000e+00> : vector<16x512xf32>
    %dot_general3A_783 = tpu.matmul %add3A_751, %get3A_781, %dot_general3A_782 {dimension_numbers = #tpu.dot_dimension_numbers<[1], [1], [0], [0], [0, 0, 1, 0], [], []>, transpose_lhs_hint = false} : vector<16x512xf32>, vector<512x512xf32>, vector<16x512xf32> -> vector<16x512xf32>
    %add3A_784 = arith.addf %slice3A_778, %dot_general3A_783 : vector<16x512xf32>
    %get3A_785 = arith.constant 0 : index
    %get3A_786 = arith.constant 0 : index
    %get3A_787 = vector.load %arg12[%get3A_785, %get3A_786] : memref<1x1536xf32, #tpu.memory_space<vmem>>, vector<1x512xf32>
    %add3A_788 = vector.broadcast %get3A_787 : vector<1x512xf32> to vector<16x512xf32>
    %add3A_789 = arith.addf %add3A_784, %add3A_788 : vector<16x512xf32>
    %logistic3A_790 = arith.negf %add3A_789 : vector<16x512xf32>
    %logistic3A_791 = math.exp %logistic3A_790 : vector<16x512xf32>
    %logistic3A_792 = arith.constant 1.000000e+00 : f32
    %logistic3A_793 = vector.broadcast %logistic3A_792 : f32 to vector<16x512xf32>
    %logistic3A_794 = arith.addf %logistic3A_793, %logistic3A_791 : vector<16x512xf32>
    %logistic3A_795 = arith.divf %logistic3A_793, %logistic3A_794 : vector<16x512xf32>
    %slice3A_796 = vector.extract_strided_slice %get3A_777 {offsets = [0, 0], sizes = [16, 512], strides = [1, 1]} : vector<16x1536xf32> to vector<16x512xf32>
    %get3A_797 = arith.constant 0 : index
    %get3A_798 = arith.constant 0 : index
    %get3A_799 = vector.load %arg21[%get3A_797, %get3A_798] : memref<1536x512xf32, #tpu.memory_space<vmem>>, vector<512x512xf32>
    %dot_general3A_800 = arith.constant dense<0.000000e+00> : vector<16x512xf32>
    %dot_general3A_801 = tpu.matmul %add3A_757, %get3A_799, %dot_general3A_800 {dimension_numbers = #tpu.dot_dimension_numbers<[1], [1], [0], [0], [0, 0, 1, 0], [], []>, transpose_lhs_hint = false} : vector<16x512xf32>, vector<512x512xf32>, vector<16x512xf32> -> vector<16x512xf32>
    %add3A_802 = arith.addf %slice3A_796, %dot_general3A_801 : vector<16x512xf32>
    %get3A_803 = arith.constant 0 : index
    %get3A_804 = arith.constant 0 : index
    %get3A_805 = vector.load %arg13[%get3A_803, %get3A_804] : memref<1x1536xf32, #tpu.memory_space<vmem>>, vector<1x512xf32>
    %add3A_806 = vector.broadcast %get3A_805 : vector<1x512xf32> to vector<16x512xf32>
    %add3A_807 = arith.addf %add3A_802, %add3A_806 : vector<16x512xf32>
    %logistic3A_808 = arith.negf %add3A_807 : vector<16x512xf32>
    %logistic3A_809 = math.exp %logistic3A_808 : vector<16x512xf32>
    %logistic3A_810 = arith.constant 1.000000e+00 : f32
    %logistic3A_811 = vector.broadcast %logistic3A_810 : f32 to vector<16x512xf32>
    %logistic3A_812 = arith.addf %logistic3A_811, %logistic3A_809 : vector<16x512xf32>
    %logistic3A_813 = arith.divf %logistic3A_811, %logistic3A_812 : vector<16x512xf32>
    %slice3A_814 = vector.extract_strided_slice %get3A_772 {offsets = [0, 512], sizes = [16, 512], strides = [1, 1]} : vector<16x1536xf32> to vector<16x512xf32>
    %get3A_815 = arith.constant 512 : index
    %get3A_816 = arith.constant 0 : index
    %get3A_817 = vector.load %arg20[%get3A_815, %get3A_816] : memref<1536x512xf32, #tpu.memory_space<vmem>>, vector<512x512xf32>
    %dot_general3A_818 = arith.constant dense<0.000000e+00> : vector<16x512xf32>
    %dot_general3A_819 = tpu.matmul %add3A_751, %get3A_817, %dot_general3A_818 {dimension_numbers = #tpu.dot_dimension_numbers<[1], [1], [0], [0], [0, 0, 1, 0], [], []>, transpose_lhs_hint = false} : vector<16x512xf32>, vector<512x512xf32>, vector<16x512xf32> -> vector<16x512xf32>
    %add3A_820 = arith.addf %slice3A_814, %dot_general3A_819 : vector<16x512xf32>
    %get3A_821 = arith.constant 0 : index
    %get3A_822 = arith.constant 512 : index
    %get3A_823 = vector.load %arg12[%get3A_821, %get3A_822] : memref<1x1536xf32, #tpu.memory_space<vmem>>, vector<1x512xf32>
    %add3A_824 = vector.broadcast %get3A_823 : vector<1x512xf32> to vector<16x512xf32>
    %add3A_825 = arith.addf %add3A_820, %add3A_824 : vector<16x512xf32>
    %logistic3A_826 = arith.negf %add3A_825 : vector<16x512xf32>
    %logistic3A_827 = math.exp %logistic3A_826 : vector<16x512xf32>
    %logistic3A_828 = arith.constant 1.000000e+00 : f32
    %logistic3A_829 = vector.broadcast %logistic3A_828 : f32 to vector<16x512xf32>
    %logistic3A_830 = arith.addf %logistic3A_829, %logistic3A_827 : vector<16x512xf32>
    %logistic3A_831 = arith.divf %logistic3A_829, %logistic3A_830 : vector<16x512xf32>
    %slice3A_832 = vector.extract_strided_slice %get3A_777 {offsets = [0, 512], sizes = [16, 512], strides = [1, 1]} : vector<16x1536xf32> to vector<16x512xf32>
    %get3A_833 = arith.constant 512 : index
    %get3A_834 = arith.constant 0 : index
    %get3A_835 = vector.load %arg21[%get3A_833, %get3A_834] : memref<1536x512xf32, #tpu.memory_space<vmem>>, vector<512x512xf32>
    %dot_general3A_836 = arith.constant dense<0.000000e+00> : vector<16x512xf32>
    %dot_general3A_837 = tpu.matmul %add3A_757, %get3A_835, %dot_general3A_836 {dimension_numbers = #tpu.dot_dimension_numbers<[1], [1], [0], [0], [0, 0, 1, 0], [], []>, transpose_lhs_hint = false} : vector<16x512xf32>, vector<512x512xf32>, vector<16x512xf32> -> vector<16x512xf32>
    %add3A_838 = arith.addf %slice3A_832, %dot_general3A_837 : vector<16x512xf32>
    %get3A_839 = arith.constant 0 : index
    %get3A_840 = arith.constant 512 : index
    %get3A_841 = vector.load %arg13[%get3A_839, %get3A_840] : memref<1x1536xf32, #tpu.memory_space<vmem>>, vector<1x512xf32>
    %add3A_842 = vector.broadcast %get3A_841 : vector<1x512xf32> to vector<16x512xf32>
    %add3A_843 = arith.addf %add3A_838, %add3A_842 : vector<16x512xf32>
    %logistic3A_844 = arith.negf %add3A_843 : vector<16x512xf32>
    %logistic3A_845 = math.exp %logistic3A_844 : vector<16x512xf32>
    %logistic3A_846 = arith.constant 1.000000e+00 : f32
    %logistic3A_847 = vector.broadcast %logistic3A_846 : f32 to vector<16x512xf32>
    %logistic3A_848 = arith.addf %logistic3A_847, %logistic3A_845 : vector<16x512xf32>
    %logistic3A_849 = arith.divf %logistic3A_847, %logistic3A_848 : vector<16x512xf32>
    %slice3A_850 = vector.extract_strided_slice %get3A_772 {offsets = [0, 1024], sizes = [16, 512], strides = [1, 1]} : vector<16x1536xf32> to vector<16x512xf32>
    %get3A_851 = arith.constant 1024 : index
    %get3A_852 = arith.constant 0 : index
    %get3A_853 = vector.load %arg20[%get3A_851, %get3A_852] : memref<1536x512xf32, #tpu.memory_space<vmem>>, vector<512x512xf32>
    %dot_general3A_854 = arith.constant dense<0.000000e+00> : vector<16x512xf32>
    %dot_general3A_855 = tpu.matmul %add3A_751, %get3A_853, %dot_general3A_854 {dimension_numbers = #tpu.dot_dimension_numbers<[1], [1], [0], [0], [0, 0, 1, 0], [], []>, transpose_lhs_hint = false} : vector<16x512xf32>, vector<512x512xf32>, vector<16x512xf32> -> vector<16x512xf32>
    %get3A_856 = arith.constant 0 : index
    %get3A_857 = arith.constant 1024 : index
    %get3A_858 = vector.load %arg12[%get3A_856, %get3A_857] : memref<1x1536xf32, #tpu.memory_space<vmem>>, vector<1x512xf32>
    %add3A_859 = vector.broadcast %get3A_858 : vector<1x512xf32> to vector<16x512xf32>
    %add3A_860 = arith.addf %dot_general3A_855, %add3A_859 : vector<16x512xf32>
    %mul3A_861 = arith.mulf %logistic3A_795, %add3A_860 : vector<16x512xf32>
    %add3A_862 = arith.addf %slice3A_850, %mul3A_861 : vector<16x512xf32>
    %tanh3A_863 = math.tanh %add3A_862 : vector<16x512xf32>
    %slice3A_864 = vector.extract_strided_slice %get3A_777 {offsets = [0, 1024], sizes = [16, 512], strides = [1, 1]} : vector<16x1536xf32> to vector<16x512xf32>
    %get3A_865 = arith.constant 1024 : index
    %get3A_866 = arith.constant 0 : index
    %get3A_867 = vector.load %arg21[%get3A_865, %get3A_866] : memref<1536x512xf32, #tpu.memory_space<vmem>>, vector<512x512xf32>
    %dot_general3A_868 = arith.constant dense<0.000000e+00> : vector<16x512xf32>
    %dot_general3A_869 = tpu.matmul %add3A_757, %get3A_867, %dot_general3A_868 {dimension_numbers = #tpu.dot_dimension_numbers<[1], [1], [0], [0], [0, 0, 1, 0], [], []>, transpose_lhs_hint = false} : vector<16x512xf32>, vector<512x512xf32>, vector<16x512xf32> -> vector<16x512xf32>
    %get3A_870 = arith.constant 0 : index
    %get3A_871 = arith.constant 1024 : index
    %get3A_872 = vector.load %arg13[%get3A_870, %get3A_871] : memref<1x1536xf32, #tpu.memory_space<vmem>>, vector<1x512xf32>
    %add3A_873 = vector.broadcast %get3A_872 : vector<1x512xf32> to vector<16x512xf32>
    %add3A_874 = arith.addf %dot_general3A_869, %add3A_873 : vector<16x512xf32>
    %mul3A_875 = arith.mulf %logistic3A_813, %add3A_874 : vector<16x512xf32>
    %add3A_876 = arith.addf %slice3A_864, %mul3A_875 : vector<16x512xf32>
    %tanh3A_877 = math.tanh %add3A_876 : vector<16x512xf32>
    %sub3A_878 = arith.constant 1.000000e+00 : f32
    %sub3A_879 = vector.broadcast %sub3A_878 : f32 to vector<16x512xf32>
    %sub3A_880 = arith.subf %sub3A_879, %logistic3A_831 : vector<16x512xf32>
    %mul3A_881 = arith.mulf %sub3A_880, %tanh3A_863 : vector<16x512xf32>
    %mul3A_882 = arith.mulf %logistic3A_831, %add3A_751 : vector<16x512xf32>
    %add3A_883 = arith.addf %mul3A_881, %mul3A_882 : vector<16x512xf32>
    %sub3A_884 = arith.constant 1.000000e+00 : f32
    %sub3A_885 = vector.broadcast %sub3A_884 : f32 to vector<16x512xf32>
    %sub3A_886 = arith.subf %sub3A_885, %logistic3A_849 : vector<16x512xf32>
    %mul3A_887 = arith.mulf %sub3A_886, %tanh3A_877 : vector<16x512xf32>
    %mul3A_888 = arith.mulf %logistic3A_849, %add3A_757 : vector<16x512xf32>
    %add3A_889 = arith.addf %mul3A_887, %mul3A_888 : vector<16x512xf32>
    %broadcast_in_dim3A_890 = vector.shape_cast %add3A_883 : vector<16x512xf32> to vector<16x1x512xf32>
    %swap3A_891 = arith.constant 0 : index
    %swap3A_892 = arith.constant 5 : index
    %swap3A_893 = arith.constant 0 : index
    %swap3A_894 = vector.load %arg14[%swap3A_891, %swap3A_892, %swap3A_893] : memref<16x32x512xf32, #tpu.memory_space<vmem>>, vector<16x1x512xf32>
    tpu.vector_store %arg14[%swap3A_891, %swap3A_892, %swap3A_893], %broadcast_in_dim3A_890 {strides = array<i32>} : memref<16x32x512xf32, #tpu.memory_space<vmem>>, vector<16x1x512xf32>,
    %broadcast_in_dim3A_895 = vector.shape_cast %add3A_889 : vector<16x512xf32> to vector<16x1x512xf32>
    %swap3A_896 = arith.constant 0 : index
    %swap3A_897 = arith.constant 26 : index
    %swap3A_898 = arith.constant 0 : index
    %swap3A_899 = vector.load %arg17[%swap3A_896, %swap3A_897, %swap3A_898] : memref<16x32x512xf32, #tpu.memory_space<vmem>>, vector<16x1x512xf32>
    tpu.vector_store %arg17[%swap3A_896, %swap3A_897, %swap3A_898], %broadcast_in_dim3A_895 {strides = array<i32>} : memref<16x32x512xf32, #tpu.memory_space<vmem>>, vector<16x1x512xf32>,
    %get3A_900 = arith.constant 6 : index
    %get3A_901 = arith.constant 0 : index
    %get3A_902 = arith.constant 0 : index
    %get3A_903 = vector.load %arg15[%get3A_900, %get3A_901, %get3A_902] : memref<32x16x1536xf32, #tpu.memory_space<vmem>>, vector<1x16x1536xf32>
    %get3A_904 = vector.shape_cast %get3A_903 : vector<1x16x1536xf32> to vector<16x1536xf32>
    %get3A_905 = arith.constant 25 : index
    %get3A_906 = arith.constant 0 : index
    %get3A_907 = arith.constant 0 : index
    %get3A_908 = vector.load %arg16[%get3A_905, %get3A_906, %get3A_907] : memref<32x16x1536xf32, #tpu.memory_space<vmem>>, vector<1x16x1536xf32>
    %get3A_909 = vector.shape_cast %get3A_908 : vector<1x16x1536xf32> to vector<16x1536xf32>
    %slice3A_910 = vector.extract_strided_slice %get3A_904 {offsets = [0, 0], sizes = [16, 512], strides = [1, 1]} : vector<16x1536xf32> to vector<16x512xf32>
    %get3A_911 = arith.constant 0 : index
    %get3A_912 = arith.constant 0 : index
    %get3A_913 = vector.load %arg20[%get3A_911, %get3A_912] : memref<1536x512xf32, #tpu.memory_space<vmem>>, vector<512x512xf32>
    %dot_general3A_914 = arith.constant dense<0.000000e+00> : vector<16x512xf32>
    %dot_general3A_915 = tpu.matmul %add3A_883, %get3A_913, %dot_general3A_914 {dimension_numbers = #tpu.dot_dimension_numbers<[1], [1], [0], [0], [0, 0, 1, 0], [], []>, transpose_lhs_hint = false} : vector<16x512xf32>, vector<512x512xf32>, vector<16x512xf32> -> vector<16x512xf32>
    %add3A_916 = arith.addf %slice3A_910, %dot_general3A_915 : vector<16x512xf32>
    %get3A_917 = arith.constant 0 : index
    %get3A_918 = arith.constant 0 : index
    %get3A_919 = vector.load %arg12[%get3A_917, %get3A_918] : memref<1x1536xf32, #tpu.memory_space<vmem>>, vector<1x512xf32>
    %add3A_920 = vector.broadcast %get3A_919 : vector<1x512xf32> to vector<16x512xf32>
    %add3A_921 = arith.addf %add3A_916, %add3A_920 : vector<16x512xf32>
    %logistic3A_922 = arith.negf %add3A_921 : vector<16x512xf32>
    %logistic3A_923 = math.exp %logistic3A_922 : vector<16x512xf32>
    %logistic3A_924 = arith.constant 1.000000e+00 : f32
    %logistic3A_925 = vector.broadcast %logistic3A_924 : f32 to vector<16x512xf32>
    %logistic3A_926 = arith.addf %logistic3A_925, %logistic3A_923 : vector<16x512xf32>
    %logistic3A_927 = arith.divf %logistic3A_925, %logistic3A_926 : vector<16x512xf32>
    %slice3A_928 = vector.extract_strided_slice %get3A_909 {offsets = [0, 0], sizes = [16, 512], strides = [1, 1]} : vector<16x1536xf32> to vector<16x512xf32>
    %get3A_929 = arith.constant 0 : index
    %get3A_930 = arith.constant 0 : index
    %get3A_931 = vector.load %arg21[%get3A_929, %get3A_930] : memref<1536x512xf32, #tpu.memory_space<vmem>>, vector<512x512xf32>
    %dot_general3A_932 = arith.constant dense<0.000000e+00> : vector<16x512xf32>
    %dot_general3A_933 = tpu.matmul %add3A_889, %get3A_931, %dot_general3A_932 {dimension_numbers = #tpu.dot_dimension_numbers<[1], [1], [0], [0], [0, 0, 1, 0], [], []>, transpose_lhs_hint = false} : vector<16x512xf32>, vector<512x512xf32>, vector<16x512xf32> -> vector<16x512xf32>
    %add3A_934 = arith.addf %slice3A_928, %dot_general3A_933 : vector<16x512xf32>
    %get3A_935 = arith.constant 0 : index
    %get3A_936 = arith.constant 0 : index
    %get3A_937 = vector.load %arg13[%get3A_935, %get3A_936] : memref<1x1536xf32, #tpu.memory_space<vmem>>, vector<1x512xf32>
    %add3A_938 = vector.broadcast %get3A_937 : vector<1x512xf32> to vector<16x512xf32>
    %add3A_939 = arith.addf %add3A_934, %add3A_938 : vector<16x512xf32>
    %logistic3A_940 = arith.negf %add3A_939 : vector<16x512xf32>
    %logistic3A_941 = math.exp %logistic3A_940 : vector<16x512xf32>
    %logistic3A_942 = arith.constant 1.000000e+00 : f32
    %logistic3A_943 = vector.broadcast %logistic3A_942 : f32 to vector<16x512xf32>
    %logistic3A_944 = arith.addf %logistic3A_943, %logistic3A_941 : vector<16x512xf32>
    %logistic3A_945 = arith.divf %logistic3A_943, %logistic3A_944 : vector<16x512xf32>
    %slice3A_946 = vector.extract_strided_slice %get3A_904 {offsets = [0, 512], sizes = [16, 512], strides = [1, 1]} : vector<16x1536xf32> to vector<16x512xf32>
    %get3A_947 = arith.constant 512 : index
    %get3A_948 = arith.constant 0 : index
    %get3A_949 = vector.load %arg20[%get3A_947, %get3A_948] : memref<1536x512xf32, #tpu.memory_space<vmem>>, vector<512x512xf32>
    %dot_general3A_950 = arith.constant dense<0.000000e+00> : vector<16x512xf32>
    %dot_general3A_951 = tpu.matmul %add3A_883, %get3A_949, %dot_general3A_950 {dimension_numbers = #tpu.dot_dimension_numbers<[1], [1], [0], [0], [0, 0, 1, 0], [], []>, transpose_lhs_hint = false} : vector<16x512xf32>, vector<512x512xf32>, vector<16x512xf32> -> vector<16x512xf32>
    %add3A_952 = arith.addf %slice3A_946, %dot_general3A_951 : vector<16x512xf32>
    %get3A_953 = arith.constant 0 : index
    %get3A_954 = arith.constant 512 : index
    %get3A_955 = vector.load %arg12[%get3A_953, %get3A_954] : memref<1x1536xf32, #tpu.memory_space<vmem>>, vector<1x512xf32>
    %add3A_956 = vector.broadcast %get3A_955 : vector<1x512xf32> to vector<16x512xf32>
    %add3A_957 = arith.addf %add3A_952, %add3A_956 : vector<16x512xf32>
    %logistic3A_958 = arith.negf %add3A_957 : vector<16x512xf32>
    %logistic3A_959 = math.exp %logistic3A_958 : vector<16x512xf32>
    %logistic3A_960 = arith.constant 1.000000e+00 : f32
    %logistic3A_961 = vector.broadcast %logistic3A_960 : f32 to vector<16x512xf32>
    %logistic3A_962 = arith.addf %logistic3A_961, %logistic3A_959 : vector<16x512xf32>
    %logistic3A_963 = arith.divf %logistic3A_961, %logistic3A_962 : vector<16x512xf32>
    %slice3A_964 = vector.extract_strided_slice %get3A_909 {offsets = [0, 512], sizes = [16, 512], strides = [1, 1]} : vector<16x1536xf32> to vector<16x512xf32>
    %get3A_965 = arith.constant 512 : index
    %get3A_966 = arith.constant 0 : index
    %get3A_967 = vector.load %arg21[%get3A_965, %get3A_966] : memref<1536x512xf32, #tpu.memory_space<vmem>>, vector<512x512xf32>
    %dot_general3A_968 = arith.constant dense<0.000000e+00> : vector<16x512xf32>
    %dot_general3A_969 = tpu.matmul %add3A_889, %get3A_967, %dot_general3A_968 {dimension_numbers = #tpu.dot_dimension_numbers<[1], [1], [0], [0], [0, 0, 1, 0], [], []>, transpose_lhs_hint = false} : vector<16x512xf32>, vector<512x512xf32>, vector<16x512xf32> -> vector<16x512xf32>
    %add3A_970 = arith.addf %slice3A_964, %dot_general3A_969 : vector<16x512xf32>
    %get3A_971 = arith.constant 0 : index
    %get3A_972 = arith.constant 512 : index
    %get3A_973 = vector.load %arg13[%get3A_971, %get3A_972] : memref<1x1536xf32, #tpu.memory_space<vmem>>, vector<1x512xf32>
    %add3A_974 = vector.broadcast %get3A_973 : vector<1x512xf32> to vector<16x512xf32>
    %add3A_975 = arith.addf %add3A_970, %add3A_974 : vector<16x512xf32>
    %logistic3A_976 = arith.negf %add3A_975 : vector<16x512xf32>
    %logistic3A_977 = math.exp %logistic3A_976 : vector<16x512xf32>
    %logistic3A_978 = arith.constant 1.000000e+00 : f32
    %logistic3A_979 = vector.broadcast %logistic3A_978 : f32 to vector<16x512xf32>
    %logistic3A_980 = arith.addf %logistic3A_979, %logistic3A_977 : vector<16x512xf32>
    %logistic3A_981 = arith.divf %logistic3A_979, %logistic3A_980 : vector<16x512xf32>
    %slice3A_982 = vector.extract_strided_slice %get3A_904 {offsets = [0, 1024], sizes = [16, 512], strides = [1, 1]} : vector<16x1536xf32> to vector<16x512xf32>
    %get3A_983 = arith.constant 1024 : index
    %get3A_984 = arith.constant 0 : index
    %get3A_985 = vector.load %arg20[%get3A_983, %get3A_984] : memref<1536x512xf32, #tpu.memory_space<vmem>>, vector<512x512xf32>
    %dot_general3A_986 = arith.constant dense<0.000000e+00> : vector<16x512xf32>
    %dot_general3A_987 = tpu.matmul %add3A_883, %get3A_985, %dot_general3A_986 {dimension_numbers = #tpu.dot_dimension_numbers<[1], [1], [0], [0], [0, 0, 1, 0], [], []>, transpose_lhs_hint = false} : vector<16x512xf32>, vector<512x512xf32>, vector<16x512xf32> -> vector<16x512xf32>
    %get3A_988 = arith.constant 0 : index
    %get3A_989 = arith.constant 1024 : index
    %get3A_990 = vector.load %arg12[%get3A_988, %get3A_989] : memref<1x1536xf32, #tpu.memory_space<vmem>>, vector<1x512xf32>
    %add3A_991 = vector.broadcast %get3A_990 : vector<1x512xf32> to vector<16x512xf32>
    %add3A_992 = arith.addf %dot_general3A_987, %add3A_991 : vector<16x512xf32>
    %mul3A_993 = arith.mulf %logistic3A_927, %add3A_992 : vector<16x512xf32>
    %add3A_994 = arith.addf %slice3A_982, %mul3A_993 : vector<16x512xf32>
    %tanh3A_995 = math.tanh %add3A_994 : vector<16x512xf32>
    %slice3A_996 = vector.extract_strided_slice %get3A_909 {offsets = [0, 1024], sizes = [16, 512], strides = [1, 1]} : vector<16x1536xf32> to vector<16x512xf32>
    %get3A_997 = arith.constant 1024 : index
    %get3A_998 = arith.constant 0 : index
    %get3A_999 = vector.load %arg21[%get3A_997, %get3A_998] : memref<1536x512xf32, #tpu.memory_space<vmem>>, vector<512x512xf32>
    %dot_general3A_1000 = arith.constant dense<0.000000e+00> : vector<16x512xf32>
    %dot_general3A_1001 = tpu.matmul %add3A_889, %get3A_999, %dot_general3A_1000 {dimension_numbers = #tpu.dot_dimension_numbers<[1], [1], [0], [0], [0, 0, 1, 0], [], []>, transpose_lhs_hint = false} : vector<16x512xf32>, vector<512x512xf32>, vector<16x512xf32> -> vector<16x512xf32>
    %get3A_1002 = arith.constant 0 : index
    %get3A_1003 = arith.constant 1024 : index
    %get3A_1004 = vector.load %arg13[%get3A_1002, %get3A_1003] : memref<1x1536xf32, #tpu.memory_space<vmem>>, vector<1x512xf32>
    %add3A_1005 = vector.broadcast %get3A_1004 : vector<1x512xf32> to vector<16x512xf32>
    %add3A_1006 = arith.addf %dot_general3A_1001, %add3A_1005 : vector<16x512xf32>
    %mul3A_1007 = arith.mulf %logistic3A_945, %add3A_1006 : vector<16x512xf32>
    %add3A_1008 = arith.addf %slice3A_996, %mul3A_1007 : vector<16x512xf32>
    %tanh3A_1009 = math.tanh %add3A_1008 : vector<16x512xf32>
    %sub3A_1010 = arith.constant 1.000000e+00 : f32
    %sub3A_1011 = vector.broadcast %sub3A_1010 : f32 to vector<16x512xf32>
    %sub3A_1012 = arith.subf %sub3A_1011, %logistic3A_963 : vector<16x512xf32>
    %mul3A_1013 = arith.mulf %sub3A_1012, %tanh3A_995 : vector<16x512xf32>
    %mul3A_1014 = arith.mulf %logistic3A_963, %add3A_883 : vector<16x512xf32>
    %add3A_1015 = arith.addf %mul3A_1013, %mul3A_1014 : vector<16x512xf32>
    %sub3A_1016 = arith.constant 1.000000e+00 : f32
    %sub3A_1017 = vector.broadcast %sub3A_1016 : f32 to vector<16x512xf32>
    %sub3A_1018 = arith.subf %sub3A_1017, %logistic3A_981 : vector<16x512xf32>
    %mul3A_1019 = arith.mulf %sub3A_1018, %tanh3A_1009 : vector<16x512xf32>
    %mul3A_1020 = arith.mulf %logistic3A_981, %add3A_889 : vector<16x512xf32>
    %add3A_1021 = arith.addf %mul3A_1019, %mul3A_1020 : vector<16x512xf32>
    %broadcast_in_dim3A_1022 = vector.shape_cast %add3A_1015 : vector<16x512xf32> to vector<16x1x512xf32>
    %swap3A_1023 = arith.constant 0 : index
    %swap3A_1024 = arith.constant 6 : index
    %swap3A_1025 = arith.constant 0 : index
    %swap3A_1026 = vector.load %arg14[%swap3A_1023, %swap3A_1024, %swap3A_1025] : memref<16x32x512xf32, #tpu.memory_space<vmem>>, vector<16x1x512xf32>
    tpu.vector_store %arg14[%swap3A_1023, %swap3A_1024, %swap3A_1025], %broadcast_in_dim3A_1022 {strides = array<i32>} : memref<16x32x512xf32, #tpu.memory_space<vmem>>, vector<16x1x512xf32>,
    %broadcast_in_dim3A_1027 = vector.shape_cast %add3A_1021 : vector<16x512xf32> to vector<16x1x512xf32>
    %swap3A_1028 = arith.constant 0 : index
    %swap3A_1029 = arith.constant 25 : index
    %swap3A_1030 = arith.constant 0 : index
    %swap3A_1031 = vector.load %arg17[%swap3A_1028, %swap3A_1029, %swap3A_1030] : memref<16x32x512xf32, #tpu.memory_space<vmem>>, vector<16x1x512xf32>
    tpu.vector_store %arg17[%swap3A_1028, %swap3A_1029, %swap3A_1030], %broadcast_in_dim3A_1027 {strides = array<i32>} : memref<16x32x512xf32, #tpu.memory_space<vmem>>, vector<16x1x512xf32>,
    %get3A_1032 = arith.constant 7 : index
    %get3A_1033 = arith.constant 0 : index
    %get3A_1034 = arith.constant 0 : index
    %get3A_1035 = vector.load %arg15[%get3A_1032, %get3A_1033, %get3A_1034] : memref<32x16x1536xf32, #tpu.memory_space<vmem>>, vector<1x16x1536xf32>
    %get3A_1036 = vector.shape_cast %get3A_1035 : vector<1x16x1536xf32> to vector<16x1536xf32>
    %get3A_1037 = arith.constant 24 : index
    %get3A_1038 = arith.constant 0 : index
    %get3A_1039 = arith.constant 0 : index
    %get3A_1040 = vector.load %arg16[%get3A_1037, %get3A_1038, %get3A_1039] : memref<32x16x1536xf32, #tpu.memory_space<vmem>>, vector<1x16x1536xf32>
    %get3A_1041 = vector.shape_cast %get3A_1040 : vector<1x16x1536xf32> to vector<16x1536xf32>
    %slice3A_1042 = vector.extract_strided_slice %get3A_1036 {offsets = [0, 0], sizes = [16, 512], strides = [1, 1]} : vector<16x1536xf32> to vector<16x512xf32>
    %get3A_1043 = arith.constant 0 : index
    %get3A_1044 = arith.constant 0 : index
    %get3A_1045 = vector.load %arg20[%get3A_1043, %get3A_1044] : memref<1536x512xf32, #tpu.memory_space<vmem>>, vector<512x512xf32>
    %dot_general3A_1046 = arith.constant dense<0.000000e+00> : vector<16x512xf32>
    %dot_general3A_1047 = tpu.matmul %add3A_1015, %get3A_1045, %dot_general3A_1046 {dimension_numbers = #tpu.dot_dimension_numbers<[1], [1], [0], [0], [0, 0, 1, 0], [], []>, transpose_lhs_hint = false} : vector<16x512xf32>, vector<512x512xf32>, vector<16x512xf32> -> vector<16x512xf32>
    %add3A_1048 = arith.addf %slice3A_1042, %dot_general3A_1047 : vector<16x512xf32>
    %get3A_1049 = arith.constant 0 : index
    %get3A_1050 = arith.constant 0 : index
    %get3A_1051 = vector.load %arg12[%get3A_1049, %get3A_1050] : memref<1x1536xf32, #tpu.memory_space<vmem>>, vector<1x512xf32>
    %add3A_1052 = vector.broadcast %get3A_1051 : vector<1x512xf32> to vector<16x512xf32>
    %add3A_1053 = arith.addf %add3A_1048, %add3A_1052 : vector<16x512xf32>
    %logistic3A_1054 = arith.negf %add3A_1053 : vector<16x512xf32>
    %logistic3A_1055 = math.exp %logistic3A_1054 : vector<16x512xf32>
    %logistic3A_1056 = arith.constant 1.000000e+00 : f32
    %logistic3A_1057 = vector.broadcast %logistic3A_1056 : f32 to vector<16x512xf32>
    %logistic3A_1058 = arith.addf %logistic3A_1057, %logistic3A_1055 : vector<16x512xf32>
    %logistic3A_1059 = arith.divf %logistic3A_1057, %logistic3A_1058 : vector<16x512xf32>
    %slice3A_1060 = vector.extract_strided_slice %get3A_1041 {offsets = [0, 0], sizes = [16, 512], strides = [1, 1]} : vector<16x1536xf32> to vector<16x512xf32>
    %get3A_1061 = arith.constant 0 : index
    %get3A_1062 = arith.constant 0 : index
    %get3A_1063 = vector.load %arg21[%get3A_1061, %get3A_1062] : memref<1536x512xf32, #tpu.memory_space<vmem>>, vector<512x512xf32>
    %dot_general3A_1064 = arith.constant dense<0.000000e+00> : vector<16x512xf32>
    %dot_general3A_1065 = tpu.matmul %add3A_1021, %get3A_1063, %dot_general3A_1064 {dimension_numbers = #tpu.dot_dimension_numbers<[1], [1], [0], [0], [0, 0, 1, 0], [], []>, transpose_lhs_hint = false} : vector<16x512xf32>, vector<512x512xf32>, vector<16x512xf32> -> vector<16x512xf32>
    %add3A_1066 = arith.addf %slice3A_1060, %dot_general3A_1065 : vector<16x512xf32>
    %get3A_1067 = arith.constant 0 : index
    %get3A_1068 = arith.constant 0 : index
    %get3A_1069 = vector.load %arg13[%get3A_1067, %get3A_1068] : memref<1x1536xf32, #tpu.memory_space<vmem>>, vector<1x512xf32>
    %add3A_1070 = vector.broadcast %get3A_1069 : vector<1x512xf32> to vector<16x512xf32>
    %add3A_1071 = arith.addf %add3A_1066, %add3A_1070 : vector<16x512xf32>
    %logistic3A_1072 = arith.negf %add3A_1071 : vector<16x512xf32>
    %logistic3A_1073 = math.exp %logistic3A_1072 : vector<16x512xf32>
    %logistic3A_1074 = arith.constant 1.000000e+00 : f32
    %logistic3A_1075 = vector.broadcast %logistic3A_1074 : f32 to vector<16x512xf32>
    %logistic3A_1076 = arith.addf %logistic3A_1075, %logistic3A_1073 : vector<16x512xf32>
    %logistic3A_1077 = arith.divf %logistic3A_1075, %logistic3A_1076 : vector<16x512xf32>
    %slice3A_1078 = vector.extract_strided_slice %get3A_1036 {offsets = [0, 512], sizes = [16, 512], strides = [1, 1]} : vector<16x1536xf32> to vector<16x512xf32>
    %get3A_1079 = arith.constant 512 : index
    %get3A_1080 = arith.constant 0 : index
    %get3A_1081 = vector.load %arg20[%get3A_1079, %get3A_1080] : memref<1536x512xf32, #tpu.memory_space<vmem>>, vector<512x512xf32>
    %dot_general3A_1082 = arith.constant dense<0.000000e+00> : vector<16x512xf32>
    %dot_general3A_1083 = tpu.matmul %add3A_1015, %get3A_1081, %dot_general3A_1082 {dimension_numbers = #tpu.dot_dimension_numbers<[1], [1], [0], [0], [0, 0, 1, 0], [], []>, transpose_lhs_hint = false} : vector<16x512xf32>, vector<512x512xf32>, vector<16x512xf32> -> vector<16x512xf32>
    %add3A_1084 = arith.addf %slice3A_1078, %dot_general3A_1083 : vector<16x512xf32>
    %get3A_1085 = arith.constant 0 : index
    %get3A_1086 = arith.constant 512 : index
    %get3A_1087 = vector.load %arg12[%get3A_1085, %get3A_1086] : memref<1x1536xf32, #tpu.memory_space<vmem>>, vector<1x512xf32>
    %add3A_1088 = vector.broadcast %get3A_1087 : vector<1x512xf32> to vector<16x512xf32>
    %add3A_1089 = arith.addf %add3A_1084, %add3A_1088 : vector<16x512xf32>
    %logistic3A_1090 = arith.negf %add3A_1089 : vector<16x512xf32>
    %logistic3A_1091 = math.exp %logistic3A_1090 : vector<16x512xf32>
    %logistic3A_1092 = arith.constant 1.000000e+00 : f32
    %logistic3A_1093 = vector.broadcast %logistic3A_1092 : f32 to vector<16x512xf32>
    %logistic3A_1094 = arith.addf %logistic3A_1093, %logistic3A_1091 : vector<16x512xf32>
    %logistic3A_1095 = arith.divf %logistic3A_1093, %logistic3A_1094 : vector<16x512xf32>
    %slice3A_1096 = vector.extract_strided_slice %get3A_1041 {offsets = [0, 512], sizes = [16, 512], strides = [1, 1]} : vector<16x1536xf32> to vector<16x512xf32>
    %get3A_1097 = arith.constant 512 : index
    %get3A_1098 = arith.constant 0 : index
    %get3A_1099 = vector.load %arg21[%get3A_1097, %get3A_1098] : memref<1536x512xf32, #tpu.memory_space<vmem>>, vector<512x512xf32>
    %dot_general3A_1100 = arith.constant dense<0.000000e+00> : vector<16x512xf32>
    %dot_general3A_1101 = tpu.matmul %add3A_1021, %get3A_1099, %dot_general3A_1100 {dimension_numbers = #tpu.dot_dimension_numbers<[1], [1], [0], [0], [0, 0, 1, 0], [], []>, transpose_lhs_hint = false} : vector<16x512xf32>, vector<512x512xf32>, vector<16x512xf32> -> vector<16x512xf32>
    %add3A_1102 = arith.addf %slice3A_1096, %dot_general3A_1101 : vector<16x512xf32>
    %get3A_1103 = arith.constant 0 : index
    %get3A_1104 = arith.constant 512 : index
    %get3A_1105 = vector.load %arg13[%get3A_1103, %get3A_1104] : memref<1x1536xf32, #tpu.memory_space<vmem>>, vector<1x512xf32>
    %add3A_1106 = vector.broadcast %get3A_1105 : vector<1x512xf32> to vector<16x512xf32>
    %add3A_1107 = arith.addf %add3A_1102, %add3A_1106 : vector<16x512xf32>
    %logistic3A_1108 = arith.negf %add3A_1107 : vector<16x512xf32>
    %logistic3A_1109 = math.exp %logistic3A_1108 : vector<16x512xf32>
    %logistic3A_1110 = arith.constant 1.000000e+00 : f32
    %logistic3A_1111 = vector.broadcast %logistic3A_1110 : f32 to vector<16x512xf32>
    %logistic3A_1112 = arith.addf %logistic3A_1111, %logistic3A_1109 : vector<16x512xf32>
    %logistic3A_1113 = arith.divf %logistic3A_1111, %logistic3A_1112 : vector<16x512xf32>
    %slice3A_1114 = vector.extract_strided_slice %get3A_1036 {offsets = [0, 1024], sizes = [16, 512], strides = [1, 1]} : vector<16x1536xf32> to vector<16x512xf32>
    %get3A_1115 = arith.constant 1024 : index
    %get3A_1116 = arith.constant 0 : index
    %get3A_1117 = vector.load %arg20[%get3A_1115, %get3A_1116] : memref<1536x512xf32, #tpu.memory_space<vmem>>, vector<512x512xf32>
    %dot_general3A_1118 = arith.constant dense<0.000000e+00> : vector<16x512xf32>
    %dot_general3A_1119 = tpu.matmul %add3A_1015, %get3A_1117, %dot_general3A_1118 {dimension_numbers = #tpu.dot_dimension_numbers<[1], [1], [0], [0], [0, 0, 1, 0], [], []>, transpose_lhs_hint = false} : vector<16x512xf32>, vector<512x512xf32>, vector<16x512xf32> -> vector<16x512xf32>
    %get3A_1120 = arith.constant 0 : index
    %get3A_1121 = arith.constant 1024 : index
    %get3A_1122 = vector.load %arg12[%get3A_1120, %get3A_1121] : memref<1x1536xf32, #tpu.memory_space<vmem>>, vector<1x512xf32>
    %add3A_1123 = vector.broadcast %get3A_1122 : vector<1x512xf32> to vector<16x512xf32>
    %add3A_1124 = arith.addf %dot_general3A_1119, %add3A_1123 : vector<16x512xf32>
    %mul3A_1125 = arith.mulf %logistic3A_1059, %add3A_1124 : vector<16x512xf32>
    %add3A_1126 = arith.addf %slice3A_1114, %mul3A_1125 : vector<16x512xf32>
    %tanh3A_1127 = math.tanh %add3A_1126 : vector<16x512xf32>
    %slice3A_1128 = vector.extract_strided_slice %get3A_1041 {offsets = [0, 1024], sizes = [16, 512], strides = [1, 1]} : vector<16x1536xf32> to vector<16x512xf32>
    %get3A_1129 = arith.constant 1024 : index
    %get3A_1130 = arith.constant 0 : index
    %get3A_1131 = vector.load %arg21[%get3A_1129, %get3A_1130] : memref<1536x512xf32, #tpu.memory_space<vmem>>, vector<512x512xf32>
    %dot_general3A_1132 = arith.constant dense<0.000000e+00> : vector<16x512xf32>
    %dot_general3A_1133 = tpu.matmul %add3A_1021, %get3A_1131, %dot_general3A_1132 {dimension_numbers = #tpu.dot_dimension_numbers<[1], [1], [0], [0], [0, 0, 1, 0], [], []>, transpose_lhs_hint = false} : vector<16x512xf32>, vector<512x512xf32>, vector<16x512xf32> -> vector<16x512xf32>
    %get3A_1134 = arith.constant 0 : index
    %get3A_1135 = arith.constant 1024 : index
    %get3A_1136 = vector.load %arg13[%get3A_1134, %get3A_1135] : memref<1x1536xf32, #tpu.memory_space<vmem>>, vector<1x512xf32>
    %add3A_1137 = vector.broadcast %get3A_1136 : vector<1x512xf32> to vector<16x512xf32>
    %add3A_1138 = arith.addf %dot_general3A_1133, %add3A_1137 : vector<16x512xf32>
    %mul3A_1139 = arith.mulf %logistic3A_1077, %add3A_1138 : vector<16x512xf32>
    %add3A_1140 = arith.addf %slice3A_1128, %mul3A_1139 : vector<16x512xf32>
    %tanh3A_1141 = math.tanh %add3A_1140 : vector<16x512xf32>
    %sub3A_1142 = arith.constant 1.000000e+00 : f32
    %sub3A_1143 = vector.broadcast %sub3A_1142 : f32 to vector<16x512xf32>
    %sub3A_1144 = arith.subf %sub3A_1143, %logistic3A_1095 : vector<16x512xf32>
    %mul3A_1145 = arith.mulf %sub3A_1144, %tanh3A_1127 : vector<16x512xf32>
    %mul3A_1146 = arith.mulf %logistic3A_1095, %add3A_1015 : vector<16x512xf32>
    %add3A_1147 = arith.addf %mul3A_1145, %mul3A_1146 : vector<16x512xf32>
    %sub3A_1148 = arith.constant 1.000000e+00 : f32
    %sub3A_1149 = vector.broadcast %sub3A_1148 : f32 to vector<16x512xf32>
    %sub3A_1150 = arith.subf %sub3A_1149, %logistic3A_1113 : vector<16x512xf32>
    %mul3A_1151 = arith.mulf %sub3A_1150, %tanh3A_1141 : vector<16x512xf32>
    %mul3A_1152 = arith.mulf %logistic3A_1113, %add3A_1021 : vector<16x512xf32>
    %add3A_1153 = arith.addf %mul3A_1151, %mul3A_1152 : vector<16x512xf32>
    %broadcast_in_dim3A_1154 = vector.shape_cast %add3A_1147 : vector<16x512xf32> to vector<16x1x512xf32>
    %swap3A_1155 = arith.constant 0 : index
    %swap3A_1156 = arith.constant 7 : index
    %swap3A_1157 = arith.constant 0 : index
    %swap3A_1158 = vector.load %arg14[%swap3A_1155, %swap3A_1156, %swap3A_1157] : memref<16x32x512xf32, #tpu.memory_space<vmem>>, vector<16x1x512xf32>
    tpu.vector_store %arg14[%swap3A_1155, %swap3A_1156, %swap3A_1157], %broadcast_in_dim3A_1154 {strides = array<i32>} : memref<16x32x512xf32, #tpu.memory_space<vmem>>, vector<16x1x512xf32>,
    %broadcast_in_dim3A_1159 = vector.shape_cast %add3A_1153 : vector<16x512xf32> to vector<16x1x512xf32>
    %swap3A_1160 = arith.constant 0 : index
    %swap3A_1161 = arith.constant 24 : index
    %swap3A_1162 = arith.constant 0 : index
    %swap3A_1163 = vector.load %arg17[%swap3A_1160, %swap3A_1161, %swap3A_1162] : memref<16x32x512xf32, #tpu.memory_space<vmem>>, vector<16x1x512xf32>
    tpu.vector_store %arg17[%swap3A_1160, %swap3A_1161, %swap3A_1162], %broadcast_in_dim3A_1159 {strides = array<i32>} : memref<16x32x512xf32, #tpu.memory_space<vmem>>, vector<16x1x512xf32>,
    %get3A_1164 = arith.constant 8 : index
    %get3A_1165 = arith.constant 0 : index
    %get3A_1166 = arith.constant 0 : index
    %get3A_1167 = vector.load %arg15[%get3A_1164, %get3A_1165, %get3A_1166] : memref<32x16x1536xf32, #tpu.memory_space<vmem>>, vector<1x16x1536xf32>
    %get3A_1168 = vector.shape_cast %get3A_1167 : vector<1x16x1536xf32> to vector<16x1536xf32>
    %get3A_1169 = arith.constant 23 : index
    %get3A_1170 = arith.constant 0 : index
    %get3A_1171 = arith.constant 0 : index
    %get3A_1172 = vector.load %arg16[%get3A_1169, %get3A_1170, %get3A_1171] : memref<32x16x1536xf32, #tpu.memory_space<vmem>>, vector<1x16x1536xf32>
    %get3A_1173 = vector.shape_cast %get3A_1172 : vector<1x16x1536xf32> to vector<16x1536xf32>
    %slice3A_1174 = vector.extract_strided_slice %get3A_1168 {offsets = [0, 0], sizes = [16, 512], strides = [1, 1]} : vector<16x1536xf32> to vector<16x512xf32>
    %get3A_1175 = arith.constant 0 : index
    %get3A_1176 = arith.constant 0 : index
    %get3A_1177 = vector.load %arg20[%get3A_1175, %get3A_1176] : memref<1536x512xf32, #tpu.memory_space<vmem>>, vector<512x512xf32>
    %dot_general3A_1178 = arith.constant dense<0.000000e+00> : vector<16x512xf32>
    %dot_general3A_1179 = tpu.matmul %add3A_1147, %get3A_1177, %dot_general3A_1178 {dimension_numbers = #tpu.dot_dimension_numbers<[1], [1], [0], [0], [0, 0, 1, 0], [], []>, transpose_lhs_hint = false} : vector<16x512xf32>, vector<512x512xf32>, vector<16x512xf32> -> vector<16x512xf32>
    %add3A_1180 = arith.addf %slice3A_1174, %dot_general3A_1179 : vector<16x512xf32>
    %get3A_1181 = arith.constant 0 : index
    %get3A_1182 = arith.constant 0 : index
    %get3A_1183 = vector.load %arg12[%get3A_1181, %get3A_1182] : memref<1x1536xf32, #tpu.memory_space<vmem>>, vector<1x512xf32>
    %add3A_1184 = vector.broadcast %get3A_1183 : vector<1x512xf32> to vector<16x512xf32>
    %add3A_1185 = arith.addf %add3A_1180, %add3A_1184 : vector<16x512xf32>
    %logistic3A_1186 = arith.negf %add3A_1185 : vector<16x512xf32>
    %logistic3A_1187 = math.exp %logistic3A_1186 : vector<16x512xf32>
    %logistic3A_1188 = arith.constant 1.000000e+00 : f32
    %logistic3A_1189 = vector.broadcast %logistic3A_1188 : f32 to vector<16x512xf32>
    %logistic3A_1190 = arith.addf %logistic3A_1189, %logistic3A_1187 : vector<16x512xf32>
    %logistic3A_1191 = arith.divf %logistic3A_1189, %logistic3A_1190 : vector<16x512xf32>
    %slice3A_1192 = vector.extract_strided_slice %get3A_1173 {offsets = [0, 0], sizes = [16, 512], strides = [1, 1]} : vector<16x1536xf32> to vector<16x512xf32>
    %get3A_1193 = arith.constant 0 : index
    %get3A_1194 = arith.constant 0 : index
    %get3A_1195 = vector.load %arg21[%get3A_1193, %get3A_1194] : memref<1536x512xf32, #tpu.memory_space<vmem>>, vector<512x512xf32>
    %dot_general3A_1196 = arith.constant dense<0.000000e+00> : vector<16x512xf32>
    %dot_general3A_1197 = tpu.matmul %add3A_1153, %get3A_1195, %dot_general3A_1196 {dimension_numbers = #tpu.dot_dimension_numbers<[1], [1], [0], [0], [0, 0, 1, 0], [], []>, transpose_lhs_hint = false} : vector<16x512xf32>, vector<512x512xf32>, vector<16x512xf32> -> vector<16x512xf32>
    %add3A_1198 = arith.addf %slice3A_1192, %dot_general3A_1197 : vector<16x512xf32>
    %get3A_1199 = arith.constant 0 : index
    %get3A_1200 = arith.constant 0 : index
    %get3A_1201 = vector.load %arg13[%get3A_1199, %get3A_1200] : memref<1x1536xf32, #tpu.memory_space<vmem>>, vector<1x512xf32>
    %add3A_1202 = vector.broadcast %get3A_1201 : vector<1x512xf32> to vector<16x512xf32>
    %add3A_1203 = arith.addf %add3A_1198, %add3A_1202 : vector<16x512xf32>
    %logistic3A_1204 = arith.negf %add3A_1203 : vector<16x512xf32>
    %logistic3A_1205 = math.exp %logistic3A_1204 : vector<16x512xf32>
    %logistic3A_1206 = arith.constant 1.000000e+00 : f32
    %logistic3A_1207 = vector.broadcast %logistic3A_1206 : f32 to vector<16x512xf32>
    %logistic3A_1208 = arith.addf %logistic3A_1207, %logistic3A_1205 : vector<16x512xf32>
    %logistic3A_1209 = arith.divf %logistic3A_1207, %logistic3A_1208 : vector<16x512xf32>
    %slice3A_1210 = vector.extract_strided_slice %get3A_1168 {offsets = [0, 512], sizes = [16, 512], strides = [1, 1]} : vector<16x1536xf32> to vector<16x512xf32>
    %get3A_1211 = arith.constant 512 : index
    %get3A_1212 = arith.constant 0 : index
    %get3A_1213 = vector.load %arg20[%get3A_1211, %get3A_1212] : memref<1536x512xf32, #tpu.memory_space<vmem>>, vector<512x512xf32>
    %dot_general3A_1214 = arith.constant dense<0.000000e+00> : vector<16x512xf32>
    %dot_general3A_1215 = tpu.matmul %add3A_1147, %get3A_1213, %dot_general3A_1214 {dimension_numbers = #tpu.dot_dimension_numbers<[1], [1], [0], [0], [0, 0, 1, 0], [], []>, transpose_lhs_hint = false} : vector<16x512xf32>, vector<512x512xf32>, vector<16x512xf32> -> vector<16x512xf32>
    %add3A_1216 = arith.addf %slice3A_1210, %dot_general3A_1215 : vector<16x512xf32>
    %get3A_1217 = arith.constant 0 : index
    %get3A_1218 = arith.constant 512 : index
    %get3A_1219 = vector.load %arg12[%get3A_1217, %get3A_1218] : memref<1x1536xf32, #tpu.memory_space<vmem>>, vector<1x512xf32>
    %add3A_1220 = vector.broadcast %get3A_1219 : vector<1x512xf32> to vector<16x512xf32>
    %add3A_1221 = arith.addf %add3A_1216, %add3A_1220 : vector<16x512xf32>
    %logistic3A_1222 = arith.negf %add3A_1221 : vector<16x512xf32>
    %logistic3A_1223 = math.exp %logistic3A_1222 : vector<16x512xf32>
    %logistic3A_1224 = arith.constant 1.000000e+00 : f32
    %logistic3A_1225 = vector.broadcast %logistic3A_1224 : f32 to vector<16x512xf32>
    %logistic3A_1226 = arith.addf %logistic3A_1225, %logistic3A_1223 : vector<16x512xf32>
    %logistic3A_1227 = arith.divf %logistic3A_1225, %logistic3A_1226 : vector<16x512xf32>
    %slice3A_1228 = vector.extract_strided_slice %get3A_1173 {offsets = [0, 512], sizes = [16, 512], strides = [1, 1]} : vector<16x1536xf32> to vector<16x512xf32>
    %get3A_1229 = arith.constant 512 : index
    %get3A_1230 = arith.constant 0 : index
    %get3A_1231 = vector.load %arg21[%get3A_1229, %get3A_1230] : memref<1536x512xf32, #tpu.memory_space<vmem>>, vector<512x512xf32>
    %dot_general3A_1232 = arith.constant dense<0.000000e+00> : vector<16x512xf32>
    %dot_general3A_1233 = tpu.matmul %add3A_1153, %get3A_1231, %dot_general3A_1232 {dimension_numbers = #tpu.dot_dimension_numbers<[1], [1], [0], [0], [0, 0, 1, 0], [], []>, transpose_lhs_hint = false} : vector<16x512xf32>, vector<512x512xf32>, vector<16x512xf32> -> vector<16x512xf32>
    %add3A_1234 = arith.addf %slice3A_1228, %dot_general3A_1233 : vector<16x512xf32>
    %get3A_1235 = arith.constant 0 : index
    %get3A_1236 = arith.constant 512 : index
    %get3A_1237 = vector.load %arg13[%get3A_1235, %get3A_1236] : memref<1x1536xf32, #tpu.memory_space<vmem>>, vector<1x512xf32>
    %add3A_1238 = vector.broadcast %get3A_1237 : vector<1x512xf32> to vector<16x512xf32>
    %add3A_1239 = arith.addf %add3A_1234, %add3A_1238 : vector<16x512xf32>
    %logistic3A_1240 = arith.negf %add3A_1239 : vector<16x512xf32>
    %logistic3A_1241 = math.exp %logistic3A_1240 : vector<16x512xf32>
    %logistic3A_1242 = arith.constant 1.000000e+00 : f32
    %logistic3A_1243 = vector.broadcast %logistic3A_1242 : f32 to vector<16x512xf32>
    %logistic3A_1244 = arith.addf %logistic3A_1243, %logistic3A_1241 : vector<16x512xf32>
    %logistic3A_1245 = arith.divf %logistic3A_1243, %logistic3A_1244 : vector<16x512xf32>
    %slice3A_1246 = vector.extract_strided_slice %get3A_1168 {offsets = [0, 1024], sizes = [16, 512], strides = [1, 1]} : vector<16x1536xf32> to vector<16x512xf32>
    %get3A_1247 = arith.constant 1024 : index
    %get3A_1248 = arith.constant 0 : index
    %get3A_1249 = vector.load %arg20[%get3A_1247, %get3A_1248] : memref<1536x512xf32, #tpu.memory_space<vmem>>, vector<512x512xf32>
    %dot_general3A_1250 = arith.constant dense<0.000000e+00> : vector<16x512xf32>
    %dot_general3A_1251 = tpu.matmul %add3A_1147, %get3A_1249, %dot_general3A_1250 {dimension_numbers = #tpu.dot_dimension_numbers<[1], [1], [0], [0], [0, 0, 1, 0], [], []>, transpose_lhs_hint = false} : vector<16x512xf32>, vector<512x512xf32>, vector<16x512xf32> -> vector<16x512xf32>
    %get3A_1252 = arith.constant 0 : index
    %get3A_1253 = arith.constant 1024 : index
    %get3A_1254 = vector.load %arg12[%get3A_1252, %get3A_1253] : memref<1x1536xf32, #tpu.memory_space<vmem>>, vector<1x512xf32>
    %add3A_1255 = vector.broadcast %get3A_1254 : vector<1x512xf32> to vector<16x512xf32>
    %add3A_1256 = arith.addf %dot_general3A_1251, %add3A_1255 : vector<16x512xf32>
    %mul3A_1257 = arith.mulf %logistic3A_1191, %add3A_1256 : vector<16x512xf32>
    %add3A_1258 = arith.addf %slice3A_1246, %mul3A_1257 : vector<16x512xf32>
    %tanh3A_1259 = math.tanh %add3A_1258 : vector<16x512xf32>
    %slice3A_1260 = vector.extract_strided_slice %get3A_1173 {offsets = [0, 1024], sizes = [16, 512], strides = [1, 1]} : vector<16x1536xf32> to vector<16x512xf32>
    %get3A_1261 = arith.constant 1024 : index
    %get3A_1262 = arith.constant 0 : index
    %get3A_1263 = vector.load %arg21[%get3A_1261, %get3A_1262] : memref<1536x512xf32, #tpu.memory_space<vmem>>, vector<512x512xf32>
    %dot_general3A_1264 = arith.constant dense<0.000000e+00> : vector<16x512xf32>
    %dot_general3A_1265 = tpu.matmul %add3A_1153, %get3A_1263, %dot_general3A_1264 {dimension_numbers = #tpu.dot_dimension_numbers<[1], [1], [0], [0], [0, 0, 1, 0], [], []>, transpose_lhs_hint = false} : vector<16x512xf32>, vector<512x512xf32>, vector<16x512xf32> -> vector<16x512xf32>
    %get3A_1266 = arith.constant 0 : index
    %get3A_1267 = arith.constant 1024 : index
    %get3A_1268 = vector.load %arg13[%get3A_1266, %get3A_1267] : memref<1x1536xf32, #tpu.memory_space<vmem>>, vector<1x512xf32>
    %add3A_1269 = vector.broadcast %get3A_1268 : vector<1x512xf32> to vector<16x512xf32>
    %add3A_1270 = arith.addf %dot_general3A_1265, %add3A_1269 : vector<16x512xf32>
    %mul3A_1271 = arith.mulf %logistic3A_1209, %add3A_1270 : vector<16x512xf32>
    %add3A_1272 = arith.addf %slice3A_1260, %mul3A_1271 : vector<16x512xf32>
    %tanh3A_1273 = math.tanh %add3A_1272 : vector<16x512xf32>
    %sub3A_1274 = arith.constant 1.000000e+00 : f32
    %sub3A_1275 = vector.broadcast %sub3A_1274 : f32 to vector<16x512xf32>
    %sub3A_1276 = arith.subf %sub3A_1275, %logistic3A_1227 : vector<16x512xf32>
    %mul3A_1277 = arith.mulf %sub3A_1276, %tanh3A_1259 : vector<16x512xf32>
    %mul3A_1278 = arith.mulf %logistic3A_1227, %add3A_1147 : vector<16x512xf32>
    %add3A_1279 = arith.addf %mul3A_1277, %mul3A_1278 : vector<16x512xf32>
    %sub3A_1280 = arith.constant 1.000000e+00 : f32
    %sub3A_1281 = vector.broadcast %sub3A_1280 : f32 to vector<16x512xf32>
    %sub3A_1282 = arith.subf %sub3A_1281, %logistic3A_1245 : vector<16x512xf32>
    %mul3A_1283 = arith.mulf %sub3A_1282, %tanh3A_1273 : vector<16x512xf32>
    %mul3A_1284 = arith.mulf %logistic3A_1245, %add3A_1153 : vector<16x512xf32>
    %add3A_1285 = arith.addf %mul3A_1283, %mul3A_1284 : vector<16x512xf32>
    %broadcast_in_dim3A_1286 = vector.shape_cast %add3A_1279 : vector<16x512xf32> to vector<16x1x512xf32>
    %swap3A_1287 = arith.constant 0 : index
    %swap3A_1288 = arith.constant 8 : index
    %swap3A_1289 = arith.constant 0 : index
    %swap3A_1290 = vector.load %arg14[%swap3A_1287, %swap3A_1288, %swap3A_1289] : memref<16x32x512xf32, #tpu.memory_space<vmem>>, vector<16x1x512xf32>
    tpu.vector_store %arg14[%swap3A_1287, %swap3A_1288, %swap3A_1289], %broadcast_in_dim3A_1286 {strides = array<i32>} : memref<16x32x512xf32, #tpu.memory_space<vmem>>, vector<16x1x512xf32>,
    %broadcast_in_dim3A_1291 = vector.shape_cast %add3A_1285 : vector<16x512xf32> to vector<16x1x512xf32>
    %swap3A_1292 = arith.constant 0 : index
    %swap3A_1293 = arith.constant 23 : index
    %swap3A_1294 = arith.constant 0 : index
    %swap3A_1295 = vector.load %arg17[%swap3A_1292, %swap3A_1293, %swap3A_1294] : memref<16x32x512xf32, #tpu.memory_space<vmem>>, vector<16x1x512xf32>
    tpu.vector_store %arg17[%swap3A_1292, %swap3A_1293, %swap3A_1294], %broadcast_in_dim3A_1291 {strides = array<i32>} : memref<16x32x512xf32, #tpu.memory_space<vmem>>, vector<16x1x512xf32>,
    %get3A_1296 = arith.constant 9 : index
    %get3A_1297 = arith.constant 0 : index
    %get3A_1298 = arith.constant 0 : index
    %get3A_1299 = vector.load %arg15[%get3A_1296, %get3A_1297, %get3A_1298] : memref<32x16x1536xf32, #tpu.memory_space<vmem>>, vector<1x16x1536xf32>
    %get3A_1300 = vector.shape_cast %get3A_1299 : vector<1x16x1536xf32> to vector<16x1536xf32>
    %get3A_1301 = arith.constant 22 : index
    %get3A_1302 = arith.constant 0 : index
    %get3A_1303 = arith.constant 0 : index
    %get3A_1304 = vector.load %arg16[%get3A_1301, %get3A_1302, %get3A_1303] : memref<32x16x1536xf32, #tpu.memory_space<vmem>>, vector<1x16x1536xf32>
    %get3A_1305 = vector.shape_cast %get3A_1304 : vector<1x16x1536xf32> to vector<16x1536xf32>
    %slice3A_1306 = vector.extract_strided_slice %get3A_1300 {offsets = [0, 0], sizes = [16, 512], strides = [1, 1]} : vector<16x1536xf32> to vector<16x512xf32>
    %get3A_1307 = arith.constant 0 : index
    %get3A_1308 = arith.constant 0 : index
    %get3A_1309 = vector.load %arg20[%get3A_1307, %get3A_1308] : memref<1536x512xf32, #tpu.memory_space<vmem>>, vector<512x512xf32>
    %dot_general3A_1310 = arith.constant dense<0.000000e+00> : vector<16x512xf32>
    %dot_general3A_1311 = tpu.matmul %add3A_1279, %get3A_1309, %dot_general3A_1310 {dimension_numbers = #tpu.dot_dimension_numbers<[1], [1], [0], [0], [0, 0, 1, 0], [], []>, transpose_lhs_hint = false} : vector<16x512xf32>, vector<512x512xf32>, vector<16x512xf32> -> vector<16x512xf32>
    %add3A_1312 = arith.addf %slice3A_1306, %dot_general3A_1311 : vector<16x512xf32>
    %get3A_1313 = arith.constant 0 : index
    %get3A_1314 = arith.constant 0 : index
    %get3A_1315 = vector.load %arg12[%get3A_1313, %get3A_1314] : memref<1x1536xf32, #tpu.memory_space<vmem>>, vector<1x512xf32>
    %add3A_1316 = vector.broadcast %get3A_1315 : vector<1x512xf32> to vector<16x512xf32>
    %add3A_1317 = arith.addf %add3A_1312, %add3A_1316 : vector<16x512xf32>
    %logistic3A_1318 = arith.negf %add3A_1317 : vector<16x512xf32>
    %logistic3A_1319 = math.exp %logistic3A_1318 : vector<16x512xf32>
    %logistic3A_1320 = arith.constant 1.000000e+00 : f32
    %logistic3A_1321 = vector.broadcast %logistic3A_1320 : f32 to vector<16x512xf32>
    %logistic3A_1322 = arith.addf %logistic3A_1321, %logistic3A_1319 : vector<16x512xf32>
    %logistic3A_1323 = arith.divf %logistic3A_1321, %logistic3A_1322 : vector<16x512xf32>
    %slice3A_1324 = vector.extract_strided_slice %get3A_1305 {offsets = [0, 0], sizes = [16, 512], strides = [1, 1]} : vector<16x1536xf32> to vector<16x512xf32>
    %get3A_1325 = arith.constant 0 : index
    %get3A_1326 = arith.constant 0 : index
    %get3A_1327 = vector.load %arg21[%get3A_1325, %get3A_1326] : memref<1536x512xf32, #tpu.memory_space<vmem>>, vector<512x512xf32>
    %dot_general3A_1328 = arith.constant dense<0.000000e+00> : vector<16x512xf32>
    %dot_general3A_1329 = tpu.matmul %add3A_1285, %get3A_1327, %dot_general3A_1328 {dimension_numbers = #tpu.dot_dimension_numbers<[1], [1], [0], [0], [0, 0, 1, 0], [], []>, transpose_lhs_hint = false} : vector<16x512xf32>, vector<512x512xf32>, vector<16x512xf32> -> vector<16x512xf32>
    %add3A_1330 = arith.addf %slice3A_1324, %dot_general3A_1329 : vector<16x512xf32>
    %get3A_1331 = arith.constant 0 : index
    %get3A_1332 = arith.constant 0 : index
    %get3A_1333 = vector.load %arg13[%get3A_1331, %get3A_1332] : memref<1x1536xf32, #tpu.memory_space<vmem>>, vector<1x512xf32>
    %add3A_1334 = vector.broadcast %get3A_1333 : vector<1x512xf32> to vector<16x512xf32>
    %add3A_1335 = arith.addf %add3A_1330, %add3A_1334 : vector<16x512xf32>
    %logistic3A_1336 = arith.negf %add3A_1335 : vector<16x512xf32>
    %logistic3A_1337 = math.exp %logistic3A_1336 : vector<16x512xf32>
    %logistic3A_1338 = arith.constant 1.000000e+00 : f32
    %logistic3A_1339 = vector.broadcast %logistic3A_1338 : f32 to vector<16x512xf32>
    %logistic3A_1340 = arith.addf %logistic3A_1339, %logistic3A_1337 : vector<16x512xf32>
    %logistic3A_1341 = arith.divf %logistic3A_1339, %logistic3A_1340 : vector<16x512xf32>
    %slice3A_1342 = vector.extract_strided_slice %get3A_1300 {offsets = [0, 512], sizes = [16, 512], strides = [1, 1]} : vector<16x1536xf32> to vector<16x512xf32>
    %get3A_1343 = arith.constant 512 : index
    %get3A_1344 = arith.constant 0 : index
    %get3A_1345 = vector.load %arg20[%get3A_1343, %get3A_1344] : memref<1536x512xf32, #tpu.memory_space<vmem>>, vector<512x512xf32>
    %dot_general3A_1346 = arith.constant dense<0.000000e+00> : vector<16x512xf32>
    %dot_general3A_1347 = tpu.matmul %add3A_1279, %get3A_1345, %dot_general3A_1346 {dimension_numbers = #tpu.dot_dimension_numbers<[1], [1], [0], [0], [0, 0, 1, 0], [], []>, transpose_lhs_hint = false} : vector<16x512xf32>, vector<512x512xf32>, vector<16x512xf32> -> vector<16x512xf32>
    %add3A_1348 = arith.addf %slice3A_1342, %dot_general3A_1347 : vector<16x512xf32>
    %get3A_1349 = arith.constant 0 : index
    %get3A_1350 = arith.constant 512 : index
    %get3A_1351 = vector.load %arg12[%get3A_1349, %get3A_1350] : memref<1x1536xf32, #tpu.memory_space<vmem>>, vector<1x512xf32>
    %add3A_1352 = vector.broadcast %get3A_1351 : vector<1x512xf32> to vector<16x512xf32>
    %add3A_1353 = arith.addf %add3A_1348, %add3A_1352 : vector<16x512xf32>
    %logistic3A_1354 = arith.negf %add3A_1353 : vector<16x512xf32>
    %logistic3A_1355 = math.exp %logistic3A_1354 : vector<16x512xf32>
    %logistic3A_1356 = arith.constant 1.000000e+00 : f32
    %logistic3A_1357 = vector.broadcast %logistic3A_1356 : f32 to vector<16x512xf32>
    %logistic3A_1358 = arith.addf %logistic3A_1357, %logistic3A_1355 : vector<16x512xf32>
    %logistic3A_1359 = arith.divf %logistic3A_1357, %logistic3A_1358 : vector<16x512xf32>
    %slice3A_1360 = vector.extract_strided_slice %get3A_1305 {offsets = [0, 512], sizes = [16, 512], strides = [1, 1]} : vector<16x1536xf32> to vector<16x512xf32>
    %get3A_1361 = arith.constant 512 : index
    %get3A_1362 = arith.constant 0 : index
    %get3A_1363 = vector.load %arg21[%get3A_1361, %get3A_1362] : memref<1536x512xf32, #tpu.memory_space<vmem>>, vector<512x512xf32>
    %dot_general3A_1364 = arith.constant dense<0.000000e+00> : vector<16x512xf32>
    %dot_general3A_1365 = tpu.matmul %add3A_1285, %get3A_1363, %dot_general3A_1364 {dimension_numbers = #tpu.dot_dimension_numbers<[1], [1], [0], [0], [0, 0, 1, 0], [], []>, transpose_lhs_hint = false} : vector<16x512xf32>, vector<512x512xf32>, vector<16x512xf32> -> vector<16x512xf32>
    %add3A_1366 = arith.addf %slice3A_1360, %dot_general3A_1365 : vector<16x512xf32>
    %get3A_1367 = arith.constant 0 : index
    %get3A_1368 = arith.constant 512 : index
    %get3A_1369 = vector.load %arg13[%get3A_1367, %get3A_1368] : memref<1x1536xf32, #tpu.memory_space<vmem>>, vector<1x512xf32>
    %add3A_1370 = vector.broadcast %get3A_1369 : vector<1x512xf32> to vector<16x512xf32>
    %add3A_1371 = arith.addf %add3A_1366, %add3A_1370 : vector<16x512xf32>
    %logistic3A_1372 = arith.negf %add3A_1371 : vector<16x512xf32>
    %logistic3A_1373 = math.exp %logistic3A_1372 : vector<16x512xf32>
    %logistic3A_1374 = arith.constant 1.000000e+00 : f32
    %logistic3A_1375 = vector.broadcast %logistic3A_1374 : f32 to vector<16x512xf32>
    %logistic3A_1376 = arith.addf %logistic3A_1375, %logistic3A_1373 : vector<16x512xf32>
    %logistic3A_1377 = arith.divf %logistic3A_1375, %logistic3A_1376 : vector<16x512xf32>
    %slice3A_1378 = vector.extract_strided_slice %get3A_1300 {offsets = [0, 1024], sizes = [16, 512], strides = [1, 1]} : vector<16x1536xf32> to vector<16x512xf32>
    %get3A_1379 = arith.constant 1024 : index
    %get3A_1380 = arith.constant 0 : index
    %get3A_1381 = vector.load %arg20[%get3A_1379, %get3A_1380] : memref<1536x512xf32, #tpu.memory_space<vmem>>, vector<512x512xf32>
    %dot_general3A_1382 = arith.constant dense<0.000000e+00> : vector<16x512xf32>
    %dot_general3A_1383 = tpu.matmul %add3A_1279, %get3A_1381, %dot_general3A_1382 {dimension_numbers = #tpu.dot_dimension_numbers<[1], [1], [0], [0], [0, 0, 1, 0], [], []>, transpose_lhs_hint = false} : vector<16x512xf32>, vector<512x512xf32>, vector<16x512xf32> -> vector<16x512xf32>
    %get3A_1384 = arith.constant 0 : index
    %get3A_1385 = arith.constant 1024 : index
    %get3A_1386 = vector.load %arg12[%get3A_1384, %get3A_1385] : memref<1x1536xf32, #tpu.memory_space<vmem>>, vector<1x512xf32>
    %add3A_1387 = vector.broadcast %get3A_1386 : vector<1x512xf32> to vector<16x512xf32>
    %add3A_1388 = arith.addf %dot_general3A_1383, %add3A_1387 : vector<16x512xf32>
    %mul3A_1389 = arith.mulf %logistic3A_1323, %add3A_1388 : vector<16x512xf32>
    %add3A_1390 = arith.addf %slice3A_1378, %mul3A_1389 : vector<16x512xf32>
    %tanh3A_1391 = math.tanh %add3A_1390 : vector<16x512xf32>
    %slice3A_1392 = vector.extract_strided_slice %get3A_1305 {offsets = [0, 1024], sizes = [16, 512], strides = [1, 1]} : vector<16x1536xf32> to vector<16x512xf32>
    %get3A_1393 = arith.constant 1024 : index
    %get3A_1394 = arith.constant 0 : index
    %get3A_1395 = vector.load %arg21[%get3A_1393, %get3A_1394] : memref<1536x512xf32, #tpu.memory_space<vmem>>, vector<512x512xf32>
    %dot_general3A_1396 = arith.constant dense<0.000000e+00> : vector<16x512xf32>
    %dot_general3A_1397 = tpu.matmul %add3A_1285, %get3A_1395, %dot_general3A_1396 {dimension_numbers = #tpu.dot_dimension_numbers<[1], [1], [0], [0], [0, 0, 1, 0], [], []>, transpose_lhs_hint = false} : vector<16x512xf32>, vector<512x512xf32>, vector<16x512xf32> -> vector<16x512xf32>
    %get3A_1398 = arith.constant 0 : index
    %get3A_1399 = arith.constant 1024 : index
    %get3A_1400 = vector.load %arg13[%get3A_1398, %get3A_1399] : memref<1x1536xf32, #tpu.memory_space<vmem>>, vector<1x512xf32>
    %add3A_1401 = vector.broadcast %get3A_1400 : vector<1x512xf32> to vector<16x512xf32>
    %add3A_1402 = arith.addf %dot_general3A_1397, %add3A_1401 : vector<16x512xf32>
    %mul3A_1403 = arith.mulf %logistic3A_1341, %add3A_1402 : vector<16x512xf32>
    %add3A_1404 = arith.addf %slice3A_1392, %mul3A_1403 : vector<16x512xf32>
    %tanh3A_1405 = math.tanh %add3A_1404 : vector<16x512xf32>
    %sub3A_1406 = arith.constant 1.000000e+00 : f32
    %sub3A_1407 = vector.broadcast %sub3A_1406 : f32 to vector<16x512xf32>
    %sub3A_1408 = arith.subf %sub3A_1407, %logistic3A_1359 : vector<16x512xf32>
    %mul3A_1409 = arith.mulf %sub3A_1408, %tanh3A_1391 : vector<16x512xf32>
    %mul3A_1410 = arith.mulf %logistic3A_1359, %add3A_1279 : vector<16x512xf32>
    %add3A_1411 = arith.addf %mul3A_1409, %mul3A_1410 : vector<16x512xf32>
    %sub3A_1412 = arith.constant 1.000000e+00 : f32
    %sub3A_1413 = vector.broadcast %sub3A_1412 : f32 to vector<16x512xf32>
    %sub3A_1414 = arith.subf %sub3A_1413, %logistic3A_1377 : vector<16x512xf32>
    %mul3A_1415 = arith.mulf %sub3A_1414, %tanh3A_1405 : vector<16x512xf32>
    %mul3A_1416 = arith.mulf %logistic3A_1377, %add3A_1285 : vector<16x512xf32>
    %add3A_1417 = arith.addf %mul3A_1415, %mul3A_1416 : vector<16x512xf32>
    %broadcast_in_dim3A_1418 = vector.shape_cast %add3A_1411 : vector<16x512xf32> to vector<16x1x512xf32>
    %swap3A_1419 = arith.constant 0 : index
    %swap3A_1420 = arith.constant 9 : index
    %swap3A_1421 = arith.constant 0 : index
    %swap3A_1422 = vector.load %arg14[%swap3A_1419, %swap3A_1420, %swap3A_1421] : memref<16x32x512xf32, #tpu.memory_space<vmem>>, vector<16x1x512xf32>
    tpu.vector_store %arg14[%swap3A_1419, %swap3A_1420, %swap3A_1421], %broadcast_in_dim3A_1418 {strides = array<i32>} : memref<16x32x512xf32, #tpu.memory_space<vmem>>, vector<16x1x512xf32>,
    %broadcast_in_dim3A_1423 = vector.shape_cast %add3A_1417 : vector<16x512xf32> to vector<16x1x512xf32>
    %swap3A_1424 = arith.constant 0 : index
    %swap3A_1425 = arith.constant 22 : index
    %swap3A_1426 = arith.constant 0 : index
    %swap3A_1427 = vector.load %arg17[%swap3A_1424, %swap3A_1425, %swap3A_1426] : memref<16x32x512xf32, #tpu.memory_space<vmem>>, vector<16x1x512xf32>
    tpu.vector_store %arg17[%swap3A_1424, %swap3A_1425, %swap3A_1426], %broadcast_in_dim3A_1423 {strides = array<i32>} : memref<16x32x512xf32, #tpu.memory_space<vmem>>, vector<16x1x512xf32>,
    %get3A_1428 = arith.constant 10 : index
    %get3A_1429 = arith.constant 0 : index
    %get3A_1430 = arith.constant 0 : index
    %get3A_1431 = vector.load %arg15[%get3A_1428, %get3A_1429, %get3A_1430] : memref<32x16x1536xf32, #tpu.memory_space<vmem>>, vector<1x16x1536xf32>
    %get3A_1432 = vector.shape_cast %get3A_1431 : vector<1x16x1536xf32> to vector<16x1536xf32>
    %get3A_1433 = arith.constant 21 : index
    %get3A_1434 = arith.constant 0 : index
    %get3A_1435 = arith.constant 0 : index
    %get3A_1436 = vector.load %arg16[%get3A_1433, %get3A_1434, %get3A_1435] : memref<32x16x1536xf32, #tpu.memory_space<vmem>>, vector<1x16x1536xf32>
    %get3A_1437 = vector.shape_cast %get3A_1436 : vector<1x16x1536xf32> to vector<16x1536xf32>
    %slice3A_1438 = vector.extract_strided_slice %get3A_1432 {offsets = [0, 0], sizes = [16, 512], strides = [1, 1]} : vector<16x1536xf32> to vector<16x512xf32>
    %get3A_1439 = arith.constant 0 : index
    %get3A_1440 = arith.constant 0 : index
    %get3A_1441 = vector.load %arg20[%get3A_1439, %get3A_1440] : memref<1536x512xf32, #tpu.memory_space<vmem>>, vector<512x512xf32>
    %dot_general3A_1442 = arith.constant dense<0.000000e+00> : vector<16x512xf32>
    %dot_general3A_1443 = tpu.matmul %add3A_1411, %get3A_1441, %dot_general3A_1442 {dimension_numbers = #tpu.dot_dimension_numbers<[1], [1], [0], [0], [0, 0, 1, 0], [], []>, transpose_lhs_hint = false} : vector<16x512xf32>, vector<512x512xf32>, vector<16x512xf32> -> vector<16x512xf32>
    %add3A_1444 = arith.addf %slice3A_1438, %dot_general3A_1443 : vector<16x512xf32>
    %get3A_1445 = arith.constant 0 : index
    %get3A_1446 = arith.constant 0 : index
    %get3A_1447 = vector.load %arg12[%get3A_1445, %get3A_1446] : memref<1x1536xf32, #tpu.memory_space<vmem>>, vector<1x512xf32>
    %add3A_1448 = vector.broadcast %get3A_1447 : vector<1x512xf32> to vector<16x512xf32>
    %add3A_1449 = arith.addf %add3A_1444, %add3A_1448 : vector<16x512xf32>
    %logistic3A_1450 = arith.negf %add3A_1449 : vector<16x512xf32>
    %logistic3A_1451 = math.exp %logistic3A_1450 : vector<16x512xf32>
    %logistic3A_1452 = arith.constant 1.000000e+00 : f32
    %logistic3A_1453 = vector.broadcast %logistic3A_1452 : f32 to vector<16x512xf32>
    %logistic3A_1454 = arith.addf %logistic3A_1453, %logistic3A_1451 : vector<16x512xf32>
    %logistic3A_1455 = arith.divf %logistic3A_1453, %logistic3A_1454 : vector<16x512xf32>
    %slice3A_1456 = vector.extract_strided_slice %get3A_1437 {offsets = [0, 0], sizes = [16, 512], strides = [1, 1]} : vector<16x1536xf32> to vector<16x512xf32>
    %get3A_1457 = arith.constant 0 : index
    %get3A_1458 = arith.constant 0 : index
    %get3A_1459 = vector.load %arg21[%get3A_1457, %get3A_1458] : memref<1536x512xf32, #tpu.memory_space<vmem>>, vector<512x512xf32>
    %dot_general3A_1460 = arith.constant dense<0.000000e+00> : vector<16x512xf32>
    %dot_general3A_1461 = tpu.matmul %add3A_1417, %get3A_1459, %dot_general3A_1460 {dimension_numbers = #tpu.dot_dimension_numbers<[1], [1], [0], [0], [0, 0, 1, 0], [], []>, transpose_lhs_hint = false} : vector<16x512xf32>, vector<512x512xf32>, vector<16x512xf32> -> vector<16x512xf32>
    %add3A_1462 = arith.addf %slice3A_1456, %dot_general3A_1461 : vector<16x512xf32>
    %get3A_1463 = arith.constant 0 : index
    %get3A_1464 = arith.constant 0 : index
    %get3A_1465 = vector.load %arg13[%get3A_1463, %get3A_1464] : memref<1x1536xf32, #tpu.memory_space<vmem>>, vector<1x512xf32>
    %add3A_1466 = vector.broadcast %get3A_1465 : vector<1x512xf32> to vector<16x512xf32>
    %add3A_1467 = arith.addf %add3A_1462, %add3A_1466 : vector<16x512xf32>
    %logistic3A_1468 = arith.negf %add3A_1467 : vector<16x512xf32>
    %logistic3A_1469 = math.exp %logistic3A_1468 : vector<16x512xf32>
    %logistic3A_1470 = arith.constant 1.000000e+00 : f32
    %logistic3A_1471 = vector.broadcast %logistic3A_1470 : f32 to vector<16x512xf32>
    %logistic3A_1472 = arith.addf %logistic3A_1471, %logistic3A_1469 : vector<16x512xf32>
    %logistic3A_1473 = arith.divf %logistic3A_1471, %logistic3A_1472 : vector<16x512xf32>
    %slice3A_1474 = vector.extract_strided_slice %get3A_1432 {offsets = [0, 512], sizes = [16, 512], strides = [1, 1]} : vector<16x1536xf32> to vector<16x512xf32>
    %get3A_1475 = arith.constant 512 : index
    %get3A_1476 = arith.constant 0 : index
    %get3A_1477 = vector.load %arg20[%get3A_1475, %get3A_1476] : memref<1536x512xf32, #tpu.memory_space<vmem>>, vector<512x512xf32>
    %dot_general3A_1478 = arith.constant dense<0.000000e+00> : vector<16x512xf32>
    %dot_general3A_1479 = tpu.matmul %add3A_1411, %get3A_1477, %dot_general3A_1478 {dimension_numbers = #tpu.dot_dimension_numbers<[1], [1], [0], [0], [0, 0, 1, 0], [], []>, transpose_lhs_hint = false} : vector<16x512xf32>, vector<512x512xf32>, vector<16x512xf32> -> vector<16x512xf32>
    %add3A_1480 = arith.addf %slice3A_1474, %dot_general3A_1479 : vector<16x512xf32>
    %get3A_1481 = arith.constant 0 : index
    %get3A_1482 = arith.constant 512 : index
    %get3A_1483 = vector.load %arg12[%get3A_1481, %get3A_1482] : memref<1x1536xf32, #tpu.memory_space<vmem>>, vector<1x512xf32>
    %add3A_1484 = vector.broadcast %get3A_1483 : vector<1x512xf32> to vector<16x512xf32>
    %add3A_1485 = arith.addf %add3A_1480, %add3A_1484 : vector<16x512xf32>
    %logistic3A_1486 = arith.negf %add3A_1485 : vector<16x512xf32>
    %logistic3A_1487 = math.exp %logistic3A_1486 : vector<16x512xf32>
    %logistic3A_1488 = arith.constant 1.000000e+00 : f32
    %logistic3A_1489 = vector.broadcast %logistic3A_1488 : f32 to vector<16x512xf32>
    %logistic3A_1490 = arith.addf %logistic3A_1489, %logistic3A_1487 : vector<16x512xf32>
    %logistic3A_1491 = arith.divf %logistic3A_1489, %logistic3A_1490 : vector<16x512xf32>
    %slice3A_1492 = vector.extract_strided_slice %get3A_1437 {offsets = [0, 512], sizes = [16, 512], strides = [1, 1]} : vector<16x1536xf32> to vector<16x512xf32>
    %get3A_1493 = arith.constant 512 : index
    %get3A_1494 = arith.constant 0 : index
    %get3A_1495 = vector.load %arg21[%get3A_1493, %get3A_1494] : memref<1536x512xf32, #tpu.memory_space<vmem>>, vector<512x512xf32>
    %dot_general3A_1496 = arith.constant dense<0.000000e+00> : vector<16x512xf32>
    %dot_general3A_1497 = tpu.matmul %add3A_1417, %get3A_1495, %dot_general3A_1496 {dimension_numbers = #tpu.dot_dimension_numbers<[1], [1], [0], [0], [0, 0, 1, 0], [], []>, transpose_lhs_hint = false} : vector<16x512xf32>, vector<512x512xf32>, vector<16x512xf32> -> vector<16x512xf32>
    %add3A_1498 = arith.addf %slice3A_1492, %dot_general3A_1497 : vector<16x512xf32>
    %get3A_1499 = arith.constant 0 : index
    %get3A_1500 = arith.constant 512 : index
    %get3A_1501 = vector.load %arg13[%get3A_1499, %get3A_1500] : memref<1x1536xf32, #tpu.memory_space<vmem>>, vector<1x512xf32>
    %add3A_1502 = vector.broadcast %get3A_1501 : vector<1x512xf32> to vector<16x512xf32>
    %add3A_1503 = arith.addf %add3A_1498, %add3A_1502 : vector<16x512xf32>
    %logistic3A_1504 = arith.negf %add3A_1503 : vector<16x512xf32>
    %logistic3A_1505 = math.exp %logistic3A_1504 : vector<16x512xf32>
    %logistic3A_1506 = arith.constant 1.000000e+00 : f32
    %logistic3A_1507 = vector.broadcast %logistic3A_1506 : f32 to vector<16x512xf32>
    %logistic3A_1508 = arith.addf %logistic3A_1507, %logistic3A_1505 : vector<16x512xf32>
    %logistic3A_1509 = arith.divf %logistic3A_1507, %logistic3A_1508 : vector<16x512xf32>
    %slice3A_1510 = vector.extract_strided_slice %get3A_1432 {offsets = [0, 1024], sizes = [16, 512], strides = [1, 1]} : vector<16x1536xf32> to vector<16x512xf32>
    %get3A_1511 = arith.constant 1024 : index
    %get3A_1512 = arith.constant 0 : index
    %get3A_1513 = vector.load %arg20[%get3A_1511, %get3A_1512] : memref<1536x512xf32, #tpu.memory_space<vmem>>, vector<512x512xf32>
    %dot_general3A_1514 = arith.constant dense<0.000000e+00> : vector<16x512xf32>
    %dot_general3A_1515 = tpu.matmul %add3A_1411, %get3A_1513, %dot_general3A_1514 {dimension_numbers = #tpu.dot_dimension_numbers<[1], [1], [0], [0], [0, 0, 1, 0], [], []>, transpose_lhs_hint = false} : vector<16x512xf32>, vector<512x512xf32>, vector<16x512xf32> -> vector<16x512xf32>
    %get3A_1516 = arith.constant 0 : index
    %get3A_1517 = arith.constant 1024 : index
    %get3A_1518 = vector.load %arg12[%get3A_1516, %get3A_1517] : memref<1x1536xf32, #tpu.memory_space<vmem>>, vector<1x512xf32>
    %add3A_1519 = vector.broadcast %get3A_1518 : vector<1x512xf32> to vector<16x512xf32>
    %add3A_1520 = arith.addf %dot_general3A_1515, %add3A_1519 : vector<16x512xf32>
    %mul3A_1521 = arith.mulf %logistic3A_1455, %add3A_1520 : vector<16x512xf32>
    %add3A_1522 = arith.addf %slice3A_1510, %mul3A_1521 : vector<16x512xf32>
    %tanh3A_1523 = math.tanh %add3A_1522 : vector<16x512xf32>
    %slice3A_1524 = vector.extract_strided_slice %get3A_1437 {offsets = [0, 1024], sizes = [16, 512], strides = [1, 1]} : vector<16x1536xf32> to vector<16x512xf32>
    %get3A_1525 = arith.constant 1024 : index
    %get3A_1526 = arith.constant 0 : index
    %get3A_1527 = vector.load %arg21[%get3A_1525, %get3A_1526] : memref<1536x512xf32, #tpu.memory_space<vmem>>, vector<512x512xf32>
    %dot_general3A_1528 = arith.constant dense<0.000000e+00> : vector<16x512xf32>
    %dot_general3A_1529 = tpu.matmul %add3A_1417, %get3A_1527, %dot_general3A_1528 {dimension_numbers = #tpu.dot_dimension_numbers<[1], [1], [0], [0], [0, 0, 1, 0], [], []>, transpose_lhs_hint = false} : vector<16x512xf32>, vector<512x512xf32>, vector<16x512xf32> -> vector<16x512xf32>
    %get3A_1530 = arith.constant 0 : index
    %get3A_1531 = arith.constant 1024 : index
    %get3A_1532 = vector.load %arg13[%get3A_1530, %get3A_1531] : memref<1x1536xf32, #tpu.memory_space<vmem>>, vector<1x512xf32>
    %add3A_1533 = vector.broadcast %get3A_1532 : vector<1x512xf32> to vector<16x512xf32>
    %add3A_1534 = arith.addf %dot_general3A_1529, %add3A_1533 : vector<16x512xf32>
    %mul3A_1535 = arith.mulf %logistic3A_1473, %add3A_1534 : vector<16x512xf32>
    %add3A_1536 = arith.addf %slice3A_1524, %mul3A_1535 : vector<16x512xf32>
    %tanh3A_1537 = math.tanh %add3A_1536 : vector<16x512xf32>
    %sub3A_1538 = arith.constant 1.000000e+00 : f32
    %sub3A_1539 = vector.broadcast %sub3A_1538 : f32 to vector<16x512xf32>
    %sub3A_1540 = arith.subf %sub3A_1539, %logistic3A_1491 : vector<16x512xf32>
    %mul3A_1541 = arith.mulf %sub3A_1540, %tanh3A_1523 : vector<16x512xf32>
    %mul3A_1542 = arith.mulf %logistic3A_1491, %add3A_1411 : vector<16x512xf32>
    %add3A_1543 = arith.addf %mul3A_1541, %mul3A_1542 : vector<16x512xf32>
    %sub3A_1544 = arith.constant 1.000000e+00 : f32
    %sub3A_1545 = vector.broadcast %sub3A_1544 : f32 to vector<16x512xf32>
    %sub3A_1546 = arith.subf %sub3A_1545, %logistic3A_1509 : vector<16x512xf32>
    %mul3A_1547 = arith.mulf %sub3A_1546, %tanh3A_1537 : vector<16x512xf32>
    %mul3A_1548 = arith.mulf %logistic3A_1509, %add3A_1417 : vector<16x512xf32>
    %add3A_1549 = arith.addf %mul3A_1547, %mul3A_1548 : vector<16x512xf32>
    %broadcast_in_dim3A_1550 = vector.shape_cast %add3A_1543 : vector<16x512xf32> to vector<16x1x512xf32>
    %swap3A_1551 = arith.constant 0 : index
    %swap3A_1552 = arith.constant 10 : index
    %swap3A_1553 = arith.constant 0 : index
    %swap3A_1554 = vector.load %arg14[%swap3A_1551, %swap3A_1552, %swap3A_1553] : memref<16x32x512xf32, #tpu.memory_space<vmem>>, vector<16x1x512xf32>
    tpu.vector_store %arg14[%swap3A_1551, %swap3A_1552, %swap3A_1553], %broadcast_in_dim3A_1550 {strides = array<i32>} : memref<16x32x512xf32, #tpu.memory_space<vmem>>, vector<16x1x512xf32>,
    %broadcast_in_dim3A_1555 = vector.shape_cast %add3A_1549 : vector<16x512xf32> to vector<16x1x512xf32>
    %swap3A_1556 = arith.constant 0 : index
    %swap3A_1557 = arith.constant 21 : index
    %swap3A_1558 = arith.constant 0 : index
    %swap3A_1559 = vector.load %arg17[%swap3A_1556, %swap3A_1557, %swap3A_1558] : memref<16x32x512xf32, #tpu.memory_space<vmem>>, vector<16x1x512xf32>
    tpu.vector_store %arg17[%swap3A_1556, %swap3A_1557, %swap3A_1558], %broadcast_in_dim3A_1555 {strides = array<i32>} : memref<16x32x512xf32, #tpu.memory_space<vmem>>, vector<16x1x512xf32>,
    %get3A_1560 = arith.constant 11 : index
    %get3A_1561 = arith.constant 0 : index
    %get3A_1562 = arith.constant 0 : index
    %get3A_1563 = vector.load %arg15[%get3A_1560, %get3A_1561, %get3A_1562] : memref<32x16x1536xf32, #tpu.memory_space<vmem>>, vector<1x16x1536xf32>
    %get3A_1564 = vector.shape_cast %get3A_1563 : vector<1x16x1536xf32> to vector<16x1536xf32>
    %get3A_1565 = arith.constant 20 : index
    %get3A_1566 = arith.constant 0 : index
    %get3A_1567 = arith.constant 0 : index
    %get3A_1568 = vector.load %arg16[%get3A_1565, %get3A_1566, %get3A_1567] : memref<32x16x1536xf32, #tpu.memory_space<vmem>>, vector<1x16x1536xf32>
    %get3A_1569 = vector.shape_cast %get3A_1568 : vector<1x16x1536xf32> to vector<16x1536xf32>
    %slice3A_1570 = vector.extract_strided_slice %get3A_1564 {offsets = [0, 0], sizes = [16, 512], strides = [1, 1]} : vector<16x1536xf32> to vector<16x512xf32>
    %get3A_1571 = arith.constant 0 : index
    %get3A_1572 = arith.constant 0 : index
    %get3A_1573 = vector.load %arg20[%get3A_1571, %get3A_1572] : memref<1536x512xf32, #tpu.memory_space<vmem>>, vector<512x512xf32>
    %dot_general3A_1574 = arith.constant dense<0.000000e+00> : vector<16x512xf32>
    %dot_general3A_1575 = tpu.matmul %add3A_1543, %get3A_1573, %dot_general3A_1574 {dimension_numbers = #tpu.dot_dimension_numbers<[1], [1], [0], [0], [0, 0, 1, 0], [], []>, transpose_lhs_hint = false} : vector<16x512xf32>, vector<512x512xf32>, vector<16x512xf32> -> vector<16x512xf32>
    %add3A_1576 = arith.addf %slice3A_1570, %dot_general3A_1575 : vector<16x512xf32>
    %get3A_1577 = arith.constant 0 : index
    %get3A_1578 = arith.constant 0 : index
    %get3A_1579 = vector.load %arg12[%get3A_1577, %get3A_1578] : memref<1x1536xf32, #tpu.memory_space<vmem>>, vector<1x512xf32>
    %add3A_1580 = vector.broadcast %get3A_1579 : vector<1x512xf32> to vector<16x512xf32>
    %add3A_1581 = arith.addf %add3A_1576, %add3A_1580 : vector<16x512xf32>
    %logistic3A_1582 = arith.negf %add3A_1581 : vector<16x512xf32>
    %logistic3A_1583 = math.exp %logistic3A_1582 : vector<16x512xf32>
    %logistic3A_1584 = arith.constant 1.000000e+00 : f32
    %logistic3A_1585 = vector.broadcast %logistic3A_1584 : f32 to vector<16x512xf32>
    %logistic3A_1586 = arith.addf %logistic3A_1585, %logistic3A_1583 : vector<16x512xf32>
    %logistic3A_1587 = arith.divf %logistic3A_1585, %logistic3A_1586 : vector<16x512xf32>
    %slice3A_1588 = vector.extract_strided_slice %get3A_1569 {offsets = [0, 0], sizes = [16, 512], strides = [1, 1]} : vector<16x1536xf32> to vector<16x512xf32>
    %get3A_1589 = arith.constant 0 : index
    %get3A_1590 = arith.constant 0 : index
    %get3A_1591 = vector.load %arg21[%get3A_1589, %get3A_1590] : memref<1536x512xf32, #tpu.memory_space<vmem>>, vector<512x512xf32>
    %dot_general3A_1592 = arith.constant dense<0.000000e+00> : vector<16x512xf32>
    %dot_general3A_1593 = tpu.matmul %add3A_1549, %get3A_1591, %dot_general3A_1592 {dimension_numbers = #tpu.dot_dimension_numbers<[1], [1], [0], [0], [0, 0, 1, 0], [], []>, transpose_lhs_hint = false} : vector<16x512xf32>, vector<512x512xf32>, vector<16x512xf32> -> vector<16x512xf32>
    %add3A_1594 = arith.addf %slice3A_1588, %dot_general3A_1593 : vector<16x512xf32>
    %get3A_1595 = arith.constant 0 : index
    %get3A_1596 = arith.constant 0 : index
    %get3A_1597 = vector.load %arg13[%get3A_1595, %get3A_1596] : memref<1x1536xf32, #tpu.memory_space<vmem>>, vector<1x512xf32>
    %add3A_1598 = vector.broadcast %get3A_1597 : vector<1x512xf32> to vector<16x512xf32>
    %add3A_1599 = arith.addf %add3A_1594, %add3A_1598 : vector<16x512xf32>
    %logistic3A_1600 = arith.negf %add3A_1599 : vector<16x512xf32>
    %logistic3A_1601 = math.exp %logistic3A_1600 : vector<16x512xf32>
    %logistic3A_1602 = arith.constant 1.000000e+00 : f32
    %logistic3A_1603 = vector.broadcast %logistic3A_1602 : f32 to vector<16x512xf32>
    %logistic3A_1604 = arith.addf %logistic3A_1603, %logistic3A_1601 : vector<16x512xf32>
    %logistic3A_1605 = arith.divf %logistic3A_1603, %logistic3A_1604 : vector<16x512xf32>
    %slice3A_1606 = vector.extract_strided_slice %get3A_1564 {offsets = [0, 512], sizes = [16, 512], strides = [1, 1]} : vector<16x1536xf32> to vector<16x512xf32>
    %get3A_1607 = arith.constant 512 : index
    %get3A_1608 = arith.constant 0 : index
    %get3A_1609 = vector.load %arg20[%get3A_1607, %get3A_1608] : memref<1536x512xf32, #tpu.memory_space<vmem>>, vector<512x512xf32>
    %dot_general3A_1610 = arith.constant dense<0.000000e+00> : vector<16x512xf32>
    %dot_general3A_1611 = tpu.matmul %add3A_1543, %get3A_1609, %dot_general3A_1610 {dimension_numbers = #tpu.dot_dimension_numbers<[1], [1], [0], [0], [0, 0, 1, 0], [], []>, transpose_lhs_hint = false} : vector<16x512xf32>, vector<512x512xf32>, vector<16x512xf32> -> vector<16x512xf32>
    %add3A_1612 = arith.addf %slice3A_1606, %dot_general3A_1611 : vector<16x512xf32>
    %get3A_1613 = arith.constant 0 : index
    %get3A_1614 = arith.constant 512 : index
    %get3A_1615 = vector.load %arg12[%get3A_1613, %get3A_1614] : memref<1x1536xf32, #tpu.memory_space<vmem>>, vector<1x512xf32>
    %add3A_1616 = vector.broadcast %get3A_1615 : vector<1x512xf32> to vector<16x512xf32>
    %add3A_1617 = arith.addf %add3A_1612, %add3A_1616 : vector<16x512xf32>
    %logistic3A_1618 = arith.negf %add3A_1617 : vector<16x512xf32>
    %logistic3A_1619 = math.exp %logistic3A_1618 : vector<16x512xf32>
    %logistic3A_1620 = arith.constant 1.000000e+00 : f32
    %logistic3A_1621 = vector.broadcast %logistic3A_1620 : f32 to vector<16x512xf32>
    %logistic3A_1622 = arith.addf %logistic3A_1621, %logistic3A_1619 : vector<16x512xf32>
    %logistic3A_1623 = arith.divf %logistic3A_1621, %logistic3A_1622 : vector<16x512xf32>
    %slice3A_1624 = vector.extract_strided_slice %get3A_1569 {offsets = [0, 512], sizes = [16, 512], strides = [1, 1]} : vector<16x1536xf32> to vector<16x512xf32>
    %get3A_1625 = arith.constant 512 : index
    %get3A_1626 = arith.constant 0 : index
    %get3A_1627 = vector.load %arg21[%get3A_1625, %get3A_1626] : memref<1536x512xf32, #tpu.memory_space<vmem>>, vector<512x512xf32>
    %dot_general3A_1628 = arith.constant dense<0.000000e+00> : vector<16x512xf32>
    %dot_general3A_1629 = tpu.matmul %add3A_1549, %get3A_1627, %dot_general3A_1628 {dimension_numbers = #tpu.dot_dimension_numbers<[1], [1], [0], [0], [0, 0, 1, 0], [], []>, transpose_lhs_hint = false} : vector<16x512xf32>, vector<512x512xf32>, vector<16x512xf32> -> vector<16x512xf32>
    %add3A_1630 = arith.addf %slice3A_1624, %dot_general3A_1629 : vector<16x512xf32>
    %get3A_1631 = arith.constant 0 : index
    %get3A_1632 = arith.constant 512 : index
    %get3A_1633 = vector.load %arg13[%get3A_1631, %get3A_1632] : memref<1x1536xf32, #tpu.memory_space<vmem>>, vector<1x512xf32>
    %add3A_1634 = vector.broadcast %get3A_1633 : vector<1x512xf32> to vector<16x512xf32>
    %add3A_1635 = arith.addf %add3A_1630, %add3A_1634 : vector<16x512xf32>
    %logistic3A_1636 = arith.negf %add3A_1635 : vector<16x512xf32>
    %logistic3A_1637 = math.exp %logistic3A_1636 : vector<16x512xf32>
    %logistic3A_1638 = arith.constant 1.000000e+00 : f32
    %logistic3A_1639 = vector.broadcast %logistic3A_1638 : f32 to vector<16x512xf32>
    %logistic3A_1640 = arith.addf %logistic3A_1639, %logistic3A_1637 : vector<16x512xf32>
    %logistic3A_1641 = arith.divf %logistic3A_1639, %logistic3A_1640 : vector<16x512xf32>
    %slice3A_1642 = vector.extract_strided_slice %get3A_1564 {offsets = [0, 1024], sizes = [16, 512], strides = [1, 1]} : vector<16x1536xf32> to vector<16x512xf32>
    %get3A_1643 = arith.constant 1024 : index
    %get3A_1644 = arith.constant 0 : index
    %get3A_1645 = vector.load %arg20[%get3A_1643, %get3A_1644] : memref<1536x512xf32, #tpu.memory_space<vmem>>, vector<512x512xf32>
    %dot_general3A_1646 = arith.constant dense<0.000000e+00> : vector<16x512xf32>
    %dot_general3A_1647 = tpu.matmul %add3A_1543, %get3A_1645, %dot_general3A_1646 {dimension_numbers = #tpu.dot_dimension_numbers<[1], [1], [0], [0], [0, 0, 1, 0], [], []>, transpose_lhs_hint = false} : vector<16x512xf32>, vector<512x512xf32>, vector<16x512xf32> -> vector<16x512xf32>
    %get3A_1648 = arith.constant 0 : index
    %get3A_1649 = arith.constant 1024 : index
    %get3A_1650 = vector.load %arg12[%get3A_1648, %get3A_1649] : memref<1x1536xf32, #tpu.memory_space<vmem>>, vector<1x512xf32>
    %add3A_1651 = vector.broadcast %get3A_1650 : vector<1x512xf32> to vector<16x512xf32>
    %add3A_1652 = arith.addf %dot_general3A_1647, %add3A_1651 : vector<16x512xf32>
    %mul3A_1653 = arith.mulf %logistic3A_1587, %add3A_1652 : vector<16x512xf32>
    %add3A_1654 = arith.addf %slice3A_1642, %mul3A_1653 : vector<16x512xf32>
    %tanh3A_1655 = math.tanh %add3A_1654 : vector<16x512xf32>
    %slice3A_1656 = vector.extract_strided_slice %get3A_1569 {offsets = [0, 1024], sizes = [16, 512], strides = [1, 1]} : vector<16x1536xf32> to vector<16x512xf32>
    %get3A_1657 = arith.constant 1024 : index
    %get3A_1658 = arith.constant 0 : index
    %get3A_1659 = vector.load %arg21[%get3A_1657, %get3A_1658] : memref<1536x512xf32, #tpu.memory_space<vmem>>, vector<512x512xf32>
    %dot_general3A_1660 = arith.constant dense<0.000000e+00> : vector<16x512xf32>
    %dot_general3A_1661 = tpu.matmul %add3A_1549, %get3A_1659, %dot_general3A_1660 {dimension_numbers = #tpu.dot_dimension_numbers<[1], [1], [0], [0], [0, 0, 1, 0], [], []>, transpose_lhs_hint = false} : vector<16x512xf32>, vector<512x512xf32>, vector<16x512xf32> -> vector<16x512xf32>
    %get3A_1662 = arith.constant 0 : index
    %get3A_1663 = arith.constant 1024 : index
    %get3A_1664 = vector.load %arg13[%get3A_1662, %get3A_1663] : memref<1x1536xf32, #tpu.memory_space<vmem>>, vector<1x512xf32>
    %add3A_1665 = vector.broadcast %get3A_1664 : vector<1x512xf32> to vector<16x512xf32>
    %add3A_1666 = arith.addf %dot_general3A_1661, %add3A_1665 : vector<16x512xf32>
    %mul3A_1667 = arith.mulf %logistic3A_1605, %add3A_1666 : vector<16x512xf32>
    %add3A_1668 = arith.addf %slice3A_1656, %mul3A_1667 : vector<16x512xf32>
    %tanh3A_1669 = math.tanh %add3A_1668 : vector<16x512xf32>
    %sub3A_1670 = arith.constant 1.000000e+00 : f32
    %sub3A_1671 = vector.broadcast %sub3A_1670 : f32 to vector<16x512xf32>
    %sub3A_1672 = arith.subf %sub3A_1671, %logistic3A_1623 : vector<16x512xf32>
    %mul3A_1673 = arith.mulf %sub3A_1672, %tanh3A_1655 : vector<16x512xf32>
    %mul3A_1674 = arith.mulf %logistic3A_1623, %add3A_1543 : vector<16x512xf32>
    %add3A_1675 = arith.addf %mul3A_1673, %mul3A_1674 : vector<16x512xf32>
    %sub3A_1676 = arith.constant 1.000000e+00 : f32
    %sub3A_1677 = vector.broadcast %sub3A_1676 : f32 to vector<16x512xf32>
    %sub3A_1678 = arith.subf %sub3A_1677, %logistic3A_1641 : vector<16x512xf32>
    %mul3A_1679 = arith.mulf %sub3A_1678, %tanh3A_1669 : vector<16x512xf32>
    %mul3A_1680 = arith.mulf %logistic3A_1641, %add3A_1549 : vector<16x512xf32>
    %add3A_1681 = arith.addf %mul3A_1679, %mul3A_1680 : vector<16x512xf32>
    %broadcast_in_dim3A_1682 = vector.shape_cast %add3A_1675 : vector<16x512xf32> to vector<16x1x512xf32>
    %swap3A_1683 = arith.constant 0 : index
    %swap3A_1684 = arith.constant 11 : index
    %swap3A_1685 = arith.constant 0 : index
    %swap3A_1686 = vector.load %arg14[%swap3A_1683, %swap3A_1684, %swap3A_1685] : memref<16x32x512xf32, #tpu.memory_space<vmem>>, vector<16x1x512xf32>
    tpu.vector_store %arg14[%swap3A_1683, %swap3A_1684, %swap3A_1685], %broadcast_in_dim3A_1682 {strides = array<i32>} : memref<16x32x512xf32, #tpu.memory_space<vmem>>, vector<16x1x512xf32>,
    %broadcast_in_dim3A_1687 = vector.shape_cast %add3A_1681 : vector<16x512xf32> to vector<16x1x512xf32>
    %swap3A_1688 = arith.constant 0 : index
    %swap3A_1689 = arith.constant 20 : index
    %swap3A_1690 = arith.constant 0 : index
    %swap3A_1691 = vector.load %arg17[%swap3A_1688, %swap3A_1689, %swap3A_1690] : memref<16x32x512xf32, #tpu.memory_space<vmem>>, vector<16x1x512xf32>
    tpu.vector_store %arg17[%swap3A_1688, %swap3A_1689, %swap3A_1690], %broadcast_in_dim3A_1687 {strides = array<i32>} : memref<16x32x512xf32, #tpu.memory_space<vmem>>, vector<16x1x512xf32>,
    %get3A_1692 = arith.constant 12 : index
    %get3A_1693 = arith.constant 0 : index
    %get3A_1694 = arith.constant 0 : index
    %get3A_1695 = vector.load %arg15[%get3A_1692, %get3A_1693, %get3A_1694] : memref<32x16x1536xf32, #tpu.memory_space<vmem>>, vector<1x16x1536xf32>
    %get3A_1696 = vector.shape_cast %get3A_1695 : vector<1x16x1536xf32> to vector<16x1536xf32>
    %get3A_1697 = arith.constant 19 : index
    %get3A_1698 = arith.constant 0 : index
    %get3A_1699 = arith.constant 0 : index
    %get3A_1700 = vector.load %arg16[%get3A_1697, %get3A_1698, %get3A_1699] : memref<32x16x1536xf32, #tpu.memory_space<vmem>>, vector<1x16x1536xf32>
    %get3A_1701 = vector.shape_cast %get3A_1700 : vector<1x16x1536xf32> to vector<16x1536xf32>
    %slice3A_1702 = vector.extract_strided_slice %get3A_1696 {offsets = [0, 0], sizes = [16, 512], strides = [1, 1]} : vector<16x1536xf32> to vector<16x512xf32>
    %get3A_1703 = arith.constant 0 : index
    %get3A_1704 = arith.constant 0 : index
    %get3A_1705 = vector.load %arg20[%get3A_1703, %get3A_1704] : memref<1536x512xf32, #tpu.memory_space<vmem>>, vector<512x512xf32>
    %dot_general3A_1706 = arith.constant dense<0.000000e+00> : vector<16x512xf32>
    %dot_general3A_1707 = tpu.matmul %add3A_1675, %get3A_1705, %dot_general3A_1706 {dimension_numbers = #tpu.dot_dimension_numbers<[1], [1], [0], [0], [0, 0, 1, 0], [], []>, transpose_lhs_hint = false} : vector<16x512xf32>, vector<512x512xf32>, vector<16x512xf32> -> vector<16x512xf32>
    %add3A_1708 = arith.addf %slice3A_1702, %dot_general3A_1707 : vector<16x512xf32>
    %get3A_1709 = arith.constant 0 : index
    %get3A_1710 = arith.constant 0 : index
    %get3A_1711 = vector.load %arg12[%get3A_1709, %get3A_1710] : memref<1x1536xf32, #tpu.memory_space<vmem>>, vector<1x512xf32>
    %add3A_1712 = vector.broadcast %get3A_1711 : vector<1x512xf32> to vector<16x512xf32>
    %add3A_1713 = arith.addf %add3A_1708, %add3A_1712 : vector<16x512xf32>
    %logistic3A_1714 = arith.negf %add3A_1713 : vector<16x512xf32>
    %logistic3A_1715 = math.exp %logistic3A_1714 : vector<16x512xf32>
    %logistic3A_1716 = arith.constant 1.000000e+00 : f32
    %logistic3A_1717 = vector.broadcast %logistic3A_1716 : f32 to vector<16x512xf32>
    %logistic3A_1718 = arith.addf %logistic3A_1717, %logistic3A_1715 : vector<16x512xf32>
    %logistic3A_1719 = arith.divf %logistic3A_1717, %logistic3A_1718 : vector<16x512xf32>
    %slice3A_1720 = vector.extract_strided_slice %get3A_1701 {offsets = [0, 0], sizes = [16, 512], strides = [1, 1]} : vector<16x1536xf32> to vector<16x512xf32>
    %get3A_1721 = arith.constant 0 : index
    %get3A_1722 = arith.constant 0 : index
    %get3A_1723 = vector.load %arg21[%get3A_1721, %get3A_1722] : memref<1536x512xf32, #tpu.memory_space<vmem>>, vector<512x512xf32>
    %dot_general3A_1724 = arith.constant dense<0.000000e+00> : vector<16x512xf32>
    %dot_general3A_1725 = tpu.matmul %add3A_1681, %get3A_1723, %dot_general3A_1724 {dimension_numbers = #tpu.dot_dimension_numbers<[1], [1], [0], [0], [0, 0, 1, 0], [], []>, transpose_lhs_hint = false} : vector<16x512xf32>, vector<512x512xf32>, vector<16x512xf32> -> vector<16x512xf32>
    %add3A_1726 = arith.addf %slice3A_1720, %dot_general3A_1725 : vector<16x512xf32>
    %get3A_1727 = arith.constant 0 : index
    %get3A_1728 = arith.constant 0 : index
    %get3A_1729 = vector.load %arg13[%get3A_1727, %get3A_1728] : memref<1x1536xf32, #tpu.memory_space<vmem>>, vector<1x512xf32>
    %add3A_1730 = vector.broadcast %get3A_1729 : vector<1x512xf32> to vector<16x512xf32>
    %add3A_1731 = arith.addf %add3A_1726, %add3A_1730 : vector<16x512xf32>
    %logistic3A_1732 = arith.negf %add3A_1731 : vector<16x512xf32>
    %logistic3A_1733 = math.exp %logistic3A_1732 : vector<16x512xf32>
    %logistic3A_1734 = arith.constant 1.000000e+00 : f32
    %logistic3A_1735 = vector.broadcast %logistic3A_1734 : f32 to vector<16x512xf32>
    %logistic3A_1736 = arith.addf %logistic3A_1735, %logistic3A_1733 : vector<16x512xf32>
    %logistic3A_1737 = arith.divf %logistic3A_1735, %logistic3A_1736 : vector<16x512xf32>
    %slice3A_1738 = vector.extract_strided_slice %get3A_1696 {offsets = [0, 512], sizes = [16, 512], strides = [1, 1]} : vector<16x1536xf32> to vector<16x512xf32>
    %get3A_1739 = arith.constant 512 : index
    %get3A_1740 = arith.constant 0 : index
    %get3A_1741 = vector.load %arg20[%get3A_1739, %get3A_1740] : memref<1536x512xf32, #tpu.memory_space<vmem>>, vector<512x512xf32>
    %dot_general3A_1742 = arith.constant dense<0.000000e+00> : vector<16x512xf32>
    %dot_general3A_1743 = tpu.matmul %add3A_1675, %get3A_1741, %dot_general3A_1742 {dimension_numbers = #tpu.dot_dimension_numbers<[1], [1], [0], [0], [0, 0, 1, 0], [], []>, transpose_lhs_hint = false} : vector<16x512xf32>, vector<512x512xf32>, vector<16x512xf32> -> vector<16x512xf32>
    %add3A_1744 = arith.addf %slice3A_1738, %dot_general3A_1743 : vector<16x512xf32>
    %get3A_1745 = arith.constant 0 : index
    %get3A_1746 = arith.constant 512 : index
    %get3A_1747 = vector.load %arg12[%get3A_1745, %get3A_1746] : memref<1x1536xf32, #tpu.memory_space<vmem>>, vector<1x512xf32>
    %add3A_1748 = vector.broadcast %get3A_1747 : vector<1x512xf32> to vector<16x512xf32>
    %add3A_1749 = arith.addf %add3A_1744, %add3A_1748 : vector<16x512xf32>
    %logistic3A_1750 = arith.negf %add3A_1749 : vector<16x512xf32>
    %logistic3A_1751 = math.exp %logistic3A_1750 : vector<16x512xf32>
    %logistic3A_1752 = arith.constant 1.000000e+00 : f32
    %logistic3A_1753 = vector.broadcast %logistic3A_1752 : f32 to vector<16x512xf32>
    %logistic3A_1754 = arith.addf %logistic3A_1753, %logistic3A_1751 : vector<16x512xf32>
    %logistic3A_1755 = arith.divf %logistic3A_1753, %logistic3A_1754 : vector<16x512xf32>
    %slice3A_1756 = vector.extract_strided_slice %get3A_1701 {offsets = [0, 512], sizes = [16, 512], strides = [1, 1]} : vector<16x1536xf32> to vector<16x512xf32>
    %get3A_1757 = arith.constant 512 : index
    %get3A_1758 = arith.constant 0 : index
    %get3A_1759 = vector.load %arg21[%get3A_1757, %get3A_1758] : memref<1536x512xf32, #tpu.memory_space<vmem>>, vector<512x512xf32>
    %dot_general3A_1760 = arith.constant dense<0.000000e+00> : vector<16x512xf32>
    %dot_general3A_1761 = tpu.matmul %add3A_1681, %get3A_1759, %dot_general3A_1760 {dimension_numbers = #tpu.dot_dimension_numbers<[1], [1], [0], [0], [0, 0, 1, 0], [], []>, transpose_lhs_hint = false} : vector<16x512xf32>, vector<512x512xf32>, vector<16x512xf32> -> vector<16x512xf32>
    %add3A_1762 = arith.addf %slice3A_1756, %dot_general3A_1761 : vector<16x512xf32>
    %get3A_1763 = arith.constant 0 : index
    %get3A_1764 = arith.constant 512 : index
    %get3A_1765 = vector.load %arg13[%get3A_1763, %get3A_1764] : memref<1x1536xf32, #tpu.memory_space<vmem>>, vector<1x512xf32>
    %add3A_1766 = vector.broadcast %get3A_1765 : vector<1x512xf32> to vector<16x512xf32>
    %add3A_1767 = arith.addf %add3A_1762, %add3A_1766 : vector<16x512xf32>
    %logistic3A_1768 = arith.negf %add3A_1767 : vector<16x512xf32>
    %logistic3A_1769 = math.exp %logistic3A_1768 : vector<16x512xf32>
    %logistic3A_1770 = arith.constant 1.000000e+00 : f32
    %logistic3A_1771 = vector.broadcast %logistic3A_1770 : f32 to vector<16x512xf32>
    %logistic3A_1772 = arith.addf %logistic3A_1771, %logistic3A_1769 : vector<16x512xf32>
    %logistic3A_1773 = arith.divf %logistic3A_1771, %logistic3A_1772 : vector<16x512xf32>
    %slice3A_1774 = vector.extract_strided_slice %get3A_1696 {offsets = [0, 1024], sizes = [16, 512], strides = [1, 1]} : vector<16x1536xf32> to vector<16x512xf32>
    %get3A_1775 = arith.constant 1024 : index
    %get3A_1776 = arith.constant 0 : index
    %get3A_1777 = vector.load %arg20[%get3A_1775, %get3A_1776] : memref<1536x512xf32, #tpu.memory_space<vmem>>, vector<512x512xf32>
    %dot_general3A_1778 = arith.constant dense<0.000000e+00> : vector<16x512xf32>
    %dot_general3A_1779 = tpu.matmul %add3A_1675, %get3A_1777, %dot_general3A_1778 {dimension_numbers = #tpu.dot_dimension_numbers<[1], [1], [0], [0], [0, 0, 1, 0], [], []>, transpose_lhs_hint = false} : vector<16x512xf32>, vector<512x512xf32>, vector<16x512xf32> -> vector<16x512xf32>
    %get3A_1780 = arith.constant 0 : index
    %get3A_1781 = arith.constant 1024 : index
    %get3A_1782 = vector.load %arg12[%get3A_1780, %get3A_1781] : memref<1x1536xf32, #tpu.memory_space<vmem>>, vector<1x512xf32>
    %add3A_1783 = vector.broadcast %get3A_1782 : vector<1x512xf32> to vector<16x512xf32>
    %add3A_1784 = arith.addf %dot_general3A_1779, %add3A_1783 : vector<16x512xf32>
    %mul3A_1785 = arith.mulf %logistic3A_1719, %add3A_1784 : vector<16x512xf32>
    %add3A_1786 = arith.addf %slice3A_1774, %mul3A_1785 : vector<16x512xf32>
    %tanh3A_1787 = math.tanh %add3A_1786 : vector<16x512xf32>
    %slice3A_1788 = vector.extract_strided_slice %get3A_1701 {offsets = [0, 1024], sizes = [16, 512], strides = [1, 1]} : vector<16x1536xf32> to vector<16x512xf32>
    %get3A_1789 = arith.constant 1024 : index
    %get3A_1790 = arith.constant 0 : index
    %get3A_1791 = vector.load %arg21[%get3A_1789, %get3A_1790] : memref<1536x512xf32, #tpu.memory_space<vmem>>, vector<512x512xf32>
    %dot_general3A_1792 = arith.constant dense<0.000000e+00> : vector<16x512xf32>
    %dot_general3A_1793 = tpu.matmul %add3A_1681, %get3A_1791, %dot_general3A_1792 {dimension_numbers = #tpu.dot_dimension_numbers<[1], [1], [0], [0], [0, 0, 1, 0], [], []>, transpose_lhs_hint = false} : vector<16x512xf32>, vector<512x512xf32>, vector<16x512xf32> -> vector<16x512xf32>
    %get3A_1794 = arith.constant 0 : index
    %get3A_1795 = arith.constant 1024 : index
    %get3A_1796 = vector.load %arg13[%get3A_1794, %get3A_1795] : memref<1x1536xf32, #tpu.memory_space<vmem>>, vector<1x512xf32>
    %add3A_1797 = vector.broadcast %get3A_1796 : vector<1x512xf32> to vector<16x512xf32>
    %add3A_1798 = arith.addf %dot_general3A_1793, %add3A_1797 : vector<16x512xf32>
    %mul3A_1799 = arith.mulf %logistic3A_1737, %add3A_1798 : vector<16x512xf32>
    %add3A_1800 = arith.addf %slice3A_1788, %mul3A_1799 : vector<16x512xf32>
    %tanh3A_1801 = math.tanh %add3A_1800 : vector<16x512xf32>
    %sub3A_1802 = arith.constant 1.000000e+00 : f32
    %sub3A_1803 = vector.broadcast %sub3A_1802 : f32 to vector<16x512xf32>
    %sub3A_1804 = arith.subf %sub3A_1803, %logistic3A_1755 : vector<16x512xf32>
    %mul3A_1805 = arith.mulf %sub3A_1804, %tanh3A_1787 : vector<16x512xf32>
    %mul3A_1806 = arith.mulf %logistic3A_1755, %add3A_1675 : vector<16x512xf32>
    %add3A_1807 = arith.addf %mul3A_1805, %mul3A_1806 : vector<16x512xf32>
    %sub3A_1808 = arith.constant 1.000000e+00 : f32
    %sub3A_1809 = vector.broadcast %sub3A_1808 : f32 to vector<16x512xf32>
    %sub3A_1810 = arith.subf %sub3A_1809, %logistic3A_1773 : vector<16x512xf32>
    %mul3A_1811 = arith.mulf %sub3A_1810, %tanh3A_1801 : vector<16x512xf32>
    %mul3A_1812 = arith.mulf %logistic3A_1773, %add3A_1681 : vector<16x512xf32>
    %add3A_1813 = arith.addf %mul3A_1811, %mul3A_1812 : vector<16x512xf32>
    %broadcast_in_dim3A_1814 = vector.shape_cast %add3A_1807 : vector<16x512xf32> to vector<16x1x512xf32>
    %swap3A_1815 = arith.constant 0 : index
    %swap3A_1816 = arith.constant 12 : index
    %swap3A_1817 = arith.constant 0 : index
    %swap3A_1818 = vector.load %arg14[%swap3A_1815, %swap3A_1816, %swap3A_1817] : memref<16x32x512xf32, #tpu.memory_space<vmem>>, vector<16x1x512xf32>
    tpu.vector_store %arg14[%swap3A_1815, %swap3A_1816, %swap3A_1817], %broadcast_in_dim3A_1814 {strides = array<i32>} : memref<16x32x512xf32, #tpu.memory_space<vmem>>, vector<16x1x512xf32>,
    %broadcast_in_dim3A_1819 = vector.shape_cast %add3A_1813 : vector<16x512xf32> to vector<16x1x512xf32>
    %swap3A_1820 = arith.constant 0 : index
    %swap3A_1821 = arith.constant 19 : index
    %swap3A_1822 = arith.constant 0 : index
    %swap3A_1823 = vector.load %arg17[%swap3A_1820, %swap3A_1821, %swap3A_1822] : memref<16x32x512xf32, #tpu.memory_space<vmem>>, vector<16x1x512xf32>
    tpu.vector_store %arg17[%swap3A_1820, %swap3A_1821, %swap3A_1822], %broadcast_in_dim3A_1819 {strides = array<i32>} : memref<16x32x512xf32, #tpu.memory_space<vmem>>, vector<16x1x512xf32>,
    %get3A_1824 = arith.constant 13 : index
    %get3A_1825 = arith.constant 0 : index
    %get3A_1826 = arith.constant 0 : index
    %get3A_1827 = vector.load %arg15[%get3A_1824, %get3A_1825, %get3A_1826] : memref<32x16x1536xf32, #tpu.memory_space<vmem>>, vector<1x16x1536xf32>
    %get3A_1828 = vector.shape_cast %get3A_1827 : vector<1x16x1536xf32> to vector<16x1536xf32>
    %get3A_1829 = arith.constant 18 : index
    %get3A_1830 = arith.constant 0 : index
    %get3A_1831 = arith.constant 0 : index
    %get3A_1832 = vector.load %arg16[%get3A_1829, %get3A_1830, %get3A_1831] : memref<32x16x1536xf32, #tpu.memory_space<vmem>>, vector<1x16x1536xf32>
    %get3A_1833 = vector.shape_cast %get3A_1832 : vector<1x16x1536xf32> to vector<16x1536xf32>
    %slice3A_1834 = vector.extract_strided_slice %get3A_1828 {offsets = [0, 0], sizes = [16, 512], strides = [1, 1]} : vector<16x1536xf32> to vector<16x512xf32>
    %get3A_1835 = arith.constant 0 : index
    %get3A_1836 = arith.constant 0 : index
    %get3A_1837 = vector.load %arg20[%get3A_1835, %get3A_1836] : memref<1536x512xf32, #tpu.memory_space<vmem>>, vector<512x512xf32>
    %dot_general3A_1838 = arith.constant dense<0.000000e+00> : vector<16x512xf32>
    %dot_general3A_1839 = tpu.matmul %add3A_1807, %get3A_1837, %dot_general3A_1838 {dimension_numbers = #tpu.dot_dimension_numbers<[1], [1], [0], [0], [0, 0, 1, 0], [], []>, transpose_lhs_hint = false} : vector<16x512xf32>, vector<512x512xf32>, vector<16x512xf32> -> vector<16x512xf32>
    %add3A_1840 = arith.addf %slice3A_1834, %dot_general3A_1839 : vector<16x512xf32>
    %get3A_1841 = arith.constant 0 : index
    %get3A_1842 = arith.constant 0 : index
    %get3A_1843 = vector.load %arg12[%get3A_1841, %get3A_1842] : memref<1x1536xf32, #tpu.memory_space<vmem>>, vector<1x512xf32>
    %add3A_1844 = vector.broadcast %get3A_1843 : vector<1x512xf32> to vector<16x512xf32>
    %add3A_1845 = arith.addf %add3A_1840, %add3A_1844 : vector<16x512xf32>
    %logistic3A_1846 = arith.negf %add3A_1845 : vector<16x512xf32>
    %logistic3A_1847 = math.exp %logistic3A_1846 : vector<16x512xf32>
    %logistic3A_1848 = arith.constant 1.000000e+00 : f32
    %logistic3A_1849 = vector.broadcast %logistic3A_1848 : f32 to vector<16x512xf32>
    %logistic3A_1850 = arith.addf %logistic3A_1849, %logistic3A_1847 : vector<16x512xf32>
    %logistic3A_1851 = arith.divf %logistic3A_1849, %logistic3A_1850 : vector<16x512xf32>
    %slice3A_1852 = vector.extract_strided_slice %get3A_1833 {offsets = [0, 0], sizes = [16, 512], strides = [1, 1]} : vector<16x1536xf32> to vector<16x512xf32>
    %get3A_1853 = arith.constant 0 : index
    %get3A_1854 = arith.constant 0 : index
    %get3A_1855 = vector.load %arg21[%get3A_1853, %get3A_1854] : memref<1536x512xf32, #tpu.memory_space<vmem>>, vector<512x512xf32>
    %dot_general3A_1856 = arith.constant dense<0.000000e+00> : vector<16x512xf32>
    %dot_general3A_1857 = tpu.matmul %add3A_1813, %get3A_1855, %dot_general3A_1856 {dimension_numbers = #tpu.dot_dimension_numbers<[1], [1], [0], [0], [0, 0, 1, 0], [], []>, transpose_lhs_hint = false} : vector<16x512xf32>, vector<512x512xf32>, vector<16x512xf32> -> vector<16x512xf32>
    %add3A_1858 = arith.addf %slice3A_1852, %dot_general3A_1857 : vector<16x512xf32>
    %get3A_1859 = arith.constant 0 : index
    %get3A_1860 = arith.constant 0 : index
    %get3A_1861 = vector.load %arg13[%get3A_1859, %get3A_1860] : memref<1x1536xf32, #tpu.memory_space<vmem>>, vector<1x512xf32>
    %add3A_1862 = vector.broadcast %get3A_1861 : vector<1x512xf32> to vector<16x512xf32>
    %add3A_1863 = arith.addf %add3A_1858, %add3A_1862 : vector<16x512xf32>
    %logistic3A_1864 = arith.negf %add3A_1863 : vector<16x512xf32>
    %logistic3A_1865 = math.exp %logistic3A_1864 : vector<16x512xf32>
    %logistic3A_1866 = arith.constant 1.000000e+00 : f32
    %logistic3A_1867 = vector.broadcast %logistic3A_1866 : f32 to vector<16x512xf32>
    %logistic3A_1868 = arith.addf %logistic3A_1867, %logistic3A_1865 : vector<16x512xf32>
    %logistic3A_1869 = arith.divf %logistic3A_1867, %logistic3A_1868 : vector<16x512xf32>
    %slice3A_1870 = vector.extract_strided_slice %get3A_1828 {offsets = [0, 512], sizes = [16, 512], strides = [1, 1]} : vector<16x1536xf32> to vector<16x512xf32>
    %get3A_1871 = arith.constant 512 : index
    %get3A_1872 = arith.constant 0 : index
    %get3A_1873 = vector.load %arg20[%get3A_1871, %get3A_1872] : memref<1536x512xf32, #tpu.memory_space<vmem>>, vector<512x512xf32>
    %dot_general3A_1874 = arith.constant dense<0.000000e+00> : vector<16x512xf32>
    %dot_general3A_1875 = tpu.matmul %add3A_1807, %get3A_1873, %dot_general3A_1874 {dimension_numbers = #tpu.dot_dimension_numbers<[1], [1], [0], [0], [0, 0, 1, 0], [], []>, transpose_lhs_hint = false} : vector<16x512xf32>, vector<512x512xf32>, vector<16x512xf32> -> vector<16x512xf32>
    %add3A_1876 = arith.addf %slice3A_1870, %dot_general3A_1875 : vector<16x512xf32>
    %get3A_1877 = arith.constant 0 : index
    %get3A_1878 = arith.constant 512 : index
    %get3A_1879 = vector.load %arg12[%get3A_1877, %get3A_1878] : memref<1x1536xf32, #tpu.memory_space<vmem>>, vector<1x512xf32>
    %add3A_1880 = vector.broadcast %get3A_1879 : vector<1x512xf32> to vector<16x512xf32>
    %add3A_1881 = arith.addf %add3A_1876, %add3A_1880 : vector<16x512xf32>
    %logistic3A_1882 = arith.negf %add3A_1881 : vector<16x512xf32>
    %logistic3A_1883 = math.exp %logistic3A_1882 : vector<16x512xf32>
    %logistic3A_1884 = arith.constant 1.000000e+00 : f32
    %logistic3A_1885 = vector.broadcast %logistic3A_1884 : f32 to vector<16x512xf32>
    %logistic3A_1886 = arith.addf %logistic3A_1885, %logistic3A_1883 : vector<16x512xf32>
    %logistic3A_1887 = arith.divf %logistic3A_1885, %logistic3A_1886 : vector<16x512xf32>
    %slice3A_1888 = vector.extract_strided_slice %get3A_1833 {offsets = [0, 512], sizes = [16, 512], strides = [1, 1]} : vector<16x1536xf32> to vector<16x512xf32>
    %get3A_1889 = arith.constant 512 : index
    %get3A_1890 = arith.constant 0 : index
    %get3A_1891 = vector.load %arg21[%get3A_1889, %get3A_1890] : memref<1536x512xf32, #tpu.memory_space<vmem>>, vector<512x512xf32>
    %dot_general3A_1892 = arith.constant dense<0.000000e+00> : vector<16x512xf32>
    %dot_general3A_1893 = tpu.matmul %add3A_1813, %get3A_1891, %dot_general3A_1892 {dimension_numbers = #tpu.dot_dimension_numbers<[1], [1], [0], [0], [0, 0, 1, 0], [], []>, transpose_lhs_hint = false} : vector<16x512xf32>, vector<512x512xf32>, vector<16x512xf32> -> vector<16x512xf32>
    %add3A_1894 = arith.addf %slice3A_1888, %dot_general3A_1893 : vector<16x512xf32>
    %get3A_1895 = arith.constant 0 : index
    %get3A_1896 = arith.constant 512 : index
    %get3A_1897 = vector.load %arg13[%get3A_1895, %get3A_1896] : memref<1x1536xf32, #tpu.memory_space<vmem>>, vector<1x512xf32>
    %add3A_1898 = vector.broadcast %get3A_1897 : vector<1x512xf32> to vector<16x512xf32>
    %add3A_1899 = arith.addf %add3A_1894, %add3A_1898 : vector<16x512xf32>
    %logistic3A_1900 = arith.negf %add3A_1899 : vector<16x512xf32>
    %logistic3A_1901 = math.exp %logistic3A_1900 : vector<16x512xf32>
    %logistic3A_1902 = arith.constant 1.000000e+00 : f32
    %logistic3A_1903 = vector.broadcast %logistic3A_1902 : f32 to vector<16x512xf32>
    %logistic3A_1904 = arith.addf %logistic3A_1903, %logistic3A_1901 : vector<16x512xf32>
    %logistic3A_1905 = arith.divf %logistic3A_1903, %logistic3A_1904 : vector<16x512xf32>
    %slice3A_1906 = vector.extract_strided_slice %get3A_1828 {offsets = [0, 1024], sizes = [16, 512], strides = [1, 1]} : vector<16x1536xf32> to vector<16x512xf32>
    %get3A_1907 = arith.constant 1024 : index
    %get3A_1908 = arith.constant 0 : index
    %get3A_1909 = vector.load %arg20[%get3A_1907, %get3A_1908] : memref<1536x512xf32, #tpu.memory_space<vmem>>, vector<512x512xf32>
    %dot_general3A_1910 = arith.constant dense<0.000000e+00> : vector<16x512xf32>
    %dot_general3A_1911 = tpu.matmul %add3A_1807, %get3A_1909, %dot_general3A_1910 {dimension_numbers = #tpu.dot_dimension_numbers<[1], [1], [0], [0], [0, 0, 1, 0], [], []>, transpose_lhs_hint = false} : vector<16x512xf32>, vector<512x512xf32>, vector<16x512xf32> -> vector<16x512xf32>
    %get3A_1912 = arith.constant 0 : index
    %get3A_1913 = arith.constant 1024 : index
    %get3A_1914 = vector.load %arg12[%get3A_1912, %get3A_1913] : memref<1x1536xf32, #tpu.memory_space<vmem>>, vector<1x512xf32>
    %add3A_1915 = vector.broadcast %get3A_1914 : vector<1x512xf32> to vector<16x512xf32>
    %add3A_1916 = arith.addf %dot_general3A_1911, %add3A_1915 : vector<16x512xf32>
    %mul3A_1917 = arith.mulf %logistic3A_1851, %add3A_1916 : vector<16x512xf32>
    %add3A_1918 = arith.addf %slice3A_1906, %mul3A_1917 : vector<16x512xf32>
    %tanh3A_1919 = math.tanh %add3A_1918 : vector<16x512xf32>
    %slice3A_1920 = vector.extract_strided_slice %get3A_1833 {offsets = [0, 1024], sizes = [16, 512], strides = [1, 1]} : vector<16x1536xf32> to vector<16x512xf32>
    %get3A_1921 = arith.constant 1024 : index
    %get3A_1922 = arith.constant 0 : index
    %get3A_1923 = vector.load %arg21[%get3A_1921, %get3A_1922] : memref<1536x512xf32, #tpu.memory_space<vmem>>, vector<512x512xf32>
    %dot_general3A_1924 = arith.constant dense<0.000000e+00> : vector<16x512xf32>
    %dot_general3A_1925 = tpu.matmul %add3A_1813, %get3A_1923, %dot_general3A_1924 {dimension_numbers = #tpu.dot_dimension_numbers<[1], [1], [0], [0], [0, 0, 1, 0], [], []>, transpose_lhs_hint = false} : vector<16x512xf32>, vector<512x512xf32>, vector<16x512xf32> -> vector<16x512xf32>
    %get3A_1926 = arith.constant 0 : index
    %get3A_1927 = arith.constant 1024 : index
    %get3A_1928 = vector.load %arg13[%get3A_1926, %get3A_1927] : memref<1x1536xf32, #tpu.memory_space<vmem>>, vector<1x512xf32>
    %add3A_1929 = vector.broadcast %get3A_1928 : vector<1x512xf32> to vector<16x512xf32>
    %add3A_1930 = arith.addf %dot_general3A_1925, %add3A_1929 : vector<16x512xf32>
    %mul3A_1931 = arith.mulf %logistic3A_1869, %add3A_1930 : vector<16x512xf32>
    %add3A_1932 = arith.addf %slice3A_1920, %mul3A_1931 : vector<16x512xf32>
    %tanh3A_1933 = math.tanh %add3A_1932 : vector<16x512xf32>
    %sub3A_1934 = arith.constant 1.000000e+00 : f32
    %sub3A_1935 = vector.broadcast %sub3A_1934 : f32 to vector<16x512xf32>
    %sub3A_1936 = arith.subf %sub3A_1935, %logistic3A_1887 : vector<16x512xf32>
    %mul3A_1937 = arith.mulf %sub3A_1936, %tanh3A_1919 : vector<16x512xf32>
    %mul3A_1938 = arith.mulf %logistic3A_1887, %add3A_1807 : vector<16x512xf32>
    %add3A_1939 = arith.addf %mul3A_1937, %mul3A_1938 : vector<16x512xf32>
    %sub3A_1940 = arith.constant 1.000000e+00 : f32
    %sub3A_1941 = vector.broadcast %sub3A_1940 : f32 to vector<16x512xf32>
    %sub3A_1942 = arith.subf %sub3A_1941, %logistic3A_1905 : vector<16x512xf32>
    %mul3A_1943 = arith.mulf %sub3A_1942, %tanh3A_1933 : vector<16x512xf32>
    %mul3A_1944 = arith.mulf %logistic3A_1905, %add3A_1813 : vector<16x512xf32>
    %add3A_1945 = arith.addf %mul3A_1943, %mul3A_1944 : vector<16x512xf32>
    %broadcast_in_dim3A_1946 = vector.shape_cast %add3A_1939 : vector<16x512xf32> to vector<16x1x512xf32>
    %swap3A_1947 = arith.constant 0 : index
    %swap3A_1948 = arith.constant 13 : index
    %swap3A_1949 = arith.constant 0 : index
    %swap3A_1950 = vector.load %arg14[%swap3A_1947, %swap3A_1948, %swap3A_1949] : memref<16x32x512xf32, #tpu.memory_space<vmem>>, vector<16x1x512xf32>
    tpu.vector_store %arg14[%swap3A_1947, %swap3A_1948, %swap3A_1949], %broadcast_in_dim3A_1946 {strides = array<i32>} : memref<16x32x512xf32, #tpu.memory_space<vmem>>, vector<16x1x512xf32>,
    %broadcast_in_dim3A_1951 = vector.shape_cast %add3A_1945 : vector<16x512xf32> to vector<16x1x512xf32>
    %swap3A_1952 = arith.constant 0 : index
    %swap3A_1953 = arith.constant 18 : index
    %swap3A_1954 = arith.constant 0 : index
    %swap3A_1955 = vector.load %arg17[%swap3A_1952, %swap3A_1953, %swap3A_1954] : memref<16x32x512xf32, #tpu.memory_space<vmem>>, vector<16x1x512xf32>
    tpu.vector_store %arg17[%swap3A_1952, %swap3A_1953, %swap3A_1954], %broadcast_in_dim3A_1951 {strides = array<i32>} : memref<16x32x512xf32, #tpu.memory_space<vmem>>, vector<16x1x512xf32>,
    %get3A_1956 = arith.constant 14 : index
    %get3A_1957 = arith.constant 0 : index
    %get3A_1958 = arith.constant 0 : index
    %get3A_1959 = vector.load %arg15[%get3A_1956, %get3A_1957, %get3A_1958] : memref<32x16x1536xf32, #tpu.memory_space<vmem>>, vector<1x16x1536xf32>
    %get3A_1960 = vector.shape_cast %get3A_1959 : vector<1x16x1536xf32> to vector<16x1536xf32>
    %get3A_1961 = arith.constant 17 : index
    %get3A_1962 = arith.constant 0 : index
    %get3A_1963 = arith.constant 0 : index
    %get3A_1964 = vector.load %arg16[%get3A_1961, %get3A_1962, %get3A_1963] : memref<32x16x1536xf32, #tpu.memory_space<vmem>>, vector<1x16x1536xf32>
    %get3A_1965 = vector.shape_cast %get3A_1964 : vector<1x16x1536xf32> to vector<16x1536xf32>
    %slice3A_1966 = vector.extract_strided_slice %get3A_1960 {offsets = [0, 0], sizes = [16, 512], strides = [1, 1]} : vector<16x1536xf32> to vector<16x512xf32>
    %get3A_1967 = arith.constant 0 : index
    %get3A_1968 = arith.constant 0 : index
    %get3A_1969 = vector.load %arg20[%get3A_1967, %get3A_1968] : memref<1536x512xf32, #tpu.memory_space<vmem>>, vector<512x512xf32>
    %dot_general3A_1970 = arith.constant dense<0.000000e+00> : vector<16x512xf32>
    %dot_general3A_1971 = tpu.matmul %add3A_1939, %get3A_1969, %dot_general3A_1970 {dimension_numbers = #tpu.dot_dimension_numbers<[1], [1], [0], [0], [0, 0, 1, 0], [], []>, transpose_lhs_hint = false} : vector<16x512xf32>, vector<512x512xf32>, vector<16x512xf32> -> vector<16x512xf32>
    %add3A_1972 = arith.addf %slice3A_1966, %dot_general3A_1971 : vector<16x512xf32>
    %get3A_1973 = arith.constant 0 : index
    %get3A_1974 = arith.constant 0 : index
    %get3A_1975 = vector.load %arg12[%get3A_1973, %get3A_1974] : memref<1x1536xf32, #tpu.memory_space<vmem>>, vector<1x512xf32>
    %add3A_1976 = vector.broadcast %get3A_1975 : vector<1x512xf32> to vector<16x512xf32>
    %add3A_1977 = arith.addf %add3A_1972, %add3A_1976 : vector<16x512xf32>
    %logistic3A_1978 = arith.negf %add3A_1977 : vector<16x512xf32>
    %logistic3A_1979 = math.exp %logistic3A_1978 : vector<16x512xf32>
    %logistic3A_1980 = arith.constant 1.000000e+00 : f32
    %logistic3A_1981 = vector.broadcast %logistic3A_1980 : f32 to vector<16x512xf32>
    %logistic3A_1982 = arith.addf %logistic3A_1981, %logistic3A_1979 : vector<16x512xf32>
    %logistic3A_1983 = arith.divf %logistic3A_1981, %logistic3A_1982 : vector<16x512xf32>
    %slice3A_1984 = vector.extract_strided_slice %get3A_1965 {offsets = [0, 0], sizes = [16, 512], strides = [1, 1]} : vector<16x1536xf32> to vector<16x512xf32>
    %get3A_1985 = arith.constant 0 : index
    %get3A_1986 = arith.constant 0 : index
    %get3A_1987 = vector.load %arg21[%get3A_1985, %get3A_1986] : memref<1536x512xf32, #tpu.memory_space<vmem>>, vector<512x512xf32>
    %dot_general3A_1988 = arith.constant dense<0.000000e+00> : vector<16x512xf32>
    %dot_general3A_1989 = tpu.matmul %add3A_1945, %get3A_1987, %dot_general3A_1988 {dimension_numbers = #tpu.dot_dimension_numbers<[1], [1], [0], [0], [0, 0, 1, 0], [], []>, transpose_lhs_hint = false} : vector<16x512xf32>, vector<512x512xf32>, vector<16x512xf32> -> vector<16x512xf32>
    %add3A_1990 = arith.addf %slice3A_1984, %dot_general3A_1989 : vector<16x512xf32>
    %get3A_1991 = arith.constant 0 : index
    %get3A_1992 = arith.constant 0 : index
    %get3A_1993 = vector.load %arg13[%get3A_1991, %get3A_1992] : memref<1x1536xf32, #tpu.memory_space<vmem>>, vector<1x512xf32>
    %add3A_1994 = vector.broadcast %get3A_1993 : vector<1x512xf32> to vector<16x512xf32>
    %add3A_1995 = arith.addf %add3A_1990, %add3A_1994 : vector<16x512xf32>
    %logistic3A_1996 = arith.negf %add3A_1995 : vector<16x512xf32>
    %logistic3A_1997 = math.exp %logistic3A_1996 : vector<16x512xf32>
    %logistic3A_1998 = arith.constant 1.000000e+00 : f32
    %logistic3A_1999 = vector.broadcast %logistic3A_1998 : f32 to vector<16x512xf32>
    %logistic3A_2000 = arith.addf %logistic3A_1999, %logistic3A_1997 : vector<16x512xf32>
    %logistic3A_2001 = arith.divf %logistic3A_1999, %logistic3A_2000 : vector<16x512xf32>
    %slice3A_2002 = vector.extract_strided_slice %get3A_1960 {offsets = [0, 512], sizes = [16, 512], strides = [1, 1]} : vector<16x1536xf32> to vector<16x512xf32>
    %get3A_2003 = arith.constant 512 : index
    %get3A_2004 = arith.constant 0 : index
    %get3A_2005 = vector.load %arg20[%get3A_2003, %get3A_2004] : memref<1536x512xf32, #tpu.memory_space<vmem>>, vector<512x512xf32>
    %dot_general3A_2006 = arith.constant dense<0.000000e+00> : vector<16x512xf32>
    %dot_general3A_2007 = tpu.matmul %add3A_1939, %get3A_2005, %dot_general3A_2006 {dimension_numbers = #tpu.dot_dimension_numbers<[1], [1], [0], [0], [0, 0, 1, 0], [], []>, transpose_lhs_hint = false} : vector<16x512xf32>, vector<512x512xf32>, vector<16x512xf32> -> vector<16x512xf32>
    %add3A_2008 = arith.addf %slice3A_2002, %dot_general3A_2007 : vector<16x512xf32>
    %get3A_2009 = arith.constant 0 : index
    %get3A_2010 = arith.constant 512 : index
    %get3A_2011 = vector.load %arg12[%get3A_2009, %get3A_2010] : memref<1x1536xf32, #tpu.memory_space<vmem>>, vector<1x512xf32>
    %add3A_2012 = vector.broadcast %get3A_2011 : vector<1x512xf32> to vector<16x512xf32>
    %add3A_2013 = arith.addf %add3A_2008, %add3A_2012 : vector<16x512xf32>
    %logistic3A_2014 = arith.negf %add3A_2013 : vector<16x512xf32>
    %logistic3A_2015 = math.exp %logistic3A_2014 : vector<16x512xf32>
    %logistic3A_2016 = arith.constant 1.000000e+00 : f32
    %logistic3A_2017 = vector.broadcast %logistic3A_2016 : f32 to vector<16x512xf32>
    %logistic3A_2018 = arith.addf %logistic3A_2017, %logistic3A_2015 : vector<16x512xf32>
    %logistic3A_2019 = arith.divf %logistic3A_2017, %logistic3A_2018 : vector<16x512xf32>
    %slice3A_2020 = vector.extract_strided_slice %get3A_1965 {offsets = [0, 512], sizes = [16, 512], strides = [1, 1]} : vector<16x1536xf32> to vector<16x512xf32>
    %get3A_2021 = arith.constant 512 : index
    %get3A_2022 = arith.constant 0 : index
    %get3A_2023 = vector.load %arg21[%get3A_2021, %get3A_2022] : memref<1536x512xf32, #tpu.memory_space<vmem>>, vector<512x512xf32>
    %dot_general3A_2024 = arith.constant dense<0.000000e+00> : vector<16x512xf32>
    %dot_general3A_2025 = tpu.matmul %add3A_1945, %get3A_2023, %dot_general3A_2024 {dimension_numbers = #tpu.dot_dimension_numbers<[1], [1], [0], [0], [0, 0, 1, 0], [], []>, transpose_lhs_hint = false} : vector<16x512xf32>, vector<512x512xf32>, vector<16x512xf32> -> vector<16x512xf32>
    %add3A_2026 = arith.addf %slice3A_2020, %dot_general3A_2025 : vector<16x512xf32>
    %get3A_2027 = arith.constant 0 : index
    %get3A_2028 = arith.constant 512 : index
    %get3A_2029 = vector.load %arg13[%get3A_2027, %get3A_2028] : memref<1x1536xf32, #tpu.memory_space<vmem>>, vector<1x512xf32>
    %add3A_2030 = vector.broadcast %get3A_2029 : vector<1x512xf32> to vector<16x512xf32>
    %add3A_2031 = arith.addf %add3A_2026, %add3A_2030 : vector<16x512xf32>
    %logistic3A_2032 = arith.negf %add3A_2031 : vector<16x512xf32>
    %logistic3A_2033 = math.exp %logistic3A_2032 : vector<16x512xf32>
    %logistic3A_2034 = arith.constant 1.000000e+00 : f32
    %logistic3A_2035 = vector.broadcast %logistic3A_2034 : f32 to vector<16x512xf32>
    %logistic3A_2036 = arith.addf %logistic3A_2035, %logistic3A_2033 : vector<16x512xf32>
    %logistic3A_2037 = arith.divf %logistic3A_2035, %logistic3A_2036 : vector<16x512xf32>
    %slice3A_2038 = vector.extract_strided_slice %get3A_1960 {offsets = [0, 1024], sizes = [16, 512], strides = [1, 1]} : vector<16x1536xf32> to vector<16x512xf32>
    %get3A_2039 = arith.constant 1024 : index
    %get3A_2040 = arith.constant 0 : index
    %get3A_2041 = vector.load %arg20[%get3A_2039, %get3A_2040] : memref<1536x512xf32, #tpu.memory_space<vmem>>, vector<512x512xf32>
    %dot_general3A_2042 = arith.constant dense<0.000000e+00> : vector<16x512xf32>
    %dot_general3A_2043 = tpu.matmul %add3A_1939, %get3A_2041, %dot_general3A_2042 {dimension_numbers = #tpu.dot_dimension_numbers<[1], [1], [0], [0], [0, 0, 1, 0], [], []>, transpose_lhs_hint = false} : vector<16x512xf32>, vector<512x512xf32>, vector<16x512xf32> -> vector<16x512xf32>
    %get3A_2044 = arith.constant 0 : index
    %get3A_2045 = arith.constant 1024 : index
    %get3A_2046 = vector.load %arg12[%get3A_2044, %get3A_2045] : memref<1x1536xf32, #tpu.memory_space<vmem>>, vector<1x512xf32>
    %add3A_2047 = vector.broadcast %get3A_2046 : vector<1x512xf32> to vector<16x512xf32>
    %add3A_2048 = arith.addf %dot_general3A_2043, %add3A_2047 : vector<16x512xf32>
    %mul3A_2049 = arith.mulf %logistic3A_1983, %add3A_2048 : vector<16x512xf32>
    %add3A_2050 = arith.addf %slice3A_2038, %mul3A_2049 : vector<16x512xf32>
    %tanh3A_2051 = math.tanh %add3A_2050 : vector<16x512xf32>
    %slice3A_2052 = vector.extract_strided_slice %get3A_1965 {offsets = [0, 1024], sizes = [16, 512], strides = [1, 1]} : vector<16x1536xf32> to vector<16x512xf32>
    %get3A_2053 = arith.constant 1024 : index
    %get3A_2054 = arith.constant 0 : index
    %get3A_2055 = vector.load %arg21[%get3A_2053, %get3A_2054] : memref<1536x512xf32, #tpu.memory_space<vmem>>, vector<512x512xf32>
    %dot_general3A_2056 = arith.constant dense<0.000000e+00> : vector<16x512xf32>
    %dot_general3A_2057 = tpu.matmul %add3A_1945, %get3A_2055, %dot_general3A_2056 {dimension_numbers = #tpu.dot_dimension_numbers<[1], [1], [0], [0], [0, 0, 1, 0], [], []>, transpose_lhs_hint = false} : vector<16x512xf32>, vector<512x512xf32>, vector<16x512xf32> -> vector<16x512xf32>
    %get3A_2058 = arith.constant 0 : index
    %get3A_2059 = arith.constant 1024 : index
    %get3A_2060 = vector.load %arg13[%get3A_2058, %get3A_2059] : memref<1x1536xf32, #tpu.memory_space<vmem>>, vector<1x512xf32>
    %add3A_2061 = vector.broadcast %get3A_2060 : vector<1x512xf32> to vector<16x512xf32>
    %add3A_2062 = arith.addf %dot_general3A_2057, %add3A_2061 : vector<16x512xf32>
    %mul3A_2063 = arith.mulf %logistic3A_2001, %add3A_2062 : vector<16x512xf32>
    %add3A_2064 = arith.addf %slice3A_2052, %mul3A_2063 : vector<16x512xf32>
    %tanh3A_2065 = math.tanh %add3A_2064 : vector<16x512xf32>
    %sub3A_2066 = arith.constant 1.000000e+00 : f32
    %sub3A_2067 = vector.broadcast %sub3A_2066 : f32 to vector<16x512xf32>
    %sub3A_2068 = arith.subf %sub3A_2067, %logistic3A_2019 : vector<16x512xf32>
    %mul3A_2069 = arith.mulf %sub3A_2068, %tanh3A_2051 : vector<16x512xf32>
    %mul3A_2070 = arith.mulf %logistic3A_2019, %add3A_1939 : vector<16x512xf32>
    %add3A_2071 = arith.addf %mul3A_2069, %mul3A_2070 : vector<16x512xf32>
    %sub3A_2072 = arith.constant 1.000000e+00 : f32
    %sub3A_2073 = vector.broadcast %sub3A_2072 : f32 to vector<16x512xf32>
    %sub3A_2074 = arith.subf %sub3A_2073, %logistic3A_2037 : vector<16x512xf32>
    %mul3A_2075 = arith.mulf %sub3A_2074, %tanh3A_2065 : vector<16x512xf32>
    %mul3A_2076 = arith.mulf %logistic3A_2037, %add3A_1945 : vector<16x512xf32>
    %add3A_2077 = arith.addf %mul3A_2075, %mul3A_2076 : vector<16x512xf32>
    %broadcast_in_dim3A_2078 = vector.shape_cast %add3A_2071 : vector<16x512xf32> to vector<16x1x512xf32>
    %swap3A_2079 = arith.constant 0 : index
    %swap3A_2080 = arith.constant 14 : index
    %swap3A_2081 = arith.constant 0 : index
    %swap3A_2082 = vector.load %arg14[%swap3A_2079, %swap3A_2080, %swap3A_2081] : memref<16x32x512xf32, #tpu.memory_space<vmem>>, vector<16x1x512xf32>
    tpu.vector_store %arg14[%swap3A_2079, %swap3A_2080, %swap3A_2081], %broadcast_in_dim3A_2078 {strides = array<i32>} : memref<16x32x512xf32, #tpu.memory_space<vmem>>, vector<16x1x512xf32>,
    %broadcast_in_dim3A_2083 = vector.shape_cast %add3A_2077 : vector<16x512xf32> to vector<16x1x512xf32>
    %swap3A_2084 = arith.constant 0 : index
    %swap3A_2085 = arith.constant 17 : index
    %swap3A_2086 = arith.constant 0 : index
    %swap3A_2087 = vector.load %arg17[%swap3A_2084, %swap3A_2085, %swap3A_2086] : memref<16x32x512xf32, #tpu.memory_space<vmem>>, vector<16x1x512xf32>
    tpu.vector_store %arg17[%swap3A_2084, %swap3A_2085, %swap3A_2086], %broadcast_in_dim3A_2083 {strides = array<i32>} : memref<16x32x512xf32, #tpu.memory_space<vmem>>, vector<16x1x512xf32>,
    %get3A_2088 = arith.constant 15 : index
    %get3A_2089 = arith.constant 0 : index
    %get3A_2090 = arith.constant 0 : index
    %get3A_2091 = vector.load %arg15[%get3A_2088, %get3A_2089, %get3A_2090] : memref<32x16x1536xf32, #tpu.memory_space<vmem>>, vector<1x16x1536xf32>
    %get3A_2092 = vector.shape_cast %get3A_2091 : vector<1x16x1536xf32> to vector<16x1536xf32>
    %get3A_2093 = arith.constant 16 : index
    %get3A_2094 = arith.constant 0 : index
    %get3A_2095 = arith.constant 0 : index
    %get3A_2096 = vector.load %arg16[%get3A_2093, %get3A_2094, %get3A_2095] : memref<32x16x1536xf32, #tpu.memory_space<vmem>>, vector<1x16x1536xf32>
    %get3A_2097 = vector.shape_cast %get3A_2096 : vector<1x16x1536xf32> to vector<16x1536xf32>
    %slice3A_2098 = vector.extract_strided_slice %get3A_2092 {offsets = [0, 0], sizes = [16, 512], strides = [1, 1]} : vector<16x1536xf32> to vector<16x512xf32>
    %get3A_2099 = arith.constant 0 : index
    %get3A_2100 = arith.constant 0 : index
    %get3A_2101 = vector.load %arg20[%get3A_2099, %get3A_2100] : memref<1536x512xf32, #tpu.memory_space<vmem>>, vector<512x512xf32>
    %dot_general3A_2102 = arith.constant dense<0.000000e+00> : vector<16x512xf32>
    %dot_general3A_2103 = tpu.matmul %add3A_2071, %get3A_2101, %dot_general3A_2102 {dimension_numbers = #tpu.dot_dimension_numbers<[1], [1], [0], [0], [0, 0, 1, 0], [], []>, transpose_lhs_hint = false} : vector<16x512xf32>, vector<512x512xf32>, vector<16x512xf32> -> vector<16x512xf32>
    %add3A_2104 = arith.addf %slice3A_2098, %dot_general3A_2103 : vector<16x512xf32>
    %get3A_2105 = arith.constant 0 : index
    %get3A_2106 = arith.constant 0 : index
    %get3A_2107 = vector.load %arg12[%get3A_2105, %get3A_2106] : memref<1x1536xf32, #tpu.memory_space<vmem>>, vector<1x512xf32>
    %add3A_2108 = vector.broadcast %get3A_2107 : vector<1x512xf32> to vector<16x512xf32>
    %add3A_2109 = arith.addf %add3A_2104, %add3A_2108 : vector<16x512xf32>
    %logistic3A_2110 = arith.negf %add3A_2109 : vector<16x512xf32>
    %logistic3A_2111 = math.exp %logistic3A_2110 : vector<16x512xf32>
    %logistic3A_2112 = arith.constant 1.000000e+00 : f32
    %logistic3A_2113 = vector.broadcast %logistic3A_2112 : f32 to vector<16x512xf32>
    %logistic3A_2114 = arith.addf %logistic3A_2113, %logistic3A_2111 : vector<16x512xf32>
    %logistic3A_2115 = arith.divf %logistic3A_2113, %logistic3A_2114 : vector<16x512xf32>
    %slice3A_2116 = vector.extract_strided_slice %get3A_2097 {offsets = [0, 0], sizes = [16, 512], strides = [1, 1]} : vector<16x1536xf32> to vector<16x512xf32>
    %get3A_2117 = arith.constant 0 : index
    %get3A_2118 = arith.constant 0 : index
    %get3A_2119 = vector.load %arg21[%get3A_2117, %get3A_2118] : memref<1536x512xf32, #tpu.memory_space<vmem>>, vector<512x512xf32>
    %dot_general3A_2120 = arith.constant dense<0.000000e+00> : vector<16x512xf32>
    %dot_general3A_2121 = tpu.matmul %add3A_2077, %get3A_2119, %dot_general3A_2120 {dimension_numbers = #tpu.dot_dimension_numbers<[1], [1], [0], [0], [0, 0, 1, 0], [], []>, transpose_lhs_hint = false} : vector<16x512xf32>, vector<512x512xf32>, vector<16x512xf32> -> vector<16x512xf32>
    %add3A_2122 = arith.addf %slice3A_2116, %dot_general3A_2121 : vector<16x512xf32>
    %get3A_2123 = arith.constant 0 : index
    %get3A_2124 = arith.constant 0 : index
    %get3A_2125 = vector.load %arg13[%get3A_2123, %get3A_2124] : memref<1x1536xf32, #tpu.memory_space<vmem>>, vector<1x512xf32>
    %add3A_2126 = vector.broadcast %get3A_2125 : vector<1x512xf32> to vector<16x512xf32>
    %add3A_2127 = arith.addf %add3A_2122, %add3A_2126 : vector<16x512xf32>
    %logistic3A_2128 = arith.negf %add3A_2127 : vector<16x512xf32>
    %logistic3A_2129 = math.exp %logistic3A_2128 : vector<16x512xf32>
    %logistic3A_2130 = arith.constant 1.000000e+00 : f32
    %logistic3A_2131 = vector.broadcast %logistic3A_2130 : f32 to vector<16x512xf32>
    %logistic3A_2132 = arith.addf %logistic3A_2131, %logistic3A_2129 : vector<16x512xf32>
    %logistic3A_2133 = arith.divf %logistic3A_2131, %logistic3A_2132 : vector<16x512xf32>
    %slice3A_2134 = vector.extract_strided_slice %get3A_2092 {offsets = [0, 512], sizes = [16, 512], strides = [1, 1]} : vector<16x1536xf32> to vector<16x512xf32>
    %get3A_2135 = arith.constant 512 : index
    %get3A_2136 = arith.constant 0 : index
    %get3A_2137 = vector.load %arg20[%get3A_2135, %get3A_2136] : memref<1536x512xf32, #tpu.memory_space<vmem>>, vector<512x512xf32>
    %dot_general3A_2138 = arith.constant dense<0.000000e+00> : vector<16x512xf32>
    %dot_general3A_2139 = tpu.matmul %add3A_2071, %get3A_2137, %dot_general3A_2138 {dimension_numbers = #tpu.dot_dimension_numbers<[1], [1], [0], [0], [0, 0, 1, 0], [], []>, transpose_lhs_hint = false} : vector<16x512xf32>, vector<512x512xf32>, vector<16x512xf32> -> vector<16x512xf32>
    %add3A_2140 = arith.addf %slice3A_2134, %dot_general3A_2139 : vector<16x512xf32>
    %get3A_2141 = arith.constant 0 : index
    %get3A_2142 = arith.constant 512 : index
    %get3A_2143 = vector.load %arg12[%get3A_2141, %get3A_2142] : memref<1x1536xf32, #tpu.memory_space<vmem>>, vector<1x512xf32>
    %add3A_2144 = vector.broadcast %get3A_2143 : vector<1x512xf32> to vector<16x512xf32>
    %add3A_2145 = arith.addf %add3A_2140, %add3A_2144 : vector<16x512xf32>
    %logistic3A_2146 = arith.negf %add3A_2145 : vector<16x512xf32>
    %logistic3A_2147 = math.exp %logistic3A_2146 : vector<16x512xf32>
    %logistic3A_2148 = arith.constant 1.000000e+00 : f32
    %logistic3A_2149 = vector.broadcast %logistic3A_2148 : f32 to vector<16x512xf32>
    %logistic3A_2150 = arith.addf %logistic3A_2149, %logistic3A_2147 : vector<16x512xf32>
    %logistic3A_2151 = arith.divf %logistic3A_2149, %logistic3A_2150 : vector<16x512xf32>
    %slice3A_2152 = vector.extract_strided_slice %get3A_2097 {offsets = [0, 512], sizes = [16, 512], strides = [1, 1]} : vector<16x1536xf32> to vector<16x512xf32>
    %get3A_2153 = arith.constant 512 : index
    %get3A_2154 = arith.constant 0 : index
    %get3A_2155 = vector.load %arg21[%get3A_2153, %get3A_2154] : memref<1536x512xf32, #tpu.memory_space<vmem>>, vector<512x512xf32>
    %dot_general3A_2156 = arith.constant dense<0.000000e+00> : vector<16x512xf32>
    %dot_general3A_2157 = tpu.matmul %add3A_2077, %get3A_2155, %dot_general3A_2156 {dimension_numbers = #tpu.dot_dimension_numbers<[1], [1], [0], [0], [0, 0, 1, 0], [], []>, transpose_lhs_hint = false} : vector<16x512xf32>, vector<512x512xf32>, vector<16x512xf32> -> vector<16x512xf32>
    %add3A_2158 = arith.addf %slice3A_2152, %dot_general3A_2157 : vector<16x512xf32>
    %get3A_2159 = arith.constant 0 : index
    %get3A_2160 = arith.constant 512 : index
    %get3A_2161 = vector.load %arg13[%get3A_2159, %get3A_2160] : memref<1x1536xf32, #tpu.memory_space<vmem>>, vector<1x512xf32>
    %add3A_2162 = vector.broadcast %get3A_2161 : vector<1x512xf32> to vector<16x512xf32>
    %add3A_2163 = arith.addf %add3A_2158, %add3A_2162 : vector<16x512xf32>
    %logistic3A_2164 = arith.negf %add3A_2163 : vector<16x512xf32>
    %logistic3A_2165 = math.exp %logistic3A_2164 : vector<16x512xf32>
    %logistic3A_2166 = arith.constant 1.000000e+00 : f32
    %logistic3A_2167 = vector.broadcast %logistic3A_2166 : f32 to vector<16x512xf32>
    %logistic3A_2168 = arith.addf %logistic3A_2167, %logistic3A_2165 : vector<16x512xf32>
    %logistic3A_2169 = arith.divf %logistic3A_2167, %logistic3A_2168 : vector<16x512xf32>
    %slice3A_2170 = vector.extract_strided_slice %get3A_2092 {offsets = [0, 1024], sizes = [16, 512], strides = [1, 1]} : vector<16x1536xf32> to vector<16x512xf32>
    %get3A_2171 = arith.constant 1024 : index
    %get3A_2172 = arith.constant 0 : index
    %get3A_2173 = vector.load %arg20[%get3A_2171, %get3A_2172] : memref<1536x512xf32, #tpu.memory_space<vmem>>, vector<512x512xf32>
    %dot_general3A_2174 = arith.constant dense<0.000000e+00> : vector<16x512xf32>
    %dot_general3A_2175 = tpu.matmul %add3A_2071, %get3A_2173, %dot_general3A_2174 {dimension_numbers = #tpu.dot_dimension_numbers<[1], [1], [0], [0], [0, 0, 1, 0], [], []>, transpose_lhs_hint = false} : vector<16x512xf32>, vector<512x512xf32>, vector<16x512xf32> -> vector<16x512xf32>
    %get3A_2176 = arith.constant 0 : index
    %get3A_2177 = arith.constant 1024 : index
    %get3A_2178 = vector.load %arg12[%get3A_2176, %get3A_2177] : memref<1x1536xf32, #tpu.memory_space<vmem>>, vector<1x512xf32>
    %add3A_2179 = vector.broadcast %get3A_2178 : vector<1x512xf32> to vector<16x512xf32>
    %add3A_2180 = arith.addf %dot_general3A_2175, %add3A_2179 : vector<16x512xf32>
    %mul3A_2181 = arith.mulf %logistic3A_2115, %add3A_2180 : vector<16x512xf32>
    %add3A_2182 = arith.addf %slice3A_2170, %mul3A_2181 : vector<16x512xf32>
    %tanh3A_2183 = math.tanh %add3A_2182 : vector<16x512xf32>
    %slice3A_2184 = vector.extract_strided_slice %get3A_2097 {offsets = [0, 1024], sizes = [16, 512], strides = [1, 1]} : vector<16x1536xf32> to vector<16x512xf32>
    %get3A_2185 = arith.constant 1024 : index
    %get3A_2186 = arith.constant 0 : index
    %get3A_2187 = vector.load %arg21[%get3A_2185, %get3A_2186] : memref<1536x512xf32, #tpu.memory_space<vmem>>, vector<512x512xf32>
    %dot_general3A_2188 = arith.constant dense<0.000000e+00> : vector<16x512xf32>
    %dot_general3A_2189 = tpu.matmul %add3A_2077, %get3A_2187, %dot_general3A_2188 {dimension_numbers = #tpu.dot_dimension_numbers<[1], [1], [0], [0], [0, 0, 1, 0], [], []>, transpose_lhs_hint = false} : vector<16x512xf32>, vector<512x512xf32>, vector<16x512xf32> -> vector<16x512xf32>
    %get3A_2190 = arith.constant 0 : index
    %get3A_2191 = arith.constant 1024 : index
    %get3A_2192 = vector.load %arg13[%get3A_2190, %get3A_2191] : memref<1x1536xf32, #tpu.memory_space<vmem>>, vector<1x512xf32>
    %add3A_2193 = vector.broadcast %get3A_2192 : vector<1x512xf32> to vector<16x512xf32>
    %add3A_2194 = arith.addf %dot_general3A_2189, %add3A_2193 : vector<16x512xf32>
    %mul3A_2195 = arith.mulf %logistic3A_2133, %add3A_2194 : vector<16x512xf32>
    %add3A_2196 = arith.addf %slice3A_2184, %mul3A_2195 : vector<16x512xf32>
    %tanh3A_2197 = math.tanh %add3A_2196 : vector<16x512xf32>
    %sub3A_2198 = arith.constant 1.000000e+00 : f32
    %sub3A_2199 = vector.broadcast %sub3A_2198 : f32 to vector<16x512xf32>
    %sub3A_2200 = arith.subf %sub3A_2199, %logistic3A_2151 : vector<16x512xf32>
    %mul3A_2201 = arith.mulf %sub3A_2200, %tanh3A_2183 : vector<16x512xf32>
    %mul3A_2202 = arith.mulf %logistic3A_2151, %add3A_2071 : vector<16x512xf32>
    %add3A_2203 = arith.addf %mul3A_2201, %mul3A_2202 : vector<16x512xf32>
    %sub3A_2204 = arith.constant 1.000000e+00 : f32
    %sub3A_2205 = vector.broadcast %sub3A_2204 : f32 to vector<16x512xf32>
    %sub3A_2206 = arith.subf %sub3A_2205, %logistic3A_2169 : vector<16x512xf32>
    %mul3A_2207 = arith.mulf %sub3A_2206, %tanh3A_2197 : vector<16x512xf32>
    %mul3A_2208 = arith.mulf %logistic3A_2169, %add3A_2077 : vector<16x512xf32>
    %add3A_2209 = arith.addf %mul3A_2207, %mul3A_2208 : vector<16x512xf32>
    %broadcast_in_dim3A_2210 = vector.shape_cast %add3A_2203 : vector<16x512xf32> to vector<16x1x512xf32>
    %swap3A_2211 = arith.constant 0 : index
    %swap3A_2212 = arith.constant 15 : index
    %swap3A_2213 = arith.constant 0 : index
    %swap3A_2214 = vector.load %arg14[%swap3A_2211, %swap3A_2212, %swap3A_2213] : memref<16x32x512xf32, #tpu.memory_space<vmem>>, vector<16x1x512xf32>
    tpu.vector_store %arg14[%swap3A_2211, %swap3A_2212, %swap3A_2213], %broadcast_in_dim3A_2210 {strides = array<i32>} : memref<16x32x512xf32, #tpu.memory_space<vmem>>, vector<16x1x512xf32>,
    %broadcast_in_dim3A_2215 = vector.shape_cast %add3A_2209 : vector<16x512xf32> to vector<16x1x512xf32>
    %swap3A_2216 = arith.constant 0 : index
    %swap3A_2217 = arith.constant 16 : index
    %swap3A_2218 = arith.constant 0 : index
    %swap3A_2219 = vector.load %arg17[%swap3A_2216, %swap3A_2217, %swap3A_2218] : memref<16x32x512xf32, #tpu.memory_space<vmem>>, vector<16x1x512xf32>
    tpu.vector_store %arg17[%swap3A_2216, %swap3A_2217, %swap3A_2218], %broadcast_in_dim3A_2215 {strides = array<i32>} : memref<16x32x512xf32, #tpu.memory_space<vmem>>, vector<16x1x512xf32>,
    %get3A_2220 = arith.constant 16 : index
    %get3A_2221 = arith.constant 0 : index
    %get3A_2222 = arith.constant 0 : index
    %get3A_2223 = vector.load %arg15[%get3A_2220, %get3A_2221, %get3A_2222] : memref<32x16x1536xf32, #tpu.memory_space<vmem>>, vector<1x16x1536xf32>
    %get3A_2224 = vector.shape_cast %get3A_2223 : vector<1x16x1536xf32> to vector<16x1536xf32>
    %get3A_2225 = arith.constant 15 : index
    %get3A_2226 = arith.constant 0 : index
    %get3A_2227 = arith.constant 0 : index
    %get3A_2228 = vector.load %arg16[%get3A_2225, %get3A_2226, %get3A_2227] : memref<32x16x1536xf32, #tpu.memory_space<vmem>>, vector<1x16x1536xf32>
    %get3A_2229 = vector.shape_cast %get3A_2228 : vector<1x16x1536xf32> to vector<16x1536xf32>
    %slice3A_2230 = vector.extract_strided_slice %get3A_2224 {offsets = [0, 0], sizes = [16, 512], strides = [1, 1]} : vector<16x1536xf32> to vector<16x512xf32>
    %get3A_2231 = arith.constant 0 : index
    %get3A_2232 = arith.constant 0 : index
    %get3A_2233 = vector.load %arg20[%get3A_2231, %get3A_2232] : memref<1536x512xf32, #tpu.memory_space<vmem>>, vector<512x512xf32>
    %dot_general3A_2234 = arith.constant dense<0.000000e+00> : vector<16x512xf32>
    %dot_general3A_2235 = tpu.matmul %add3A_2203, %get3A_2233, %dot_general3A_2234 {dimension_numbers = #tpu.dot_dimension_numbers<[1], [1], [0], [0], [0, 0, 1, 0], [], []>, transpose_lhs_hint = false} : vector<16x512xf32>, vector<512x512xf32>, vector<16x512xf32> -> vector<16x512xf32>
    %add3A_2236 = arith.addf %slice3A_2230, %dot_general3A_2235 : vector<16x512xf32>
    %get3A_2237 = arith.constant 0 : index
    %get3A_2238 = arith.constant 0 : index
    %get3A_2239 = vector.load %arg12[%get3A_2237, %get3A_2238] : memref<1x1536xf32, #tpu.memory_space<vmem>>, vector<1x512xf32>
    %add3A_2240 = vector.broadcast %get3A_2239 : vector<1x512xf32> to vector<16x512xf32>
    %add3A_2241 = arith.addf %add3A_2236, %add3A_2240 : vector<16x512xf32>
    %logistic3A_2242 = arith.negf %add3A_2241 : vector<16x512xf32>
    %logistic3A_2243 = math.exp %logistic3A_2242 : vector<16x512xf32>
    %logistic3A_2244 = arith.constant 1.000000e+00 : f32
    %logistic3A_2245 = vector.broadcast %logistic3A_2244 : f32 to vector<16x512xf32>
    %logistic3A_2246 = arith.addf %logistic3A_2245, %logistic3A_2243 : vector<16x512xf32>
    %logistic3A_2247 = arith.divf %logistic3A_2245, %logistic3A_2246 : vector<16x512xf32>
    %slice3A_2248 = vector.extract_strided_slice %get3A_2229 {offsets = [0, 0], sizes = [16, 512], strides = [1, 1]} : vector<16x1536xf32> to vector<16x512xf32>
    %get3A_2249 = arith.constant 0 : index
    %get3A_2250 = arith.constant 0 : index
    %get3A_2251 = vector.load %arg21[%get3A_2249, %get3A_2250] : memref<1536x512xf32, #tpu.memory_space<vmem>>, vector<512x512xf32>
    %dot_general3A_2252 = arith.constant dense<0.000000e+00> : vector<16x512xf32>
    %dot_general3A_2253 = tpu.matmul %add3A_2209, %get3A_2251, %dot_general3A_2252 {dimension_numbers = #tpu.dot_dimension_numbers<[1], [1], [0], [0], [0, 0, 1, 0], [], []>, transpose_lhs_hint = false} : vector<16x512xf32>, vector<512x512xf32>, vector<16x512xf32> -> vector<16x512xf32>
    %add3A_2254 = arith.addf %slice3A_2248, %dot_general3A_2253 : vector<16x512xf32>
    %get3A_2255 = arith.constant 0 : index
    %get3A_2256 = arith.constant 0 : index
    %get3A_2257 = vector.load %arg13[%get3A_2255, %get3A_2256] : memref<1x1536xf32, #tpu.memory_space<vmem>>, vector<1x512xf32>
    %add3A_2258 = vector.broadcast %get3A_2257 : vector<1x512xf32> to vector<16x512xf32>
    %add3A_2259 = arith.addf %add3A_2254, %add3A_2258 : vector<16x512xf32>
    %logistic3A_2260 = arith.negf %add3A_2259 : vector<16x512xf32>
    %logistic3A_2261 = math.exp %logistic3A_2260 : vector<16x512xf32>
    %logistic3A_2262 = arith.constant 1.000000e+00 : f32
    %logistic3A_2263 = vector.broadcast %logistic3A_2262 : f32 to vector<16x512xf32>
    %logistic3A_2264 = arith.addf %logistic3A_2263, %logistic3A_2261 : vector<16x512xf32>
    %logistic3A_2265 = arith.divf %logistic3A_2263, %logistic3A_2264 : vector<16x512xf32>
    %slice3A_2266 = vector.extract_strided_slice %get3A_2224 {offsets = [0, 512], sizes = [16, 512], strides = [1, 1]} : vector<16x1536xf32> to vector<16x512xf32>
    %get3A_2267 = arith.constant 512 : index
    %get3A_2268 = arith.constant 0 : index
    %get3A_2269 = vector.load %arg20[%get3A_2267, %get3A_2268] : memref<1536x512xf32, #tpu.memory_space<vmem>>, vector<512x512xf32>
    %dot_general3A_2270 = arith.constant dense<0.000000e+00> : vector<16x512xf32>
    %dot_general3A_2271 = tpu.matmul %add3A_2203, %get3A_2269, %dot_general3A_2270 {dimension_numbers = #tpu.dot_dimension_numbers<[1], [1], [0], [0], [0, 0, 1, 0], [], []>, transpose_lhs_hint = false} : vector<16x512xf32>, vector<512x512xf32>, vector<16x512xf32> -> vector<16x512xf32>
    %add3A_2272 = arith.addf %slice3A_2266, %dot_general3A_2271 : vector<16x512xf32>
    %get3A_2273 = arith.constant 0 : index
    %get3A_2274 = arith.constant 512 : index
    %get3A_2275 = vector.load %arg12[%get3A_2273, %get3A_2274] : memref<1x1536xf32, #tpu.memory_space<vmem>>, vector<1x512xf32>
    %add3A_2276 = vector.broadcast %get3A_2275 : vector<1x512xf32> to vector<16x512xf32>
    %add3A_2277 = arith.addf %add3A_2272, %add3A_2276 : vector<16x512xf32>
    %logistic3A_2278 = arith.negf %add3A_2277 : vector<16x512xf32>
    %logistic3A_2279 = math.exp %logistic3A_2278 : vector<16x512xf32>
    %logistic3A_2280 = arith.constant 1.000000e+00 : f32
    %logistic3A_2281 = vector.broadcast %logistic3A_2280 : f32 to vector<16x512xf32>
    %logistic3A_2282 = arith.addf %logistic3A_2281, %logistic3A_2279 : vector<16x512xf32>
    %logistic3A_2283 = arith.divf %logistic3A_2281, %logistic3A_2282 : vector<16x512xf32>
    %slice3A_2284 = vector.extract_strided_slice %get3A_2229 {offsets = [0, 512], sizes = [16, 512], strides = [1, 1]} : vector<16x1536xf32> to vector<16x512xf32>
    %get3A_2285 = arith.constant 512 : index
    %get3A_2286 = arith.constant 0 : index
    %get3A_2287 = vector.load %arg21[%get3A_2285, %get3A_2286] : memref<1536x512xf32, #tpu.memory_space<vmem>>, vector<512x512xf32>
    %dot_general3A_2288 = arith.constant dense<0.000000e+00> : vector<16x512xf32>
    %dot_general3A_2289 = tpu.matmul %add3A_2209, %get3A_2287, %dot_general3A_2288 {dimension_numbers = #tpu.dot_dimension_numbers<[1], [1], [0], [0], [0, 0, 1, 0], [], []>, transpose_lhs_hint = false} : vector<16x512xf32>, vector<512x512xf32>, vector<16x512xf32> -> vector<16x512xf32>
    %add3A_2290 = arith.addf %slice3A_2284, %dot_general3A_2289 : vector<16x512xf32>
    %get3A_2291 = arith.constant 0 : index
    %get3A_2292 = arith.constant 512 : index
    %get3A_2293 = vector.load %arg13[%get3A_2291, %get3A_2292] : memref<1x1536xf32, #tpu.memory_space<vmem>>, vector<1x512xf32>
    %add3A_2294 = vector.broadcast %get3A_2293 : vector<1x512xf32> to vector<16x512xf32>
    %add3A_2295 = arith.addf %add3A_2290, %add3A_2294 : vector<16x512xf32>
    %logistic3A_2296 = arith.negf %add3A_2295 : vector<16x512xf32>
    %logistic3A_2297 = math.exp %logistic3A_2296 : vector<16x512xf32>
    %logistic3A_2298 = arith.constant 1.000000e+00 : f32
    %logistic3A_2299 = vector.broadcast %logistic3A_2298 : f32 to vector<16x512xf32>
    %logistic3A_2300 = arith.addf %logistic3A_2299, %logistic3A_2297 : vector<16x512xf32>
    %logistic3A_2301 = arith.divf %logistic3A_2299, %logistic3A_2300 : vector<16x512xf32>
    %slice3A_2302 = vector.extract_strided_slice %get3A_2224 {offsets = [0, 1024], sizes = [16, 512], strides = [1, 1]} : vector<16x1536xf32> to vector<16x512xf32>
    %get3A_2303 = arith.constant 1024 : index
    %get3A_2304 = arith.constant 0 : index
    %get3A_2305 = vector.load %arg20[%get3A_2303, %get3A_2304] : memref<1536x512xf32, #tpu.memory_space<vmem>>, vector<512x512xf32>
    %dot_general3A_2306 = arith.constant dense<0.000000e+00> : vector<16x512xf32>
    %dot_general3A_2307 = tpu.matmul %add3A_2203, %get3A_2305, %dot_general3A_2306 {dimension_numbers = #tpu.dot_dimension_numbers<[1], [1], [0], [0], [0, 0, 1, 0], [], []>, transpose_lhs_hint = false} : vector<16x512xf32>, vector<512x512xf32>, vector<16x512xf32> -> vector<16x512xf32>
    %get3A_2308 = arith.constant 0 : index
    %get3A_2309 = arith.constant 1024 : index
    %get3A_2310 = vector.load %arg12[%get3A_2308, %get3A_2309] : memref<1x1536xf32, #tpu.memory_space<vmem>>, vector<1x512xf32>
    %add3A_2311 = vector.broadcast %get3A_2310 : vector<1x512xf32> to vector<16x512xf32>
    %add3A_2312 = arith.addf %dot_general3A_2307, %add3A_2311 : vector<16x512xf32>
    %mul3A_2313 = arith.mulf %logistic3A_2247, %add3A_2312 : vector<16x512xf32>
    %add3A_2314 = arith.addf %slice3A_2302, %mul3A_2313 : vector<16x512xf32>
    %tanh3A_2315 = math.tanh %add3A_2314 : vector<16x512xf32>
    %slice3A_2316 = vector.extract_strided_slice %get3A_2229 {offsets = [0, 1024], sizes = [16, 512], strides = [1, 1]} : vector<16x1536xf32> to vector<16x512xf32>
    %get3A_2317 = arith.constant 1024 : index
    %get3A_2318 = arith.constant 0 : index
    %get3A_2319 = vector.load %arg21[%get3A_2317, %get3A_2318] : memref<1536x512xf32, #tpu.memory_space<vmem>>, vector<512x512xf32>
    %dot_general3A_2320 = arith.constant dense<0.000000e+00> : vector<16x512xf32>
    %dot_general3A_2321 = tpu.matmul %add3A_2209, %get3A_2319, %dot_general3A_2320 {dimension_numbers = #tpu.dot_dimension_numbers<[1], [1], [0], [0], [0, 0, 1, 0], [], []>, transpose_lhs_hint = false} : vector<16x512xf32>, vector<512x512xf32>, vector<16x512xf32> -> vector<16x512xf32>
    %get3A_2322 = arith.constant 0 : index
    %get3A_2323 = arith.constant 1024 : index
    %get3A_2324 = vector.load %arg13[%get3A_2322, %get3A_2323] : memref<1x1536xf32, #tpu.memory_space<vmem>>, vector<1x512xf32>
    %add3A_2325 = vector.broadcast %get3A_2324 : vector<1x512xf32> to vector<16x512xf32>
    %add3A_2326 = arith.addf %dot_general3A_2321, %add3A_2325 : vector<16x512xf32>
    %mul3A_2327 = arith.mulf %logistic3A_2265, %add3A_2326 : vector<16x512xf32>
    %add3A_2328 = arith.addf %slice3A_2316, %mul3A_2327 : vector<16x512xf32>
    %tanh3A_2329 = math.tanh %add3A_2328 : vector<16x512xf32>
    %sub3A_2330 = arith.constant 1.000000e+00 : f32
    %sub3A_2331 = vector.broadcast %sub3A_2330 : f32 to vector<16x512xf32>
    %sub3A_2332 = arith.subf %sub3A_2331, %logistic3A_2283 : vector<16x512xf32>
    %mul3A_2333 = arith.mulf %sub3A_2332, %tanh3A_2315 : vector<16x512xf32>
    %mul3A_2334 = arith.mulf %logistic3A_2283, %add3A_2203 : vector<16x512xf32>
    %add3A_2335 = arith.addf %mul3A_2333, %mul3A_2334 : vector<16x512xf32>
    %sub3A_2336 = arith.constant 1.000000e+00 : f32
    %sub3A_2337 = vector.broadcast %sub3A_2336 : f32 to vector<16x512xf32>
    %sub3A_2338 = arith.subf %sub3A_2337, %logistic3A_2301 : vector<16x512xf32>
    %mul3A_2339 = arith.mulf %sub3A_2338, %tanh3A_2329 : vector<16x512xf32>
    %mul3A_2340 = arith.mulf %logistic3A_2301, %add3A_2209 : vector<16x512xf32>
    %add3A_2341 = arith.addf %mul3A_2339, %mul3A_2340 : vector<16x512xf32>
    %broadcast_in_dim3A_2342 = vector.shape_cast %add3A_2335 : vector<16x512xf32> to vector<16x1x512xf32>
    %swap3A_2343 = arith.constant 0 : index
    %swap3A_2344 = arith.constant 16 : index
    %swap3A_2345 = arith.constant 0 : index
    %swap3A_2346 = vector.load %arg14[%swap3A_2343, %swap3A_2344, %swap3A_2345] : memref<16x32x512xf32, #tpu.memory_space<vmem>>, vector<16x1x512xf32>
    tpu.vector_store %arg14[%swap3A_2343, %swap3A_2344, %swap3A_2345], %broadcast_in_dim3A_2342 {strides = array<i32>} : memref<16x32x512xf32, #tpu.memory_space<vmem>>, vector<16x1x512xf32>,
    %broadcast_in_dim3A_2347 = vector.shape_cast %add3A_2341 : vector<16x512xf32> to vector<16x1x512xf32>
    %swap3A_2348 = arith.constant 0 : index
    %swap3A_2349 = arith.constant 15 : index
    %swap3A_2350 = arith.constant 0 : index
    %swap3A_2351 = vector.load %arg17[%swap3A_2348, %swap3A_2349, %swap3A_2350] : memref<16x32x512xf32, #tpu.memory_space<vmem>>, vector<16x1x512xf32>
    tpu.vector_store %arg17[%swap3A_2348, %swap3A_2349, %swap3A_2350], %broadcast_in_dim3A_2347 {strides = array<i32>} : memref<16x32x512xf32, #tpu.memory_space<vmem>>, vector<16x1x512xf32>,
    %get3A_2352 = arith.constant 17 : index
    %get3A_2353 = arith.constant 0 : index
    %get3A_2354 = arith.constant 0 : index
    %get3A_2355 = vector.load %arg15[%get3A_2352, %get3A_2353, %get3A_2354] : memref<32x16x1536xf32, #tpu.memory_space<vmem>>, vector<1x16x1536xf32>
    %get3A_2356 = vector.shape_cast %get3A_2355 : vector<1x16x1536xf32> to vector<16x1536xf32>
    %get3A_2357 = arith.constant 14 : index
    %get3A_2358 = arith.constant 0 : index
    %get3A_2359 = arith.constant 0 : index
    %get3A_2360 = vector.load %arg16[%get3A_2357, %get3A_2358, %get3A_2359] : memref<32x16x1536xf32, #tpu.memory_space<vmem>>, vector<1x16x1536xf32>
    %get3A_2361 = vector.shape_cast %get3A_2360 : vector<1x16x1536xf32> to vector<16x1536xf32>
    %slice3A_2362 = vector.extract_strided_slice %get3A_2356 {offsets = [0, 0], sizes = [16, 512], strides = [1, 1]} : vector<16x1536xf32> to vector<16x512xf32>
    %get3A_2363 = arith.constant 0 : index
    %get3A_2364 = arith.constant 0 : index
    %get3A_2365 = vector.load %arg20[%get3A_2363, %get3A_2364] : memref<1536x512xf32, #tpu.memory_space<vmem>>, vector<512x512xf32>
    %dot_general3A_2366 = arith.constant dense<0.000000e+00> : vector<16x512xf32>
    %dot_general3A_2367 = tpu.matmul %add3A_2335, %get3A_2365, %dot_general3A_2366 {dimension_numbers = #tpu.dot_dimension_numbers<[1], [1], [0], [0], [0, 0, 1, 0], [], []>, transpose_lhs_hint = false} : vector<16x512xf32>, vector<512x512xf32>, vector<16x512xf32> -> vector<16x512xf32>
    %add3A_2368 = arith.addf %slice3A_2362, %dot_general3A_2367 : vector<16x512xf32>
    %get3A_2369 = arith.constant 0 : index
    %get3A_2370 = arith.constant 0 : index
    %get3A_2371 = vector.load %arg12[%get3A_2369, %get3A_2370] : memref<1x1536xf32, #tpu.memory_space<vmem>>, vector<1x512xf32>
    %add3A_2372 = vector.broadcast %get3A_2371 : vector<1x512xf32> to vector<16x512xf32>
    %add3A_2373 = arith.addf %add3A_2368, %add3A_2372 : vector<16x512xf32>
    %logistic3A_2374 = arith.negf %add3A_2373 : vector<16x512xf32>
    %logistic3A_2375 = math.exp %logistic3A_2374 : vector<16x512xf32>
    %logistic3A_2376 = arith.constant 1.000000e+00 : f32
    %logistic3A_2377 = vector.broadcast %logistic3A_2376 : f32 to vector<16x512xf32>
    %logistic3A_2378 = arith.addf %logistic3A_2377, %logistic3A_2375 : vector<16x512xf32>
    %logistic3A_2379 = arith.divf %logistic3A_2377, %logistic3A_2378 : vector<16x512xf32>
    %slice3A_2380 = vector.extract_strided_slice %get3A_2361 {offsets = [0, 0], sizes = [16, 512], strides = [1, 1]} : vector<16x1536xf32> to vector<16x512xf32>
    %get3A_2381 = arith.constant 0 : index
    %get3A_2382 = arith.constant 0 : index
    %get3A_2383 = vector.load %arg21[%get3A_2381, %get3A_2382] : memref<1536x512xf32, #tpu.memory_space<vmem>>, vector<512x512xf32>
    %dot_general3A_2384 = arith.constant dense<0.000000e+00> : vector<16x512xf32>
    %dot_general3A_2385 = tpu.matmul %add3A_2341, %get3A_2383, %dot_general3A_2384 {dimension_numbers = #tpu.dot_dimension_numbers<[1], [1], [0], [0], [0, 0, 1, 0], [], []>, transpose_lhs_hint = false} : vector<16x512xf32>, vector<512x512xf32>, vector<16x512xf32> -> vector<16x512xf32>
    %add3A_2386 = arith.addf %slice3A_2380, %dot_general3A_2385 : vector<16x512xf32>
    %get3A_2387 = arith.constant 0 : index
    %get3A_2388 = arith.constant 0 : index
    %get3A_2389 = vector.load %arg13[%get3A_2387, %get3A_2388] : memref<1x1536xf32, #tpu.memory_space<vmem>>, vector<1x512xf32>
    %add3A_2390 = vector.broadcast %get3A_2389 : vector<1x512xf32> to vector<16x512xf32>
    %add3A_2391 = arith.addf %add3A_2386, %add3A_2390 : vector<16x512xf32>
    %logistic3A_2392 = arith.negf %add3A_2391 : vector<16x512xf32>
    %logistic3A_2393 = math.exp %logistic3A_2392 : vector<16x512xf32>
    %logistic3A_2394 = arith.constant 1.000000e+00 : f32
    %logistic3A_2395 = vector.broadcast %logistic3A_2394 : f32 to vector<16x512xf32>
    %logistic3A_2396 = arith.addf %logistic3A_2395, %logistic3A_2393 : vector<16x512xf32>
    %logistic3A_2397 = arith.divf %logistic3A_2395, %logistic3A_2396 : vector<16x512xf32>
    %slice3A_2398 = vector.extract_strided_slice %get3A_2356 {offsets = [0, 512], sizes = [16, 512], strides = [1, 1]} : vector<16x1536xf32> to vector<16x512xf32>
    %get3A_2399 = arith.constant 512 : index
    %get3A_2400 = arith.constant 0 : index
    %get3A_2401 = vector.load %arg20[%get3A_2399, %get3A_2400] : memref<1536x512xf32, #tpu.memory_space<vmem>>, vector<512x512xf32>
    %dot_general3A_2402 = arith.constant dense<0.000000e+00> : vector<16x512xf32>
    %dot_general3A_2403 = tpu.matmul %add3A_2335, %get3A_2401, %dot_general3A_2402 {dimension_numbers = #tpu.dot_dimension_numbers<[1], [1], [0], [0], [0, 0, 1, 0], [], []>, transpose_lhs_hint = false} : vector<16x512xf32>, vector<512x512xf32>, vector<16x512xf32> -> vector<16x512xf32>
    %add3A_2404 = arith.addf %slice3A_2398, %dot_general3A_2403 : vector<16x512xf32>
    %get3A_2405 = arith.constant 0 : index
    %get3A_2406 = arith.constant 512 : index
    %get3A_2407 = vector.load %arg12[%get3A_2405, %get3A_2406] : memref<1x1536xf32, #tpu.memory_space<vmem>>, vector<1x512xf32>
    %add3A_2408 = vector.broadcast %get3A_2407 : vector<1x512xf32> to vector<16x512xf32>
    %add3A_2409 = arith.addf %add3A_2404, %add3A_2408 : vector<16x512xf32>
    %logistic3A_2410 = arith.negf %add3A_2409 : vector<16x512xf32>
    %logistic3A_2411 = math.exp %logistic3A_2410 : vector<16x512xf32>
    %logistic3A_2412 = arith.constant 1.000000e+00 : f32
    %logistic3A_2413 = vector.broadcast %logistic3A_2412 : f32 to vector<16x512xf32>
    %logistic3A_2414 = arith.addf %logistic3A_2413, %logistic3A_2411 : vector<16x512xf32>
    %logistic3A_2415 = arith.divf %logistic3A_2413, %logistic3A_2414 : vector<16x512xf32>
    %slice3A_2416 = vector.extract_strided_slice %get3A_2361 {offsets = [0, 512], sizes = [16, 512], strides = [1, 1]} : vector<16x1536xf32> to vector<16x512xf32>
    %get3A_2417 = arith.constant 512 : index
    %get3A_2418 = arith.constant 0 : index
    %get3A_2419 = vector.load %arg21[%get3A_2417, %get3A_2418] : memref<1536x512xf32, #tpu.memory_space<vmem>>, vector<512x512xf32>
    %dot_general3A_2420 = arith.constant dense<0.000000e+00> : vector<16x512xf32>
    %dot_general3A_2421 = tpu.matmul %add3A_2341, %get3A_2419, %dot_general3A_2420 {dimension_numbers = #tpu.dot_dimension_numbers<[1], [1], [0], [0], [0, 0, 1, 0], [], []>, transpose_lhs_hint = false} : vector<16x512xf32>, vector<512x512xf32>, vector<16x512xf32> -> vector<16x512xf32>
    %add3A_2422 = arith.addf %slice3A_2416, %dot_general3A_2421 : vector<16x512xf32>
    %get3A_2423 = arith.constant 0 : index
    %get3A_2424 = arith.constant 512 : index
    %get3A_2425 = vector.load %arg13[%get3A_2423, %get3A_2424] : memref<1x1536xf32, #tpu.memory_space<vmem>>, vector<1x512xf32>
    %add3A_2426 = vector.broadcast %get3A_2425 : vector<1x512xf32> to vector<16x512xf32>
    %add3A_2427 = arith.addf %add3A_2422, %add3A_2426 : vector<16x512xf32>
    %logistic3A_2428 = arith.negf %add3A_2427 : vector<16x512xf32>
    %logistic3A_2429 = math.exp %logistic3A_2428 : vector<16x512xf32>
    %logistic3A_2430 = arith.constant 1.000000e+00 : f32
    %logistic3A_2431 = vector.broadcast %logistic3A_2430 : f32 to vector<16x512xf32>
    %logistic3A_2432 = arith.addf %logistic3A_2431, %logistic3A_2429 : vector<16x512xf32>
    %logistic3A_2433 = arith.divf %logistic3A_2431, %logistic3A_2432 : vector<16x512xf32>
    %slice3A_2434 = vector.extract_strided_slice %get3A_2356 {offsets = [0, 1024], sizes = [16, 512], strides = [1, 1]} : vector<16x1536xf32> to vector<16x512xf32>
    %get3A_2435 = arith.constant 1024 : index
    %get3A_2436 = arith.constant 0 : index
    %get3A_2437 = vector.load %arg20[%get3A_2435, %get3A_2436] : memref<1536x512xf32, #tpu.memory_space<vmem>>, vector<512x512xf32>
    %dot_general3A_2438 = arith.constant dense<0.000000e+00> : vector<16x512xf32>
    %dot_general3A_2439 = tpu.matmul %add3A_2335, %get3A_2437, %dot_general3A_2438 {dimension_numbers = #tpu.dot_dimension_numbers<[1], [1], [0], [0], [0, 0, 1, 0], [], []>, transpose_lhs_hint = false} : vector<16x512xf32>, vector<512x512xf32>, vector<16x512xf32> -> vector<16x512xf32>
    %get3A_2440 = arith.constant 0 : index
    %get3A_2441 = arith.constant 1024 : index
    %get3A_2442 = vector.load %arg12[%get3A_2440, %get3A_2441] : memref<1x1536xf32, #tpu.memory_space<vmem>>, vector<1x512xf32>
    %add3A_2443 = vector.broadcast %get3A_2442 : vector<1x512xf32> to vector<16x512xf32>
    %add3A_2444 = arith.addf %dot_general3A_2439, %add3A_2443 : vector<16x512xf32>
    %mul3A_2445 = arith.mulf %logistic3A_2379, %add3A_2444 : vector<16x512xf32>
    %add3A_2446 = arith.addf %slice3A_2434, %mul3A_2445 : vector<16x512xf32>
    %tanh3A_2447 = math.tanh %add3A_2446 : vector<16x512xf32>
    %slice3A_2448 = vector.extract_strided_slice %get3A_2361 {offsets = [0, 1024], sizes = [16, 512], strides = [1, 1]} : vector<16x1536xf32> to vector<16x512xf32>
    %get3A_2449 = arith.constant 1024 : index
    %get3A_2450 = arith.constant 0 : index
    %get3A_2451 = vector.load %arg21[%get3A_2449, %get3A_2450] : memref<1536x512xf32, #tpu.memory_space<vmem>>, vector<512x512xf32>
    %dot_general3A_2452 = arith.constant dense<0.000000e+00> : vector<16x512xf32>
    %dot_general3A_2453 = tpu.matmul %add3A_2341, %get3A_2451, %dot_general3A_2452 {dimension_numbers = #tpu.dot_dimension_numbers<[1], [1], [0], [0], [0, 0, 1, 0], [], []>, transpose_lhs_hint = false} : vector<16x512xf32>, vector<512x512xf32>, vector<16x512xf32> -> vector<16x512xf32>
    %get3A_2454 = arith.constant 0 : index
    %get3A_2455 = arith.constant 1024 : index
    %get3A_2456 = vector.load %arg13[%get3A_2454, %get3A_2455] : memref<1x1536xf32, #tpu.memory_space<vmem>>, vector<1x512xf32>
    %add3A_2457 = vector.broadcast %get3A_2456 : vector<1x512xf32> to vector<16x512xf32>
    %add3A_2458 = arith.addf %dot_general3A_2453, %add3A_2457 : vector<16x512xf32>
    %mul3A_2459 = arith.mulf %logistic3A_2397, %add3A_2458 : vector<16x512xf32>
    %add3A_2460 = arith.addf %slice3A_2448, %mul3A_2459 : vector<16x512xf32>
    %tanh3A_2461 = math.tanh %add3A_2460 : vector<16x512xf32>
    %sub3A_2462 = arith.constant 1.000000e+00 : f32
    %sub3A_2463 = vector.broadcast %sub3A_2462 : f32 to vector<16x512xf32>
    %sub3A_2464 = arith.subf %sub3A_2463, %logistic3A_2415 : vector<16x512xf32>
    %mul3A_2465 = arith.mulf %sub3A_2464, %tanh3A_2447 : vector<16x512xf32>
    %mul3A_2466 = arith.mulf %logistic3A_2415, %add3A_2335 : vector<16x512xf32>
    %add3A_2467 = arith.addf %mul3A_2465, %mul3A_2466 : vector<16x512xf32>
    %sub3A_2468 = arith.constant 1.000000e+00 : f32
    %sub3A_2469 = vector.broadcast %sub3A_2468 : f32 to vector<16x512xf32>
    %sub3A_2470 = arith.subf %sub3A_2469, %logistic3A_2433 : vector<16x512xf32>
    %mul3A_2471 = arith.mulf %sub3A_2470, %tanh3A_2461 : vector<16x512xf32>
    %mul3A_2472 = arith.mulf %logistic3A_2433, %add3A_2341 : vector<16x512xf32>
    %add3A_2473 = arith.addf %mul3A_2471, %mul3A_2472 : vector<16x512xf32>
    %broadcast_in_dim3A_2474 = vector.shape_cast %add3A_2467 : vector<16x512xf32> to vector<16x1x512xf32>
    %swap3A_2475 = arith.constant 0 : index
    %swap3A_2476 = arith.constant 17 : index
    %swap3A_2477 = arith.constant 0 : index
    %swap3A_2478 = vector.load %arg14[%swap3A_2475, %swap3A_2476, %swap3A_2477] : memref<16x32x512xf32, #tpu.memory_space<vmem>>, vector<16x1x512xf32>
    tpu.vector_store %arg14[%swap3A_2475, %swap3A_2476, %swap3A_2477], %broadcast_in_dim3A_2474 {strides = array<i32>} : memref<16x32x512xf32, #tpu.memory_space<vmem>>, vector<16x1x512xf32>,
    %broadcast_in_dim3A_2479 = vector.shape_cast %add3A_2473 : vector<16x512xf32> to vector<16x1x512xf32>
    %swap3A_2480 = arith.constant 0 : index
    %swap3A_2481 = arith.constant 14 : index
    %swap3A_2482 = arith.constant 0 : index
    %swap3A_2483 = vector.load %arg17[%swap3A_2480, %swap3A_2481, %swap3A_2482] : memref<16x32x512xf32, #tpu.memory_space<vmem>>, vector<16x1x512xf32>
    tpu.vector_store %arg17[%swap3A_2480, %swap3A_2481, %swap3A_2482], %broadcast_in_dim3A_2479 {strides = array<i32>} : memref<16x32x512xf32, #tpu.memory_space<vmem>>, vector<16x1x512xf32>,
    %get3A_2484 = arith.constant 18 : index
    %get3A_2485 = arith.constant 0 : index
    %get3A_2486 = arith.constant 0 : index
    %get3A_2487 = vector.load %arg15[%get3A_2484, %get3A_2485, %get3A_2486] : memref<32x16x1536xf32, #tpu.memory_space<vmem>>, vector<1x16x1536xf32>
    %get3A_2488 = vector.shape_cast %get3A_2487 : vector<1x16x1536xf32> to vector<16x1536xf32>
    %get3A_2489 = arith.constant 13 : index
    %get3A_2490 = arith.constant 0 : index
    %get3A_2491 = arith.constant 0 : index
    %get3A_2492 = vector.load %arg16[%get3A_2489, %get3A_2490, %get3A_2491] : memref<32x16x1536xf32, #tpu.memory_space<vmem>>, vector<1x16x1536xf32>
    %get3A_2493 = vector.shape_cast %get3A_2492 : vector<1x16x1536xf32> to vector<16x1536xf32>
    %slice3A_2494 = vector.extract_strided_slice %get3A_2488 {offsets = [0, 0], sizes = [16, 512], strides = [1, 1]} : vector<16x1536xf32> to vector<16x512xf32>
    %get3A_2495 = arith.constant 0 : index
    %get3A_2496 = arith.constant 0 : index
    %get3A_2497 = vector.load %arg20[%get3A_2495, %get3A_2496] : memref<1536x512xf32, #tpu.memory_space<vmem>>, vector<512x512xf32>
    %dot_general3A_2498 = arith.constant dense<0.000000e+00> : vector<16x512xf32>
    %dot_general3A_2499 = tpu.matmul %add3A_2467, %get3A_2497, %dot_general3A_2498 {dimension_numbers = #tpu.dot_dimension_numbers<[1], [1], [0], [0], [0, 0, 1, 0], [], []>, transpose_lhs_hint = false} : vector<16x512xf32>, vector<512x512xf32>, vector<16x512xf32> -> vector<16x512xf32>
    %add3A_2500 = arith.addf %slice3A_2494, %dot_general3A_2499 : vector<16x512xf32>
    %get3A_2501 = arith.constant 0 : index
    %get3A_2502 = arith.constant 0 : index
    %get3A_2503 = vector.load %arg12[%get3A_2501, %get3A_2502] : memref<1x1536xf32, #tpu.memory_space<vmem>>, vector<1x512xf32>
    %add3A_2504 = vector.broadcast %get3A_2503 : vector<1x512xf32> to vector<16x512xf32>
    %add3A_2505 = arith.addf %add3A_2500, %add3A_2504 : vector<16x512xf32>
    %logistic3A_2506 = arith.negf %add3A_2505 : vector<16x512xf32>
    %logistic3A_2507 = math.exp %logistic3A_2506 : vector<16x512xf32>
    %logistic3A_2508 = arith.constant 1.000000e+00 : f32
    %logistic3A_2509 = vector.broadcast %logistic3A_2508 : f32 to vector<16x512xf32>
    %logistic3A_2510 = arith.addf %logistic3A_2509, %logistic3A_2507 : vector<16x512xf32>
    %logistic3A_2511 = arith.divf %logistic3A_2509, %logistic3A_2510 : vector<16x512xf32>
    %slice3A_2512 = vector.extract_strided_slice %get3A_2493 {offsets = [0, 0], sizes = [16, 512], strides = [1, 1]} : vector<16x1536xf32> to vector<16x512xf32>
    %get3A_2513 = arith.constant 0 : index
    %get3A_2514 = arith.constant 0 : index
    %get3A_2515 = vector.load %arg21[%get3A_2513, %get3A_2514] : memref<1536x512xf32, #tpu.memory_space<vmem>>, vector<512x512xf32>
    %dot_general3A_2516 = arith.constant dense<0.000000e+00> : vector<16x512xf32>
    %dot_general3A_2517 = tpu.matmul %add3A_2473, %get3A_2515, %dot_general3A_2516 {dimension_numbers = #tpu.dot_dimension_numbers<[1], [1], [0], [0], [0, 0, 1, 0], [], []>, transpose_lhs_hint = false} : vector<16x512xf32>, vector<512x512xf32>, vector<16x512xf32> -> vector<16x512xf32>
    %add3A_2518 = arith.addf %slice3A_2512, %dot_general3A_2517 : vector<16x512xf32>
    %get3A_2519 = arith.constant 0 : index
    %get3A_2520 = arith.constant 0 : index
    %get3A_2521 = vector.load %arg13[%get3A_2519, %get3A_2520] : memref<1x1536xf32, #tpu.memory_space<vmem>>, vector<1x512xf32>
    %add3A_2522 = vector.broadcast %get3A_2521 : vector<1x512xf32> to vector<16x512xf32>
    %add3A_2523 = arith.addf %add3A_2518, %add3A_2522 : vector<16x512xf32>
    %logistic3A_2524 = arith.negf %add3A_2523 : vector<16x512xf32>
    %logistic3A_2525 = math.exp %logistic3A_2524 : vector<16x512xf32>
    %logistic3A_2526 = arith.constant 1.000000e+00 : f32
    %logistic3A_2527 = vector.broadcast %logistic3A_2526 : f32 to vector<16x512xf32>
    %logistic3A_2528 = arith.addf %logistic3A_2527, %logistic3A_2525 : vector<16x512xf32>
    %logistic3A_2529 = arith.divf %logistic3A_2527, %logistic3A_2528 : vector<16x512xf32>
    %slice3A_2530 = vector.extract_strided_slice %get3A_2488 {offsets = [0, 512], sizes = [16, 512], strides = [1, 1]} : vector<16x1536xf32> to vector<16x512xf32>
    %get3A_2531 = arith.constant 512 : index
    %get3A_2532 = arith.constant 0 : index
    %get3A_2533 = vector.load %arg20[%get3A_2531, %get3A_2532] : memref<1536x512xf32, #tpu.memory_space<vmem>>, vector<512x512xf32>
    %dot_general3A_2534 = arith.constant dense<0.000000e+00> : vector<16x512xf32>
    %dot_general3A_2535 = tpu.matmul %add3A_2467, %get3A_2533, %dot_general3A_2534 {dimension_numbers = #tpu.dot_dimension_numbers<[1], [1], [0], [0], [0, 0, 1, 0], [], []>, transpose_lhs_hint = false} : vector<16x512xf32>, vector<512x512xf32>, vector<16x512xf32> -> vector<16x512xf32>
    %add3A_2536 = arith.addf %slice3A_2530, %dot_general3A_2535 : vector<16x512xf32>
    %get3A_2537 = arith.constant 0 : index
    %get3A_2538 = arith.constant 512 : index
    %get3A_2539 = vector.load %arg12[%get3A_2537, %get3A_2538] : memref<1x1536xf32, #tpu.memory_space<vmem>>, vector<1x512xf32>
    %add3A_2540 = vector.broadcast %get3A_2539 : vector<1x512xf32> to vector<16x512xf32>
    %add3A_2541 = arith.addf %add3A_2536, %add3A_2540 : vector<16x512xf32>
    %logistic3A_2542 = arith.negf %add3A_2541 : vector<16x512xf32>
    %logistic3A_2543 = math.exp %logistic3A_2542 : vector<16x512xf32>
    %logistic3A_2544 = arith.constant 1.000000e+00 : f32
    %logistic3A_2545 = vector.broadcast %logistic3A_2544 : f32 to vector<16x512xf32>
    %logistic3A_2546 = arith.addf %logistic3A_2545, %logistic3A_2543 : vector<16x512xf32>
    %logistic3A_2547 = arith.divf %logistic3A_2545, %logistic3A_2546 : vector<16x512xf32>
    %slice3A_2548 = vector.extract_strided_slice %get3A_2493 {offsets = [0, 512], sizes = [16, 512], strides = [1, 1]} : vector<16x1536xf32> to vector<16x512xf32>
    %get3A_2549 = arith.constant 512 : index
    %get3A_2550 = arith.constant 0 : index
    %get3A_2551 = vector.load %arg21[%get3A_2549, %get3A_2550] : memref<1536x512xf32, #tpu.memory_space<vmem>>, vector<512x512xf32>
    %dot_general3A_2552 = arith.constant dense<0.000000e+00> : vector<16x512xf32>
    %dot_general3A_2553 = tpu.matmul %add3A_2473, %get3A_2551, %dot_general3A_2552 {dimension_numbers = #tpu.dot_dimension_numbers<[1], [1], [0], [0], [0, 0, 1, 0], [], []>, transpose_lhs_hint = false} : vector<16x512xf32>, vector<512x512xf32>, vector<16x512xf32> -> vector<16x512xf32>
    %add3A_2554 = arith.addf %slice3A_2548, %dot_general3A_2553 : vector<16x512xf32>
    %get3A_2555 = arith.constant 0 : index
    %get3A_2556 = arith.constant 512 : index
    %get3A_2557 = vector.load %arg13[%get3A_2555, %get3A_2556] : memref<1x1536xf32, #tpu.memory_space<vmem>>, vector<1x512xf32>
    %add3A_2558 = vector.broadcast %get3A_2557 : vector<1x512xf32> to vector<16x512xf32>
    %add3A_2559 = arith.addf %add3A_2554, %add3A_2558 : vector<16x512xf32>
    %logistic3A_2560 = arith.negf %add3A_2559 : vector<16x512xf32>
    %logistic3A_2561 = math.exp %logistic3A_2560 : vector<16x512xf32>
    %logistic3A_2562 = arith.constant 1.000000e+00 : f32
    %logistic3A_2563 = vector.broadcast %logistic3A_2562 : f32 to vector<16x512xf32>
    %logistic3A_2564 = arith.addf %logistic3A_2563, %logistic3A_2561 : vector<16x512xf32>
    %logistic3A_2565 = arith.divf %logistic3A_2563, %logistic3A_2564 : vector<16x512xf32>
    %slice3A_2566 = vector.extract_strided_slice %get3A_2488 {offsets = [0, 1024], sizes = [16, 512], strides = [1, 1]} : vector<16x1536xf32> to vector<16x512xf32>
    %get3A_2567 = arith.constant 1024 : index
    %get3A_2568 = arith.constant 0 : index
    %get3A_2569 = vector.load %arg20[%get3A_2567, %get3A_2568] : memref<1536x512xf32, #tpu.memory_space<vmem>>, vector<512x512xf32>
    %dot_general3A_2570 = arith.constant dense<0.000000e+00> : vector<16x512xf32>
    %dot_general3A_2571 = tpu.matmul %add3A_2467, %get3A_2569, %dot_general3A_2570 {dimension_numbers = #tpu.dot_dimension_numbers<[1], [1], [0], [0], [0, 0, 1, 0], [], []>, transpose_lhs_hint = false} : vector<16x512xf32>, vector<512x512xf32>, vector<16x512xf32> -> vector<16x512xf32>
    %get3A_2572 = arith.constant 0 : index
    %get3A_2573 = arith.constant 1024 : index
    %get3A_2574 = vector.load %arg12[%get3A_2572, %get3A_2573] : memref<1x1536xf32, #tpu.memory_space<vmem>>, vector<1x512xf32>
    %add3A_2575 = vector.broadcast %get3A_2574 : vector<1x512xf32> to vector<16x512xf32>
    %add3A_2576 = arith.addf %dot_general3A_2571, %add3A_2575 : vector<16x512xf32>
    %mul3A_2577 = arith.mulf %logistic3A_2511, %add3A_2576 : vector<16x512xf32>
    %add3A_2578 = arith.addf %slice3A_2566, %mul3A_2577 : vector<16x512xf32>
    %tanh3A_2579 = math.tanh %add3A_2578 : vector<16x512xf32>
    %slice3A_2580 = vector.extract_strided_slice %get3A_2493 {offsets = [0, 1024], sizes = [16, 512], strides = [1, 1]} : vector<16x1536xf32> to vector<16x512xf32>
    %get3A_2581 = arith.constant 1024 : index
    %get3A_2582 = arith.constant 0 : index
    %get3A_2583 = vector.load %arg21[%get3A_2581, %get3A_2582] : memref<1536x512xf32, #tpu.memory_space<vmem>>, vector<512x512xf32>
    %dot_general3A_2584 = arith.constant dense<0.000000e+00> : vector<16x512xf32>
    %dot_general3A_2585 = tpu.matmul %add3A_2473, %get3A_2583, %dot_general3A_2584 {dimension_numbers = #tpu.dot_dimension_numbers<[1], [1], [0], [0], [0, 0, 1, 0], [], []>, transpose_lhs_hint = false} : vector<16x512xf32>, vector<512x512xf32>, vector<16x512xf32> -> vector<16x512xf32>
    %get3A_2586 = arith.constant 0 : index
    %get3A_2587 = arith.constant 1024 : index
    %get3A_2588 = vector.load %arg13[%get3A_2586, %get3A_2587] : memref<1x1536xf32, #tpu.memory_space<vmem>>, vector<1x512xf32>
    %add3A_2589 = vector.broadcast %get3A_2588 : vector<1x512xf32> to vector<16x512xf32>
    %add3A_2590 = arith.addf %dot_general3A_2585, %add3A_2589 : vector<16x512xf32>
    %mul3A_2591 = arith.mulf %logistic3A_2529, %add3A_2590 : vector<16x512xf32>
    %add3A_2592 = arith.addf %slice3A_2580, %mul3A_2591 : vector<16x512xf32>
    %tanh3A_2593 = math.tanh %add3A_2592 : vector<16x512xf32>
    %sub3A_2594 = arith.constant 1.000000e+00 : f32
    %sub3A_2595 = vector.broadcast %sub3A_2594 : f32 to vector<16x512xf32>
    %sub3A_2596 = arith.subf %sub3A_2595, %logistic3A_2547 : vector<16x512xf32>
    %mul3A_2597 = arith.mulf %sub3A_2596, %tanh3A_2579 : vector<16x512xf32>
    %mul3A_2598 = arith.mulf %logistic3A_2547, %add3A_2467 : vector<16x512xf32>
    %add3A_2599 = arith.addf %mul3A_2597, %mul3A_2598 : vector<16x512xf32>
    %sub3A_2600 = arith.constant 1.000000e+00 : f32
    %sub3A_2601 = vector.broadcast %sub3A_2600 : f32 to vector<16x512xf32>
    %sub3A_2602 = arith.subf %sub3A_2601, %logistic3A_2565 : vector<16x512xf32>
    %mul3A_2603 = arith.mulf %sub3A_2602, %tanh3A_2593 : vector<16x512xf32>
    %mul3A_2604 = arith.mulf %logistic3A_2565, %add3A_2473 : vector<16x512xf32>
    %add3A_2605 = arith.addf %mul3A_2603, %mul3A_2604 : vector<16x512xf32>
    %broadcast_in_dim3A_2606 = vector.shape_cast %add3A_2599 : vector<16x512xf32> to vector<16x1x512xf32>
    %swap3A_2607 = arith.constant 0 : index
    %swap3A_2608 = arith.constant 18 : index
    %swap3A_2609 = arith.constant 0 : index
    %swap3A_2610 = vector.load %arg14[%swap3A_2607, %swap3A_2608, %swap3A_2609] : memref<16x32x512xf32, #tpu.memory_space<vmem>>, vector<16x1x512xf32>
    tpu.vector_store %arg14[%swap3A_2607, %swap3A_2608, %swap3A_2609], %broadcast_in_dim3A_2606 {strides = array<i32>} : memref<16x32x512xf32, #tpu.memory_space<vmem>>, vector<16x1x512xf32>,
    %broadcast_in_dim3A_2611 = vector.shape_cast %add3A_2605 : vector<16x512xf32> to vector<16x1x512xf32>
    %swap3A_2612 = arith.constant 0 : index
    %swap3A_2613 = arith.constant 13 : index
    %swap3A_2614 = arith.constant 0 : index
    %swap3A_2615 = vector.load %arg17[%swap3A_2612, %swap3A_2613, %swap3A_2614] : memref<16x32x512xf32, #tpu.memory_space<vmem>>, vector<16x1x512xf32>
    tpu.vector_store %arg17[%swap3A_2612, %swap3A_2613, %swap3A_2614], %broadcast_in_dim3A_2611 {strides = array<i32>} : memref<16x32x512xf32, #tpu.memory_space<vmem>>, vector<16x1x512xf32>,
    %get3A_2616 = arith.constant 19 : index
    %get3A_2617 = arith.constant 0 : index
    %get3A_2618 = arith.constant 0 : index
    %get3A_2619 = vector.load %arg15[%get3A_2616, %get3A_2617, %get3A_2618] : memref<32x16x1536xf32, #tpu.memory_space<vmem>>, vector<1x16x1536xf32>
    %get3A_2620 = vector.shape_cast %get3A_2619 : vector<1x16x1536xf32> to vector<16x1536xf32>
    %get3A_2621 = arith.constant 12 : index
    %get3A_2622 = arith.constant 0 : index
    %get3A_2623 = arith.constant 0 : index
    %get3A_2624 = vector.load %arg16[%get3A_2621, %get3A_2622, %get3A_2623] : memref<32x16x1536xf32, #tpu.memory_space<vmem>>, vector<1x16x1536xf32>
    %get3A_2625 = vector.shape_cast %get3A_2624 : vector<1x16x1536xf32> to vector<16x1536xf32>
    %slice3A_2626 = vector.extract_strided_slice %get3A_2620 {offsets = [0, 0], sizes = [16, 512], strides = [1, 1]} : vector<16x1536xf32> to vector<16x512xf32>
    %get3A_2627 = arith.constant 0 : index
    %get3A_2628 = arith.constant 0 : index
    %get3A_2629 = vector.load %arg20[%get3A_2627, %get3A_2628] : memref<1536x512xf32, #tpu.memory_space<vmem>>, vector<512x512xf32>
    %dot_general3A_2630 = arith.constant dense<0.000000e+00> : vector<16x512xf32>
    %dot_general3A_2631 = tpu.matmul %add3A_2599, %get3A_2629, %dot_general3A_2630 {dimension_numbers = #tpu.dot_dimension_numbers<[1], [1], [0], [0], [0, 0, 1, 0], [], []>, transpose_lhs_hint = false} : vector<16x512xf32>, vector<512x512xf32>, vector<16x512xf32> -> vector<16x512xf32>
    %add3A_2632 = arith.addf %slice3A_2626, %dot_general3A_2631 : vector<16x512xf32>
    %get3A_2633 = arith.constant 0 : index
    %get3A_2634 = arith.constant 0 : index
    %get3A_2635 = vector.load %arg12[%get3A_2633, %get3A_2634] : memref<1x1536xf32, #tpu.memory_space<vmem>>, vector<1x512xf32>
    %add3A_2636 = vector.broadcast %get3A_2635 : vector<1x512xf32> to vector<16x512xf32>
    %add3A_2637 = arith.addf %add3A_2632, %add3A_2636 : vector<16x512xf32>
    %logistic3A_2638 = arith.negf %add3A_2637 : vector<16x512xf32>
    %logistic3A_2639 = math.exp %logistic3A_2638 : vector<16x512xf32>
    %logistic3A_2640 = arith.constant 1.000000e+00 : f32
    %logistic3A_2641 = vector.broadcast %logistic3A_2640 : f32 to vector<16x512xf32>
    %logistic3A_2642 = arith.addf %logistic3A_2641, %logistic3A_2639 : vector<16x512xf32>
    %logistic3A_2643 = arith.divf %logistic3A_2641, %logistic3A_2642 : vector<16x512xf32>
    %slice3A_2644 = vector.extract_strided_slice %get3A_2625 {offsets = [0, 0], sizes = [16, 512], strides = [1, 1]} : vector<16x1536xf32> to vector<16x512xf32>
    %get3A_2645 = arith.constant 0 : index
    %get3A_2646 = arith.constant 0 : index
    %get3A_2647 = vector.load %arg21[%get3A_2645, %get3A_2646] : memref<1536x512xf32, #tpu.memory_space<vmem>>, vector<512x512xf32>
    %dot_general3A_2648 = arith.constant dense<0.000000e+00> : vector<16x512xf32>
    %dot_general3A_2649 = tpu.matmul %add3A_2605, %get3A_2647, %dot_general3A_2648 {dimension_numbers = #tpu.dot_dimension_numbers<[1], [1], [0], [0], [0, 0, 1, 0], [], []>, transpose_lhs_hint = false} : vector<16x512xf32>, vector<512x512xf32>, vector<16x512xf32> -> vector<16x512xf32>
    %add3A_2650 = arith.addf %slice3A_2644, %dot_general3A_2649 : vector<16x512xf32>
    %get3A_2651 = arith.constant 0 : index
    %get3A_2652 = arith.constant 0 : index
    %get3A_2653 = vector.load %arg13[%get3A_2651, %get3A_2652] : memref<1x1536xf32, #tpu.memory_space<vmem>>, vector<1x512xf32>
    %add3A_2654 = vector.broadcast %get3A_2653 : vector<1x512xf32> to vector<16x512xf32>
    %add3A_2655 = arith.addf %add3A_2650, %add3A_2654 : vector<16x512xf32>
    %logistic3A_2656 = arith.negf %add3A_2655 : vector<16x512xf32>
    %logistic3A_2657 = math.exp %logistic3A_2656 : vector<16x512xf32>
    %logistic3A_2658 = arith.constant 1.000000e+00 : f32
    %logistic3A_2659 = vector.broadcast %logistic3A_2658 : f32 to vector<16x512xf32>
    %logistic3A_2660 = arith.addf %logistic3A_2659, %logistic3A_2657 : vector<16x512xf32>
    %logistic3A_2661 = arith.divf %logistic3A_2659, %logistic3A_2660 : vector<16x512xf32>
    %slice3A_2662 = vector.extract_strided_slice %get3A_2620 {offsets = [0, 512], sizes = [16, 512], strides = [1, 1]} : vector<16x1536xf32> to vector<16x512xf32>
    %get3A_2663 = arith.constant 512 : index
    %get3A_2664 = arith.constant 0 : index
    %get3A_2665 = vector.load %arg20[%get3A_2663, %get3A_2664] : memref<1536x512xf32, #tpu.memory_space<vmem>>, vector<512x512xf32>
    %dot_general3A_2666 = arith.constant dense<0.000000e+00> : vector<16x512xf32>
    %dot_general3A_2667 = tpu.matmul %add3A_2599, %get3A_2665, %dot_general3A_2666 {dimension_numbers = #tpu.dot_dimension_numbers<[1], [1], [0], [0], [0, 0, 1, 0], [], []>, transpose_lhs_hint = false} : vector<16x512xf32>, vector<512x512xf32>, vector<16x512xf32> -> vector<16x512xf32>
    %add3A_2668 = arith.addf %slice3A_2662, %dot_general3A_2667 : vector<16x512xf32>
    %get3A_2669 = arith.constant 0 : index
    %get3A_2670 = arith.constant 512 : index
    %get3A_2671 = vector.load %arg12[%get3A_2669, %get3A_2670] : memref<1x1536xf32, #tpu.memory_space<vmem>>, vector<1x512xf32>
    %add3A_2672 = vector.broadcast %get3A_2671 : vector<1x512xf32> to vector<16x512xf32>
    %add3A_2673 = arith.addf %add3A_2668, %add3A_2672 : vector<16x512xf32>
    %logistic3A_2674 = arith.negf %add3A_2673 : vector<16x512xf32>
    %logistic3A_2675 = math.exp %logistic3A_2674 : vector<16x512xf32>
    %logistic3A_2676 = arith.constant 1.000000e+00 : f32
    %logistic3A_2677 = vector.broadcast %logistic3A_2676 : f32 to vector<16x512xf32>
    %logistic3A_2678 = arith.addf %logistic3A_2677, %logistic3A_2675 : vector<16x512xf32>
    %logistic3A_2679 = arith.divf %logistic3A_2677, %logistic3A_2678 : vector<16x512xf32>
    %slice3A_2680 = vector.extract_strided_slice %get3A_2625 {offsets = [0, 512], sizes = [16, 512], strides = [1, 1]} : vector<16x1536xf32> to vector<16x512xf32>
    %get3A_2681 = arith.constant 512 : index
    %get3A_2682 = arith.constant 0 : index
    %get3A_2683 = vector.load %arg21[%get3A_2681, %get3A_2682] : memref<1536x512xf32, #tpu.memory_space<vmem>>, vector<512x512xf32>
    %dot_general3A_2684 = arith.constant dense<0.000000e+00> : vector<16x512xf32>
    %dot_general3A_2685 = tpu.matmul %add3A_2605, %get3A_2683, %dot_general3A_2684 {dimension_numbers = #tpu.dot_dimension_numbers<[1], [1], [0], [0], [0, 0, 1, 0], [], []>, transpose_lhs_hint = false} : vector<16x512xf32>, vector<512x512xf32>, vector<16x512xf32> -> vector<16x512xf32>
    %add3A_2686 = arith.addf %slice3A_2680, %dot_general3A_2685 : vector<16x512xf32>
    %get3A_2687 = arith.constant 0 : index
    %get3A_2688 = arith.constant 512 : index
    %get3A_2689 = vector.load %arg13[%get3A_2687, %get3A_2688] : memref<1x1536xf32, #tpu.memory_space<vmem>>, vector<1x512xf32>
    %add3A_2690 = vector.broadcast %get3A_2689 : vector<1x512xf32> to vector<16x512xf32>
    %add3A_2691 = arith.addf %add3A_2686, %add3A_2690 : vector<16x512xf32>
    %logistic3A_2692 = arith.negf %add3A_2691 : vector<16x512xf32>
    %logistic3A_2693 = math.exp %logistic3A_2692 : vector<16x512xf32>
    %logistic3A_2694 = arith.constant 1.000000e+00 : f32
    %logistic3A_2695 = vector.broadcast %logistic3A_2694 : f32 to vector<16x512xf32>
    %logistic3A_2696 = arith.addf %logistic3A_2695, %logistic3A_2693 : vector<16x512xf32>
    %logistic3A_2697 = arith.divf %logistic3A_2695, %logistic3A_2696 : vector<16x512xf32>
    %slice3A_2698 = vector.extract_strided_slice %get3A_2620 {offsets = [0, 1024], sizes = [16, 512], strides = [1, 1]} : vector<16x1536xf32> to vector<16x512xf32>
    %get3A_2699 = arith.constant 1024 : index
    %get3A_2700 = arith.constant 0 : index
    %get3A_2701 = vector.load %arg20[%get3A_2699, %get3A_2700] : memref<1536x512xf32, #tpu.memory_space<vmem>>, vector<512x512xf32>
    %dot_general3A_2702 = arith.constant dense<0.000000e+00> : vector<16x512xf32>
    %dot_general3A_2703 = tpu.matmul %add3A_2599, %get3A_2701, %dot_general3A_2702 {dimension_numbers = #tpu.dot_dimension_numbers<[1], [1], [0], [0], [0, 0, 1, 0], [], []>, transpose_lhs_hint = false} : vector<16x512xf32>, vector<512x512xf32>, vector<16x512xf32> -> vector<16x512xf32>
    %get3A_2704 = arith.constant 0 : index
    %get3A_2705 = arith.constant 1024 : index
    %get3A_2706 = vector.load %arg12[%get3A_2704, %get3A_2705] : memref<1x1536xf32, #tpu.memory_space<vmem>>, vector<1x512xf32>
    %add3A_2707 = vector.broadcast %get3A_2706 : vector<1x512xf32> to vector<16x512xf32>
    %add3A_2708 = arith.addf %dot_general3A_2703, %add3A_2707 : vector<16x512xf32>
    %mul3A_2709 = arith.mulf %logistic3A_2643, %add3A_2708 : vector<16x512xf32>
    %add3A_2710 = arith.addf %slice3A_2698, %mul3A_2709 : vector<16x512xf32>
    %tanh3A_2711 = math.tanh %add3A_2710 : vector<16x512xf32>
    %slice3A_2712 = vector.extract_strided_slice %get3A_2625 {offsets = [0, 1024], sizes = [16, 512], strides = [1, 1]} : vector<16x1536xf32> to vector<16x512xf32>
    %get3A_2713 = arith.constant 1024 : index
    %get3A_2714 = arith.constant 0 : index
    %get3A_2715 = vector.load %arg21[%get3A_2713, %get3A_2714] : memref<1536x512xf32, #tpu.memory_space<vmem>>, vector<512x512xf32>
    %dot_general3A_2716 = arith.constant dense<0.000000e+00> : vector<16x512xf32>
    %dot_general3A_2717 = tpu.matmul %add3A_2605, %get3A_2715, %dot_general3A_2716 {dimension_numbers = #tpu.dot_dimension_numbers<[1], [1], [0], [0], [0, 0, 1, 0], [], []>, transpose_lhs_hint = false} : vector<16x512xf32>, vector<512x512xf32>, vector<16x512xf32> -> vector<16x512xf32>
    %get3A_2718 = arith.constant 0 : index
    %get3A_2719 = arith.constant 1024 : index
    %get3A_2720 = vector.load %arg13[%get3A_2718, %get3A_2719] : memref<1x1536xf32, #tpu.memory_space<vmem>>, vector<1x512xf32>
    %add3A_2721 = vector.broadcast %get3A_2720 : vector<1x512xf32> to vector<16x512xf32>
    %add3A_2722 = arith.addf %dot_general3A_2717, %add3A_2721 : vector<16x512xf32>
    %mul3A_2723 = arith.mulf %logistic3A_2661, %add3A_2722 : vector<16x512xf32>
    %add3A_2724 = arith.addf %slice3A_2712, %mul3A_2723 : vector<16x512xf32>
    %tanh3A_2725 = math.tanh %add3A_2724 : vector<16x512xf32>
    %sub3A_2726 = arith.constant 1.000000e+00 : f32
    %sub3A_2727 = vector.broadcast %sub3A_2726 : f32 to vector<16x512xf32>
    %sub3A_2728 = arith.subf %sub3A_2727, %logistic3A_2679 : vector<16x512xf32>
    %mul3A_2729 = arith.mulf %sub3A_2728, %tanh3A_2711 : vector<16x512xf32>
    %mul3A_2730 = arith.mulf %logistic3A_2679, %add3A_2599 : vector<16x512xf32>
    %add3A_2731 = arith.addf %mul3A_2729, %mul3A_2730 : vector<16x512xf32>
    %sub3A_2732 = arith.constant 1.000000e+00 : f32
    %sub3A_2733 = vector.broadcast %sub3A_2732 : f32 to vector<16x512xf32>
    %sub3A_2734 = arith.subf %sub3A_2733, %logistic3A_2697 : vector<16x512xf32>
    %mul3A_2735 = arith.mulf %sub3A_2734, %tanh3A_2725 : vector<16x512xf32>
    %mul3A_2736 = arith.mulf %logistic3A_2697, %add3A_2605 : vector<16x512xf32>
    %add3A_2737 = arith.addf %mul3A_2735, %mul3A_2736 : vector<16x512xf32>
    %broadcast_in_dim3A_2738 = vector.shape_cast %add3A_2731 : vector<16x512xf32> to vector<16x1x512xf32>
    %swap3A_2739 = arith.constant 0 : index
    %swap3A_2740 = arith.constant 19 : index
    %swap3A_2741 = arith.constant 0 : index
    %swap3A_2742 = vector.load %arg14[%swap3A_2739, %swap3A_2740, %swap3A_2741] : memref<16x32x512xf32, #tpu.memory_space<vmem>>, vector<16x1x512xf32>
    tpu.vector_store %arg14[%swap3A_2739, %swap3A_2740, %swap3A_2741], %broadcast_in_dim3A_2738 {strides = array<i32>} : memref<16x32x512xf32, #tpu.memory_space<vmem>>, vector<16x1x512xf32>,
    %broadcast_in_dim3A_2743 = vector.shape_cast %add3A_2737 : vector<16x512xf32> to vector<16x1x512xf32>
    %swap3A_2744 = arith.constant 0 : index
    %swap3A_2745 = arith.constant 12 : index
    %swap3A_2746 = arith.constant 0 : index
    %swap3A_2747 = vector.load %arg17[%swap3A_2744, %swap3A_2745, %swap3A_2746] : memref<16x32x512xf32, #tpu.memory_space<vmem>>, vector<16x1x512xf32>
    tpu.vector_store %arg17[%swap3A_2744, %swap3A_2745, %swap3A_2746], %broadcast_in_dim3A_2743 {strides = array<i32>} : memref<16x32x512xf32, #tpu.memory_space<vmem>>, vector<16x1x512xf32>,
    %get3A_2748 = arith.constant 20 : index
    %get3A_2749 = arith.constant 0 : index
    %get3A_2750 = arith.constant 0 : index
    %get3A_2751 = vector.load %arg15[%get3A_2748, %get3A_2749, %get3A_2750] : memref<32x16x1536xf32, #tpu.memory_space<vmem>>, vector<1x16x1536xf32>
    %get3A_2752 = vector.shape_cast %get3A_2751 : vector<1x16x1536xf32> to vector<16x1536xf32>
    %get3A_2753 = arith.constant 11 : index
    %get3A_2754 = arith.constant 0 : index
    %get3A_2755 = arith.constant 0 : index
    %get3A_2756 = vector.load %arg16[%get3A_2753, %get3A_2754, %get3A_2755] : memref<32x16x1536xf32, #tpu.memory_space<vmem>>, vector<1x16x1536xf32>
    %get3A_2757 = vector.shape_cast %get3A_2756 : vector<1x16x1536xf32> to vector<16x1536xf32>
    %slice3A_2758 = vector.extract_strided_slice %get3A_2752 {offsets = [0, 0], sizes = [16, 512], strides = [1, 1]} : vector<16x1536xf32> to vector<16x512xf32>
    %get3A_2759 = arith.constant 0 : index
    %get3A_2760 = arith.constant 0 : index
    %get3A_2761 = vector.load %arg20[%get3A_2759, %get3A_2760] : memref<1536x512xf32, #tpu.memory_space<vmem>>, vector<512x512xf32>
    %dot_general3A_2762 = arith.constant dense<0.000000e+00> : vector<16x512xf32>
    %dot_general3A_2763 = tpu.matmul %add3A_2731, %get3A_2761, %dot_general3A_2762 {dimension_numbers = #tpu.dot_dimension_numbers<[1], [1], [0], [0], [0, 0, 1, 0], [], []>, transpose_lhs_hint = false} : vector<16x512xf32>, vector<512x512xf32>, vector<16x512xf32> -> vector<16x512xf32>
    %add3A_2764 = arith.addf %slice3A_2758, %dot_general3A_2763 : vector<16x512xf32>
    %get3A_2765 = arith.constant 0 : index
    %get3A_2766 = arith.constant 0 : index
    %get3A_2767 = vector.load %arg12[%get3A_2765, %get3A_2766] : memref<1x1536xf32, #tpu.memory_space<vmem>>, vector<1x512xf32>
    %add3A_2768 = vector.broadcast %get3A_2767 : vector<1x512xf32> to vector<16x512xf32>
    %add3A_2769 = arith.addf %add3A_2764, %add3A_2768 : vector<16x512xf32>
    %logistic3A_2770 = arith.negf %add3A_2769 : vector<16x512xf32>
    %logistic3A_2771 = math.exp %logistic3A_2770 : vector<16x512xf32>
    %logistic3A_2772 = arith.constant 1.000000e+00 : f32
    %logistic3A_2773 = vector.broadcast %logistic3A_2772 : f32 to vector<16x512xf32>
    %logistic3A_2774 = arith.addf %logistic3A_2773, %logistic3A_2771 : vector<16x512xf32>
    %logistic3A_2775 = arith.divf %logistic3A_2773, %logistic3A_2774 : vector<16x512xf32>
    %slice3A_2776 = vector.extract_strided_slice %get3A_2757 {offsets = [0, 0], sizes = [16, 512], strides = [1, 1]} : vector<16x1536xf32> to vector<16x512xf32>
    %get3A_2777 = arith.constant 0 : index
    %get3A_2778 = arith.constant 0 : index
    %get3A_2779 = vector.load %arg21[%get3A_2777, %get3A_2778] : memref<1536x512xf32, #tpu.memory_space<vmem>>, vector<512x512xf32>
    %dot_general3A_2780 = arith.constant dense<0.000000e+00> : vector<16x512xf32>
    %dot_general3A_2781 = tpu.matmul %add3A_2737, %get3A_2779, %dot_general3A_2780 {dimension_numbers = #tpu.dot_dimension_numbers<[1], [1], [0], [0], [0, 0, 1, 0], [], []>, transpose_lhs_hint = false} : vector<16x512xf32>, vector<512x512xf32>, vector<16x512xf32> -> vector<16x512xf32>
    %add3A_2782 = arith.addf %slice3A_2776, %dot_general3A_2781 : vector<16x512xf32>
    %get3A_2783 = arith.constant 0 : index
    %get3A_2784 = arith.constant 0 : index
    %get3A_2785 = vector.load %arg13[%get3A_2783, %get3A_2784] : memref<1x1536xf32, #tpu.memory_space<vmem>>, vector<1x512xf32>
    %add3A_2786 = vector.broadcast %get3A_2785 : vector<1x512xf32> to vector<16x512xf32>
    %add3A_2787 = arith.addf %add3A_2782, %add3A_2786 : vector<16x512xf32>
    %logistic3A_2788 = arith.negf %add3A_2787 : vector<16x512xf32>
    %logistic3A_2789 = math.exp %logistic3A_2788 : vector<16x512xf32>
    %logistic3A_2790 = arith.constant 1.000000e+00 : f32
    %logistic3A_2791 = vector.broadcast %logistic3A_2790 : f32 to vector<16x512xf32>
    %logistic3A_2792 = arith.addf %logistic3A_2791, %logistic3A_2789 : vector<16x512xf32>
    %logistic3A_2793 = arith.divf %logistic3A_2791, %logistic3A_2792 : vector<16x512xf32>
    %slice3A_2794 = vector.extract_strided_slice %get3A_2752 {offsets = [0, 512], sizes = [16, 512], strides = [1, 1]} : vector<16x1536xf32> to vector<16x512xf32>
    %get3A_2795 = arith.constant 512 : index
    %get3A_2796 = arith.constant 0 : index
    %get3A_2797 = vector.load %arg20[%get3A_2795, %get3A_2796] : memref<1536x512xf32, #tpu.memory_space<vmem>>, vector<512x512xf32>
    %dot_general3A_2798 = arith.constant dense<0.000000e+00> : vector<16x512xf32>
    %dot_general3A_2799 = tpu.matmul %add3A_2731, %get3A_2797, %dot_general3A_2798 {dimension_numbers = #tpu.dot_dimension_numbers<[1], [1], [0], [0], [0, 0, 1, 0], [], []>, transpose_lhs_hint = false} : vector<16x512xf32>, vector<512x512xf32>, vector<16x512xf32> -> vector<16x512xf32>
    %add3A_2800 = arith.addf %slice3A_2794, %dot_general3A_2799 : vector<16x512xf32>
    %get3A_2801 = arith.constant 0 : index
    %get3A_2802 = arith.constant 512 : index
    %get3A_2803 = vector.load %arg12[%get3A_2801, %get3A_2802] : memref<1x1536xf32, #tpu.memory_space<vmem>>, vector<1x512xf32>
    %add3A_2804 = vector.broadcast %get3A_2803 : vector<1x512xf32> to vector<16x512xf32>
    %add3A_2805 = arith.addf %add3A_2800, %add3A_2804 : vector<16x512xf32>
    %logistic3A_2806 = arith.negf %add3A_2805 : vector<16x512xf32>
    %logistic3A_2807 = math.exp %logistic3A_2806 : vector<16x512xf32>
    %logistic3A_2808 = arith.constant 1.000000e+00 : f32
    %logistic3A_2809 = vector.broadcast %logistic3A_2808 : f32 to vector<16x512xf32>
    %logistic3A_2810 = arith.addf %logistic3A_2809, %logistic3A_2807 : vector<16x512xf32>
    %logistic3A_2811 = arith.divf %logistic3A_2809, %logistic3A_2810 : vector<16x512xf32>
    %slice3A_2812 = vector.extract_strided_slice %get3A_2757 {offsets = [0, 512], sizes = [16, 512], strides = [1, 1]} : vector<16x1536xf32> to vector<16x512xf32>
    %get3A_2813 = arith.constant 512 : index
    %get3A_2814 = arith.constant 0 : index
    %get3A_2815 = vector.load %arg21[%get3A_2813, %get3A_2814] : memref<1536x512xf32, #tpu.memory_space<vmem>>, vector<512x512xf32>
    %dot_general3A_2816 = arith.constant dense<0.000000e+00> : vector<16x512xf32>
    %dot_general3A_2817 = tpu.matmul %add3A_2737, %get3A_2815, %dot_general3A_2816 {dimension_numbers = #tpu.dot_dimension_numbers<[1], [1], [0], [0], [0, 0, 1, 0], [], []>, transpose_lhs_hint = false} : vector<16x512xf32>, vector<512x512xf32>, vector<16x512xf32> -> vector<16x512xf32>
    %add3A_2818 = arith.addf %slice3A_2812, %dot_general3A_2817 : vector<16x512xf32>
    %get3A_2819 = arith.constant 0 : index
    %get3A_2820 = arith.constant 512 : index
    %get3A_2821 = vector.load %arg13[%get3A_2819, %get3A_2820] : memref<1x1536xf32, #tpu.memory_space<vmem>>, vector<1x512xf32>
    %add3A_2822 = vector.broadcast %get3A_2821 : vector<1x512xf32> to vector<16x512xf32>
    %add3A_2823 = arith.addf %add3A_2818, %add3A_2822 : vector<16x512xf32>
    %logistic3A_2824 = arith.negf %add3A_2823 : vector<16x512xf32>
    %logistic3A_2825 = math.exp %logistic3A_2824 : vector<16x512xf32>
    %logistic3A_2826 = arith.constant 1.000000e+00 : f32
    %logistic3A_2827 = vector.broadcast %logistic3A_2826 : f32 to vector<16x512xf32>
    %logistic3A_2828 = arith.addf %logistic3A_2827, %logistic3A_2825 : vector<16x512xf32>
    %logistic3A_2829 = arith.divf %logistic3A_2827, %logistic3A_2828 : vector<16x512xf32>
    %slice3A_2830 = vector.extract_strided_slice %get3A_2752 {offsets = [0, 1024], sizes = [16, 512], strides = [1, 1]} : vector<16x1536xf32> to vector<16x512xf32>
    %get3A_2831 = arith.constant 1024 : index
    %get3A_2832 = arith.constant 0 : index
    %get3A_2833 = vector.load %arg20[%get3A_2831, %get3A_2832] : memref<1536x512xf32, #tpu.memory_space<vmem>>, vector<512x512xf32>
    %dot_general3A_2834 = arith.constant dense<0.000000e+00> : vector<16x512xf32>
    %dot_general3A_2835 = tpu.matmul %add3A_2731, %get3A_2833, %dot_general3A_2834 {dimension_numbers = #tpu.dot_dimension_numbers<[1], [1], [0], [0], [0, 0, 1, 0], [], []>, transpose_lhs_hint = false} : vector<16x512xf32>, vector<512x512xf32>, vector<16x512xf32> -> vector<16x512xf32>
    %get3A_2836 = arith.constant 0 : index
    %get3A_2837 = arith.constant 1024 : index
    %get3A_2838 = vector.load %arg12[%get3A_2836, %get3A_2837] : memref<1x1536xf32, #tpu.memory_space<vmem>>, vector<1x512xf32>
    %add3A_2839 = vector.broadcast %get3A_2838 : vector<1x512xf32> to vector<16x512xf32>
    %add3A_2840 = arith.addf %dot_general3A_2835, %add3A_2839 : vector<16x512xf32>
    %mul3A_2841 = arith.mulf %logistic3A_2775, %add3A_2840 : vector<16x512xf32>
    %add3A_2842 = arith.addf %slice3A_2830, %mul3A_2841 : vector<16x512xf32>
    %tanh3A_2843 = math.tanh %add3A_2842 : vector<16x512xf32>
    %slice3A_2844 = vector.extract_strided_slice %get3A_2757 {offsets = [0, 1024], sizes = [16, 512], strides = [1, 1]} : vector<16x1536xf32> to vector<16x512xf32>
    %get3A_2845 = arith.constant 1024 : index
    %get3A_2846 = arith.constant 0 : index
    %get3A_2847 = vector.load %arg21[%get3A_2845, %get3A_2846] : memref<1536x512xf32, #tpu.memory_space<vmem>>, vector<512x512xf32>
    %dot_general3A_2848 = arith.constant dense<0.000000e+00> : vector<16x512xf32>
    %dot_general3A_2849 = tpu.matmul %add3A_2737, %get3A_2847, %dot_general3A_2848 {dimension_numbers = #tpu.dot_dimension_numbers<[1], [1], [0], [0], [0, 0, 1, 0], [], []>, transpose_lhs_hint = false} : vector<16x512xf32>, vector<512x512xf32>, vector<16x512xf32> -> vector<16x512xf32>
    %get3A_2850 = arith.constant 0 : index
    %get3A_2851 = arith.constant 1024 : index
    %get3A_2852 = vector.load %arg13[%get3A_2850, %get3A_2851] : memref<1x1536xf32, #tpu.memory_space<vmem>>, vector<1x512xf32>
    %add3A_2853 = vector.broadcast %get3A_2852 : vector<1x512xf32> to vector<16x512xf32>
    %add3A_2854 = arith.addf %dot_general3A_2849, %add3A_2853 : vector<16x512xf32>
    %mul3A_2855 = arith.mulf %logistic3A_2793, %add3A_2854 : vector<16x512xf32>
    %add3A_2856 = arith.addf %slice3A_2844, %mul3A_2855 : vector<16x512xf32>
    %tanh3A_2857 = math.tanh %add3A_2856 : vector<16x512xf32>
    %sub3A_2858 = arith.constant 1.000000e+00 : f32
    %sub3A_2859 = vector.broadcast %sub3A_2858 : f32 to vector<16x512xf32>
    %sub3A_2860 = arith.subf %sub3A_2859, %logistic3A_2811 : vector<16x512xf32>
    %mul3A_2861 = arith.mulf %sub3A_2860, %tanh3A_2843 : vector<16x512xf32>
    %mul3A_2862 = arith.mulf %logistic3A_2811, %add3A_2731 : vector<16x512xf32>
    %add3A_2863 = arith.addf %mul3A_2861, %mul3A_2862 : vector<16x512xf32>
    %sub3A_2864 = arith.constant 1.000000e+00 : f32
    %sub3A_2865 = vector.broadcast %sub3A_2864 : f32 to vector<16x512xf32>
    %sub3A_2866 = arith.subf %sub3A_2865, %logistic3A_2829 : vector<16x512xf32>
    %mul3A_2867 = arith.mulf %sub3A_2866, %tanh3A_2857 : vector<16x512xf32>
    %mul3A_2868 = arith.mulf %logistic3A_2829, %add3A_2737 : vector<16x512xf32>
    %add3A_2869 = arith.addf %mul3A_2867, %mul3A_2868 : vector<16x512xf32>
    %broadcast_in_dim3A_2870 = vector.shape_cast %add3A_2863 : vector<16x512xf32> to vector<16x1x512xf32>
    %swap3A_2871 = arith.constant 0 : index
    %swap3A_2872 = arith.constant 20 : index
    %swap3A_2873 = arith.constant 0 : index
    %swap3A_2874 = vector.load %arg14[%swap3A_2871, %swap3A_2872, %swap3A_2873] : memref<16x32x512xf32, #tpu.memory_space<vmem>>, vector<16x1x512xf32>
    tpu.vector_store %arg14[%swap3A_2871, %swap3A_2872, %swap3A_2873], %broadcast_in_dim3A_2870 {strides = array<i32>} : memref<16x32x512xf32, #tpu.memory_space<vmem>>, vector<16x1x512xf32>,
    %broadcast_in_dim3A_2875 = vector.shape_cast %add3A_2869 : vector<16x512xf32> to vector<16x1x512xf32>
    %swap3A_2876 = arith.constant 0 : index
    %swap3A_2877 = arith.constant 11 : index
    %swap3A_2878 = arith.constant 0 : index
    %swap3A_2879 = vector.load %arg17[%swap3A_2876, %swap3A_2877, %swap3A_2878] : memref<16x32x512xf32, #tpu.memory_space<vmem>>, vector<16x1x512xf32>
    tpu.vector_store %arg17[%swap3A_2876, %swap3A_2877, %swap3A_2878], %broadcast_in_dim3A_2875 {strides = array<i32>} : memref<16x32x512xf32, #tpu.memory_space<vmem>>, vector<16x1x512xf32>,
    %get3A_2880 = arith.constant 21 : index
    %get3A_2881 = arith.constant 0 : index
    %get3A_2882 = arith.constant 0 : index
    %get3A_2883 = vector.load %arg15[%get3A_2880, %get3A_2881, %get3A_2882] : memref<32x16x1536xf32, #tpu.memory_space<vmem>>, vector<1x16x1536xf32>
    %get3A_2884 = vector.shape_cast %get3A_2883 : vector<1x16x1536xf32> to vector<16x1536xf32>
    %get3A_2885 = arith.constant 10 : index
    %get3A_2886 = arith.constant 0 : index
    %get3A_2887 = arith.constant 0 : index
    %get3A_2888 = vector.load %arg16[%get3A_2885, %get3A_2886, %get3A_2887] : memref<32x16x1536xf32, #tpu.memory_space<vmem>>, vector<1x16x1536xf32>
    %get3A_2889 = vector.shape_cast %get3A_2888 : vector<1x16x1536xf32> to vector<16x1536xf32>
    %slice3A_2890 = vector.extract_strided_slice %get3A_2884 {offsets = [0, 0], sizes = [16, 512], strides = [1, 1]} : vector<16x1536xf32> to vector<16x512xf32>
    %get3A_2891 = arith.constant 0 : index
    %get3A_2892 = arith.constant 0 : index
    %get3A_2893 = vector.load %arg20[%get3A_2891, %get3A_2892] : memref<1536x512xf32, #tpu.memory_space<vmem>>, vector<512x512xf32>
    %dot_general3A_2894 = arith.constant dense<0.000000e+00> : vector<16x512xf32>
    %dot_general3A_2895 = tpu.matmul %add3A_2863, %get3A_2893, %dot_general3A_2894 {dimension_numbers = #tpu.dot_dimension_numbers<[1], [1], [0], [0], [0, 0, 1, 0], [], []>, transpose_lhs_hint = false} : vector<16x512xf32>, vector<512x512xf32>, vector<16x512xf32> -> vector<16x512xf32>
    %add3A_2896 = arith.addf %slice3A_2890, %dot_general3A_2895 : vector<16x512xf32>
    %get3A_2897 = arith.constant 0 : index
    %get3A_2898 = arith.constant 0 : index
    %get3A_2899 = vector.load %arg12[%get3A_2897, %get3A_2898] : memref<1x1536xf32, #tpu.memory_space<vmem>>, vector<1x512xf32>
    %add3A_2900 = vector.broadcast %get3A_2899 : vector<1x512xf32> to vector<16x512xf32>
    %add3A_2901 = arith.addf %add3A_2896, %add3A_2900 : vector<16x512xf32>
    %logistic3A_2902 = arith.negf %add3A_2901 : vector<16x512xf32>
    %logistic3A_2903 = math.exp %logistic3A_2902 : vector<16x512xf32>
    %logistic3A_2904 = arith.constant 1.000000e+00 : f32
    %logistic3A_2905 = vector.broadcast %logistic3A_2904 : f32 to vector<16x512xf32>
    %logistic3A_2906 = arith.addf %logistic3A_2905, %logistic3A_2903 : vector<16x512xf32>
    %logistic3A_2907 = arith.divf %logistic3A_2905, %logistic3A_2906 : vector<16x512xf32>
    %slice3A_2908 = vector.extract_strided_slice %get3A_2889 {offsets = [0, 0], sizes = [16, 512], strides = [1, 1]} : vector<16x1536xf32> to vector<16x512xf32>
    %get3A_2909 = arith.constant 0 : index
    %get3A_2910 = arith.constant 0 : index
    %get3A_2911 = vector.load %arg21[%get3A_2909, %get3A_2910] : memref<1536x512xf32, #tpu.memory_space<vmem>>, vector<512x512xf32>
    %dot_general3A_2912 = arith.constant dense<0.000000e+00> : vector<16x512xf32>
    %dot_general3A_2913 = tpu.matmul %add3A_2869, %get3A_2911, %dot_general3A_2912 {dimension_numbers = #tpu.dot_dimension_numbers<[1], [1], [0], [0], [0, 0, 1, 0], [], []>, transpose_lhs_hint = false} : vector<16x512xf32>, vector<512x512xf32>, vector<16x512xf32> -> vector<16x512xf32>
    %add3A_2914 = arith.addf %slice3A_2908, %dot_general3A_2913 : vector<16x512xf32>
    %get3A_2915 = arith.constant 0 : index
    %get3A_2916 = arith.constant 0 : index
    %get3A_2917 = vector.load %arg13[%get3A_2915, %get3A_2916] : memref<1x1536xf32, #tpu.memory_space<vmem>>, vector<1x512xf32>
    %add3A_2918 = vector.broadcast %get3A_2917 : vector<1x512xf32> to vector<16x512xf32>
    %add3A_2919 = arith.addf %add3A_2914, %add3A_2918 : vector<16x512xf32>
    %logistic3A_2920 = arith.negf %add3A_2919 : vector<16x512xf32>
    %logistic3A_2921 = math.exp %logistic3A_2920 : vector<16x512xf32>
    %logistic3A_2922 = arith.constant 1.000000e+00 : f32
    %logistic3A_2923 = vector.broadcast %logistic3A_2922 : f32 to vector<16x512xf32>
    %logistic3A_2924 = arith.addf %logistic3A_2923, %logistic3A_2921 : vector<16x512xf32>
    %logistic3A_2925 = arith.divf %logistic3A_2923, %logistic3A_2924 : vector<16x512xf32>
    %slice3A_2926 = vector.extract_strided_slice %get3A_2884 {offsets = [0, 512], sizes = [16, 512], strides = [1, 1]} : vector<16x1536xf32> to vector<16x512xf32>
    %get3A_2927 = arith.constant 512 : index
    %get3A_2928 = arith.constant 0 : index
    %get3A_2929 = vector.load %arg20[%get3A_2927, %get3A_2928] : memref<1536x512xf32, #tpu.memory_space<vmem>>, vector<512x512xf32>
    %dot_general3A_2930 = arith.constant dense<0.000000e+00> : vector<16x512xf32>
    %dot_general3A_2931 = tpu.matmul %add3A_2863, %get3A_2929, %dot_general3A_2930 {dimension_numbers = #tpu.dot_dimension_numbers<[1], [1], [0], [0], [0, 0, 1, 0], [], []>, transpose_lhs_hint = false} : vector<16x512xf32>, vector<512x512xf32>, vector<16x512xf32> -> vector<16x512xf32>
    %add3A_2932 = arith.addf %slice3A_2926, %dot_general3A_2931 : vector<16x512xf32>
    %get3A_2933 = arith.constant 0 : index
    %get3A_2934 = arith.constant 512 : index
    %get3A_2935 = vector.load %arg12[%get3A_2933, %get3A_2934] : memref<1x1536xf32, #tpu.memory_space<vmem>>, vector<1x512xf32>
    %add3A_2936 = vector.broadcast %get3A_2935 : vector<1x512xf32> to vector<16x512xf32>
    %add3A_2937 = arith.addf %add3A_2932, %add3A_2936 : vector<16x512xf32>
    %logistic3A_2938 = arith.negf %add3A_2937 : vector<16x512xf32>
    %logistic3A_2939 = math.exp %logistic3A_2938 : vector<16x512xf32>
    %logistic3A_2940 = arith.constant 1.000000e+00 : f32
    %logistic3A_2941 = vector.broadcast %logistic3A_2940 : f32 to vector<16x512xf32>
    %logistic3A_2942 = arith.addf %logistic3A_2941, %logistic3A_2939 : vector<16x512xf32>
    %logistic3A_2943 = arith.divf %logistic3A_2941, %logistic3A_2942 : vector<16x512xf32>
    %slice3A_2944 = vector.extract_strided_slice %get3A_2889 {offsets = [0, 512], sizes = [16, 512], strides = [1, 1]} : vector<16x1536xf32> to vector<16x512xf32>
    %get3A_2945 = arith.constant 512 : index
    %get3A_2946 = arith.constant 0 : index
    %get3A_2947 = vector.load %arg21[%get3A_2945, %get3A_2946] : memref<1536x512xf32, #tpu.memory_space<vmem>>, vector<512x512xf32>
    %dot_general3A_2948 = arith.constant dense<0.000000e+00> : vector<16x512xf32>
    %dot_general3A_2949 = tpu.matmul %add3A_2869, %get3A_2947, %dot_general3A_2948 {dimension_numbers = #tpu.dot_dimension_numbers<[1], [1], [0], [0], [0, 0, 1, 0], [], []>, transpose_lhs_hint = false} : vector<16x512xf32>, vector<512x512xf32>, vector<16x512xf32> -> vector<16x512xf32>
    %add3A_2950 = arith.addf %slice3A_2944, %dot_general3A_2949 : vector<16x512xf32>
    %get3A_2951 = arith.constant 0 : index
    %get3A_2952 = arith.constant 512 : index
    %get3A_2953 = vector.load %arg13[%get3A_2951, %get3A_2952] : memref<1x1536xf32, #tpu.memory_space<vmem>>, vector<1x512xf32>
    %add3A_2954 = vector.broadcast %get3A_2953 : vector<1x512xf32> to vector<16x512xf32>
    %add3A_2955 = arith.addf %add3A_2950, %add3A_2954 : vector<16x512xf32>
    %logistic3A_2956 = arith.negf %add3A_2955 : vector<16x512xf32>
    %logistic3A_2957 = math.exp %logistic3A_2956 : vector<16x512xf32>
    %logistic3A_2958 = arith.constant 1.000000e+00 : f32
    %logistic3A_2959 = vector.broadcast %logistic3A_2958 : f32 to vector<16x512xf32>
    %logistic3A_2960 = arith.addf %logistic3A_2959, %logistic3A_2957 : vector<16x512xf32>
    %logistic3A_2961 = arith.divf %logistic3A_2959, %logistic3A_2960 : vector<16x512xf32>
    %slice3A_2962 = vector.extract_strided_slice %get3A_2884 {offsets = [0, 1024], sizes = [16, 512], strides = [1, 1]} : vector<16x1536xf32> to vector<16x512xf32>
    %get3A_2963 = arith.constant 1024 : index
    %get3A_2964 = arith.constant 0 : index
    %get3A_2965 = vector.load %arg20[%get3A_2963, %get3A_2964] : memref<1536x512xf32, #tpu.memory_space<vmem>>, vector<512x512xf32>
    %dot_general3A_2966 = arith.constant dense<0.000000e+00> : vector<16x512xf32>
    %dot_general3A_2967 = tpu.matmul %add3A_2863, %get3A_2965, %dot_general3A_2966 {dimension_numbers = #tpu.dot_dimension_numbers<[1], [1], [0], [0], [0, 0, 1, 0], [], []>, transpose_lhs_hint = false} : vector<16x512xf32>, vector<512x512xf32>, vector<16x512xf32> -> vector<16x512xf32>
    %get3A_2968 = arith.constant 0 : index
    %get3A_2969 = arith.constant 1024 : index
    %get3A_2970 = vector.load %arg12[%get3A_2968, %get3A_2969] : memref<1x1536xf32, #tpu.memory_space<vmem>>, vector<1x512xf32>
    %add3A_2971 = vector.broadcast %get3A_2970 : vector<1x512xf32> to vector<16x512xf32>
    %add3A_2972 = arith.addf %dot_general3A_2967, %add3A_2971 : vector<16x512xf32>
    %mul3A_2973 = arith.mulf %logistic3A_2907, %add3A_2972 : vector<16x512xf32>
    %add3A_2974 = arith.addf %slice3A_2962, %mul3A_2973 : vector<16x512xf32>
    %tanh3A_2975 = math.tanh %add3A_2974 : vector<16x512xf32>
    %slice3A_2976 = vector.extract_strided_slice %get3A_2889 {offsets = [0, 1024], sizes = [16, 512], strides = [1, 1]} : vector<16x1536xf32> to vector<16x512xf32>
    %get3A_2977 = arith.constant 1024 : index
    %get3A_2978 = arith.constant 0 : index
    %get3A_2979 = vector.load %arg21[%get3A_2977, %get3A_2978] : memref<1536x512xf32, #tpu.memory_space<vmem>>, vector<512x512xf32>
    %dot_general3A_2980 = arith.constant dense<0.000000e+00> : vector<16x512xf32>
    %dot_general3A_2981 = tpu.matmul %add3A_2869, %get3A_2979, %dot_general3A_2980 {dimension_numbers = #tpu.dot_dimension_numbers<[1], [1], [0], [0], [0, 0, 1, 0], [], []>, transpose_lhs_hint = false} : vector<16x512xf32>, vector<512x512xf32>, vector<16x512xf32> -> vector<16x512xf32>
    %get3A_2982 = arith.constant 0 : index
    %get3A_2983 = arith.constant 1024 : index
    %get3A_2984 = vector.load %arg13[%get3A_2982, %get3A_2983] : memref<1x1536xf32, #tpu.memory_space<vmem>>, vector<1x512xf32>
    %add3A_2985 = vector.broadcast %get3A_2984 : vector<1x512xf32> to vector<16x512xf32>
    %add3A_2986 = arith.addf %dot_general3A_2981, %add3A_2985 : vector<16x512xf32>
    %mul3A_2987 = arith.mulf %logistic3A_2925, %add3A_2986 : vector<16x512xf32>
    %add3A_2988 = arith.addf %slice3A_2976, %mul3A_2987 : vector<16x512xf32>
    %tanh3A_2989 = math.tanh %add3A_2988 : vector<16x512xf32>
    %sub3A_2990 = arith.constant 1.000000e+00 : f32
    %sub3A_2991 = vector.broadcast %sub3A_2990 : f32 to vector<16x512xf32>
    %sub3A_2992 = arith.subf %sub3A_2991, %logistic3A_2943 : vector<16x512xf32>
    %mul3A_2993 = arith.mulf %sub3A_2992, %tanh3A_2975 : vector<16x512xf32>
    %mul3A_2994 = arith.mulf %logistic3A_2943, %add3A_2863 : vector<16x512xf32>
    %add3A_2995 = arith.addf %mul3A_2993, %mul3A_2994 : vector<16x512xf32>
    %sub3A_2996 = arith.constant 1.000000e+00 : f32
    %sub3A_2997 = vector.broadcast %sub3A_2996 : f32 to vector<16x512xf32>
    %sub3A_2998 = arith.subf %sub3A_2997, %logistic3A_2961 : vector<16x512xf32>
    %mul3A_2999 = arith.mulf %sub3A_2998, %tanh3A_2989 : vector<16x512xf32>
    %mul3A_3000 = arith.mulf %logistic3A_2961, %add3A_2869 : vector<16x512xf32>
    %add3A_3001 = arith.addf %mul3A_2999, %mul3A_3000 : vector<16x512xf32>
    %broadcast_in_dim3A_3002 = vector.shape_cast %add3A_2995 : vector<16x512xf32> to vector<16x1x512xf32>
    %swap3A_3003 = arith.constant 0 : index
    %swap3A_3004 = arith.constant 21 : index
    %swap3A_3005 = arith.constant 0 : index
    %swap3A_3006 = vector.load %arg14[%swap3A_3003, %swap3A_3004, %swap3A_3005] : memref<16x32x512xf32, #tpu.memory_space<vmem>>, vector<16x1x512xf32>
    tpu.vector_store %arg14[%swap3A_3003, %swap3A_3004, %swap3A_3005], %broadcast_in_dim3A_3002 {strides = array<i32>} : memref<16x32x512xf32, #tpu.memory_space<vmem>>, vector<16x1x512xf32>,
    %broadcast_in_dim3A_3007 = vector.shape_cast %add3A_3001 : vector<16x512xf32> to vector<16x1x512xf32>
    %swap3A_3008 = arith.constant 0 : index
    %swap3A_3009 = arith.constant 10 : index
    %swap3A_3010 = arith.constant 0 : index
    %swap3A_3011 = vector.load %arg17[%swap3A_3008, %swap3A_3009, %swap3A_3010] : memref<16x32x512xf32, #tpu.memory_space<vmem>>, vector<16x1x512xf32>
    tpu.vector_store %arg17[%swap3A_3008, %swap3A_3009, %swap3A_3010], %broadcast_in_dim3A_3007 {strides = array<i32>} : memref<16x32x512xf32, #tpu.memory_space<vmem>>, vector<16x1x512xf32>,
    %get3A_3012 = arith.constant 22 : index
    %get3A_3013 = arith.constant 0 : index
    %get3A_3014 = arith.constant 0 : index
    %get3A_3015 = vector.load %arg15[%get3A_3012, %get3A_3013, %get3A_3014] : memref<32x16x1536xf32, #tpu.memory_space<vmem>>, vector<1x16x1536xf32>
    %get3A_3016 = vector.shape_cast %get3A_3015 : vector<1x16x1536xf32> to vector<16x1536xf32>
    %get3A_3017 = arith.constant 9 : index
    %get3A_3018 = arith.constant 0 : index
    %get3A_3019 = arith.constant 0 : index
    %get3A_3020 = vector.load %arg16[%get3A_3017, %get3A_3018, %get3A_3019] : memref<32x16x1536xf32, #tpu.memory_space<vmem>>, vector<1x16x1536xf32>
    %get3A_3021 = vector.shape_cast %get3A_3020 : vector<1x16x1536xf32> to vector<16x1536xf32>
    %slice3A_3022 = vector.extract_strided_slice %get3A_3016 {offsets = [0, 0], sizes = [16, 512], strides = [1, 1]} : vector<16x1536xf32> to vector<16x512xf32>
    %get3A_3023 = arith.constant 0 : index
    %get3A_3024 = arith.constant 0 : index
    %get3A_3025 = vector.load %arg20[%get3A_3023, %get3A_3024] : memref<1536x512xf32, #tpu.memory_space<vmem>>, vector<512x512xf32>
    %dot_general3A_3026 = arith.constant dense<0.000000e+00> : vector<16x512xf32>
    %dot_general3A_3027 = tpu.matmul %add3A_2995, %get3A_3025, %dot_general3A_3026 {dimension_numbers = #tpu.dot_dimension_numbers<[1], [1], [0], [0], [0, 0, 1, 0], [], []>, transpose_lhs_hint = false} : vector<16x512xf32>, vector<512x512xf32>, vector<16x512xf32> -> vector<16x512xf32>
    %add3A_3028 = arith.addf %slice3A_3022, %dot_general3A_3027 : vector<16x512xf32>
    %get3A_3029 = arith.constant 0 : index
    %get3A_3030 = arith.constant 0 : index
    %get3A_3031 = vector.load %arg12[%get3A_3029, %get3A_3030] : memref<1x1536xf32, #tpu.memory_space<vmem>>, vector<1x512xf32>
    %add3A_3032 = vector.broadcast %get3A_3031 : vector<1x512xf32> to vector<16x512xf32>
    %add3A_3033 = arith.addf %add3A_3028, %add3A_3032 : vector<16x512xf32>
    %logistic3A_3034 = arith.negf %add3A_3033 : vector<16x512xf32>
    %logistic3A_3035 = math.exp %logistic3A_3034 : vector<16x512xf32>
    %logistic3A_3036 = arith.constant 1.000000e+00 : f32
    %logistic3A_3037 = vector.broadcast %logistic3A_3036 : f32 to vector<16x512xf32>
    %logistic3A_3038 = arith.addf %logistic3A_3037, %logistic3A_3035 : vector<16x512xf32>
    %logistic3A_3039 = arith.divf %logistic3A_3037, %logistic3A_3038 : vector<16x512xf32>
    %slice3A_3040 = vector.extract_strided_slice %get3A_3021 {offsets = [0, 0], sizes = [16, 512], strides = [1, 1]} : vector<16x1536xf32> to vector<16x512xf32>
    %get3A_3041 = arith.constant 0 : index
    %get3A_3042 = arith.constant 0 : index
    %get3A_3043 = vector.load %arg21[%get3A_3041, %get3A_3042] : memref<1536x512xf32, #tpu.memory_space<vmem>>, vector<512x512xf32>
    %dot_general3A_3044 = arith.constant dense<0.000000e+00> : vector<16x512xf32>
    %dot_general3A_3045 = tpu.matmul %add3A_3001, %get3A_3043, %dot_general3A_3044 {dimension_numbers = #tpu.dot_dimension_numbers<[1], [1], [0], [0], [0, 0, 1, 0], [], []>, transpose_lhs_hint = false} : vector<16x512xf32>, vector<512x512xf32>, vector<16x512xf32> -> vector<16x512xf32>
    %add3A_3046 = arith.addf %slice3A_3040, %dot_general3A_3045 : vector<16x512xf32>
    %get3A_3047 = arith.constant 0 : index
    %get3A_3048 = arith.constant 0 : index
    %get3A_3049 = vector.load %arg13[%get3A_3047, %get3A_3048] : memref<1x1536xf32, #tpu.memory_space<vmem>>, vector<1x512xf32>
    %add3A_3050 = vector.broadcast %get3A_3049 : vector<1x512xf32> to vector<16x512xf32>
    %add3A_3051 = arith.addf %add3A_3046, %add3A_3050 : vector<16x512xf32>
    %logistic3A_3052 = arith.negf %add3A_3051 : vector<16x512xf32>
    %logistic3A_3053 = math.exp %logistic3A_3052 : vector<16x512xf32>
    %logistic3A_3054 = arith.constant 1.000000e+00 : f32
    %logistic3A_3055 = vector.broadcast %logistic3A_3054 : f32 to vector<16x512xf32>
    %logistic3A_3056 = arith.addf %logistic3A_3055, %logistic3A_3053 : vector<16x512xf32>
    %logistic3A_3057 = arith.divf %logistic3A_3055, %logistic3A_3056 : vector<16x512xf32>
    %slice3A_3058 = vector.extract_strided_slice %get3A_3016 {offsets = [0, 512], sizes = [16, 512], strides = [1, 1]} : vector<16x1536xf32> to vector<16x512xf32>
    %get3A_3059 = arith.constant 512 : index
    %get3A_3060 = arith.constant 0 : index
    %get3A_3061 = vector.load %arg20[%get3A_3059, %get3A_3060] : memref<1536x512xf32, #tpu.memory_space<vmem>>, vector<512x512xf32>
    %dot_general3A_3062 = arith.constant dense<0.000000e+00> : vector<16x512xf32>
    %dot_general3A_3063 = tpu.matmul %add3A_2995, %get3A_3061, %dot_general3A_3062 {dimension_numbers = #tpu.dot_dimension_numbers<[1], [1], [0], [0], [0, 0, 1, 0], [], []>, transpose_lhs_hint = false} : vector<16x512xf32>, vector<512x512xf32>, vector<16x512xf32> -> vector<16x512xf32>
    %add3A_3064 = arith.addf %slice3A_3058, %dot_general3A_3063 : vector<16x512xf32>
    %get3A_3065 = arith.constant 0 : index
    %get3A_3066 = arith.constant 512 : index
    %get3A_3067 = vector.load %arg12[%get3A_3065, %get3A_3066] : memref<1x1536xf32, #tpu.memory_space<vmem>>, vector<1x512xf32>
    %add3A_3068 = vector.broadcast %get3A_3067 : vector<1x512xf32> to vector<16x512xf32>
    %add3A_3069 = arith.addf %add3A_3064, %add3A_3068 : vector<16x512xf32>
    %logistic3A_3070 = arith.negf %add3A_3069 : vector<16x512xf32>
    %logistic3A_3071 = math.exp %logistic3A_3070 : vector<16x512xf32>
    %logistic3A_3072 = arith.constant 1.000000e+00 : f32
    %logistic3A_3073 = vector.broadcast %logistic3A_3072 : f32 to vector<16x512xf32>
    %logistic3A_3074 = arith.addf %logistic3A_3073, %logistic3A_3071 : vector<16x512xf32>
    %logistic3A_3075 = arith.divf %logistic3A_3073, %logistic3A_3074 : vector<16x512xf32>
    %slice3A_3076 = vector.extract_strided_slice %get3A_3021 {offsets = [0, 512], sizes = [16, 512], strides = [1, 1]} : vector<16x1536xf32> to vector<16x512xf32>
    %get3A_3077 = arith.constant 512 : index
    %get3A_3078 = arith.constant 0 : index
    %get3A_3079 = vector.load %arg21[%get3A_3077, %get3A_3078] : memref<1536x512xf32, #tpu.memory_space<vmem>>, vector<512x512xf32>
    %dot_general3A_3080 = arith.constant dense<0.000000e+00> : vector<16x512xf32>
    %dot_general3A_3081 = tpu.matmul %add3A_3001, %get3A_3079, %dot_general3A_3080 {dimension_numbers = #tpu.dot_dimension_numbers<[1], [1], [0], [0], [0, 0, 1, 0], [], []>, transpose_lhs_hint = false} : vector<16x512xf32>, vector<512x512xf32>, vector<16x512xf32> -> vector<16x512xf32>
    %add3A_3082 = arith.addf %slice3A_3076, %dot_general3A_3081 : vector<16x512xf32>
    %get3A_3083 = arith.constant 0 : index
    %get3A_3084 = arith.constant 512 : index
    %get3A_3085 = vector.load %arg13[%get3A_3083, %get3A_3084] : memref<1x1536xf32, #tpu.memory_space<vmem>>, vector<1x512xf32>
    %add3A_3086 = vector.broadcast %get3A_3085 : vector<1x512xf32> to vector<16x512xf32>
    %add3A_3087 = arith.addf %add3A_3082, %add3A_3086 : vector<16x512xf32>
    %logistic3A_3088 = arith.negf %add3A_3087 : vector<16x512xf32>
    %logistic3A_3089 = math.exp %logistic3A_3088 : vector<16x512xf32>
    %logistic3A_3090 = arith.constant 1.000000e+00 : f32
    %logistic3A_3091 = vector.broadcast %logistic3A_3090 : f32 to vector<16x512xf32>
    %logistic3A_3092 = arith.addf %logistic3A_3091, %logistic3A_3089 : vector<16x512xf32>
    %logistic3A_3093 = arith.divf %logistic3A_3091, %logistic3A_3092 : vector<16x512xf32>
    %slice3A_3094 = vector.extract_strided_slice %get3A_3016 {offsets = [0, 1024], sizes = [16, 512], strides = [1, 1]} : vector<16x1536xf32> to vector<16x512xf32>
    %get3A_3095 = arith.constant 1024 : index
    %get3A_3096 = arith.constant 0 : index
    %get3A_3097 = vector.load %arg20[%get3A_3095, %get3A_3096] : memref<1536x512xf32, #tpu.memory_space<vmem>>, vector<512x512xf32>
    %dot_general3A_3098 = arith.constant dense<0.000000e+00> : vector<16x512xf32>
    %dot_general3A_3099 = tpu.matmul %add3A_2995, %get3A_3097, %dot_general3A_3098 {dimension_numbers = #tpu.dot_dimension_numbers<[1], [1], [0], [0], [0, 0, 1, 0], [], []>, transpose_lhs_hint = false} : vector<16x512xf32>, vector<512x512xf32>, vector<16x512xf32> -> vector<16x512xf32>
    %get3A_3100 = arith.constant 0 : index
    %get3A_3101 = arith.constant 1024 : index
    %get3A_3102 = vector.load %arg12[%get3A_3100, %get3A_3101] : memref<1x1536xf32, #tpu.memory_space<vmem>>, vector<1x512xf32>
    %add3A_3103 = vector.broadcast %get3A_3102 : vector<1x512xf32> to vector<16x512xf32>
    %add3A_3104 = arith.addf %dot_general3A_3099, %add3A_3103 : vector<16x512xf32>
    %mul3A_3105 = arith.mulf %logistic3A_3039, %add3A_3104 : vector<16x512xf32>
    %add3A_3106 = arith.addf %slice3A_3094, %mul3A_3105 : vector<16x512xf32>
    %tanh3A_3107 = math.tanh %add3A_3106 : vector<16x512xf32>
    %slice3A_3108 = vector.extract_strided_slice %get3A_3021 {offsets = [0, 1024], sizes = [16, 512], strides = [1, 1]} : vector<16x1536xf32> to vector<16x512xf32>
    %get3A_3109 = arith.constant 1024 : index
    %get3A_3110 = arith.constant 0 : index
    %get3A_3111 = vector.load %arg21[%get3A_3109, %get3A_3110] : memref<1536x512xf32, #tpu.memory_space<vmem>>, vector<512x512xf32>
    %dot_general3A_3112 = arith.constant dense<0.000000e+00> : vector<16x512xf32>
    %dot_general3A_3113 = tpu.matmul %add3A_3001, %get3A_3111, %dot_general3A_3112 {dimension_numbers = #tpu.dot_dimension_numbers<[1], [1], [0], [0], [0, 0, 1, 0], [], []>, transpose_lhs_hint = false} : vector<16x512xf32>, vector<512x512xf32>, vector<16x512xf32> -> vector<16x512xf32>
    %get3A_3114 = arith.constant 0 : index
    %get3A_3115 = arith.constant 1024 : index
    %get3A_3116 = vector.load %arg13[%get3A_3114, %get3A_3115] : memref<1x1536xf32, #tpu.memory_space<vmem>>, vector<1x512xf32>
    %add3A_3117 = vector.broadcast %get3A_3116 : vector<1x512xf32> to vector<16x512xf32>
    %add3A_3118 = arith.addf %dot_general3A_3113, %add3A_3117 : vector<16x512xf32>
    %mul3A_3119 = arith.mulf %logistic3A_3057, %add3A_3118 : vector<16x512xf32>
    %add3A_3120 = arith.addf %slice3A_3108, %mul3A_3119 : vector<16x512xf32>
    %tanh3A_3121 = math.tanh %add3A_3120 : vector<16x512xf32>
    %sub3A_3122 = arith.constant 1.000000e+00 : f32
    %sub3A_3123 = vector.broadcast %sub3A_3122 : f32 to vector<16x512xf32>
    %sub3A_3124 = arith.subf %sub3A_3123, %logistic3A_3075 : vector<16x512xf32>
    %mul3A_3125 = arith.mulf %sub3A_3124, %tanh3A_3107 : vector<16x512xf32>
    %mul3A_3126 = arith.mulf %logistic3A_3075, %add3A_2995 : vector<16x512xf32>
    %add3A_3127 = arith.addf %mul3A_3125, %mul3A_3126 : vector<16x512xf32>
    %sub3A_3128 = arith.constant 1.000000e+00 : f32
    %sub3A_3129 = vector.broadcast %sub3A_3128 : f32 to vector<16x512xf32>
    %sub3A_3130 = arith.subf %sub3A_3129, %logistic3A_3093 : vector<16x512xf32>
    %mul3A_3131 = arith.mulf %sub3A_3130, %tanh3A_3121 : vector<16x512xf32>
    %mul3A_3132 = arith.mulf %logistic3A_3093, %add3A_3001 : vector<16x512xf32>
    %add3A_3133 = arith.addf %mul3A_3131, %mul3A_3132 : vector<16x512xf32>
    %broadcast_in_dim3A_3134 = vector.shape_cast %add3A_3127 : vector<16x512xf32> to vector<16x1x512xf32>
    %swap3A_3135 = arith.constant 0 : index
    %swap3A_3136 = arith.constant 22 : index
    %swap3A_3137 = arith.constant 0 : index
    %swap3A_3138 = vector.load %arg14[%swap3A_3135, %swap3A_3136, %swap3A_3137] : memref<16x32x512xf32, #tpu.memory_space<vmem>>, vector<16x1x512xf32>
    tpu.vector_store %arg14[%swap3A_3135, %swap3A_3136, %swap3A_3137], %broadcast_in_dim3A_3134 {strides = array<i32>} : memref<16x32x512xf32, #tpu.memory_space<vmem>>, vector<16x1x512xf32>,
    %broadcast_in_dim3A_3139 = vector.shape_cast %add3A_3133 : vector<16x512xf32> to vector<16x1x512xf32>
    %swap3A_3140 = arith.constant 0 : index
    %swap3A_3141 = arith.constant 9 : index
    %swap3A_3142 = arith.constant 0 : index
    %swap3A_3143 = vector.load %arg17[%swap3A_3140, %swap3A_3141, %swap3A_3142] : memref<16x32x512xf32, #tpu.memory_space<vmem>>, vector<16x1x512xf32>
    tpu.vector_store %arg17[%swap3A_3140, %swap3A_3141, %swap3A_3142], %broadcast_in_dim3A_3139 {strides = array<i32>} : memref<16x32x512xf32, #tpu.memory_space<vmem>>, vector<16x1x512xf32>,
    %get3A_3144 = arith.constant 23 : index
    %get3A_3145 = arith.constant 0 : index
    %get3A_3146 = arith.constant 0 : index
    %get3A_3147 = vector.load %arg15[%get3A_3144, %get3A_3145, %get3A_3146] : memref<32x16x1536xf32, #tpu.memory_space<vmem>>, vector<1x16x1536xf32>
    %get3A_3148 = vector.shape_cast %get3A_3147 : vector<1x16x1536xf32> to vector<16x1536xf32>
    %get3A_3149 = arith.constant 8 : index
    %get3A_3150 = arith.constant 0 : index
    %get3A_3151 = arith.constant 0 : index
    %get3A_3152 = vector.load %arg16[%get3A_3149, %get3A_3150, %get3A_3151] : memref<32x16x1536xf32, #tpu.memory_space<vmem>>, vector<1x16x1536xf32>
    %get3A_3153 = vector.shape_cast %get3A_3152 : vector<1x16x1536xf32> to vector<16x1536xf32>
    %slice3A_3154 = vector.extract_strided_slice %get3A_3148 {offsets = [0, 0], sizes = [16, 512], strides = [1, 1]} : vector<16x1536xf32> to vector<16x512xf32>
    %get3A_3155 = arith.constant 0 : index
    %get3A_3156 = arith.constant 0 : index
    %get3A_3157 = vector.load %arg20[%get3A_3155, %get3A_3156] : memref<1536x512xf32, #tpu.memory_space<vmem>>, vector<512x512xf32>
    %dot_general3A_3158 = arith.constant dense<0.000000e+00> : vector<16x512xf32>
    %dot_general3A_3159 = tpu.matmul %add3A_3127, %get3A_3157, %dot_general3A_3158 {dimension_numbers = #tpu.dot_dimension_numbers<[1], [1], [0], [0], [0, 0, 1, 0], [], []>, transpose_lhs_hint = false} : vector<16x512xf32>, vector<512x512xf32>, vector<16x512xf32> -> vector<16x512xf32>
    %add3A_3160 = arith.addf %slice3A_3154, %dot_general3A_3159 : vector<16x512xf32>
    %get3A_3161 = arith.constant 0 : index
    %get3A_3162 = arith.constant 0 : index
    %get3A_3163 = vector.load %arg12[%get3A_3161, %get3A_3162] : memref<1x1536xf32, #tpu.memory_space<vmem>>, vector<1x512xf32>
    %add3A_3164 = vector.broadcast %get3A_3163 : vector<1x512xf32> to vector<16x512xf32>
    %add3A_3165 = arith.addf %add3A_3160, %add3A_3164 : vector<16x512xf32>
    %logistic3A_3166 = arith.negf %add3A_3165 : vector<16x512xf32>
    %logistic3A_3167 = math.exp %logistic3A_3166 : vector<16x512xf32>
    %logistic3A_3168 = arith.constant 1.000000e+00 : f32
    %logistic3A_3169 = vector.broadcast %logistic3A_3168 : f32 to vector<16x512xf32>
    %logistic3A_3170 = arith.addf %logistic3A_3169, %logistic3A_3167 : vector<16x512xf32>
    %logistic3A_3171 = arith.divf %logistic3A_3169, %logistic3A_3170 : vector<16x512xf32>
    %slice3A_3172 = vector.extract_strided_slice %get3A_3153 {offsets = [0, 0], sizes = [16, 512], strides = [1, 1]} : vector<16x1536xf32> to vector<16x512xf32>
    %get3A_3173 = arith.constant 0 : index
    %get3A_3174 = arith.constant 0 : index
    %get3A_3175 = vector.load %arg21[%get3A_3173, %get3A_3174] : memref<1536x512xf32, #tpu.memory_space<vmem>>, vector<512x512xf32>
    %dot_general3A_3176 = arith.constant dense<0.000000e+00> : vector<16x512xf32>
    %dot_general3A_3177 = tpu.matmul %add3A_3133, %get3A_3175, %dot_general3A_3176 {dimension_numbers = #tpu.dot_dimension_numbers<[1], [1], [0], [0], [0, 0, 1, 0], [], []>, transpose_lhs_hint = false} : vector<16x512xf32>, vector<512x512xf32>, vector<16x512xf32> -> vector<16x512xf32>
    %add3A_3178 = arith.addf %slice3A_3172, %dot_general3A_3177 : vector<16x512xf32>
    %get3A_3179 = arith.constant 0 : index
    %get3A_3180 = arith.constant 0 : index
    %get3A_3181 = vector.load %arg13[%get3A_3179, %get3A_3180] : memref<1x1536xf32, #tpu.memory_space<vmem>>, vector<1x512xf32>
    %add3A_3182 = vector.broadcast %get3A_3181 : vector<1x512xf32> to vector<16x512xf32>
    %add3A_3183 = arith.addf %add3A_3178, %add3A_3182 : vector<16x512xf32>
    %logistic3A_3184 = arith.negf %add3A_3183 : vector<16x512xf32>
    %logistic3A_3185 = math.exp %logistic3A_3184 : vector<16x512xf32>
    %logistic3A_3186 = arith.constant 1.000000e+00 : f32
    %logistic3A_3187 = vector.broadcast %logistic3A_3186 : f32 to vector<16x512xf32>
    %logistic3A_3188 = arith.addf %logistic3A_3187, %logistic3A_3185 : vector<16x512xf32>
    %logistic3A_3189 = arith.divf %logistic3A_3187, %logistic3A_3188 : vector<16x512xf32>
    %slice3A_3190 = vector.extract_strided_slice %get3A_3148 {offsets = [0, 512], sizes = [16, 512], strides = [1, 1]} : vector<16x1536xf32> to vector<16x512xf32>
    %get3A_3191 = arith.constant 512 : index
    %get3A_3192 = arith.constant 0 : index
    %get3A_3193 = vector.load %arg20[%get3A_3191, %get3A_3192] : memref<1536x512xf32, #tpu.memory_space<vmem>>, vector<512x512xf32>
    %dot_general3A_3194 = arith.constant dense<0.000000e+00> : vector<16x512xf32>
    %dot_general3A_3195 = tpu.matmul %add3A_3127, %get3A_3193, %dot_general3A_3194 {dimension_numbers = #tpu.dot_dimension_numbers<[1], [1], [0], [0], [0, 0, 1, 0], [], []>, transpose_lhs_hint = false} : vector<16x512xf32>, vector<512x512xf32>, vector<16x512xf32> -> vector<16x512xf32>
    %add3A_3196 = arith.addf %slice3A_3190, %dot_general3A_3195 : vector<16x512xf32>
    %get3A_3197 = arith.constant 0 : index
    %get3A_3198 = arith.constant 512 : index
    %get3A_3199 = vector.load %arg12[%get3A_3197, %get3A_3198] : memref<1x1536xf32, #tpu.memory_space<vmem>>, vector<1x512xf32>
    %add3A_3200 = vector.broadcast %get3A_3199 : vector<1x512xf32> to vector<16x512xf32>
    %add3A_3201 = arith.addf %add3A_3196, %add3A_3200 : vector<16x512xf32>
    %logistic3A_3202 = arith.negf %add3A_3201 : vector<16x512xf32>
    %logistic3A_3203 = math.exp %logistic3A_3202 : vector<16x512xf32>
    %logistic3A_3204 = arith.constant 1.000000e+00 : f32
    %logistic3A_3205 = vector.broadcast %logistic3A_3204 : f32 to vector<16x512xf32>
    %logistic3A_3206 = arith.addf %logistic3A_3205, %logistic3A_3203 : vector<16x512xf32>
    %logistic3A_3207 = arith.divf %logistic3A_3205, %logistic3A_3206 : vector<16x512xf32>
    %slice3A_3208 = vector.extract_strided_slice %get3A_3153 {offsets = [0, 512], sizes = [16, 512], strides = [1, 1]} : vector<16x1536xf32> to vector<16x512xf32>
    %get3A_3209 = arith.constant 512 : index
    %get3A_3210 = arith.constant 0 : index
    %get3A_3211 = vector.load %arg21[%get3A_3209, %get3A_3210] : memref<1536x512xf32, #tpu.memory_space<vmem>>, vector<512x512xf32>
    %dot_general3A_3212 = arith.constant dense<0.000000e+00> : vector<16x512xf32>
    %dot_general3A_3213 = tpu.matmul %add3A_3133, %get3A_3211, %dot_general3A_3212 {dimension_numbers = #tpu.dot_dimension_numbers<[1], [1], [0], [0], [0, 0, 1, 0], [], []>, transpose_lhs_hint = false} : vector<16x512xf32>, vector<512x512xf32>, vector<16x512xf32> -> vector<16x512xf32>
    %add3A_3214 = arith.addf %slice3A_3208, %dot_general3A_3213 : vector<16x512xf32>
    %get3A_3215 = arith.constant 0 : index
    %get3A_3216 = arith.constant 512 : index
    %get3A_3217 = vector.load %arg13[%get3A_3215, %get3A_3216] : memref<1x1536xf32, #tpu.memory_space<vmem>>, vector<1x512xf32>
    %add3A_3218 = vector.broadcast %get3A_3217 : vector<1x512xf32> to vector<16x512xf32>
    %add3A_3219 = arith.addf %add3A_3214, %add3A_3218 : vector<16x512xf32>
    %logistic3A_3220 = arith.negf %add3A_3219 : vector<16x512xf32>
    %logistic3A_3221 = math.exp %logistic3A_3220 : vector<16x512xf32>
    %logistic3A_3222 = arith.constant 1.000000e+00 : f32
    %logistic3A_3223 = vector.broadcast %logistic3A_3222 : f32 to vector<16x512xf32>
    %logistic3A_3224 = arith.addf %logistic3A_3223, %logistic3A_3221 : vector<16x512xf32>
    %logistic3A_3225 = arith.divf %logistic3A_3223, %logistic3A_3224 : vector<16x512xf32>
    %slice3A_3226 = vector.extract_strided_slice %get3A_3148 {offsets = [0, 1024], sizes = [16, 512], strides = [1, 1]} : vector<16x1536xf32> to vector<16x512xf32>
    %get3A_3227 = arith.constant 1024 : index
    %get3A_3228 = arith.constant 0 : index
    %get3A_3229 = vector.load %arg20[%get3A_3227, %get3A_3228] : memref<1536x512xf32, #tpu.memory_space<vmem>>, vector<512x512xf32>
    %dot_general3A_3230 = arith.constant dense<0.000000e+00> : vector<16x512xf32>
    %dot_general3A_3231 = tpu.matmul %add3A_3127, %get3A_3229, %dot_general3A_3230 {dimension_numbers = #tpu.dot_dimension_numbers<[1], [1], [0], [0], [0, 0, 1, 0], [], []>, transpose_lhs_hint = false} : vector<16x512xf32>, vector<512x512xf32>, vector<16x512xf32> -> vector<16x512xf32>
    %get3A_3232 = arith.constant 0 : index
    %get3A_3233 = arith.constant 1024 : index
    %get3A_3234 = vector.load %arg12[%get3A_3232, %get3A_3233] : memref<1x1536xf32, #tpu.memory_space<vmem>>, vector<1x512xf32>
    %add3A_3235 = vector.broadcast %get3A_3234 : vector<1x512xf32> to vector<16x512xf32>
    %add3A_3236 = arith.addf %dot_general3A_3231, %add3A_3235 : vector<16x512xf32>
    %mul3A_3237 = arith.mulf %logistic3A_3171, %add3A_3236 : vector<16x512xf32>
    %add3A_3238 = arith.addf %slice3A_3226, %mul3A_3237 : vector<16x512xf32>
    %tanh3A_3239 = math.tanh %add3A_3238 : vector<16x512xf32>
    %slice3A_3240 = vector.extract_strided_slice %get3A_3153 {offsets = [0, 1024], sizes = [16, 512], strides = [1, 1]} : vector<16x1536xf32> to vector<16x512xf32>
    %get3A_3241 = arith.constant 1024 : index
    %get3A_3242 = arith.constant 0 : index
    %get3A_3243 = vector.load %arg21[%get3A_3241, %get3A_3242] : memref<1536x512xf32, #tpu.memory_space<vmem>>, vector<512x512xf32>
    %dot_general3A_3244 = arith.constant dense<0.000000e+00> : vector<16x512xf32>
    %dot_general3A_3245 = tpu.matmul %add3A_3133, %get3A_3243, %dot_general3A_3244 {dimension_numbers = #tpu.dot_dimension_numbers<[1], [1], [0], [0], [0, 0, 1, 0], [], []>, transpose_lhs_hint = false} : vector<16x512xf32>, vector<512x512xf32>, vector<16x512xf32> -> vector<16x512xf32>
    %get3A_3246 = arith.constant 0 : index
    %get3A_3247 = arith.constant 1024 : index
    %get3A_3248 = vector.load %arg13[%get3A_3246, %get3A_3247] : memref<1x1536xf32, #tpu.memory_space<vmem>>, vector<1x512xf32>
    %add3A_3249 = vector.broadcast %get3A_3248 : vector<1x512xf32> to vector<16x512xf32>
    %add3A_3250 = arith.addf %dot_general3A_3245, %add3A_3249 : vector<16x512xf32>
    %mul3A_3251 = arith.mulf %logistic3A_3189, %add3A_3250 : vector<16x512xf32>
    %add3A_3252 = arith.addf %slice3A_3240, %mul3A_3251 : vector<16x512xf32>
    %tanh3A_3253 = math.tanh %add3A_3252 : vector<16x512xf32>
    %sub3A_3254 = arith.constant 1.000000e+00 : f32
    %sub3A_3255 = vector.broadcast %sub3A_3254 : f32 to vector<16x512xf32>
    %sub3A_3256 = arith.subf %sub3A_3255, %logistic3A_3207 : vector<16x512xf32>
    %mul3A_3257 = arith.mulf %sub3A_3256, %tanh3A_3239 : vector<16x512xf32>
    %mul3A_3258 = arith.mulf %logistic3A_3207, %add3A_3127 : vector<16x512xf32>
    %add3A_3259 = arith.addf %mul3A_3257, %mul3A_3258 : vector<16x512xf32>
    %sub3A_3260 = arith.constant 1.000000e+00 : f32
    %sub3A_3261 = vector.broadcast %sub3A_3260 : f32 to vector<16x512xf32>
    %sub3A_3262 = arith.subf %sub3A_3261, %logistic3A_3225 : vector<16x512xf32>
    %mul3A_3263 = arith.mulf %sub3A_3262, %tanh3A_3253 : vector<16x512xf32>
    %mul3A_3264 = arith.mulf %logistic3A_3225, %add3A_3133 : vector<16x512xf32>
    %add3A_3265 = arith.addf %mul3A_3263, %mul3A_3264 : vector<16x512xf32>
    %broadcast_in_dim3A_3266 = vector.shape_cast %add3A_3259 : vector<16x512xf32> to vector<16x1x512xf32>
    %swap3A_3267 = arith.constant 0 : index
    %swap3A_3268 = arith.constant 23 : index
    %swap3A_3269 = arith.constant 0 : index
    %swap3A_3270 = vector.load %arg14[%swap3A_3267, %swap3A_3268, %swap3A_3269] : memref<16x32x512xf32, #tpu.memory_space<vmem>>, vector<16x1x512xf32>
    tpu.vector_store %arg14[%swap3A_3267, %swap3A_3268, %swap3A_3269], %broadcast_in_dim3A_3266 {strides = array<i32>} : memref<16x32x512xf32, #tpu.memory_space<vmem>>, vector<16x1x512xf32>,
    %broadcast_in_dim3A_3271 = vector.shape_cast %add3A_3265 : vector<16x512xf32> to vector<16x1x512xf32>
    %swap3A_3272 = arith.constant 0 : index
    %swap3A_3273 = arith.constant 8 : index
    %swap3A_3274 = arith.constant 0 : index
    %swap3A_3275 = vector.load %arg17[%swap3A_3272, %swap3A_3273, %swap3A_3274] : memref<16x32x512xf32, #tpu.memory_space<vmem>>, vector<16x1x512xf32>
    tpu.vector_store %arg17[%swap3A_3272, %swap3A_3273, %swap3A_3274], %broadcast_in_dim3A_3271 {strides = array<i32>} : memref<16x32x512xf32, #tpu.memory_space<vmem>>, vector<16x1x512xf32>,
    %get3A_3276 = arith.constant 24 : index
    %get3A_3277 = arith.constant 0 : index
    %get3A_3278 = arith.constant 0 : index
    %get3A_3279 = vector.load %arg15[%get3A_3276, %get3A_3277, %get3A_3278] : memref<32x16x1536xf32, #tpu.memory_space<vmem>>, vector<1x16x1536xf32>
    %get3A_3280 = vector.shape_cast %get3A_3279 : vector<1x16x1536xf32> to vector<16x1536xf32>
    %get3A_3281 = arith.constant 7 : index
    %get3A_3282 = arith.constant 0 : index
    %get3A_3283 = arith.constant 0 : index
    %get3A_3284 = vector.load %arg16[%get3A_3281, %get3A_3282, %get3A_3283] : memref<32x16x1536xf32, #tpu.memory_space<vmem>>, vector<1x16x1536xf32>
    %get3A_3285 = vector.shape_cast %get3A_3284 : vector<1x16x1536xf32> to vector<16x1536xf32>
    %slice3A_3286 = vector.extract_strided_slice %get3A_3280 {offsets = [0, 0], sizes = [16, 512], strides = [1, 1]} : vector<16x1536xf32> to vector<16x512xf32>
    %get3A_3287 = arith.constant 0 : index
    %get3A_3288 = arith.constant 0 : index
    %get3A_3289 = vector.load %arg20[%get3A_3287, %get3A_3288] : memref<1536x512xf32, #tpu.memory_space<vmem>>, vector<512x512xf32>
    %dot_general3A_3290 = arith.constant dense<0.000000e+00> : vector<16x512xf32>
    %dot_general3A_3291 = tpu.matmul %add3A_3259, %get3A_3289, %dot_general3A_3290 {dimension_numbers = #tpu.dot_dimension_numbers<[1], [1], [0], [0], [0, 0, 1, 0], [], []>, transpose_lhs_hint = false} : vector<16x512xf32>, vector<512x512xf32>, vector<16x512xf32> -> vector<16x512xf32>
    %add3A_3292 = arith.addf %slice3A_3286, %dot_general3A_3291 : vector<16x512xf32>
    %get3A_3293 = arith.constant 0 : index
    %get3A_3294 = arith.constant 0 : index
    %get3A_3295 = vector.load %arg12[%get3A_3293, %get3A_3294] : memref<1x1536xf32, #tpu.memory_space<vmem>>, vector<1x512xf32>
    %add3A_3296 = vector.broadcast %get3A_3295 : vector<1x512xf32> to vector<16x512xf32>
    %add3A_3297 = arith.addf %add3A_3292, %add3A_3296 : vector<16x512xf32>
    %logistic3A_3298 = arith.negf %add3A_3297 : vector<16x512xf32>
    %logistic3A_3299 = math.exp %logistic3A_3298 : vector<16x512xf32>
    %logistic3A_3300 = arith.constant 1.000000e+00 : f32
    %logistic3A_3301 = vector.broadcast %logistic3A_3300 : f32 to vector<16x512xf32>
    %logistic3A_3302 = arith.addf %logistic3A_3301, %logistic3A_3299 : vector<16x512xf32>
    %logistic3A_3303 = arith.divf %logistic3A_3301, %logistic3A_3302 : vector<16x512xf32>
    %slice3A_3304 = vector.extract_strided_slice %get3A_3285 {offsets = [0, 0], sizes = [16, 512], strides = [1, 1]} : vector<16x1536xf32> to vector<16x512xf32>
    %get3A_3305 = arith.constant 0 : index
    %get3A_3306 = arith.constant 0 : index
    %get3A_3307 = vector.load %arg21[%get3A_3305, %get3A_3306] : memref<1536x512xf32, #tpu.memory_space<vmem>>, vector<512x512xf32>
    %dot_general3A_3308 = arith.constant dense<0.000000e+00> : vector<16x512xf32>
    %dot_general3A_3309 = tpu.matmul %add3A_3265, %get3A_3307, %dot_general3A_3308 {dimension_numbers = #tpu.dot_dimension_numbers<[1], [1], [0], [0], [0, 0, 1, 0], [], []>, transpose_lhs_hint = false} : vector<16x512xf32>, vector<512x512xf32>, vector<16x512xf32> -> vector<16x512xf32>
    %add3A_3310 = arith.addf %slice3A_3304, %dot_general3A_3309 : vector<16x512xf32>
    %get3A_3311 = arith.constant 0 : index
    %get3A_3312 = arith.constant 0 : index
    %get3A_3313 = vector.load %arg13[%get3A_3311, %get3A_3312] : memref<1x1536xf32, #tpu.memory_space<vmem>>, vector<1x512xf32>
    %add3A_3314 = vector.broadcast %get3A_3313 : vector<1x512xf32> to vector<16x512xf32>
    %add3A_3315 = arith.addf %add3A_3310, %add3A_3314 : vector<16x512xf32>
    %logistic3A_3316 = arith.negf %add3A_3315 : vector<16x512xf32>
    %logistic3A_3317 = math.exp %logistic3A_3316 : vector<16x512xf32>
    %logistic3A_3318 = arith.constant 1.000000e+00 : f32
    %logistic3A_3319 = vector.broadcast %logistic3A_3318 : f32 to vector<16x512xf32>
    %logistic3A_3320 = arith.addf %logistic3A_3319, %logistic3A_3317 : vector<16x512xf32>
    %logistic3A_3321 = arith.divf %logistic3A_3319, %logistic3A_3320 : vector<16x512xf32>
    %slice3A_3322 = vector.extract_strided_slice %get3A_3280 {offsets = [0, 512], sizes = [16, 512], strides = [1, 1]} : vector<16x1536xf32> to vector<16x512xf32>
    %get3A_3323 = arith.constant 512 : index
    %get3A_3324 = arith.constant 0 : index
    %get3A_3325 = vector.load %arg20[%get3A_3323, %get3A_3324] : memref<1536x512xf32, #tpu.memory_space<vmem>>, vector<512x512xf32>
    %dot_general3A_3326 = arith.constant dense<0.000000e+00> : vector<16x512xf32>
    %dot_general3A_3327 = tpu.matmul %add3A_3259, %get3A_3325, %dot_general3A_3326 {dimension_numbers = #tpu.dot_dimension_numbers<[1], [1], [0], [0], [0, 0, 1, 0], [], []>, transpose_lhs_hint = false} : vector<16x512xf32>, vector<512x512xf32>, vector<16x512xf32> -> vector<16x512xf32>
    %add3A_3328 = arith.addf %slice3A_3322, %dot_general3A_3327 : vector<16x512xf32>
    %get3A_3329 = arith.constant 0 : index
    %get3A_3330 = arith.constant 512 : index
    %get3A_3331 = vector.load %arg12[%get3A_3329, %get3A_3330] : memref<1x1536xf32, #tpu.memory_space<vmem>>, vector<1x512xf32>
    %add3A_3332 = vector.broadcast %get3A_3331 : vector<1x512xf32> to vector<16x512xf32>
    %add3A_3333 = arith.addf %add3A_3328, %add3A_3332 : vector<16x512xf32>
    %logistic3A_3334 = arith.negf %add3A_3333 : vector<16x512xf32>
    %logistic3A_3335 = math.exp %logistic3A_3334 : vector<16x512xf32>
    %logistic3A_3336 = arith.constant 1.000000e+00 : f32
    %logistic3A_3337 = vector.broadcast %logistic3A_3336 : f32 to vector<16x512xf32>
    %logistic3A_3338 = arith.addf %logistic3A_3337, %logistic3A_3335 : vector<16x512xf32>
    %logistic3A_3339 = arith.divf %logistic3A_3337, %logistic3A_3338 : vector<16x512xf32>
    %slice3A_3340 = vector.extract_strided_slice %get3A_3285 {offsets = [0, 512], sizes = [16, 512], strides = [1, 1]} : vector<16x1536xf32> to vector<16x512xf32>
    %get3A_3341 = arith.constant 512 : index
    %get3A_3342 = arith.constant 0 : index
    %get3A_3343 = vector.load %arg21[%get3A_3341, %get3A_3342] : memref<1536x512xf32, #tpu.memory_space<vmem>>, vector<512x512xf32>
    %dot_general3A_3344 = arith.constant dense<0.000000e+00> : vector<16x512xf32>
    %dot_general3A_3345 = tpu.matmul %add3A_3265, %get3A_3343, %dot_general3A_3344 {dimension_numbers = #tpu.dot_dimension_numbers<[1], [1], [0], [0], [0, 0, 1, 0], [], []>, transpose_lhs_hint = false} : vector<16x512xf32>, vector<512x512xf32>, vector<16x512xf32> -> vector<16x512xf32>
    %add3A_3346 = arith.addf %slice3A_3340, %dot_general3A_3345 : vector<16x512xf32>
    %get3A_3347 = arith.constant 0 : index
    %get3A_3348 = arith.constant 512 : index
    %get3A_3349 = vector.load %arg13[%get3A_3347, %get3A_3348] : memref<1x1536xf32, #tpu.memory_space<vmem>>, vector<1x512xf32>
    %add3A_3350 = vector.broadcast %get3A_3349 : vector<1x512xf32> to vector<16x512xf32>
    %add3A_3351 = arith.addf %add3A_3346, %add3A_3350 : vector<16x512xf32>
    %logistic3A_3352 = arith.negf %add3A_3351 : vector<16x512xf32>
    %logistic3A_3353 = math.exp %logistic3A_3352 : vector<16x512xf32>
    %logistic3A_3354 = arith.constant 1.000000e+00 : f32
    %logistic3A_3355 = vector.broadcast %logistic3A_3354 : f32 to vector<16x512xf32>
    %logistic3A_3356 = arith.addf %logistic3A_3355, %logistic3A_3353 : vector<16x512xf32>
    %logistic3A_3357 = arith.divf %logistic3A_3355, %logistic3A_3356 : vector<16x512xf32>
    %slice3A_3358 = vector.extract_strided_slice %get3A_3280 {offsets = [0, 1024], sizes = [16, 512], strides = [1, 1]} : vector<16x1536xf32> to vector<16x512xf32>
    %get3A_3359 = arith.constant 1024 : index
    %get3A_3360 = arith.constant 0 : index
    %get3A_3361 = vector.load %arg20[%get3A_3359, %get3A_3360] : memref<1536x512xf32, #tpu.memory_space<vmem>>, vector<512x512xf32>
    %dot_general3A_3362 = arith.constant dense<0.000000e+00> : vector<16x512xf32>
    %dot_general3A_3363 = tpu.matmul %add3A_3259, %get3A_3361, %dot_general3A_3362 {dimension_numbers = #tpu.dot_dimension_numbers<[1], [1], [0], [0], [0, 0, 1, 0], [], []>, transpose_lhs_hint = false} : vector<16x512xf32>, vector<512x512xf32>, vector<16x512xf32> -> vector<16x512xf32>
    %get3A_3364 = arith.constant 0 : index
    %get3A_3365 = arith.constant 1024 : index
    %get3A_3366 = vector.load %arg12[%get3A_3364, %get3A_3365] : memref<1x1536xf32, #tpu.memory_space<vmem>>, vector<1x512xf32>
    %add3A_3367 = vector.broadcast %get3A_3366 : vector<1x512xf32> to vector<16x512xf32>
    %add3A_3368 = arith.addf %dot_general3A_3363, %add3A_3367 : vector<16x512xf32>
    %mul3A_3369 = arith.mulf %logistic3A_3303, %add3A_3368 : vector<16x512xf32>
    %add3A_3370 = arith.addf %slice3A_3358, %mul3A_3369 : vector<16x512xf32>
    %tanh3A_3371 = math.tanh %add3A_3370 : vector<16x512xf32>
    %slice3A_3372 = vector.extract_strided_slice %get3A_3285 {offsets = [0, 1024], sizes = [16, 512], strides = [1, 1]} : vector<16x1536xf32> to vector<16x512xf32>
    %get3A_3373 = arith.constant 1024 : index
    %get3A_3374 = arith.constant 0 : index
    %get3A_3375 = vector.load %arg21[%get3A_3373, %get3A_3374] : memref<1536x512xf32, #tpu.memory_space<vmem>>, vector<512x512xf32>
    %dot_general3A_3376 = arith.constant dense<0.000000e+00> : vector<16x512xf32>
    %dot_general3A_3377 = tpu.matmul %add3A_3265, %get3A_3375, %dot_general3A_3376 {dimension_numbers = #tpu.dot_dimension_numbers<[1], [1], [0], [0], [0, 0, 1, 0], [], []>, transpose_lhs_hint = false} : vector<16x512xf32>, vector<512x512xf32>, vector<16x512xf32> -> vector<16x512xf32>
    %get3A_3378 = arith.constant 0 : index
    %get3A_3379 = arith.constant 1024 : index
    %get3A_3380 = vector.load %arg13[%get3A_3378, %get3A_3379] : memref<1x1536xf32, #tpu.memory_space<vmem>>, vector<1x512xf32>
    %add3A_3381 = vector.broadcast %get3A_3380 : vector<1x512xf32> to vector<16x512xf32>
    %add3A_3382 = arith.addf %dot_general3A_3377, %add3A_3381 : vector<16x512xf32>
    %mul3A_3383 = arith.mulf %logistic3A_3321, %add3A_3382 : vector<16x512xf32>
    %add3A_3384 = arith.addf %slice3A_3372, %mul3A_3383 : vector<16x512xf32>
    %tanh3A_3385 = math.tanh %add3A_3384 : vector<16x512xf32>
    %sub3A_3386 = arith.constant 1.000000e+00 : f32
    %sub3A_3387 = vector.broadcast %sub3A_3386 : f32 to vector<16x512xf32>
    %sub3A_3388 = arith.subf %sub3A_3387, %logistic3A_3339 : vector<16x512xf32>
    %mul3A_3389 = arith.mulf %sub3A_3388, %tanh3A_3371 : vector<16x512xf32>
    %mul3A_3390 = arith.mulf %logistic3A_3339, %add3A_3259 : vector<16x512xf32>
    %add3A_3391 = arith.addf %mul3A_3389, %mul3A_3390 : vector<16x512xf32>
    %sub3A_3392 = arith.constant 1.000000e+00 : f32
    %sub3A_3393 = vector.broadcast %sub3A_3392 : f32 to vector<16x512xf32>
    %sub3A_3394 = arith.subf %sub3A_3393, %logistic3A_3357 : vector<16x512xf32>
    %mul3A_3395 = arith.mulf %sub3A_3394, %tanh3A_3385 : vector<16x512xf32>
    %mul3A_3396 = arith.mulf %logistic3A_3357, %add3A_3265 : vector<16x512xf32>
    %add3A_3397 = arith.addf %mul3A_3395, %mul3A_3396 : vector<16x512xf32>
    %broadcast_in_dim3A_3398 = vector.shape_cast %add3A_3391 : vector<16x512xf32> to vector<16x1x512xf32>
    %swap3A_3399 = arith.constant 0 : index
    %swap3A_3400 = arith.constant 24 : index
    %swap3A_3401 = arith.constant 0 : index
    %swap3A_3402 = vector.load %arg14[%swap3A_3399, %swap3A_3400, %swap3A_3401] : memref<16x32x512xf32, #tpu.memory_space<vmem>>, vector<16x1x512xf32>
    tpu.vector_store %arg14[%swap3A_3399, %swap3A_3400, %swap3A_3401], %broadcast_in_dim3A_3398 {strides = array<i32>} : memref<16x32x512xf32, #tpu.memory_space<vmem>>, vector<16x1x512xf32>,
    %broadcast_in_dim3A_3403 = vector.shape_cast %add3A_3397 : vector<16x512xf32> to vector<16x1x512xf32>
    %swap3A_3404 = arith.constant 0 : index
    %swap3A_3405 = arith.constant 7 : index
    %swap3A_3406 = arith.constant 0 : index
    %swap3A_3407 = vector.load %arg17[%swap3A_3404, %swap3A_3405, %swap3A_3406] : memref<16x32x512xf32, #tpu.memory_space<vmem>>, vector<16x1x512xf32>
    tpu.vector_store %arg17[%swap3A_3404, %swap3A_3405, %swap3A_3406], %broadcast_in_dim3A_3403 {strides = array<i32>} : memref<16x32x512xf32, #tpu.memory_space<vmem>>, vector<16x1x512xf32>,
    %get3A_3408 = arith.constant 25 : index
    %get3A_3409 = arith.constant 0 : index
    %get3A_3410 = arith.constant 0 : index
    %get3A_3411 = vector.load %arg15[%get3A_3408, %get3A_3409, %get3A_3410] : memref<32x16x1536xf32, #tpu.memory_space<vmem>>, vector<1x16x1536xf32>
    %get3A_3412 = vector.shape_cast %get3A_3411 : vector<1x16x1536xf32> to vector<16x1536xf32>
    %get3A_3413 = arith.constant 6 : index
    %get3A_3414 = arith.constant 0 : index
    %get3A_3415 = arith.constant 0 : index
    %get3A_3416 = vector.load %arg16[%get3A_3413, %get3A_3414, %get3A_3415] : memref<32x16x1536xf32, #tpu.memory_space<vmem>>, vector<1x16x1536xf32>
    %get3A_3417 = vector.shape_cast %get3A_3416 : vector<1x16x1536xf32> to vector<16x1536xf32>
    %slice3A_3418 = vector.extract_strided_slice %get3A_3412 {offsets = [0, 0], sizes = [16, 512], strides = [1, 1]} : vector<16x1536xf32> to vector<16x512xf32>
    %get3A_3419 = arith.constant 0 : index
    %get3A_3420 = arith.constant 0 : index
    %get3A_3421 = vector.load %arg20[%get3A_3419, %get3A_3420] : memref<1536x512xf32, #tpu.memory_space<vmem>>, vector<512x512xf32>
    %dot_general3A_3422 = arith.constant dense<0.000000e+00> : vector<16x512xf32>
    %dot_general3A_3423 = tpu.matmul %add3A_3391, %get3A_3421, %dot_general3A_3422 {dimension_numbers = #tpu.dot_dimension_numbers<[1], [1], [0], [0], [0, 0, 1, 0], [], []>, transpose_lhs_hint = false} : vector<16x512xf32>, vector<512x512xf32>, vector<16x512xf32> -> vector<16x512xf32>
    %add3A_3424 = arith.addf %slice3A_3418, %dot_general3A_3423 : vector<16x512xf32>
    %get3A_3425 = arith.constant 0 : index
    %get3A_3426 = arith.constant 0 : index
    %get3A_3427 = vector.load %arg12[%get3A_3425, %get3A_3426] : memref<1x1536xf32, #tpu.memory_space<vmem>>, vector<1x512xf32>
    %add3A_3428 = vector.broadcast %get3A_3427 : vector<1x512xf32> to vector<16x512xf32>
    %add3A_3429 = arith.addf %add3A_3424, %add3A_3428 : vector<16x512xf32>
    %logistic3A_3430 = arith.negf %add3A_3429 : vector<16x512xf32>
    %logistic3A_3431 = math.exp %logistic3A_3430 : vector<16x512xf32>
    %logistic3A_3432 = arith.constant 1.000000e+00 : f32
    %logistic3A_3433 = vector.broadcast %logistic3A_3432 : f32 to vector<16x512xf32>
    %logistic3A_3434 = arith.addf %logistic3A_3433, %logistic3A_3431 : vector<16x512xf32>
    %logistic3A_3435 = arith.divf %logistic3A_3433, %logistic3A_3434 : vector<16x512xf32>
    %slice3A_3436 = vector.extract_strided_slice %get3A_3417 {offsets = [0, 0], sizes = [16, 512], strides = [1, 1]} : vector<16x1536xf32> to vector<16x512xf32>
    %get3A_3437 = arith.constant 0 : index
    %get3A_3438 = arith.constant 0 : index
    %get3A_3439 = vector.load %arg21[%get3A_3437, %get3A_3438] : memref<1536x512xf32, #tpu.memory_space<vmem>>, vector<512x512xf32>
    %dot_general3A_3440 = arith.constant dense<0.000000e+00> : vector<16x512xf32>
    %dot_general3A_3441 = tpu.matmul %add3A_3397, %get3A_3439, %dot_general3A_3440 {dimension_numbers = #tpu.dot_dimension_numbers<[1], [1], [0], [0], [0, 0, 1, 0], [], []>, transpose_lhs_hint = false} : vector<16x512xf32>, vector<512x512xf32>, vector<16x512xf32> -> vector<16x512xf32>
    %add3A_3442 = arith.addf %slice3A_3436, %dot_general3A_3441 : vector<16x512xf32>
    %get3A_3443 = arith.constant 0 : index
    %get3A_3444 = arith.constant 0 : index
    %get3A_3445 = vector.load %arg13[%get3A_3443, %get3A_3444] : memref<1x1536xf32, #tpu.memory_space<vmem>>, vector<1x512xf32>
    %add3A_3446 = vector.broadcast %get3A_3445 : vector<1x512xf32> to vector<16x512xf32>
    %add3A_3447 = arith.addf %add3A_3442, %add3A_3446 : vector<16x512xf32>
    %logistic3A_3448 = arith.negf %add3A_3447 : vector<16x512xf32>
    %logistic3A_3449 = math.exp %logistic3A_3448 : vector<16x512xf32>
    %logistic3A_3450 = arith.constant 1.000000e+00 : f32
    %logistic3A_3451 = vector.broadcast %logistic3A_3450 : f32 to vector<16x512xf32>
    %logistic3A_3452 = arith.addf %logistic3A_3451, %logistic3A_3449 : vector<16x512xf32>
    %logistic3A_3453 = arith.divf %logistic3A_3451, %logistic3A_3452 : vector<16x512xf32>
    %slice3A_3454 = vector.extract_strided_slice %get3A_3412 {offsets = [0, 512], sizes = [16, 512], strides = [1, 1]} : vector<16x1536xf32> to vector<16x512xf32>
    %get3A_3455 = arith.constant 512 : index
    %get3A_3456 = arith.constant 0 : index
    %get3A_3457 = vector.load %arg20[%get3A_3455, %get3A_3456] : memref<1536x512xf32, #tpu.memory_space<vmem>>, vector<512x512xf32>
    %dot_general3A_3458 = arith.constant dense<0.000000e+00> : vector<16x512xf32>
    %dot_general3A_3459 = tpu.matmul %add3A_3391, %get3A_3457, %dot_general3A_3458 {dimension_numbers = #tpu.dot_dimension_numbers<[1], [1], [0], [0], [0, 0, 1, 0], [], []>, transpose_lhs_hint = false} : vector<16x512xf32>, vector<512x512xf32>, vector<16x512xf32> -> vector<16x512xf32>
    %add3A_3460 = arith.addf %slice3A_3454, %dot_general3A_3459 : vector<16x512xf32>
    %get3A_3461 = arith.constant 0 : index
    %get3A_3462 = arith.constant 512 : index
    %get3A_3463 = vector.load %arg12[%get3A_3461, %get3A_3462] : memref<1x1536xf32, #tpu.memory_space<vmem>>, vector<1x512xf32>
    %add3A_3464 = vector.broadcast %get3A_3463 : vector<1x512xf32> to vector<16x512xf32>
    %add3A_3465 = arith.addf %add3A_3460, %add3A_3464 : vector<16x512xf32>
    %logistic3A_3466 = arith.negf %add3A_3465 : vector<16x512xf32>
    %logistic3A_3467 = math.exp %logistic3A_3466 : vector<16x512xf32>
    %logistic3A_3468 = arith.constant 1.000000e+00 : f32
    %logistic3A_3469 = vector.broadcast %logistic3A_3468 : f32 to vector<16x512xf32>
    %logistic3A_3470 = arith.addf %logistic3A_3469, %logistic3A_3467 : vector<16x512xf32>
    %logistic3A_3471 = arith.divf %logistic3A_3469, %logistic3A_3470 : vector<16x512xf32>
    %slice3A_3472 = vector.extract_strided_slice %get3A_3417 {offsets = [0, 512], sizes = [16, 512], strides = [1, 1]} : vector<16x1536xf32> to vector<16x512xf32>
    %get3A_3473 = arith.constant 512 : index
    %get3A_3474 = arith.constant 0 : index
    %get3A_3475 = vector.load %arg21[%get3A_3473, %get3A_3474] : memref<1536x512xf32, #tpu.memory_space<vmem>>, vector<512x512xf32>
    %dot_general3A_3476 = arith.constant dense<0.000000e+00> : vector<16x512xf32>
    %dot_general3A_3477 = tpu.matmul %add3A_3397, %get3A_3475, %dot_general3A_3476 {dimension_numbers = #tpu.dot_dimension_numbers<[1], [1], [0], [0], [0, 0, 1, 0], [], []>, transpose_lhs_hint = false} : vector<16x512xf32>, vector<512x512xf32>, vector<16x512xf32> -> vector<16x512xf32>
    %add3A_3478 = arith.addf %slice3A_3472, %dot_general3A_3477 : vector<16x512xf32>
    %get3A_3479 = arith.constant 0 : index
    %get3A_3480 = arith.constant 512 : index
    %get3A_3481 = vector.load %arg13[%get3A_3479, %get3A_3480] : memref<1x1536xf32, #tpu.memory_space<vmem>>, vector<1x512xf32>
    %add3A_3482 = vector.broadcast %get3A_3481 : vector<1x512xf32> to vector<16x512xf32>
    %add3A_3483 = arith.addf %add3A_3478, %add3A_3482 : vector<16x512xf32>
    %logistic3A_3484 = arith.negf %add3A_3483 : vector<16x512xf32>
    %logistic3A_3485 = math.exp %logistic3A_3484 : vector<16x512xf32>
    %logistic3A_3486 = arith.constant 1.000000e+00 : f32
    %logistic3A_3487 = vector.broadcast %logistic3A_3486 : f32 to vector<16x512xf32>
    %logistic3A_3488 = arith.addf %logistic3A_3487, %logistic3A_3485 : vector<16x512xf32>
    %logistic3A_3489 = arith.divf %logistic3A_3487, %logistic3A_3488 : vector<16x512xf32>
    %slice3A_3490 = vector.extract_strided_slice %get3A_3412 {offsets = [0, 1024], sizes = [16, 512], strides = [1, 1]} : vector<16x1536xf32> to vector<16x512xf32>
    %get3A_3491 = arith.constant 1024 : index
    %get3A_3492 = arith.constant 0 : index
    %get3A_3493 = vector.load %arg20[%get3A_3491, %get3A_3492] : memref<1536x512xf32, #tpu.memory_space<vmem>>, vector<512x512xf32>
    %dot_general3A_3494 = arith.constant dense<0.000000e+00> : vector<16x512xf32>
    %dot_general3A_3495 = tpu.matmul %add3A_3391, %get3A_3493, %dot_general3A_3494 {dimension_numbers = #tpu.dot_dimension_numbers<[1], [1], [0], [0], [0, 0, 1, 0], [], []>, transpose_lhs_hint = false} : vector<16x512xf32>, vector<512x512xf32>, vector<16x512xf32> -> vector<16x512xf32>
    %get3A_3496 = arith.constant 0 : index
    %get3A_3497 = arith.constant 1024 : index
    %get3A_3498 = vector.load %arg12[%get3A_3496, %get3A_3497] : memref<1x1536xf32, #tpu.memory_space<vmem>>, vector<1x512xf32>
    %add3A_3499 = vector.broadcast %get3A_3498 : vector<1x512xf32> to vector<16x512xf32>
    %add3A_3500 = arith.addf %dot_general3A_3495, %add3A_3499 : vector<16x512xf32>
    %mul3A_3501 = arith.mulf %logistic3A_3435, %add3A_3500 : vector<16x512xf32>
    %add3A_3502 = arith.addf %slice3A_3490, %mul3A_3501 : vector<16x512xf32>
    %tanh3A_3503 = math.tanh %add3A_3502 : vector<16x512xf32>
    %slice3A_3504 = vector.extract_strided_slice %get3A_3417 {offsets = [0, 1024], sizes = [16, 512], strides = [1, 1]} : vector<16x1536xf32> to vector<16x512xf32>
    %get3A_3505 = arith.constant 1024 : index
    %get3A_3506 = arith.constant 0 : index
    %get3A_3507 = vector.load %arg21[%get3A_3505, %get3A_3506] : memref<1536x512xf32, #tpu.memory_space<vmem>>, vector<512x512xf32>
    %dot_general3A_3508 = arith.constant dense<0.000000e+00> : vector<16x512xf32>
    %dot_general3A_3509 = tpu.matmul %add3A_3397, %get3A_3507, %dot_general3A_3508 {dimension_numbers = #tpu.dot_dimension_numbers<[1], [1], [0], [0], [0, 0, 1, 0], [], []>, transpose_lhs_hint = false} : vector<16x512xf32>, vector<512x512xf32>, vector<16x512xf32> -> vector<16x512xf32>
    %get3A_3510 = arith.constant 0 : index
    %get3A_3511 = arith.constant 1024 : index
    %get3A_3512 = vector.load %arg13[%get3A_3510, %get3A_3511] : memref<1x1536xf32, #tpu.memory_space<vmem>>, vector<1x512xf32>
    %add3A_3513 = vector.broadcast %get3A_3512 : vector<1x512xf32> to vector<16x512xf32>
    %add3A_3514 = arith.addf %dot_general3A_3509, %add3A_3513 : vector<16x512xf32>
    %mul3A_3515 = arith.mulf %logistic3A_3453, %add3A_3514 : vector<16x512xf32>
    %add3A_3516 = arith.addf %slice3A_3504, %mul3A_3515 : vector<16x512xf32>
    %tanh3A_3517 = math.tanh %add3A_3516 : vector<16x512xf32>
    %sub3A_3518 = arith.constant 1.000000e+00 : f32
    %sub3A_3519 = vector.broadcast %sub3A_3518 : f32 to vector<16x512xf32>
    %sub3A_3520 = arith.subf %sub3A_3519, %logistic3A_3471 : vector<16x512xf32>
    %mul3A_3521 = arith.mulf %sub3A_3520, %tanh3A_3503 : vector<16x512xf32>
    %mul3A_3522 = arith.mulf %logistic3A_3471, %add3A_3391 : vector<16x512xf32>
    %add3A_3523 = arith.addf %mul3A_3521, %mul3A_3522 : vector<16x512xf32>
    %sub3A_3524 = arith.constant 1.000000e+00 : f32
    %sub3A_3525 = vector.broadcast %sub3A_3524 : f32 to vector<16x512xf32>
    %sub3A_3526 = arith.subf %sub3A_3525, %logistic3A_3489 : vector<16x512xf32>
    %mul3A_3527 = arith.mulf %sub3A_3526, %tanh3A_3517 : vector<16x512xf32>
    %mul3A_3528 = arith.mulf %logistic3A_3489, %add3A_3397 : vector<16x512xf32>
    %add3A_3529 = arith.addf %mul3A_3527, %mul3A_3528 : vector<16x512xf32>
    %broadcast_in_dim3A_3530 = vector.shape_cast %add3A_3523 : vector<16x512xf32> to vector<16x1x512xf32>
    %swap3A_3531 = arith.constant 0 : index
    %swap3A_3532 = arith.constant 25 : index
    %swap3A_3533 = arith.constant 0 : index
    %swap3A_3534 = vector.load %arg14[%swap3A_3531, %swap3A_3532, %swap3A_3533] : memref<16x32x512xf32, #tpu.memory_space<vmem>>, vector<16x1x512xf32>
    tpu.vector_store %arg14[%swap3A_3531, %swap3A_3532, %swap3A_3533], %broadcast_in_dim3A_3530 {strides = array<i32>} : memref<16x32x512xf32, #tpu.memory_space<vmem>>, vector<16x1x512xf32>,
    %broadcast_in_dim3A_3535 = vector.shape_cast %add3A_3529 : vector<16x512xf32> to vector<16x1x512xf32>
    %swap3A_3536 = arith.constant 0 : index
    %swap3A_3537 = arith.constant 6 : index
    %swap3A_3538 = arith.constant 0 : index
    %swap3A_3539 = vector.load %arg17[%swap3A_3536, %swap3A_3537, %swap3A_3538] : memref<16x32x512xf32, #tpu.memory_space<vmem>>, vector<16x1x512xf32>
    tpu.vector_store %arg17[%swap3A_3536, %swap3A_3537, %swap3A_3538], %broadcast_in_dim3A_3535 {strides = array<i32>} : memref<16x32x512xf32, #tpu.memory_space<vmem>>, vector<16x1x512xf32>,
    %get3A_3540 = arith.constant 26 : index
    %get3A_3541 = arith.constant 0 : index
    %get3A_3542 = arith.constant 0 : index
    %get3A_3543 = vector.load %arg15[%get3A_3540, %get3A_3541, %get3A_3542] : memref<32x16x1536xf32, #tpu.memory_space<vmem>>, vector<1x16x1536xf32>
    %get3A_3544 = vector.shape_cast %get3A_3543 : vector<1x16x1536xf32> to vector<16x1536xf32>
    %get3A_3545 = arith.constant 5 : index
    %get3A_3546 = arith.constant 0 : index
    %get3A_3547 = arith.constant 0 : index
    %get3A_3548 = vector.load %arg16[%get3A_3545, %get3A_3546, %get3A_3547] : memref<32x16x1536xf32, #tpu.memory_space<vmem>>, vector<1x16x1536xf32>
    %get3A_3549 = vector.shape_cast %get3A_3548 : vector<1x16x1536xf32> to vector<16x1536xf32>
    %slice3A_3550 = vector.extract_strided_slice %get3A_3544 {offsets = [0, 0], sizes = [16, 512], strides = [1, 1]} : vector<16x1536xf32> to vector<16x512xf32>
    %get3A_3551 = arith.constant 0 : index
    %get3A_3552 = arith.constant 0 : index
    %get3A_3553 = vector.load %arg20[%get3A_3551, %get3A_3552] : memref<1536x512xf32, #tpu.memory_space<vmem>>, vector<512x512xf32>
    %dot_general3A_3554 = arith.constant dense<0.000000e+00> : vector<16x512xf32>
    %dot_general3A_3555 = tpu.matmul %add3A_3523, %get3A_3553, %dot_general3A_3554 {dimension_numbers = #tpu.dot_dimension_numbers<[1], [1], [0], [0], [0, 0, 1, 0], [], []>, transpose_lhs_hint = false} : vector<16x512xf32>, vector<512x512xf32>, vector<16x512xf32> -> vector<16x512xf32>
    %add3A_3556 = arith.addf %slice3A_3550, %dot_general3A_3555 : vector<16x512xf32>
    %get3A_3557 = arith.constant 0 : index
    %get3A_3558 = arith.constant 0 : index
    %get3A_3559 = vector.load %arg12[%get3A_3557, %get3A_3558] : memref<1x1536xf32, #tpu.memory_space<vmem>>, vector<1x512xf32>
    %add3A_3560 = vector.broadcast %get3A_3559 : vector<1x512xf32> to vector<16x512xf32>
    %add3A_3561 = arith.addf %add3A_3556, %add3A_3560 : vector<16x512xf32>
    %logistic3A_3562 = arith.negf %add3A_3561 : vector<16x512xf32>
    %logistic3A_3563 = math.exp %logistic3A_3562 : vector<16x512xf32>
    %logistic3A_3564 = arith.constant 1.000000e+00 : f32
    %logistic3A_3565 = vector.broadcast %logistic3A_3564 : f32 to vector<16x512xf32>
    %logistic3A_3566 = arith.addf %logistic3A_3565, %logistic3A_3563 : vector<16x512xf32>
    %logistic3A_3567 = arith.divf %logistic3A_3565, %logistic3A_3566 : vector<16x512xf32>
    %slice3A_3568 = vector.extract_strided_slice %get3A_3549 {offsets = [0, 0], sizes = [16, 512], strides = [1, 1]} : vector<16x1536xf32> to vector<16x512xf32>
    %get3A_3569 = arith.constant 0 : index
    %get3A_3570 = arith.constant 0 : index
    %get3A_3571 = vector.load %arg21[%get3A_3569, %get3A_3570] : memref<1536x512xf32, #tpu.memory_space<vmem>>, vector<512x512xf32>
    %dot_general3A_3572 = arith.constant dense<0.000000e+00> : vector<16x512xf32>
    %dot_general3A_3573 = tpu.matmul %add3A_3529, %get3A_3571, %dot_general3A_3572 {dimension_numbers = #tpu.dot_dimension_numbers<[1], [1], [0], [0], [0, 0, 1, 0], [], []>, transpose_lhs_hint = false} : vector<16x512xf32>, vector<512x512xf32>, vector<16x512xf32> -> vector<16x512xf32>
    %add3A_3574 = arith.addf %slice3A_3568, %dot_general3A_3573 : vector<16x512xf32>
    %get3A_3575 = arith.constant 0 : index
    %get3A_3576 = arith.constant 0 : index
    %get3A_3577 = vector.load %arg13[%get3A_3575, %get3A_3576] : memref<1x1536xf32, #tpu.memory_space<vmem>>, vector<1x512xf32>
    %add3A_3578 = vector.broadcast %get3A_3577 : vector<1x512xf32> to vector<16x512xf32>
    %add3A_3579 = arith.addf %add3A_3574, %add3A_3578 : vector<16x512xf32>
    %logistic3A_3580 = arith.negf %add3A_3579 : vector<16x512xf32>
    %logistic3A_3581 = math.exp %logistic3A_3580 : vector<16x512xf32>
    %logistic3A_3582 = arith.constant 1.000000e+00 : f32
    %logistic3A_3583 = vector.broadcast %logistic3A_3582 : f32 to vector<16x512xf32>
    %logistic3A_3584 = arith.addf %logistic3A_3583, %logistic3A_3581 : vector<16x512xf32>
    %logistic3A_3585 = arith.divf %logistic3A_3583, %logistic3A_3584 : vector<16x512xf32>
    %slice3A_3586 = vector.extract_strided_slice %get3A_3544 {offsets = [0, 512], sizes = [16, 512], strides = [1, 1]} : vector<16x1536xf32> to vector<16x512xf32>
    %get3A_3587 = arith.constant 512 : index
    %get3A_3588 = arith.constant 0 : index
    %get3A_3589 = vector.load %arg20[%get3A_3587, %get3A_3588] : memref<1536x512xf32, #tpu.memory_space<vmem>>, vector<512x512xf32>
    %dot_general3A_3590 = arith.constant dense<0.000000e+00> : vector<16x512xf32>
    %dot_general3A_3591 = tpu.matmul %add3A_3523, %get3A_3589, %dot_general3A_3590 {dimension_numbers = #tpu.dot_dimension_numbers<[1], [1], [0], [0], [0, 0, 1, 0], [], []>, transpose_lhs_hint = false} : vector<16x512xf32>, vector<512x512xf32>, vector<16x512xf32> -> vector<16x512xf32>
    %add3A_3592 = arith.addf %slice3A_3586, %dot_general3A_3591 : vector<16x512xf32>
    %get3A_3593 = arith.constant 0 : index
    %get3A_3594 = arith.constant 512 : index
    %get3A_3595 = vector.load %arg12[%get3A_3593, %get3A_3594] : memref<1x1536xf32, #tpu.memory_space<vmem>>, vector<1x512xf32>
    %add3A_3596 = vector.broadcast %get3A_3595 : vector<1x512xf32> to vector<16x512xf32>
    %add3A_3597 = arith.addf %add3A_3592, %add3A_3596 : vector<16x512xf32>
    %logistic3A_3598 = arith.negf %add3A_3597 : vector<16x512xf32>
    %logistic3A_3599 = math.exp %logistic3A_3598 : vector<16x512xf32>
    %logistic3A_3600 = arith.constant 1.000000e+00 : f32
    %logistic3A_3601 = vector.broadcast %logistic3A_3600 : f32 to vector<16x512xf32>
    %logistic3A_3602 = arith.addf %logistic3A_3601, %logistic3A_3599 : vector<16x512xf32>
    %logistic3A_3603 = arith.divf %logistic3A_3601, %logistic3A_3602 : vector<16x512xf32>
    %slice3A_3604 = vector.extract_strided_slice %get3A_3549 {offsets = [0, 512], sizes = [16, 512], strides = [1, 1]} : vector<16x1536xf32> to vector<16x512xf32>
    %get3A_3605 = arith.constant 512 : index
    %get3A_3606 = arith.constant 0 : index
    %get3A_3607 = vector.load %arg21[%get3A_3605, %get3A_3606] : memref<1536x512xf32, #tpu.memory_space<vmem>>, vector<512x512xf32>
    %dot_general3A_3608 = arith.constant dense<0.000000e+00> : vector<16x512xf32>
    %dot_general3A_3609 = tpu.matmul %add3A_3529, %get3A_3607, %dot_general3A_3608 {dimension_numbers = #tpu.dot_dimension_numbers<[1], [1], [0], [0], [0, 0, 1, 0], [], []>, transpose_lhs_hint = false} : vector<16x512xf32>, vector<512x512xf32>, vector<16x512xf32> -> vector<16x512xf32>
    %add3A_3610 = arith.addf %slice3A_3604, %dot_general3A_3609 : vector<16x512xf32>
    %get3A_3611 = arith.constant 0 : index
    %get3A_3612 = arith.constant 512 : index
    %get3A_3613 = vector.load %arg13[%get3A_3611, %get3A_3612] : memref<1x1536xf32, #tpu.memory_space<vmem>>, vector<1x512xf32>
    %add3A_3614 = vector.broadcast %get3A_3613 : vector<1x512xf32> to vector<16x512xf32>
    %add3A_3615 = arith.addf %add3A_3610, %add3A_3614 : vector<16x512xf32>
    %logistic3A_3616 = arith.negf %add3A_3615 : vector<16x512xf32>
    %logistic3A_3617 = math.exp %logistic3A_3616 : vector<16x512xf32>
    %logistic3A_3618 = arith.constant 1.000000e+00 : f32
    %logistic3A_3619 = vector.broadcast %logistic3A_3618 : f32 to vector<16x512xf32>
    %logistic3A_3620 = arith.addf %logistic3A_3619, %logistic3A_3617 : vector<16x512xf32>
    %logistic3A_3621 = arith.divf %logistic3A_3619, %logistic3A_3620 : vector<16x512xf32>
    %slice3A_3622 = vector.extract_strided_slice %get3A_3544 {offsets = [0, 1024], sizes = [16, 512], strides = [1, 1]} : vector<16x1536xf32> to vector<16x512xf32>
    %get3A_3623 = arith.constant 1024 : index
    %get3A_3624 = arith.constant 0 : index
    %get3A_3625 = vector.load %arg20[%get3A_3623, %get3A_3624] : memref<1536x512xf32, #tpu.memory_space<vmem>>, vector<512x512xf32>
    %dot_general3A_3626 = arith.constant dense<0.000000e+00> : vector<16x512xf32>
    %dot_general3A_3627 = tpu.matmul %add3A_3523, %get3A_3625, %dot_general3A_3626 {dimension_numbers = #tpu.dot_dimension_numbers<[1], [1], [0], [0], [0, 0, 1, 0], [], []>, transpose_lhs_hint = false} : vector<16x512xf32>, vector<512x512xf32>, vector<16x512xf32> -> vector<16x512xf32>
    %get3A_3628 = arith.constant 0 : index
    %get3A_3629 = arith.constant 1024 : index
    %get3A_3630 = vector.load %arg12[%get3A_3628, %get3A_3629] : memref<1x1536xf32, #tpu.memory_space<vmem>>, vector<1x512xf32>
    %add3A_3631 = vector.broadcast %get3A_3630 : vector<1x512xf32> to vector<16x512xf32>
    %add3A_3632 = arith.addf %dot_general3A_3627, %add3A_3631 : vector<16x512xf32>
    %mul3A_3633 = arith.mulf %logistic3A_3567, %add3A_3632 : vector<16x512xf32>
    %add3A_3634 = arith.addf %slice3A_3622, %mul3A_3633 : vector<16x512xf32>
    %tanh3A_3635 = math.tanh %add3A_3634 : vector<16x512xf32>
    %slice3A_3636 = vector.extract_strided_slice %get3A_3549 {offsets = [0, 1024], sizes = [16, 512], strides = [1, 1]} : vector<16x1536xf32> to vector<16x512xf32>
    %get3A_3637 = arith.constant 1024 : index
    %get3A_3638 = arith.constant 0 : index
    %get3A_3639 = vector.load %arg21[%get3A_3637, %get3A_3638] : memref<1536x512xf32, #tpu.memory_space<vmem>>, vector<512x512xf32>
    %dot_general3A_3640 = arith.constant dense<0.000000e+00> : vector<16x512xf32>
    %dot_general3A_3641 = tpu.matmul %add3A_3529, %get3A_3639, %dot_general3A_3640 {dimension_numbers = #tpu.dot_dimension_numbers<[1], [1], [0], [0], [0, 0, 1, 0], [], []>, transpose_lhs_hint = false} : vector<16x512xf32>, vector<512x512xf32>, vector<16x512xf32> -> vector<16x512xf32>
    %get3A_3642 = arith.constant 0 : index
    %get3A_3643 = arith.constant 1024 : index
    %get3A_3644 = vector.load %arg13[%get3A_3642, %get3A_3643] : memref<1x1536xf32, #tpu.memory_space<vmem>>, vector<1x512xf32>
    %add3A_3645 = vector.broadcast %get3A_3644 : vector<1x512xf32> to vector<16x512xf32>
    %add3A_3646 = arith.addf %dot_general3A_3641, %add3A_3645 : vector<16x512xf32>
    %mul3A_3647 = arith.mulf %logistic3A_3585, %add3A_3646 : vector<16x512xf32>
    %add3A_3648 = arith.addf %slice3A_3636, %mul3A_3647 : vector<16x512xf32>
    %tanh3A_3649 = math.tanh %add3A_3648 : vector<16x512xf32>
    %sub3A_3650 = arith.constant 1.000000e+00 : f32
    %sub3A_3651 = vector.broadcast %sub3A_3650 : f32 to vector<16x512xf32>
    %sub3A_3652 = arith.subf %sub3A_3651, %logistic3A_3603 : vector<16x512xf32>
    %mul3A_3653 = arith.mulf %sub3A_3652, %tanh3A_3635 : vector<16x512xf32>
    %mul3A_3654 = arith.mulf %logistic3A_3603, %add3A_3523 : vector<16x512xf32>
    %add3A_3655 = arith.addf %mul3A_3653, %mul3A_3654 : vector<16x512xf32>
    %sub3A_3656 = arith.constant 1.000000e+00 : f32
    %sub3A_3657 = vector.broadcast %sub3A_3656 : f32 to vector<16x512xf32>
    %sub3A_3658 = arith.subf %sub3A_3657, %logistic3A_3621 : vector<16x512xf32>
    %mul3A_3659 = arith.mulf %sub3A_3658, %tanh3A_3649 : vector<16x512xf32>
    %mul3A_3660 = arith.mulf %logistic3A_3621, %add3A_3529 : vector<16x512xf32>
    %add3A_3661 = arith.addf %mul3A_3659, %mul3A_3660 : vector<16x512xf32>
    %broadcast_in_dim3A_3662 = vector.shape_cast %add3A_3655 : vector<16x512xf32> to vector<16x1x512xf32>
    %swap3A_3663 = arith.constant 0 : index
    %swap3A_3664 = arith.constant 26 : index
    %swap3A_3665 = arith.constant 0 : index
    %swap3A_3666 = vector.load %arg14[%swap3A_3663, %swap3A_3664, %swap3A_3665] : memref<16x32x512xf32, #tpu.memory_space<vmem>>, vector<16x1x512xf32>
    tpu.vector_store %arg14[%swap3A_3663, %swap3A_3664, %swap3A_3665], %broadcast_in_dim3A_3662 {strides = array<i32>} : memref<16x32x512xf32, #tpu.memory_space<vmem>>, vector<16x1x512xf32>,
    %broadcast_in_dim3A_3667 = vector.shape_cast %add3A_3661 : vector<16x512xf32> to vector<16x1x512xf32>
    %swap3A_3668 = arith.constant 0 : index
    %swap3A_3669 = arith.constant 5 : index
    %swap3A_3670 = arith.constant 0 : index
    %swap3A_3671 = vector.load %arg17[%swap3A_3668, %swap3A_3669, %swap3A_3670] : memref<16x32x512xf32, #tpu.memory_space<vmem>>, vector<16x1x512xf32>
    tpu.vector_store %arg17[%swap3A_3668, %swap3A_3669, %swap3A_3670], %broadcast_in_dim3A_3667 {strides = array<i32>} : memref<16x32x512xf32, #tpu.memory_space<vmem>>, vector<16x1x512xf32>,
    %get3A_3672 = arith.constant 27 : index
    %get3A_3673 = arith.constant 0 : index
    %get3A_3674 = arith.constant 0 : index
    %get3A_3675 = vector.load %arg15[%get3A_3672, %get3A_3673, %get3A_3674] : memref<32x16x1536xf32, #tpu.memory_space<vmem>>, vector<1x16x1536xf32>
    %get3A_3676 = vector.shape_cast %get3A_3675 : vector<1x16x1536xf32> to vector<16x1536xf32>
    %get3A_3677 = arith.constant 4 : index
    %get3A_3678 = arith.constant 0 : index
    %get3A_3679 = arith.constant 0 : index
    %get3A_3680 = vector.load %arg16[%get3A_3677, %get3A_3678, %get3A_3679] : memref<32x16x1536xf32, #tpu.memory_space<vmem>>, vector<1x16x1536xf32>
    %get3A_3681 = vector.shape_cast %get3A_3680 : vector<1x16x1536xf32> to vector<16x1536xf32>
    %slice3A_3682 = vector.extract_strided_slice %get3A_3676 {offsets = [0, 0], sizes = [16, 512], strides = [1, 1]} : vector<16x1536xf32> to vector<16x512xf32>
    %get3A_3683 = arith.constant 0 : index
    %get3A_3684 = arith.constant 0 : index
    %get3A_3685 = vector.load %arg20[%get3A_3683, %get3A_3684] : memref<1536x512xf32, #tpu.memory_space<vmem>>, vector<512x512xf32>
    %dot_general3A_3686 = arith.constant dense<0.000000e+00> : vector<16x512xf32>
    %dot_general3A_3687 = tpu.matmul %add3A_3655, %get3A_3685, %dot_general3A_3686 {dimension_numbers = #tpu.dot_dimension_numbers<[1], [1], [0], [0], [0, 0, 1, 0], [], []>, transpose_lhs_hint = false} : vector<16x512xf32>, vector<512x512xf32>, vector<16x512xf32> -> vector<16x512xf32>
    %add3A_3688 = arith.addf %slice3A_3682, %dot_general3A_3687 : vector<16x512xf32>
    %get3A_3689 = arith.constant 0 : index
    %get3A_3690 = arith.constant 0 : index
    %get3A_3691 = vector.load %arg12[%get3A_3689, %get3A_3690] : memref<1x1536xf32, #tpu.memory_space<vmem>>, vector<1x512xf32>
    %add3A_3692 = vector.broadcast %get3A_3691 : vector<1x512xf32> to vector<16x512xf32>
    %add3A_3693 = arith.addf %add3A_3688, %add3A_3692 : vector<16x512xf32>
    %logistic3A_3694 = arith.negf %add3A_3693 : vector<16x512xf32>
    %logistic3A_3695 = math.exp %logistic3A_3694 : vector<16x512xf32>
    %logistic3A_3696 = arith.constant 1.000000e+00 : f32
    %logistic3A_3697 = vector.broadcast %logistic3A_3696 : f32 to vector<16x512xf32>
    %logistic3A_3698 = arith.addf %logistic3A_3697, %logistic3A_3695 : vector<16x512xf32>
    %logistic3A_3699 = arith.divf %logistic3A_3697, %logistic3A_3698 : vector<16x512xf32>
    %slice3A_3700 = vector.extract_strided_slice %get3A_3681 {offsets = [0, 0], sizes = [16, 512], strides = [1, 1]} : vector<16x1536xf32> to vector<16x512xf32>
    %get3A_3701 = arith.constant 0 : index
    %get3A_3702 = arith.constant 0 : index
    %get3A_3703 = vector.load %arg21[%get3A_3701, %get3A_3702] : memref<1536x512xf32, #tpu.memory_space<vmem>>, vector<512x512xf32>
    %dot_general3A_3704 = arith.constant dense<0.000000e+00> : vector<16x512xf32>
    %dot_general3A_3705 = tpu.matmul %add3A_3661, %get3A_3703, %dot_general3A_3704 {dimension_numbers = #tpu.dot_dimension_numbers<[1], [1], [0], [0], [0, 0, 1, 0], [], []>, transpose_lhs_hint = false} : vector<16x512xf32>, vector<512x512xf32>, vector<16x512xf32> -> vector<16x512xf32>
    %add3A_3706 = arith.addf %slice3A_3700, %dot_general3A_3705 : vector<16x512xf32>
    %get3A_3707 = arith.constant 0 : index
    %get3A_3708 = arith.constant 0 : index
    %get3A_3709 = vector.load %arg13[%get3A_3707, %get3A_3708] : memref<1x1536xf32, #tpu.memory_space<vmem>>, vector<1x512xf32>
    %add3A_3710 = vector.broadcast %get3A_3709 : vector<1x512xf32> to vector<16x512xf32>
    %add3A_3711 = arith.addf %add3A_3706, %add3A_3710 : vector<16x512xf32>
    %logistic3A_3712 = arith.negf %add3A_3711 : vector<16x512xf32>
    %logistic3A_3713 = math.exp %logistic3A_3712 : vector<16x512xf32>
    %logistic3A_3714 = arith.constant 1.000000e+00 : f32
    %logistic3A_3715 = vector.broadcast %logistic3A_3714 : f32 to vector<16x512xf32>
    %logistic3A_3716 = arith.addf %logistic3A_3715, %logistic3A_3713 : vector<16x512xf32>
    %logistic3A_3717 = arith.divf %logistic3A_3715, %logistic3A_3716 : vector<16x512xf32>
    %slice3A_3718 = vector.extract_strided_slice %get3A_3676 {offsets = [0, 512], sizes = [16, 512], strides = [1, 1]} : vector<16x1536xf32> to vector<16x512xf32>
    %get3A_3719 = arith.constant 512 : index
    %get3A_3720 = arith.constant 0 : index
    %get3A_3721 = vector.load %arg20[%get3A_3719, %get3A_3720] : memref<1536x512xf32, #tpu.memory_space<vmem>>, vector<512x512xf32>
    %dot_general3A_3722 = arith.constant dense<0.000000e+00> : vector<16x512xf32>
    %dot_general3A_3723 = tpu.matmul %add3A_3655, %get3A_3721, %dot_general3A_3722 {dimension_numbers = #tpu.dot_dimension_numbers<[1], [1], [0], [0], [0, 0, 1, 0], [], []>, transpose_lhs_hint = false} : vector<16x512xf32>, vector<512x512xf32>, vector<16x512xf32> -> vector<16x512xf32>
    %add3A_3724 = arith.addf %slice3A_3718, %dot_general3A_3723 : vector<16x512xf32>
    %get3A_3725 = arith.constant 0 : index
    %get3A_3726 = arith.constant 512 : index
    %get3A_3727 = vector.load %arg12[%get3A_3725, %get3A_3726] : memref<1x1536xf32, #tpu.memory_space<vmem>>, vector<1x512xf32>
    %add3A_3728 = vector.broadcast %get3A_3727 : vector<1x512xf32> to vector<16x512xf32>
    %add3A_3729 = arith.addf %add3A_3724, %add3A_3728 : vector<16x512xf32>
    %logistic3A_3730 = arith.negf %add3A_3729 : vector<16x512xf32>
    %logistic3A_3731 = math.exp %logistic3A_3730 : vector<16x512xf32>
    %logistic3A_3732 = arith.constant 1.000000e+00 : f32
    %logistic3A_3733 = vector.broadcast %logistic3A_3732 : f32 to vector<16x512xf32>
    %logistic3A_3734 = arith.addf %logistic3A_3733, %logistic3A_3731 : vector<16x512xf32>
    %logistic3A_3735 = arith.divf %logistic3A_3733, %logistic3A_3734 : vector<16x512xf32>
    %slice3A_3736 = vector.extract_strided_slice %get3A_3681 {offsets = [0, 512], sizes = [16, 512], strides = [1, 1]} : vector<16x1536xf32> to vector<16x512xf32>
    %get3A_3737 = arith.constant 512 : index
    %get3A_3738 = arith.constant 0 : index
    %get3A_3739 = vector.load %arg21[%get3A_3737, %get3A_3738] : memref<1536x512xf32, #tpu.memory_space<vmem>>, vector<512x512xf32>
    %dot_general3A_3740 = arith.constant dense<0.000000e+00> : vector<16x512xf32>
    %dot_general3A_3741 = tpu.matmul %add3A_3661, %get3A_3739, %dot_general3A_3740 {dimension_numbers = #tpu.dot_dimension_numbers<[1], [1], [0], [0], [0, 0, 1, 0], [], []>, transpose_lhs_hint = false} : vector<16x512xf32>, vector<512x512xf32>, vector<16x512xf32> -> vector<16x512xf32>
    %add3A_3742 = arith.addf %slice3A_3736, %dot_general3A_3741 : vector<16x512xf32>
    %get3A_3743 = arith.constant 0 : index
    %get3A_3744 = arith.constant 512 : index
    %get3A_3745 = vector.load %arg13[%get3A_3743, %get3A_3744] : memref<1x1536xf32, #tpu.memory_space<vmem>>, vector<1x512xf32>
    %add3A_3746 = vector.broadcast %get3A_3745 : vector<1x512xf32> to vector<16x512xf32>
    %add3A_3747 = arith.addf %add3A_3742, %add3A_3746 : vector<16x512xf32>
    %logistic3A_3748 = arith.negf %add3A_3747 : vector<16x512xf32>
    %logistic3A_3749 = math.exp %logistic3A_3748 : vector<16x512xf32>
    %logistic3A_3750 = arith.constant 1.000000e+00 : f32
    %logistic3A_3751 = vector.broadcast %logistic3A_3750 : f32 to vector<16x512xf32>
    %logistic3A_3752 = arith.addf %logistic3A_3751, %logistic3A_3749 : vector<16x512xf32>
    %logistic3A_3753 = arith.divf %logistic3A_3751, %logistic3A_3752 : vector<16x512xf32>
    %slice3A_3754 = vector.extract_strided_slice %get3A_3676 {offsets = [0, 1024], sizes = [16, 512], strides = [1, 1]} : vector<16x1536xf32> to vector<16x512xf32>
    %get3A_3755 = arith.constant 1024 : index
    %get3A_3756 = arith.constant 0 : index
    %get3A_3757 = vector.load %arg20[%get3A_3755, %get3A_3756] : memref<1536x512xf32, #tpu.memory_space<vmem>>, vector<512x512xf32>
    %dot_general3A_3758 = arith.constant dense<0.000000e+00> : vector<16x512xf32>
    %dot_general3A_3759 = tpu.matmul %add3A_3655, %get3A_3757, %dot_general3A_3758 {dimension_numbers = #tpu.dot_dimension_numbers<[1], [1], [0], [0], [0, 0, 1, 0], [], []>, transpose_lhs_hint = false} : vector<16x512xf32>, vector<512x512xf32>, vector<16x512xf32> -> vector<16x512xf32>
    %get3A_3760 = arith.constant 0 : index
    %get3A_3761 = arith.constant 1024 : index
    %get3A_3762 = vector.load %arg12[%get3A_3760, %get3A_3761] : memref<1x1536xf32, #tpu.memory_space<vmem>>, vector<1x512xf32>
    %add3A_3763 = vector.broadcast %get3A_3762 : vector<1x512xf32> to vector<16x512xf32>
    %add3A_3764 = arith.addf %dot_general3A_3759, %add3A_3763 : vector<16x512xf32>
    %mul3A_3765 = arith.mulf %logistic3A_3699, %add3A_3764 : vector<16x512xf32>
    %add3A_3766 = arith.addf %slice3A_3754, %mul3A_3765 : vector<16x512xf32>
    %tanh3A_3767 = math.tanh %add3A_3766 : vector<16x512xf32>
    %slice3A_3768 = vector.extract_strided_slice %get3A_3681 {offsets = [0, 1024], sizes = [16, 512], strides = [1, 1]} : vector<16x1536xf32> to vector<16x512xf32>
    %get3A_3769 = arith.constant 1024 : index
    %get3A_3770 = arith.constant 0 : index
    %get3A_3771 = vector.load %arg21[%get3A_3769, %get3A_3770] : memref<1536x512xf32, #tpu.memory_space<vmem>>, vector<512x512xf32>
    %dot_general3A_3772 = arith.constant dense<0.000000e+00> : vector<16x512xf32>
    %dot_general3A_3773 = tpu.matmul %add3A_3661, %get3A_3771, %dot_general3A_3772 {dimension_numbers = #tpu.dot_dimension_numbers<[1], [1], [0], [0], [0, 0, 1, 0], [], []>, transpose_lhs_hint = false} : vector<16x512xf32>, vector<512x512xf32>, vector<16x512xf32> -> vector<16x512xf32>
    %get3A_3774 = arith.constant 0 : index
    %get3A_3775 = arith.constant 1024 : index
    %get3A_3776 = vector.load %arg13[%get3A_3774, %get3A_3775] : memref<1x1536xf32, #tpu.memory_space<vmem>>, vector<1x512xf32>
    %add3A_3777 = vector.broadcast %get3A_3776 : vector<1x512xf32> to vector<16x512xf32>
    %add3A_3778 = arith.addf %dot_general3A_3773, %add3A_3777 : vector<16x512xf32>
    %mul3A_3779 = arith.mulf %logistic3A_3717, %add3A_3778 : vector<16x512xf32>
    %add3A_3780 = arith.addf %slice3A_3768, %mul3A_3779 : vector<16x512xf32>
    %tanh3A_3781 = math.tanh %add3A_3780 : vector<16x512xf32>
    %sub3A_3782 = arith.constant 1.000000e+00 : f32
    %sub3A_3783 = vector.broadcast %sub3A_3782 : f32 to vector<16x512xf32>
    %sub3A_3784 = arith.subf %sub3A_3783, %logistic3A_3735 : vector<16x512xf32>
    %mul3A_3785 = arith.mulf %sub3A_3784, %tanh3A_3767 : vector<16x512xf32>
    %mul3A_3786 = arith.mulf %logistic3A_3735, %add3A_3655 : vector<16x512xf32>
    %add3A_3787 = arith.addf %mul3A_3785, %mul3A_3786 : vector<16x512xf32>
    %sub3A_3788 = arith.constant 1.000000e+00 : f32
    %sub3A_3789 = vector.broadcast %sub3A_3788 : f32 to vector<16x512xf32>
    %sub3A_3790 = arith.subf %sub3A_3789, %logistic3A_3753 : vector<16x512xf32>
    %mul3A_3791 = arith.mulf %sub3A_3790, %tanh3A_3781 : vector<16x512xf32>
    %mul3A_3792 = arith.mulf %logistic3A_3753, %add3A_3661 : vector<16x512xf32>
    %add3A_3793 = arith.addf %mul3A_3791, %mul3A_3792 : vector<16x512xf32>
    %broadcast_in_dim3A_3794 = vector.shape_cast %add3A_3787 : vector<16x512xf32> to vector<16x1x512xf32>
    %swap3A_3795 = arith.constant 0 : index
    %swap3A_3796 = arith.constant 27 : index
    %swap3A_3797 = arith.constant 0 : index
    %swap3A_3798 = vector.load %arg14[%swap3A_3795, %swap3A_3796, %swap3A_3797] : memref<16x32x512xf32, #tpu.memory_space<vmem>>, vector<16x1x512xf32>
    tpu.vector_store %arg14[%swap3A_3795, %swap3A_3796, %swap3A_3797], %broadcast_in_dim3A_3794 {strides = array<i32>} : memref<16x32x512xf32, #tpu.memory_space<vmem>>, vector<16x1x512xf32>,
    %broadcast_in_dim3A_3799 = vector.shape_cast %add3A_3793 : vector<16x512xf32> to vector<16x1x512xf32>
    %swap3A_3800 = arith.constant 0 : index
    %swap3A_3801 = arith.constant 4 : index
    %swap3A_3802 = arith.constant 0 : index
    %swap3A_3803 = vector.load %arg17[%swap3A_3800, %swap3A_3801, %swap3A_3802] : memref<16x32x512xf32, #tpu.memory_space<vmem>>, vector<16x1x512xf32>
    tpu.vector_store %arg17[%swap3A_3800, %swap3A_3801, %swap3A_3802], %broadcast_in_dim3A_3799 {strides = array<i32>} : memref<16x32x512xf32, #tpu.memory_space<vmem>>, vector<16x1x512xf32>,
    %get3A_3804 = arith.constant 28 : index
    %get3A_3805 = arith.constant 0 : index
    %get3A_3806 = arith.constant 0 : index
    %get3A_3807 = vector.load %arg15[%get3A_3804, %get3A_3805, %get3A_3806] : memref<32x16x1536xf32, #tpu.memory_space<vmem>>, vector<1x16x1536xf32>
    %get3A_3808 = vector.shape_cast %get3A_3807 : vector<1x16x1536xf32> to vector<16x1536xf32>
    %get3A_3809 = arith.constant 3 : index
    %get3A_3810 = arith.constant 0 : index
    %get3A_3811 = arith.constant 0 : index
    %get3A_3812 = vector.load %arg16[%get3A_3809, %get3A_3810, %get3A_3811] : memref<32x16x1536xf32, #tpu.memory_space<vmem>>, vector<1x16x1536xf32>
    %get3A_3813 = vector.shape_cast %get3A_3812 : vector<1x16x1536xf32> to vector<16x1536xf32>
    %slice3A_3814 = vector.extract_strided_slice %get3A_3808 {offsets = [0, 0], sizes = [16, 512], strides = [1, 1]} : vector<16x1536xf32> to vector<16x512xf32>
    %get3A_3815 = arith.constant 0 : index
    %get3A_3816 = arith.constant 0 : index
    %get3A_3817 = vector.load %arg20[%get3A_3815, %get3A_3816] : memref<1536x512xf32, #tpu.memory_space<vmem>>, vector<512x512xf32>
    %dot_general3A_3818 = arith.constant dense<0.000000e+00> : vector<16x512xf32>
    %dot_general3A_3819 = tpu.matmul %add3A_3787, %get3A_3817, %dot_general3A_3818 {dimension_numbers = #tpu.dot_dimension_numbers<[1], [1], [0], [0], [0, 0, 1, 0], [], []>, transpose_lhs_hint = false} : vector<16x512xf32>, vector<512x512xf32>, vector<16x512xf32> -> vector<16x512xf32>
    %add3A_3820 = arith.addf %slice3A_3814, %dot_general3A_3819 : vector<16x512xf32>
    %get3A_3821 = arith.constant 0 : index
    %get3A_3822 = arith.constant 0 : index
    %get3A_3823 = vector.load %arg12[%get3A_3821, %get3A_3822] : memref<1x1536xf32, #tpu.memory_space<vmem>>, vector<1x512xf32>
    %add3A_3824 = vector.broadcast %get3A_3823 : vector<1x512xf32> to vector<16x512xf32>
    %add3A_3825 = arith.addf %add3A_3820, %add3A_3824 : vector<16x512xf32>
    %logistic3A_3826 = arith.negf %add3A_3825 : vector<16x512xf32>
    %logistic3A_3827 = math.exp %logistic3A_3826 : vector<16x512xf32>
    %logistic3A_3828 = arith.constant 1.000000e+00 : f32
    %logistic3A_3829 = vector.broadcast %logistic3A_3828 : f32 to vector<16x512xf32>
    %logistic3A_3830 = arith.addf %logistic3A_3829, %logistic3A_3827 : vector<16x512xf32>
    %logistic3A_3831 = arith.divf %logistic3A_3829, %logistic3A_3830 : vector<16x512xf32>
    %slice3A_3832 = vector.extract_strided_slice %get3A_3813 {offsets = [0, 0], sizes = [16, 512], strides = [1, 1]} : vector<16x1536xf32> to vector<16x512xf32>
    %get3A_3833 = arith.constant 0 : index
    %get3A_3834 = arith.constant 0 : index
    %get3A_3835 = vector.load %arg21[%get3A_3833, %get3A_3834] : memref<1536x512xf32, #tpu.memory_space<vmem>>, vector<512x512xf32>
    %dot_general3A_3836 = arith.constant dense<0.000000e+00> : vector<16x512xf32>
    %dot_general3A_3837 = tpu.matmul %add3A_3793, %get3A_3835, %dot_general3A_3836 {dimension_numbers = #tpu.dot_dimension_numbers<[1], [1], [0], [0], [0, 0, 1, 0], [], []>, transpose_lhs_hint = false} : vector<16x512xf32>, vector<512x512xf32>, vector<16x512xf32> -> vector<16x512xf32>
    %add3A_3838 = arith.addf %slice3A_3832, %dot_general3A_3837 : vector<16x512xf32>
    %get3A_3839 = arith.constant 0 : index
    %get3A_3840 = arith.constant 0 : index
    %get3A_3841 = vector.load %arg13[%get3A_3839, %get3A_3840] : memref<1x1536xf32, #tpu.memory_space<vmem>>, vector<1x512xf32>
    %add3A_3842 = vector.broadcast %get3A_3841 : vector<1x512xf32> to vector<16x512xf32>
    %add3A_3843 = arith.addf %add3A_3838, %add3A_3842 : vector<16x512xf32>
    %logistic3A_3844 = arith.negf %add3A_3843 : vector<16x512xf32>
    %logistic3A_3845 = math.exp %logistic3A_3844 : vector<16x512xf32>
    %logistic3A_3846 = arith.constant 1.000000e+00 : f32
    %logistic3A_3847 = vector.broadcast %logistic3A_3846 : f32 to vector<16x512xf32>
    %logistic3A_3848 = arith.addf %logistic3A_3847, %logistic3A_3845 : vector<16x512xf32>
    %logistic3A_3849 = arith.divf %logistic3A_3847, %logistic3A_3848 : vector<16x512xf32>
    %slice3A_3850 = vector.extract_strided_slice %get3A_3808 {offsets = [0, 512], sizes = [16, 512], strides = [1, 1]} : vector<16x1536xf32> to vector<16x512xf32>
    %get3A_3851 = arith.constant 512 : index
    %get3A_3852 = arith.constant 0 : index
    %get3A_3853 = vector.load %arg20[%get3A_3851, %get3A_3852] : memref<1536x512xf32, #tpu.memory_space<vmem>>, vector<512x512xf32>
    %dot_general3A_3854 = arith.constant dense<0.000000e+00> : vector<16x512xf32>
    %dot_general3A_3855 = tpu.matmul %add3A_3787, %get3A_3853, %dot_general3A_3854 {dimension_numbers = #tpu.dot_dimension_numbers<[1], [1], [0], [0], [0, 0, 1, 0], [], []>, transpose_lhs_hint = false} : vector<16x512xf32>, vector<512x512xf32>, vector<16x512xf32> -> vector<16x512xf32>
    %add3A_3856 = arith.addf %slice3A_3850, %dot_general3A_3855 : vector<16x512xf32>
    %get3A_3857 = arith.constant 0 : index
    %get3A_3858 = arith.constant 512 : index
    %get3A_3859 = vector.load %arg12[%get3A_3857, %get3A_3858] : memref<1x1536xf32, #tpu.memory_space<vmem>>, vector<1x512xf32>
    %add3A_3860 = vector.broadcast %get3A_3859 : vector<1x512xf32> to vector<16x512xf32>
    %add3A_3861 = arith.addf %add3A_3856, %add3A_3860 : vector<16x512xf32>
    %logistic3A_3862 = arith.negf %add3A_3861 : vector<16x512xf32>
    %logistic3A_3863 = math.exp %logistic3A_3862 : vector<16x512xf32>
    %logistic3A_3864 = arith.constant 1.000000e+00 : f32
    %logistic3A_3865 = vector.broadcast %logistic3A_3864 : f32 to vector<16x512xf32>
    %logistic3A_3866 = arith.addf %logistic3A_3865, %logistic3A_3863 : vector<16x512xf32>
    %logistic3A_3867 = arith.divf %logistic3A_3865, %logistic3A_3866 : vector<16x512xf32>
    %slice3A_3868 = vector.extract_strided_slice %get3A_3813 {offsets = [0, 512], sizes = [16, 512], strides = [1, 1]} : vector<16x1536xf32> to vector<16x512xf32>
    %get3A_3869 = arith.constant 512 : index
    %get3A_3870 = arith.constant 0 : index
    %get3A_3871 = vector.load %arg21[%get3A_3869, %get3A_3870] : memref<1536x512xf32, #tpu.memory_space<vmem>>, vector<512x512xf32>
    %dot_general3A_3872 = arith.constant dense<0.000000e+00> : vector<16x512xf32>
    %dot_general3A_3873 = tpu.matmul %add3A_3793, %get3A_3871, %dot_general3A_3872 {dimension_numbers = #tpu.dot_dimension_numbers<[1], [1], [0], [0], [0, 0, 1, 0], [], []>, transpose_lhs_hint = false} : vector<16x512xf32>, vector<512x512xf32>, vector<16x512xf32> -> vector<16x512xf32>
    %add3A_3874 = arith.addf %slice3A_3868, %dot_general3A_3873 : vector<16x512xf32>
    %get3A_3875 = arith.constant 0 : index
    %get3A_3876 = arith.constant 512 : index
    %get3A_3877 = vector.load %arg13[%get3A_3875, %get3A_3876] : memref<1x1536xf32, #tpu.memory_space<vmem>>, vector<1x512xf32>
    %add3A_3878 = vector.broadcast %get3A_3877 : vector<1x512xf32> to vector<16x512xf32>
    %add3A_3879 = arith.addf %add3A_3874, %add3A_3878 : vector<16x512xf32>
    %logistic3A_3880 = arith.negf %add3A_3879 : vector<16x512xf32>
    %logistic3A_3881 = math.exp %logistic3A_3880 : vector<16x512xf32>
    %logistic3A_3882 = arith.constant 1.000000e+00 : f32
    %logistic3A_3883 = vector.broadcast %logistic3A_3882 : f32 to vector<16x512xf32>
    %logistic3A_3884 = arith.addf %logistic3A_3883, %logistic3A_3881 : vector<16x512xf32>
    %logistic3A_3885 = arith.divf %logistic3A_3883, %logistic3A_3884 : vector<16x512xf32>
    %slice3A_3886 = vector.extract_strided_slice %get3A_3808 {offsets = [0, 1024], sizes = [16, 512], strides = [1, 1]} : vector<16x1536xf32> to vector<16x512xf32>
    %get3A_3887 = arith.constant 1024 : index
    %get3A_3888 = arith.constant 0 : index
    %get3A_3889 = vector.load %arg20[%get3A_3887, %get3A_3888] : memref<1536x512xf32, #tpu.memory_space<vmem>>, vector<512x512xf32>
    %dot_general3A_3890 = arith.constant dense<0.000000e+00> : vector<16x512xf32>
    %dot_general3A_3891 = tpu.matmul %add3A_3787, %get3A_3889, %dot_general3A_3890 {dimension_numbers = #tpu.dot_dimension_numbers<[1], [1], [0], [0], [0, 0, 1, 0], [], []>, transpose_lhs_hint = false} : vector<16x512xf32>, vector<512x512xf32>, vector<16x512xf32> -> vector<16x512xf32>
    %get3A_3892 = arith.constant 0 : index
    %get3A_3893 = arith.constant 1024 : index
    %get3A_3894 = vector.load %arg12[%get3A_3892, %get3A_3893] : memref<1x1536xf32, #tpu.memory_space<vmem>>, vector<1x512xf32>
    %add3A_3895 = vector.broadcast %get3A_3894 : vector<1x512xf32> to vector<16x512xf32>
    %add3A_3896 = arith.addf %dot_general3A_3891, %add3A_3895 : vector<16x512xf32>
    %mul3A_3897 = arith.mulf %logistic3A_3831, %add3A_3896 : vector<16x512xf32>
    %add3A_3898 = arith.addf %slice3A_3886, %mul3A_3897 : vector<16x512xf32>
    %tanh3A_3899 = math.tanh %add3A_3898 : vector<16x512xf32>
    %slice3A_3900 = vector.extract_strided_slice %get3A_3813 {offsets = [0, 1024], sizes = [16, 512], strides = [1, 1]} : vector<16x1536xf32> to vector<16x512xf32>
    %get3A_3901 = arith.constant 1024 : index
    %get3A_3902 = arith.constant 0 : index
    %get3A_3903 = vector.load %arg21[%get3A_3901, %get3A_3902] : memref<1536x512xf32, #tpu.memory_space<vmem>>, vector<512x512xf32>
    %dot_general3A_3904 = arith.constant dense<0.000000e+00> : vector<16x512xf32>
    %dot_general3A_3905 = tpu.matmul %add3A_3793, %get3A_3903, %dot_general3A_3904 {dimension_numbers = #tpu.dot_dimension_numbers<[1], [1], [0], [0], [0, 0, 1, 0], [], []>, transpose_lhs_hint = false} : vector<16x512xf32>, vector<512x512xf32>, vector<16x512xf32> -> vector<16x512xf32>
    %get3A_3906 = arith.constant 0 : index
    %get3A_3907 = arith.constant 1024 : index
    %get3A_3908 = vector.load %arg13[%get3A_3906, %get3A_3907] : memref<1x1536xf32, #tpu.memory_space<vmem>>, vector<1x512xf32>
    %add3A_3909 = vector.broadcast %get3A_3908 : vector<1x512xf32> to vector<16x512xf32>
    %add3A_3910 = arith.addf %dot_general3A_3905, %add3A_3909 : vector<16x512xf32>
    %mul3A_3911 = arith.mulf %logistic3A_3849, %add3A_3910 : vector<16x512xf32>
    %add3A_3912 = arith.addf %slice3A_3900, %mul3A_3911 : vector<16x512xf32>
    %tanh3A_3913 = math.tanh %add3A_3912 : vector<16x512xf32>
    %sub3A_3914 = arith.constant 1.000000e+00 : f32
    %sub3A_3915 = vector.broadcast %sub3A_3914 : f32 to vector<16x512xf32>
    %sub3A_3916 = arith.subf %sub3A_3915, %logistic3A_3867 : vector<16x512xf32>
    %mul3A_3917 = arith.mulf %sub3A_3916, %tanh3A_3899 : vector<16x512xf32>
    %mul3A_3918 = arith.mulf %logistic3A_3867, %add3A_3787 : vector<16x512xf32>
    %add3A_3919 = arith.addf %mul3A_3917, %mul3A_3918 : vector<16x512xf32>
    %sub3A_3920 = arith.constant 1.000000e+00 : f32
    %sub3A_3921 = vector.broadcast %sub3A_3920 : f32 to vector<16x512xf32>
    %sub3A_3922 = arith.subf %sub3A_3921, %logistic3A_3885 : vector<16x512xf32>
    %mul3A_3923 = arith.mulf %sub3A_3922, %tanh3A_3913 : vector<16x512xf32>
    %mul3A_3924 = arith.mulf %logistic3A_3885, %add3A_3793 : vector<16x512xf32>
    %add3A_3925 = arith.addf %mul3A_3923, %mul3A_3924 : vector<16x512xf32>
    %broadcast_in_dim3A_3926 = vector.shape_cast %add3A_3919 : vector<16x512xf32> to vector<16x1x512xf32>
    %swap3A_3927 = arith.constant 0 : index
    %swap3A_3928 = arith.constant 28 : index
    %swap3A_3929 = arith.constant 0 : index
    %swap3A_3930 = vector.load %arg14[%swap3A_3927, %swap3A_3928, %swap3A_3929] : memref<16x32x512xf32, #tpu.memory_space<vmem>>, vector<16x1x512xf32>
    tpu.vector_store %arg14[%swap3A_3927, %swap3A_3928, %swap3A_3929], %broadcast_in_dim3A_3926 {strides = array<i32>} : memref<16x32x512xf32, #tpu.memory_space<vmem>>, vector<16x1x512xf32>,
    %broadcast_in_dim3A_3931 = vector.shape_cast %add3A_3925 : vector<16x512xf32> to vector<16x1x512xf32>
    %swap3A_3932 = arith.constant 0 : index
    %swap3A_3933 = arith.constant 3 : index
    %swap3A_3934 = arith.constant 0 : index
    %swap3A_3935 = vector.load %arg17[%swap3A_3932, %swap3A_3933, %swap3A_3934] : memref<16x32x512xf32, #tpu.memory_space<vmem>>, vector<16x1x512xf32>
    tpu.vector_store %arg17[%swap3A_3932, %swap3A_3933, %swap3A_3934], %broadcast_in_dim3A_3931 {strides = array<i32>} : memref<16x32x512xf32, #tpu.memory_space<vmem>>, vector<16x1x512xf32>,
    %get3A_3936 = arith.constant 29 : index
    %get3A_3937 = arith.constant 0 : index
    %get3A_3938 = arith.constant 0 : index
    %get3A_3939 = vector.load %arg15[%get3A_3936, %get3A_3937, %get3A_3938] : memref<32x16x1536xf32, #tpu.memory_space<vmem>>, vector<1x16x1536xf32>
    %get3A_3940 = vector.shape_cast %get3A_3939 : vector<1x16x1536xf32> to vector<16x1536xf32>
    %get3A_3941 = arith.constant 2 : index
    %get3A_3942 = arith.constant 0 : index
    %get3A_3943 = arith.constant 0 : index
    %get3A_3944 = vector.load %arg16[%get3A_3941, %get3A_3942, %get3A_3943] : memref<32x16x1536xf32, #tpu.memory_space<vmem>>, vector<1x16x1536xf32>
    %get3A_3945 = vector.shape_cast %get3A_3944 : vector<1x16x1536xf32> to vector<16x1536xf32>
    %slice3A_3946 = vector.extract_strided_slice %get3A_3940 {offsets = [0, 0], sizes = [16, 512], strides = [1, 1]} : vector<16x1536xf32> to vector<16x512xf32>
    %get3A_3947 = arith.constant 0 : index
    %get3A_3948 = arith.constant 0 : index
    %get3A_3949 = vector.load %arg20[%get3A_3947, %get3A_3948] : memref<1536x512xf32, #tpu.memory_space<vmem>>, vector<512x512xf32>
    %dot_general3A_3950 = arith.constant dense<0.000000e+00> : vector<16x512xf32>
    %dot_general3A_3951 = tpu.matmul %add3A_3919, %get3A_3949, %dot_general3A_3950 {dimension_numbers = #tpu.dot_dimension_numbers<[1], [1], [0], [0], [0, 0, 1, 0], [], []>, transpose_lhs_hint = false} : vector<16x512xf32>, vector<512x512xf32>, vector<16x512xf32> -> vector<16x512xf32>
    %add3A_3952 = arith.addf %slice3A_3946, %dot_general3A_3951 : vector<16x512xf32>
    %get3A_3953 = arith.constant 0 : index
    %get3A_3954 = arith.constant 0 : index
    %get3A_3955 = vector.load %arg12[%get3A_3953, %get3A_3954] : memref<1x1536xf32, #tpu.memory_space<vmem>>, vector<1x512xf32>
    %add3A_3956 = vector.broadcast %get3A_3955 : vector<1x512xf32> to vector<16x512xf32>
    %add3A_3957 = arith.addf %add3A_3952, %add3A_3956 : vector<16x512xf32>
    %logistic3A_3958 = arith.negf %add3A_3957 : vector<16x512xf32>
    %logistic3A_3959 = math.exp %logistic3A_3958 : vector<16x512xf32>
    %logistic3A_3960 = arith.constant 1.000000e+00 : f32
    %logistic3A_3961 = vector.broadcast %logistic3A_3960 : f32 to vector<16x512xf32>
    %logistic3A_3962 = arith.addf %logistic3A_3961, %logistic3A_3959 : vector<16x512xf32>
    %logistic3A_3963 = arith.divf %logistic3A_3961, %logistic3A_3962 : vector<16x512xf32>
    %slice3A_3964 = vector.extract_strided_slice %get3A_3945 {offsets = [0, 0], sizes = [16, 512], strides = [1, 1]} : vector<16x1536xf32> to vector<16x512xf32>
    %get3A_3965 = arith.constant 0 : index
    %get3A_3966 = arith.constant 0 : index
    %get3A_3967 = vector.load %arg21[%get3A_3965, %get3A_3966] : memref<1536x512xf32, #tpu.memory_space<vmem>>, vector<512x512xf32>
    %dot_general3A_3968 = arith.constant dense<0.000000e+00> : vector<16x512xf32>
    %dot_general3A_3969 = tpu.matmul %add3A_3925, %get3A_3967, %dot_general3A_3968 {dimension_numbers = #tpu.dot_dimension_numbers<[1], [1], [0], [0], [0, 0, 1, 0], [], []>, transpose_lhs_hint = false} : vector<16x512xf32>, vector<512x512xf32>, vector<16x512xf32> -> vector<16x512xf32>
    %add3A_3970 = arith.addf %slice3A_3964, %dot_general3A_3969 : vector<16x512xf32>
    %get3A_3971 = arith.constant 0 : index
    %get3A_3972 = arith.constant 0 : index
    %get3A_3973 = vector.load %arg13[%get3A_3971, %get3A_3972] : memref<1x1536xf32, #tpu.memory_space<vmem>>, vector<1x512xf32>
    %add3A_3974 = vector.broadcast %get3A_3973 : vector<1x512xf32> to vector<16x512xf32>
    %add3A_3975 = arith.addf %add3A_3970, %add3A_3974 : vector<16x512xf32>
    %logistic3A_3976 = arith.negf %add3A_3975 : vector<16x512xf32>
    %logistic3A_3977 = math.exp %logistic3A_3976 : vector<16x512xf32>
    %logistic3A_3978 = arith.constant 1.000000e+00 : f32
    %logistic3A_3979 = vector.broadcast %logistic3A_3978 : f32 to vector<16x512xf32>
    %logistic3A_3980 = arith.addf %logistic3A_3979, %logistic3A_3977 : vector<16x512xf32>
    %logistic3A_3981 = arith.divf %logistic3A_3979, %logistic3A_3980 : vector<16x512xf32>
    %slice3A_3982 = vector.extract_strided_slice %get3A_3940 {offsets = [0, 512], sizes = [16, 512], strides = [1, 1]} : vector<16x1536xf32> to vector<16x512xf32>
    %get3A_3983 = arith.constant 512 : index
    %get3A_3984 = arith.constant 0 : index
    %get3A_3985 = vector.load %arg20[%get3A_3983, %get3A_3984] : memref<1536x512xf32, #tpu.memory_space<vmem>>, vector<512x512xf32>
    %dot_general3A_3986 = arith.constant dense<0.000000e+00> : vector<16x512xf32>
    %dot_general3A_3987 = tpu.matmul %add3A_3919, %get3A_3985, %dot_general3A_3986 {dimension_numbers = #tpu.dot_dimension_numbers<[1], [1], [0], [0], [0, 0, 1, 0], [], []>, transpose_lhs_hint = false} : vector<16x512xf32>, vector<512x512xf32>, vector<16x512xf32> -> vector<16x512xf32>
    %add3A_3988 = arith.addf %slice3A_3982, %dot_general3A_3987 : vector<16x512xf32>
    %get3A_3989 = arith.constant 0 : index
    %get3A_3990 = arith.constant 512 : index
    %get3A_3991 = vector.load %arg12[%get3A_3989, %get3A_3990] : memref<1x1536xf32, #tpu.memory_space<vmem>>, vector<1x512xf32>
    %add3A_3992 = vector.broadcast %get3A_3991 : vector<1x512xf32> to vector<16x512xf32>
    %add3A_3993 = arith.addf %add3A_3988, %add3A_3992 : vector<16x512xf32>
    %logistic3A_3994 = arith.negf %add3A_3993 : vector<16x512xf32>
    %logistic3A_3995 = math.exp %logistic3A_3994 : vector<16x512xf32>
    %logistic3A_3996 = arith.constant 1.000000e+00 : f32
    %logistic3A_3997 = vector.broadcast %logistic3A_3996 : f32 to vector<16x512xf32>
    %logistic3A_3998 = arith.addf %logistic3A_3997, %logistic3A_3995 : vector<16x512xf32>
    %logistic3A_3999 = arith.divf %logistic3A_3997, %logistic3A_3998 : vector<16x512xf32>
    %slice3A_4000 = vector.extract_strided_slice %get3A_3945 {offsets = [0, 512], sizes = [16, 512], strides = [1, 1]} : vector<16x1536xf32> to vector<16x512xf32>
    %get3A_4001 = arith.constant 512 : index
    %get3A_4002 = arith.constant 0 : index
    %get3A_4003 = vector.load %arg21[%get3A_4001, %get3A_4002] : memref<1536x512xf32, #tpu.memory_space<vmem>>, vector<512x512xf32>
    %dot_general3A_4004 = arith.constant dense<0.000000e+00> : vector<16x512xf32>
    %dot_general3A_4005 = tpu.matmul %add3A_3925, %get3A_4003, %dot_general3A_4004 {dimension_numbers = #tpu.dot_dimension_numbers<[1], [1], [0], [0], [0, 0, 1, 0], [], []>, transpose_lhs_hint = false} : vector<16x512xf32>, vector<512x512xf32>, vector<16x512xf32> -> vector<16x512xf32>
    %add3A_4006 = arith.addf %slice3A_4000, %dot_general3A_4005 : vector<16x512xf32>
    %get3A_4007 = arith.constant 0 : index
    %get3A_4008 = arith.constant 512 : index
    %get3A_4009 = vector.load %arg13[%get3A_4007, %get3A_4008] : memref<1x1536xf32, #tpu.memory_space<vmem>>, vector<1x512xf32>
    %add3A_4010 = vector.broadcast %get3A_4009 : vector<1x512xf32> to vector<16x512xf32>
    %add3A_4011 = arith.addf %add3A_4006, %add3A_4010 : vector<16x512xf32>
    %logistic3A_4012 = arith.negf %add3A_4011 : vector<16x512xf32>
    %logistic3A_4013 = math.exp %logistic3A_4012 : vector<16x512xf32>
    %logistic3A_4014 = arith.constant 1.000000e+00 : f32
    %logistic3A_4015 = vector.broadcast %logistic3A_4014 : f32 to vector<16x512xf32>
    %logistic3A_4016 = arith.addf %logistic3A_4015, %logistic3A_4013 : vector<16x512xf32>
    %logistic3A_4017 = arith.divf %logistic3A_4015, %logistic3A_4016 : vector<16x512xf32>
    %slice3A_4018 = vector.extract_strided_slice %get3A_3940 {offsets = [0, 1024], sizes = [16, 512], strides = [1, 1]} : vector<16x1536xf32> to vector<16x512xf32>
    %get3A_4019 = arith.constant 1024 : index
    %get3A_4020 = arith.constant 0 : index
    %get3A_4021 = vector.load %arg20[%get3A_4019, %get3A_4020] : memref<1536x512xf32, #tpu.memory_space<vmem>>, vector<512x512xf32>
    %dot_general3A_4022 = arith.constant dense<0.000000e+00> : vector<16x512xf32>
    %dot_general3A_4023 = tpu.matmul %add3A_3919, %get3A_4021, %dot_general3A_4022 {dimension_numbers = #tpu.dot_dimension_numbers<[1], [1], [0], [0], [0, 0, 1, 0], [], []>, transpose_lhs_hint = false} : vector<16x512xf32>, vector<512x512xf32>, vector<16x512xf32> -> vector<16x512xf32>
    %get3A_4024 = arith.constant 0 : index
    %get3A_4025 = arith.constant 1024 : index
    %get3A_4026 = vector.load %arg12[%get3A_4024, %get3A_4025] : memref<1x1536xf32, #tpu.memory_space<vmem>>, vector<1x512xf32>
    %add3A_4027 = vector.broadcast %get3A_4026 : vector<1x512xf32> to vector<16x512xf32>
    %add3A_4028 = arith.addf %dot_general3A_4023, %add3A_4027 : vector<16x512xf32>
    %mul3A_4029 = arith.mulf %logistic3A_3963, %add3A_4028 : vector<16x512xf32>
    %add3A_4030 = arith.addf %slice3A_4018, %mul3A_4029 : vector<16x512xf32>
    %tanh3A_4031 = math.tanh %add3A_4030 : vector<16x512xf32>
    %slice3A_4032 = vector.extract_strided_slice %get3A_3945 {offsets = [0, 1024], sizes = [16, 512], strides = [1, 1]} : vector<16x1536xf32> to vector<16x512xf32>
    %get3A_4033 = arith.constant 1024 : index
    %get3A_4034 = arith.constant 0 : index
    %get3A_4035 = vector.load %arg21[%get3A_4033, %get3A_4034] : memref<1536x512xf32, #tpu.memory_space<vmem>>, vector<512x512xf32>
    %dot_general3A_4036 = arith.constant dense<0.000000e+00> : vector<16x512xf32>
    %dot_general3A_4037 = tpu.matmul %add3A_3925, %get3A_4035, %dot_general3A_4036 {dimension_numbers = #tpu.dot_dimension_numbers<[1], [1], [0], [0], [0, 0, 1, 0], [], []>, transpose_lhs_hint = false} : vector<16x512xf32>, vector<512x512xf32>, vector<16x512xf32> -> vector<16x512xf32>
    %get3A_4038 = arith.constant 0 : index
    %get3A_4039 = arith.constant 1024 : index
    %get3A_4040 = vector.load %arg13[%get3A_4038, %get3A_4039] : memref<1x1536xf32, #tpu.memory_space<vmem>>, vector<1x512xf32>
    %add3A_4041 = vector.broadcast %get3A_4040 : vector<1x512xf32> to vector<16x512xf32>
    %add3A_4042 = arith.addf %dot_general3A_4037, %add3A_4041 : vector<16x512xf32>
    %mul3A_4043 = arith.mulf %logistic3A_3981, %add3A_4042 : vector<16x512xf32>
    %add3A_4044 = arith.addf %slice3A_4032, %mul3A_4043 : vector<16x512xf32>
    %tanh3A_4045 = math.tanh %add3A_4044 : vector<16x512xf32>
    %sub3A_4046 = arith.constant 1.000000e+00 : f32
    %sub3A_4047 = vector.broadcast %sub3A_4046 : f32 to vector<16x512xf32>
    %sub3A_4048 = arith.subf %sub3A_4047, %logistic3A_3999 : vector<16x512xf32>
    %mul3A_4049 = arith.mulf %sub3A_4048, %tanh3A_4031 : vector<16x512xf32>
    %mul3A_4050 = arith.mulf %logistic3A_3999, %add3A_3919 : vector<16x512xf32>
    %add3A_4051 = arith.addf %mul3A_4049, %mul3A_4050 : vector<16x512xf32>
    %sub3A_4052 = arith.constant 1.000000e+00 : f32
    %sub3A_4053 = vector.broadcast %sub3A_4052 : f32 to vector<16x512xf32>
    %sub3A_4054 = arith.subf %sub3A_4053, %logistic3A_4017 : vector<16x512xf32>
    %mul3A_4055 = arith.mulf %sub3A_4054, %tanh3A_4045 : vector<16x512xf32>
    %mul3A_4056 = arith.mulf %logistic3A_4017, %add3A_3925 : vector<16x512xf32>
    %add3A_4057 = arith.addf %mul3A_4055, %mul3A_4056 : vector<16x512xf32>
    %broadcast_in_dim3A_4058 = vector.shape_cast %add3A_4051 : vector<16x512xf32> to vector<16x1x512xf32>
    %swap3A_4059 = arith.constant 0 : index
    %swap3A_4060 = arith.constant 29 : index
    %swap3A_4061 = arith.constant 0 : index
    %swap3A_4062 = vector.load %arg14[%swap3A_4059, %swap3A_4060, %swap3A_4061] : memref<16x32x512xf32, #tpu.memory_space<vmem>>, vector<16x1x512xf32>
    tpu.vector_store %arg14[%swap3A_4059, %swap3A_4060, %swap3A_4061], %broadcast_in_dim3A_4058 {strides = array<i32>} : memref<16x32x512xf32, #tpu.memory_space<vmem>>, vector<16x1x512xf32>,
    %broadcast_in_dim3A_4063 = vector.shape_cast %add3A_4057 : vector<16x512xf32> to vector<16x1x512xf32>
    %swap3A_4064 = arith.constant 0 : index
    %swap3A_4065 = arith.constant 2 : index
    %swap3A_4066 = arith.constant 0 : index
    %swap3A_4067 = vector.load %arg17[%swap3A_4064, %swap3A_4065, %swap3A_4066] : memref<16x32x512xf32, #tpu.memory_space<vmem>>, vector<16x1x512xf32>
    tpu.vector_store %arg17[%swap3A_4064, %swap3A_4065, %swap3A_4066], %broadcast_in_dim3A_4063 {strides = array<i32>} : memref<16x32x512xf32, #tpu.memory_space<vmem>>, vector<16x1x512xf32>,
    %get3A_4068 = arith.constant 30 : index
    %get3A_4069 = arith.constant 0 : index
    %get3A_4070 = arith.constant 0 : index
    %get3A_4071 = vector.load %arg15[%get3A_4068, %get3A_4069, %get3A_4070] : memref<32x16x1536xf32, #tpu.memory_space<vmem>>, vector<1x16x1536xf32>
    %get3A_4072 = vector.shape_cast %get3A_4071 : vector<1x16x1536xf32> to vector<16x1536xf32>
    %get3A_4073 = arith.constant 1 : index
    %get3A_4074 = arith.constant 0 : index
    %get3A_4075 = arith.constant 0 : index
    %get3A_4076 = vector.load %arg16[%get3A_4073, %get3A_4074, %get3A_4075] : memref<32x16x1536xf32, #tpu.memory_space<vmem>>, vector<1x16x1536xf32>
    %get3A_4077 = vector.shape_cast %get3A_4076 : vector<1x16x1536xf32> to vector<16x1536xf32>
    %slice3A_4078 = vector.extract_strided_slice %get3A_4072 {offsets = [0, 0], sizes = [16, 512], strides = [1, 1]} : vector<16x1536xf32> to vector<16x512xf32>
    %get3A_4079 = arith.constant 0 : index
    %get3A_4080 = arith.constant 0 : index
    %get3A_4081 = vector.load %arg20[%get3A_4079, %get3A_4080] : memref<1536x512xf32, #tpu.memory_space<vmem>>, vector<512x512xf32>
    %dot_general3A_4082 = arith.constant dense<0.000000e+00> : vector<16x512xf32>
    %dot_general3A_4083 = tpu.matmul %add3A_4051, %get3A_4081, %dot_general3A_4082 {dimension_numbers = #tpu.dot_dimension_numbers<[1], [1], [0], [0], [0, 0, 1, 0], [], []>, transpose_lhs_hint = false} : vector<16x512xf32>, vector<512x512xf32>, vector<16x512xf32> -> vector<16x512xf32>
    %add3A_4084 = arith.addf %slice3A_4078, %dot_general3A_4083 : vector<16x512xf32>
    %get3A_4085 = arith.constant 0 : index
    %get3A_4086 = arith.constant 0 : index
    %get3A_4087 = vector.load %arg12[%get3A_4085, %get3A_4086] : memref<1x1536xf32, #tpu.memory_space<vmem>>, vector<1x512xf32>
    %add3A_4088 = vector.broadcast %get3A_4087 : vector<1x512xf32> to vector<16x512xf32>
    %add3A_4089 = arith.addf %add3A_4084, %add3A_4088 : vector<16x512xf32>
    %logistic3A_4090 = arith.negf %add3A_4089 : vector<16x512xf32>
    %logistic3A_4091 = math.exp %logistic3A_4090 : vector<16x512xf32>
    %logistic3A_4092 = arith.constant 1.000000e+00 : f32
    %logistic3A_4093 = vector.broadcast %logistic3A_4092 : f32 to vector<16x512xf32>
    %logistic3A_4094 = arith.addf %logistic3A_4093, %logistic3A_4091 : vector<16x512xf32>
    %logistic3A_4095 = arith.divf %logistic3A_4093, %logistic3A_4094 : vector<16x512xf32>
    %slice3A_4096 = vector.extract_strided_slice %get3A_4077 {offsets = [0, 0], sizes = [16, 512], strides = [1, 1]} : vector<16x1536xf32> to vector<16x512xf32>
    %get3A_4097 = arith.constant 0 : index
    %get3A_4098 = arith.constant 0 : index
    %get3A_4099 = vector.load %arg21[%get3A_4097, %get3A_4098] : memref<1536x512xf32, #tpu.memory_space<vmem>>, vector<512x512xf32>
    %dot_general3A_4100 = arith.constant dense<0.000000e+00> : vector<16x512xf32>
    %dot_general3A_4101 = tpu.matmul %add3A_4057, %get3A_4099, %dot_general3A_4100 {dimension_numbers = #tpu.dot_dimension_numbers<[1], [1], [0], [0], [0, 0, 1, 0], [], []>, transpose_lhs_hint = false} : vector<16x512xf32>, vector<512x512xf32>, vector<16x512xf32> -> vector<16x512xf32>
    %add3A_4102 = arith.addf %slice3A_4096, %dot_general3A_4101 : vector<16x512xf32>
    %get3A_4103 = arith.constant 0 : index
    %get3A_4104 = arith.constant 0 : index
    %get3A_4105 = vector.load %arg13[%get3A_4103, %get3A_4104] : memref<1x1536xf32, #tpu.memory_space<vmem>>, vector<1x512xf32>
    %add3A_4106 = vector.broadcast %get3A_4105 : vector<1x512xf32> to vector<16x512xf32>
    %add3A_4107 = arith.addf %add3A_4102, %add3A_4106 : vector<16x512xf32>
    %logistic3A_4108 = arith.negf %add3A_4107 : vector<16x512xf32>
    %logistic3A_4109 = math.exp %logistic3A_4108 : vector<16x512xf32>
    %logistic3A_4110 = arith.constant 1.000000e+00 : f32
    %logistic3A_4111 = vector.broadcast %logistic3A_4110 : f32 to vector<16x512xf32>
    %logistic3A_4112 = arith.addf %logistic3A_4111, %logistic3A_4109 : vector<16x512xf32>
    %logistic3A_4113 = arith.divf %logistic3A_4111, %logistic3A_4112 : vector<16x512xf32>
    %slice3A_4114 = vector.extract_strided_slice %get3A_4072 {offsets = [0, 512], sizes = [16, 512], strides = [1, 1]} : vector<16x1536xf32> to vector<16x512xf32>
    %get3A_4115 = arith.constant 512 : index
    %get3A_4116 = arith.constant 0 : index
    %get3A_4117 = vector.load %arg20[%get3A_4115, %get3A_4116] : memref<1536x512xf32, #tpu.memory_space<vmem>>, vector<512x512xf32>
    %dot_general3A_4118 = arith.constant dense<0.000000e+00> : vector<16x512xf32>
    %dot_general3A_4119 = tpu.matmul %add3A_4051, %get3A_4117, %dot_general3A_4118 {dimension_numbers = #tpu.dot_dimension_numbers<[1], [1], [0], [0], [0, 0, 1, 0], [], []>, transpose_lhs_hint = false} : vector<16x512xf32>, vector<512x512xf32>, vector<16x512xf32> -> vector<16x512xf32>
    %add3A_4120 = arith.addf %slice3A_4114, %dot_general3A_4119 : vector<16x512xf32>
    %get3A_4121 = arith.constant 0 : index
    %get3A_4122 = arith.constant 512 : index
    %get3A_4123 = vector.load %arg12[%get3A_4121, %get3A_4122] : memref<1x1536xf32, #tpu.memory_space<vmem>>, vector<1x512xf32>
    %add3A_4124 = vector.broadcast %get3A_4123 : vector<1x512xf32> to vector<16x512xf32>
    %add3A_4125 = arith.addf %add3A_4120, %add3A_4124 : vector<16x512xf32>
    %logistic3A_4126 = arith.negf %add3A_4125 : vector<16x512xf32>
    %logistic3A_4127 = math.exp %logistic3A_4126 : vector<16x512xf32>
    %logistic3A_4128 = arith.constant 1.000000e+00 : f32
    %logistic3A_4129 = vector.broadcast %logistic3A_4128 : f32 to vector<16x512xf32>
    %logistic3A_4130 = arith.addf %logistic3A_4129, %logistic3A_4127 : vector<16x512xf32>
    %logistic3A_4131 = arith.divf %logistic3A_4129, %logistic3A_4130 : vector<16x512xf32>
    %slice3A_4132 = vector.extract_strided_slice %get3A_4077 {offsets = [0, 512], sizes = [16, 512], strides = [1, 1]} : vector<16x1536xf32> to vector<16x512xf32>
    %get3A_4133 = arith.constant 512 : index
    %get3A_4134 = arith.constant 0 : index
    %get3A_4135 = vector.load %arg21[%get3A_4133, %get3A_4134] : memref<1536x512xf32, #tpu.memory_space<vmem>>, vector<512x512xf32>
    %dot_general3A_4136 = arith.constant dense<0.000000e+00> : vector<16x512xf32>
    %dot_general3A_4137 = tpu.matmul %add3A_4057, %get3A_4135, %dot_general3A_4136 {dimension_numbers = #tpu.dot_dimension_numbers<[1], [1], [0], [0], [0, 0, 1, 0], [], []>, transpose_lhs_hint = false} : vector<16x512xf32>, vector<512x512xf32>, vector<16x512xf32> -> vector<16x512xf32>
    %add3A_4138 = arith.addf %slice3A_4132, %dot_general3A_4137 : vector<16x512xf32>
    %get3A_4139 = arith.constant 0 : index
    %get3A_4140 = arith.constant 512 : index
    %get3A_4141 = vector.load %arg13[%get3A_4139, %get3A_4140] : memref<1x1536xf32, #tpu.memory_space<vmem>>, vector<1x512xf32>
    %add3A_4142 = vector.broadcast %get3A_4141 : vector<1x512xf32> to vector<16x512xf32>
    %add3A_4143 = arith.addf %add3A_4138, %add3A_4142 : vector<16x512xf32>
    %logistic3A_4144 = arith.negf %add3A_4143 : vector<16x512xf32>
    %logistic3A_4145 = math.exp %logistic3A_4144 : vector<16x512xf32>
    %logistic3A_4146 = arith.constant 1.000000e+00 : f32
    %logistic3A_4147 = vector.broadcast %logistic3A_4146 : f32 to vector<16x512xf32>
    %logistic3A_4148 = arith.addf %logistic3A_4147, %logistic3A_4145 : vector<16x512xf32>
    %logistic3A_4149 = arith.divf %logistic3A_4147, %logistic3A_4148 : vector<16x512xf32>
    %slice3A_4150 = vector.extract_strided_slice %get3A_4072 {offsets = [0, 1024], sizes = [16, 512], strides = [1, 1]} : vector<16x1536xf32> to vector<16x512xf32>
    %get3A_4151 = arith.constant 1024 : index
    %get3A_4152 = arith.constant 0 : index
    %get3A_4153 = vector.load %arg20[%get3A_4151, %get3A_4152] : memref<1536x512xf32, #tpu.memory_space<vmem>>, vector<512x512xf32>
    %dot_general3A_4154 = arith.constant dense<0.000000e+00> : vector<16x512xf32>
    %dot_general3A_4155 = tpu.matmul %add3A_4051, %get3A_4153, %dot_general3A_4154 {dimension_numbers = #tpu.dot_dimension_numbers<[1], [1], [0], [0], [0, 0, 1, 0], [], []>, transpose_lhs_hint = false} : vector<16x512xf32>, vector<512x512xf32>, vector<16x512xf32> -> vector<16x512xf32>
    %get3A_4156 = arith.constant 0 : index
    %get3A_4157 = arith.constant 1024 : index
    %get3A_4158 = vector.load %arg12[%get3A_4156, %get3A_4157] : memref<1x1536xf32, #tpu.memory_space<vmem>>, vector<1x512xf32>
    %add3A_4159 = vector.broadcast %get3A_4158 : vector<1x512xf32> to vector<16x512xf32>
    %add3A_4160 = arith.addf %dot_general3A_4155, %add3A_4159 : vector<16x512xf32>
    %mul3A_4161 = arith.mulf %logistic3A_4095, %add3A_4160 : vector<16x512xf32>
    %add3A_4162 = arith.addf %slice3A_4150, %mul3A_4161 : vector<16x512xf32>
    %tanh3A_4163 = math.tanh %add3A_4162 : vector<16x512xf32>
    %slice3A_4164 = vector.extract_strided_slice %get3A_4077 {offsets = [0, 1024], sizes = [16, 512], strides = [1, 1]} : vector<16x1536xf32> to vector<16x512xf32>
    %get3A_4165 = arith.constant 1024 : index
    %get3A_4166 = arith.constant 0 : index
    %get3A_4167 = vector.load %arg21[%get3A_4165, %get3A_4166] : memref<1536x512xf32, #tpu.memory_space<vmem>>, vector<512x512xf32>
    %dot_general3A_4168 = arith.constant dense<0.000000e+00> : vector<16x512xf32>
    %dot_general3A_4169 = tpu.matmul %add3A_4057, %get3A_4167, %dot_general3A_4168 {dimension_numbers = #tpu.dot_dimension_numbers<[1], [1], [0], [0], [0, 0, 1, 0], [], []>, transpose_lhs_hint = false} : vector<16x512xf32>, vector<512x512xf32>, vector<16x512xf32> -> vector<16x512xf32>
    %get3A_4170 = arith.constant 0 : index
    %get3A_4171 = arith.constant 1024 : index
    %get3A_4172 = vector.load %arg13[%get3A_4170, %get3A_4171] : memref<1x1536xf32, #tpu.memory_space<vmem>>, vector<1x512xf32>
    %add3A_4173 = vector.broadcast %get3A_4172 : vector<1x512xf32> to vector<16x512xf32>
    %add3A_4174 = arith.addf %dot_general3A_4169, %add3A_4173 : vector<16x512xf32>
    %mul3A_4175 = arith.mulf %logistic3A_4113, %add3A_4174 : vector<16x512xf32>
    %add3A_4176 = arith.addf %slice3A_4164, %mul3A_4175 : vector<16x512xf32>
    %tanh3A_4177 = math.tanh %add3A_4176 : vector<16x512xf32>
    %sub3A_4178 = arith.constant 1.000000e+00 : f32
    %sub3A_4179 = vector.broadcast %sub3A_4178 : f32 to vector<16x512xf32>
    %sub3A_4180 = arith.subf %sub3A_4179, %logistic3A_4131 : vector<16x512xf32>
    %mul3A_4181 = arith.mulf %sub3A_4180, %tanh3A_4163 : vector<16x512xf32>
    %mul3A_4182 = arith.mulf %logistic3A_4131, %add3A_4051 : vector<16x512xf32>
    %add3A_4183 = arith.addf %mul3A_4181, %mul3A_4182 : vector<16x512xf32>
    %sub3A_4184 = arith.constant 1.000000e+00 : f32
    %sub3A_4185 = vector.broadcast %sub3A_4184 : f32 to vector<16x512xf32>
    %sub3A_4186 = arith.subf %sub3A_4185, %logistic3A_4149 : vector<16x512xf32>
    %mul3A_4187 = arith.mulf %sub3A_4186, %tanh3A_4177 : vector<16x512xf32>
    %mul3A_4188 = arith.mulf %logistic3A_4149, %add3A_4057 : vector<16x512xf32>
    %add3A_4189 = arith.addf %mul3A_4187, %mul3A_4188 : vector<16x512xf32>
    %broadcast_in_dim3A_4190 = vector.shape_cast %add3A_4183 : vector<16x512xf32> to vector<16x1x512xf32>
    %swap3A_4191 = arith.constant 0 : index
    %swap3A_4192 = arith.constant 30 : index
    %swap3A_4193 = arith.constant 0 : index
    %swap3A_4194 = vector.load %arg14[%swap3A_4191, %swap3A_4192, %swap3A_4193] : memref<16x32x512xf32, #tpu.memory_space<vmem>>, vector<16x1x512xf32>
    tpu.vector_store %arg14[%swap3A_4191, %swap3A_4192, %swap3A_4193], %broadcast_in_dim3A_4190 {strides = array<i32>} : memref<16x32x512xf32, #tpu.memory_space<vmem>>, vector<16x1x512xf32>,
    %broadcast_in_dim3A_4195 = vector.shape_cast %add3A_4189 : vector<16x512xf32> to vector<16x1x512xf32>
    %swap3A_4196 = arith.constant 0 : index
    %swap3A_4197 = arith.constant 1 : index
    %swap3A_4198 = arith.constant 0 : index
    %swap3A_4199 = vector.load %arg17[%swap3A_4196, %swap3A_4197, %swap3A_4198] : memref<16x32x512xf32, #tpu.memory_space<vmem>>, vector<16x1x512xf32>
    tpu.vector_store %arg17[%swap3A_4196, %swap3A_4197, %swap3A_4198], %broadcast_in_dim3A_4195 {strides = array<i32>} : memref<16x32x512xf32, #tpu.memory_space<vmem>>, vector<16x1x512xf32>,
    %get3A_4200 = arith.constant 31 : index
    %get3A_4201 = arith.constant 0 : index
    %get3A_4202 = arith.constant 0 : index
    %get3A_4203 = vector.load %arg15[%get3A_4200, %get3A_4201, %get3A_4202] : memref<32x16x1536xf32, #tpu.memory_space<vmem>>, vector<1x16x1536xf32>
    %get3A_4204 = vector.shape_cast %get3A_4203 : vector<1x16x1536xf32> to vector<16x1536xf32>
    %get3A_4205 = arith.constant 0 : index
    %get3A_4206 = arith.constant 0 : index
    %get3A_4207 = arith.constant 0 : index
    %get3A_4208 = vector.load %arg16[%get3A_4205, %get3A_4206, %get3A_4207] : memref<32x16x1536xf32, #tpu.memory_space<vmem>>, vector<1x16x1536xf32>
    %get3A_4209 = vector.shape_cast %get3A_4208 : vector<1x16x1536xf32> to vector<16x1536xf32>
    %slice3A_4210 = vector.extract_strided_slice %get3A_4204 {offsets = [0, 0], sizes = [16, 512], strides = [1, 1]} : vector<16x1536xf32> to vector<16x512xf32>
    %get3A_4211 = arith.constant 0 : index
    %get3A_4212 = arith.constant 0 : index
    %get3A_4213 = vector.load %arg20[%get3A_4211, %get3A_4212] : memref<1536x512xf32, #tpu.memory_space<vmem>>, vector<512x512xf32>
    %dot_general3A_4214 = arith.constant dense<0.000000e+00> : vector<16x512xf32>
    %dot_general3A_4215 = tpu.matmul %add3A_4183, %get3A_4213, %dot_general3A_4214 {dimension_numbers = #tpu.dot_dimension_numbers<[1], [1], [0], [0], [0, 0, 1, 0], [], []>, transpose_lhs_hint = false} : vector<16x512xf32>, vector<512x512xf32>, vector<16x512xf32> -> vector<16x512xf32>
    %add3A_4216 = arith.addf %slice3A_4210, %dot_general3A_4215 : vector<16x512xf32>
    %get3A_4217 = arith.constant 0 : index
    %get3A_4218 = arith.constant 0 : index
    %get3A_4219 = vector.load %arg12[%get3A_4217, %get3A_4218] : memref<1x1536xf32, #tpu.memory_space<vmem>>, vector<1x512xf32>
    %add3A_4220 = vector.broadcast %get3A_4219 : vector<1x512xf32> to vector<16x512xf32>
    %add3A_4221 = arith.addf %add3A_4216, %add3A_4220 : vector<16x512xf32>
    %logistic3A_4222 = arith.negf %add3A_4221 : vector<16x512xf32>
    %logistic3A_4223 = math.exp %logistic3A_4222 : vector<16x512xf32>
    %logistic3A_4224 = arith.constant 1.000000e+00 : f32
    %logistic3A_4225 = vector.broadcast %logistic3A_4224 : f32 to vector<16x512xf32>
    %logistic3A_4226 = arith.addf %logistic3A_4225, %logistic3A_4223 : vector<16x512xf32>
    %logistic3A_4227 = arith.divf %logistic3A_4225, %logistic3A_4226 : vector<16x512xf32>
    %slice3A_4228 = vector.extract_strided_slice %get3A_4209 {offsets = [0, 0], sizes = [16, 512], strides = [1, 1]} : vector<16x1536xf32> to vector<16x512xf32>
    %get3A_4229 = arith.constant 0 : index
    %get3A_4230 = arith.constant 0 : index
    %get3A_4231 = vector.load %arg21[%get3A_4229, %get3A_4230] : memref<1536x512xf32, #tpu.memory_space<vmem>>, vector<512x512xf32>
    %dot_general3A_4232 = arith.constant dense<0.000000e+00> : vector<16x512xf32>
    %dot_general3A_4233 = tpu.matmul %add3A_4189, %get3A_4231, %dot_general3A_4232 {dimension_numbers = #tpu.dot_dimension_numbers<[1], [1], [0], [0], [0, 0, 1, 0], [], []>, transpose_lhs_hint = false} : vector<16x512xf32>, vector<512x512xf32>, vector<16x512xf32> -> vector<16x512xf32>
    %add3A_4234 = arith.addf %slice3A_4228, %dot_general3A_4233 : vector<16x512xf32>
    %get3A_4235 = arith.constant 0 : index
    %get3A_4236 = arith.constant 0 : index
    %get3A_4237 = vector.load %arg13[%get3A_4235, %get3A_4236] : memref<1x1536xf32, #tpu.memory_space<vmem>>, vector<1x512xf32>
    %add3A_4238 = vector.broadcast %get3A_4237 : vector<1x512xf32> to vector<16x512xf32>
    %add3A_4239 = arith.addf %add3A_4234, %add3A_4238 : vector<16x512xf32>
    %logistic3A_4240 = arith.negf %add3A_4239 : vector<16x512xf32>
    %logistic3A_4241 = math.exp %logistic3A_4240 : vector<16x512xf32>
    %logistic3A_4242 = arith.constant 1.000000e+00 : f32
    %logistic3A_4243 = vector.broadcast %logistic3A_4242 : f32 to vector<16x512xf32>
    %logistic3A_4244 = arith.addf %logistic3A_4243, %logistic3A_4241 : vector<16x512xf32>
    %logistic3A_4245 = arith.divf %logistic3A_4243, %logistic3A_4244 : vector<16x512xf32>
    %slice3A_4246 = vector.extract_strided_slice %get3A_4204 {offsets = [0, 512], sizes = [16, 512], strides = [1, 1]} : vector<16x1536xf32> to vector<16x512xf32>
    %get3A_4247 = arith.constant 512 : index
    %get3A_4248 = arith.constant 0 : index
    %get3A_4249 = vector.load %arg20[%get3A_4247, %get3A_4248] : memref<1536x512xf32, #tpu.memory_space<vmem>>, vector<512x512xf32>
    %dot_general3A_4250 = arith.constant dense<0.000000e+00> : vector<16x512xf32>
    %dot_general3A_4251 = tpu.matmul %add3A_4183, %get3A_4249, %dot_general3A_4250 {dimension_numbers = #tpu.dot_dimension_numbers<[1], [1], [0], [0], [0, 0, 1, 0], [], []>, transpose_lhs_hint = false} : vector<16x512xf32>, vector<512x512xf32>, vector<16x512xf32> -> vector<16x512xf32>
    %add3A_4252 = arith.addf %slice3A_4246, %dot_general3A_4251 : vector<16x512xf32>
    %get3A_4253 = arith.constant 0 : index
    %get3A_4254 = arith.constant 512 : index
    %get3A_4255 = vector.load %arg12[%get3A_4253, %get3A_4254] : memref<1x1536xf32, #tpu.memory_space<vmem>>, vector<1x512xf32>
    %add3A_4256 = vector.broadcast %get3A_4255 : vector<1x512xf32> to vector<16x512xf32>
    %add3A_4257 = arith.addf %add3A_4252, %add3A_4256 : vector<16x512xf32>
    %logistic3A_4258 = arith.negf %add3A_4257 : vector<16x512xf32>
    %logistic3A_4259 = math.exp %logistic3A_4258 : vector<16x512xf32>
    %logistic3A_4260 = arith.constant 1.000000e+00 : f32
    %logistic3A_4261 = vector.broadcast %logistic3A_4260 : f32 to vector<16x512xf32>
    %logistic3A_4262 = arith.addf %logistic3A_4261, %logistic3A_4259 : vector<16x512xf32>
    %logistic3A_4263 = arith.divf %logistic3A_4261, %logistic3A_4262 : vector<16x512xf32>
    %slice3A_4264 = vector.extract_strided_slice %get3A_4209 {offsets = [0, 512], sizes = [16, 512], strides = [1, 1]} : vector<16x1536xf32> to vector<16x512xf32>
    %get3A_4265 = arith.constant 512 : index
    %get3A_4266 = arith.constant 0 : index
    %get3A_4267 = vector.load %arg21[%get3A_4265, %get3A_4266] : memref<1536x512xf32, #tpu.memory_space<vmem>>, vector<512x512xf32>
    %dot_general3A_4268 = arith.constant dense<0.000000e+00> : vector<16x512xf32>
    %dot_general3A_4269 = tpu.matmul %add3A_4189, %get3A_4267, %dot_general3A_4268 {dimension_numbers = #tpu.dot_dimension_numbers<[1], [1], [0], [0], [0, 0, 1, 0], [], []>, transpose_lhs_hint = false} : vector<16x512xf32>, vector<512x512xf32>, vector<16x512xf32> -> vector<16x512xf32>
    %add3A_4270 = arith.addf %slice3A_4264, %dot_general3A_4269 : vector<16x512xf32>
    %get3A_4271 = arith.constant 0 : index
    %get3A_4272 = arith.constant 512 : index
    %get3A_4273 = vector.load %arg13[%get3A_4271, %get3A_4272] : memref<1x1536xf32, #tpu.memory_space<vmem>>, vector<1x512xf32>
    %add3A_4274 = vector.broadcast %get3A_4273 : vector<1x512xf32> to vector<16x512xf32>
    %add3A_4275 = arith.addf %add3A_4270, %add3A_4274 : vector<16x512xf32>
    %logistic3A_4276 = arith.negf %add3A_4275 : vector<16x512xf32>
    %logistic3A_4277 = math.exp %logistic3A_4276 : vector<16x512xf32>
    %logistic3A_4278 = arith.constant 1.000000e+00 : f32
    %logistic3A_4279 = vector.broadcast %logistic3A_4278 : f32 to vector<16x512xf32>
    %logistic3A_4280 = arith.addf %logistic3A_4279, %logistic3A_4277 : vector<16x512xf32>
    %logistic3A_4281 = arith.divf %logistic3A_4279, %logistic3A_4280 : vector<16x512xf32>
    %slice3A_4282 = vector.extract_strided_slice %get3A_4204 {offsets = [0, 1024], sizes = [16, 512], strides = [1, 1]} : vector<16x1536xf32> to vector<16x512xf32>
    %get3A_4283 = arith.constant 1024 : index
    %get3A_4284 = arith.constant 0 : index
    %get3A_4285 = vector.load %arg20[%get3A_4283, %get3A_4284] : memref<1536x512xf32, #tpu.memory_space<vmem>>, vector<512x512xf32>
    %dot_general3A_4286 = arith.constant dense<0.000000e+00> : vector<16x512xf32>
    %dot_general3A_4287 = tpu.matmul %add3A_4183, %get3A_4285, %dot_general3A_4286 {dimension_numbers = #tpu.dot_dimension_numbers<[1], [1], [0], [0], [0, 0, 1, 0], [], []>, transpose_lhs_hint = false} : vector<16x512xf32>, vector<512x512xf32>, vector<16x512xf32> -> vector<16x512xf32>
    %get3A_4288 = arith.constant 0 : index
    %get3A_4289 = arith.constant 1024 : index
    %get3A_4290 = vector.load %arg12[%get3A_4288, %get3A_4289] : memref<1x1536xf32, #tpu.memory_space<vmem>>, vector<1x512xf32>
    %add3A_4291 = vector.broadcast %get3A_4290 : vector<1x512xf32> to vector<16x512xf32>
    %add3A_4292 = arith.addf %dot_general3A_4287, %add3A_4291 : vector<16x512xf32>
    %mul3A_4293 = arith.mulf %logistic3A_4227, %add3A_4292 : vector<16x512xf32>
    %add3A_4294 = arith.addf %slice3A_4282, %mul3A_4293 : vector<16x512xf32>
    %tanh3A_4295 = math.tanh %add3A_4294 : vector<16x512xf32>
    %slice3A_4296 = vector.extract_strided_slice %get3A_4209 {offsets = [0, 1024], sizes = [16, 512], strides = [1, 1]} : vector<16x1536xf32> to vector<16x512xf32>
    %get3A_4297 = arith.constant 1024 : index
    %get3A_4298 = arith.constant 0 : index
    %get3A_4299 = vector.load %arg21[%get3A_4297, %get3A_4298] : memref<1536x512xf32, #tpu.memory_space<vmem>>, vector<512x512xf32>
    %dot_general3A_4300 = arith.constant dense<0.000000e+00> : vector<16x512xf32>
    %dot_general3A_4301 = tpu.matmul %add3A_4189, %get3A_4299, %dot_general3A_4300 {dimension_numbers = #tpu.dot_dimension_numbers<[1], [1], [0], [0], [0, 0, 1, 0], [], []>, transpose_lhs_hint = false} : vector<16x512xf32>, vector<512x512xf32>, vector<16x512xf32> -> vector<16x512xf32>
    %get3A_4302 = arith.constant 0 : index
    %get3A_4303 = arith.constant 1024 : index
    %get3A_4304 = vector.load %arg13[%get3A_4302, %get3A_4303] : memref<1x1536xf32, #tpu.memory_space<vmem>>, vector<1x512xf32>
    %add3A_4305 = vector.broadcast %get3A_4304 : vector<1x512xf32> to vector<16x512xf32>
    %add3A_4306 = arith.addf %dot_general3A_4301, %add3A_4305 : vector<16x512xf32>
    %mul3A_4307 = arith.mulf %logistic3A_4245, %add3A_4306 : vector<16x512xf32>
    %add3A_4308 = arith.addf %slice3A_4296, %mul3A_4307 : vector<16x512xf32>
    %tanh3A_4309 = math.tanh %add3A_4308 : vector<16x512xf32>
    %sub3A_4310 = arith.constant 1.000000e+00 : f32
    %sub3A_4311 = vector.broadcast %sub3A_4310 : f32 to vector<16x512xf32>
    %sub3A_4312 = arith.subf %sub3A_4311, %logistic3A_4263 : vector<16x512xf32>
    %mul3A_4313 = arith.mulf %sub3A_4312, %tanh3A_4295 : vector<16x512xf32>
    %mul3A_4314 = arith.mulf %logistic3A_4263, %add3A_4183 : vector<16x512xf32>
    %add3A_4315 = arith.addf %mul3A_4313, %mul3A_4314 : vector<16x512xf32>
    %sub3A_4316 = arith.constant 1.000000e+00 : f32
    %sub3A_4317 = vector.broadcast %sub3A_4316 : f32 to vector<16x512xf32>
    %sub3A_4318 = arith.subf %sub3A_4317, %logistic3A_4281 : vector<16x512xf32>
    %mul3A_4319 = arith.mulf %sub3A_4318, %tanh3A_4309 : vector<16x512xf32>
    %mul3A_4320 = arith.mulf %logistic3A_4281, %add3A_4189 : vector<16x512xf32>
    %add3A_4321 = arith.addf %mul3A_4319, %mul3A_4320 : vector<16x512xf32>
    %broadcast_in_dim3A_4322 = vector.shape_cast %add3A_4315 : vector<16x512xf32> to vector<16x1x512xf32>
    %swap3A_4323 = arith.constant 0 : index
    %swap3A_4324 = arith.constant 31 : index
    %swap3A_4325 = arith.constant 0 : index
    %swap3A_4326 = vector.load %arg14[%swap3A_4323, %swap3A_4324, %swap3A_4325] : memref<16x32x512xf32, #tpu.memory_space<vmem>>, vector<16x1x512xf32>
    tpu.vector_store %arg14[%swap3A_4323, %swap3A_4324, %swap3A_4325], %broadcast_in_dim3A_4322 {strides = array<i32>} : memref<16x32x512xf32, #tpu.memory_space<vmem>>, vector<16x1x512xf32>,
    %broadcast_in_dim3A_4327 = vector.shape_cast %add3A_4321 : vector<16x512xf32> to vector<16x1x512xf32>
    %swap3A_4328 = arith.constant 0 : index
    %swap3A_4329 = arith.constant 0 : index
    %swap3A_4330 = arith.constant 0 : index
    %swap3A_4331 = vector.load %arg17[%swap3A_4328, %swap3A_4329, %swap3A_4330] : memref<16x32x512xf32, #tpu.memory_space<vmem>>, vector<16x1x512xf32>
    tpu.vector_store %arg17[%swap3A_4328, %swap3A_4329, %swap3A_4330], %broadcast_in_dim3A_4327 {strides = array<i32>} : memref<16x32x512xf32, #tpu.memory_space<vmem>>, vector<16x1x512xf32>,
    %get3A_4332 = arith.constant 0 : index
    %get3A_4333 = arith.constant 0 : index
    %get3A_4334 = arith.constant 0 : index
    %get3A_4335 = vector.load %arg14[%get3A_4332, %get3A_4333, %get3A_4334] : memref<16x32x512xf32, #tpu.memory_space<vmem>>, vector<16x32x512xf32>
    %get3A_4336 = arith.constant 0 : index
    %get3A_4337 = arith.constant 0 : index
    %get3A_4338 = arith.constant 0 : index
    %get3A_4339 = vector.load %arg17[%get3A_4336, %get3A_4337, %get3A_4338] : memref<16x32x512xf32, #tpu.memory_space<vmem>>, vector<16x32x512xf32>
    %add3A_4340 = arith.addf %get3A_4335, %get3A_4339 : vector<16x32x512xf32>
    %swap3A_4341 = arith.constant 0 : index
    %swap3A_4342 = arith.constant 0 : index
    %swap3A_4343 = arith.constant 0 : index
    %swap3A_4344 = vector.load %arg14[%swap3A_4341, %swap3A_4342, %swap3A_4343] : memref<16x32x512xf32, #tpu.memory_space<vmem>>, vector<16x32x512xf32>
    tpu.vector_store %arg14[%swap3A_4341, %swap3A_4342, %swap3A_4343], %add3A_4340 {strides = array<i32>} : memref<16x32x512xf32, #tpu.memory_space<vmem>>, vector<16x32x512xf32>,
    return
  }
}

</mosaic_0001>

<sc_bundles>
// kernel: kernel.4.cloned.1.call-start
scs
__scs_entry_jumppad:
0x0: {  	(pc) =	sbr.rel $0x88, $3  }
0x1: {  	(tag) =	ssettag $0x0;
	lr =	simm.s32 $0x1  }
0x2: {  	[smem:$0x3F90] =	sst lr;
	_ =	strace $0xD0000000  }
0x3: {  	_ = 	snop  }
0x4: {  	_ = 	snop  }
0x5: {  	_ = 	snop  }
0x6: {  	_ = 	snop  }
0x7: {  	_ = 	snop  }
__scs_overlays_trampoline_lowered:
0x8: {  	[smem:$0x3F9F] =	sst s0  }
0x9: {  	[smem:$0x3FA0] =	sst s1  }
0xa: {  	[smem:$0x3FA1] =	sst s2  }
0xb: {  	[smem:$0x3FA2] =	sst s3  }
0xc: {  	[smem:$0x3FA3] =	sst s4  }
0xd: {  	[smem:$0x3FA4] =	sst s5  }
0xe: {  	[smem:$0x3FA5] =	sst s6  }
0xf: {  	[smem:$0x3FA6] =	sst s7  }
0x10: {  	[smem:$0x3FA7] =	sst s8  }
0x11: {  	[smem:$0x3FA8] =	sst s9;
	s0 =	simm.s32 @!p0 $0x0  }
0x12: {  	s1 =	sld [smem:$0x3F8E];
	s0 =	simm.s32 @p0 $0x1  }
0x13: {  	[smem:$0x3FA9] =	sst s0;
	s0 =	simm.s32 @!p1 $0x0  }
0x14: {  	s2 =	sld [smem:$0x3F8D];
	s0 =	simm.s32 @p1 $0x1  }
0x15: {  	[smem:$0x3FAA] =	sst s0;
	s0 =	simm.s32 @!p2 $0x0  }
0x16: {  	s3 =	sld [smem:$0x3FDB];
	s0 =	simm.s32 @p2 $0x1  }
0x17: {  	s4 =	simm.s32 $0x1BF5;
	[smem:$0x3FAC] =	sst s0  }
0x18: {  	s0 =	sld [smem:$0x3F8F];
	_ =	swait.ge [sflag:s4], $0x0  }
0x19: {  	s7 =	sld [smem:$0x3F90]  }
0x1a: {  	s8 =	sadd.s32 $0xFFFFE003, lr  }
0x1b: {  	s9 =	sadd.s32 $0xFFFFFEF7, lr;
	s5 =	simm.s32 $0xFFFFFFFF;
	p2 =	slt.u32 s8, $0xFFFFF086  }
0x1c: {  	p1 =	slt.u32 s9, $0xF7A;
	s5 =	simm.s32 @!p2 $0x0  }
0x1d: {  	s5 =	simm.s32 @p1 $0x1;
	p0 =	seq.s32 s7, s2  }
0x1e: {  	s7 =	smul.u32 @!p0 $0xF7A, s2;
	p2 =	seq.s32 @!p0 s5, $0x0  }
0x1f: {  	s9 =	smul.u32 $0xF7A, s1;
	s8 =	simm.s32 @!p0 $0x1BF5;
	p2 =	por !p2, p0  }
0x20: {  	[sflag:s8] =	ssyncset.s32 @!p0 $0xFFFFF086;
	s6 =	sadd.s32 @!p0 s3, s7;
	s7 =	simm.s32 @!p0 $0x108  }
0x21: {  	s3 =	sadd.s32 s3, s9;
	s6 =	sadd.s32 @!p0 $0x88, s6;
	s7 =	simm.s32 @p2 $0x1082  }
0x22: {  	[simem:s7], [sflag:s8] =	dma.local @!p0 [hbm:s6], $0xF7A  }
0x23: {  	s9 =	sor.u32 $0xD0000000, s2;
	s6 =	simm.s32 $0x108;
	_ =	swait.ge @!p0 [sflag:s8], $0x0  }
0x24: {  	s3 =	sadd.s32 $0x88, s3;
	s6 =	simm.s32 @!p1 $0x1082;
	[sflag:s4] =	ssyncset.s32 $0xFFFFF086  }
0x25: {  	[simem:s6], [sflag:s4] =	dma.local [hbm:s3], $0xF7A  }
0x26: {  	[smem:$0x3F90] =	sst s1;
	(tag) =	ssettag s2;
	_ =	strace s9  }
0x27: {  	s1 =	sld [smem:$0x3FA0]  }
0x28: {  	s2 =	sld [smem:$0x3FA1]  }
0x29: {  	s4 =	sld [smem:$0x3FA3]  }
0x2a: {  	p0 =	seq.s32 s5, $0x0;
	s5 =	sld [smem:$0x3FA4]  }
0x2b: {  	s6 =	sld [smem:$0x3FA5]  }
0x2c: {  	s7 =	sld [smem:$0x3FA6]  }
0x2d: {  	s3 =	simm.s32 $0x108;
	s8 =	sld [smem:$0x3FA7]  }
0x2e: {  	s3 =	simm.s32 @!p0 $0x1082;
	s9 =	sld [smem:$0x3FA8]  }
0x2f: {  	lr =	sadd.s32 s0, s3;
	s0 =	sld [smem:$0x3F9F]  }
0x30: {  	s3 =	sld [smem:$0x3FA2]  }
0x31: {  	[smem:$0x3FAB] =	sst s10  }
0x32: {  	s10 =	sld [smem:$0x3FA9];
	_ =	sdelay $0x3  }
0x33: {  	p0 =	seq.s32 s10, $0x1;
	s10 =	sld [smem:$0x3FAB];
	_ =	sdelay $0x3  }
0x34: {  	[smem:$0x3FAB] =	sst s10  }
0x35: {  	s10 =	sld [smem:$0x3FAA];
	_ =	sdelay $0x3  }
0x36: {  	p1 =	seq.s32 s10, $0x1;
	s10 =	sld [smem:$0x3FAB];
	_ =	sdelay $0x3  }
0x37: {  	[smem:$0x3FAB] =	sst s10  }
0x38: {  	s10 =	sld [smem:$0x3FAC]  }
0x39: {  	_ = 	snop;
	(pc) =	sbr.ind lr, $3  }
0x3a: {  	_ = 	snop  }
0x3b: {  	_ = 	snop  }
0x3c: {  	p2 =	seq.s32 s10, $0x1;
	s10 =	sld [smem:$0x3FAB]  }
0x3d: {  	_ =	shalt  }
0x3e: {  	_ =	shalt  }
0x3f: {  	_ =	shalt  }
0x40: {  	_ =	shalt  }
0x41: {  	_ =	shalt  }
0x42: {  	_ =	shalt  }
0x43: {  	_ =	shalt  }
0x44: {  	_ =	shalt  }
0x45: {  	_ =	shalt  }
0x46: {  	_ =	shalt  }
0x47: {  	_ =	shalt  }
0x48: {  	_ =	shalt  }
0x49: {  	_ =	shalt  }
0x4a: {  	_ =	shalt  }
0x4b: {  	_ =	shalt  }
0x4c: {  	_ =	shalt  }
0x4d: {  	_ =	shalt  }
0x4e: {  	_ =	shalt  }
0x4f: {  	_ =	shalt  }
0x50: {  	_ =	shalt  }
0x51: {  	_ =	shalt  }
0x52: {  	_ =	shalt  }
0x53: {  	_ =	shalt  }
0x54: {  	_ =	shalt  }
0x55: {  	_ =	shalt  }
0x56: {  	_ =	shalt  }
0x57: {  	_ =	shalt  }
0x58: {  	_ =	shalt  }
0x59: {  	_ =	shalt  }
0x5a: {  	_ =	shalt  }
0x5b: {  	_ =	shalt  }
0x5c: {  	_ =	shalt  }
0x5d: {  	_ =	shalt  }
0x5e: {  	_ =	shalt  }
0x5f: {  	_ =	shalt  }
0x60: {  	_ =	shalt  }
0x61: {  	_ =	shalt  }
0x62: {  	_ =	shalt  }
0x63: {  	_ =	shalt  }
0x64: {  	_ =	shalt  }
0x65: {  	_ =	shalt  }
0x66: {  	_ =	shalt  }
0x67: {  	_ =	shalt  }
0x68: {  	_ =	shalt  }
0x69: {  	_ =	shalt  }
0x6a: {  	_ =	shalt  }
0x6b: {  	_ =	shalt  }
0x6c: {  	_ =	shalt  }
0x6d: {  	_ =	shalt  }
0x6e: {  	_ =	shalt  }
0x6f: {  	_ =	shalt  }
0x70: {  	_ =	shalt  }
0x71: {  	_ =	shalt  }
0x72: {  	_ =	shalt  }
0x73: {  	_ =	shalt  }
0x74: {  	_ =	shalt  }
0x75: {  	_ =	shalt  }
0x76: {  	_ =	shalt  }
0x77: {  	_ =	shalt  }
0x78: {  	_ =	shalt  }
0x79: {  	_ =	shalt  }
0x7a: {  	_ =	shalt  }
0x7b: {  	_ =	shalt  }
0x7c: {  	_ =	shalt  }
0x7d: {  	_ =	shalt  }
0x7e: {  	_ =	shalt  }
0x7f: {  	_ =	shalt  }
0x80: {  	_ =	shalt  }
0x81: {  	_ =	shalt  }
0x82: {  	_ =	shalt  }
0x83: {  	_ =	shalt  }
0x84: {  	_ =	shalt  }
0x85: {  	_ =	shalt  }
0x86: {  	_ =	shalt  }
0x87: {  	_ =	shalt  }
.Lfunc_end0:
.L_simem_size_0:
called_computation_lowered:
.L_overlay_start_0:
0x88: {  	s2 =	sld [smem:$0x3FD9]  }
0x89: {  	s3 =	sld [smem:$0x3FFE];
	_ =	sdelay $0x1  }
0x8a: {  	s1 =	srdreg.scid  }
0x8b: {  	s0 =	sand.u32 $0x1, s1  }
0x8c: {  	s17 =	sshll.u32 s0, $0xA;
	s2 =	sadd.s32 s3, s2  }
0x8d: {  	s2 =	sadd.s32 s2, s17  }
0x8e: {  	[smem:$0x3FB7] =	sst s2  }
0x8f: {  	_ = 	snop  }
0x90: {  	s2 =	sld [smem:$0x3FC9]  }
0x91: {  	s18 =	sld [smem:$0x3FC8]  }
0x92: {  	s4 =	sld [smem:$0x3FC7]  }
0x93: {  	s5 =	sld [smem:$0x3FD0];
	(tm) =	ssettm $0x1  }
0x94: {  	s6 =	sld [smem:$0x3FFB];
	_ =	sdelay $0x3  }
0x95: {  	_ =	strace s6  }
0x96: {  	s6 =	sld [smem:$0x3FFC];
	_ =	sdelay $0x3  }
0x97: {  	_ =	strace s6  }
0x98: {  	s6 =	sld [smem:$0x3FFD];
	_ =	sdelay $0x3  }
0x99: {  	_ =	strace s6  }
0x9a: {  	_ =	strace $0x8FFFFFFF  }
0x9b: {  	s19 =	sld [smem:$0x3FDB];
	_ =	sdelay $0x1  }
0x9c: {  	s7 =	simm.s32 $_scs_section_size  }
0x9d: {  	s8 =	simm.s32 $_size__tile_overlayer_lowered;
	s9 =	simm.s32 $_tile_overlayer_lowered  }
0x9e: {  	s22 =	simm.s32 $0x1BFF;
	s21 =	sshll.u32 s9, $0x1;
	s6 =	sadd.s32 s7, s19  }
0x9f: {  	s10 =	simm.s32 $0x0;
	s20 =	sshll.u32 s8, $0x1;
	s8 =	sadd.s32 s21, s6  }
0xa0: {  	[timem:s10], [sflag:s22] =	dma.local [hbm:s8], s20  }
0xa1: {  	_ =	swait.ge [sflag:s22], s20  }
0xa2: {  	s7 =	ssub.s32 $0x0, s20;
	[sflag:s22] =	ssyncset.done $0x0  }
0xa3: {  	[sflag:s22] =	ssyncadd.s32 s7;
	_ =	sdelay $0x1  }
0xa4: {  	s23 =	simm.s32 $0x1B8B  }
0xa5: {  	_ =	swait.ge [sflag:s23], $0x1  }
0xa6: {  	[sflag:s23] =	ssyncset.done $0x0  }
0xa7: {  	s25 =	simm.s32 $0x1B8E;
	s24 =	sld [smem:$0x3FFE];
	[sflag:s23] =	ssyncadd.s32 $0xFFFFFFFF  }
0xa8: {  	s26 =	simm.s32 $execute0_lowered;
	[smem:$0x3FD2] =	sst s25  }
0xa9: {  	s8 =	sshll.u32 s26, $0x1;
	_ =	strace $0x80000046;
	[dreg:$0x1] =	wrdreg $0xFFFFFFFF  }
0xaa: {  	s28 =	simm.s32 $_size_execute0_lowered;
	s6 =	sadd.s32 s6, s8;
	[dreg:$0x0] =	wrdreg $0x0  }
0xab: {  	s8 =	sshll.u32 s28, $0x1;
	[dreg:$0x2] =	wrdreg s6  }
0xac: {  	[dreg:$0x3] =	wrdreg s8  }
0xad: {  	[dreg:$0x4] =	wrdreg $0xC0  }
0xae: {  	_ =	task [dreg:s10], $0x5FFFF  }
0xaf: {  	[dreg:$0x1] =	wrdreg $0xFFFFFFFF  }
0xb0: {  	[dreg:$0x0] =	wrdreg $0x60  }
0xb1: {  	[dreg:$0x2] =	wrdreg s24  }
0xb2: {  	[dreg:$0x3] =	wrdreg s18  }
0xb3: {  	[dreg:$0x4] =	wrdreg s4  }
0xb4: {  	[dreg:$0x5] =	wrdreg s5  }
0xb5: {  	[dreg:$0x6] =	wrdreg s2  }
0xb6: {  	[dreg:$0x7] =	wrdreg $0x9  }
0xb7: {  	_ =	task.clear_ibuf [dreg:s10], $0x8FFFF;
	_ =	strace $0x90000046  }
0xb8: {  	s29 =	simm.s32 $0x9;
	_ =	strace $0x80000048  }
0xb9: {  	_ =	swait.ge [sflag:s29], $0x1  }
0xba: {  	[sflag:s29] =	ssyncadd.s32 $0xFFFFFFFF  }
0xbb: {  	_ =	strace $0x90000048  }
0xbc: {  	_ =	sfence  }
0xbd: {  	s30 =	sld [smem:$0x0];
	_ =	sdelay $0x2  }
0xbe: {  	s31 =	sshll.u32 s1, $0xD;
	s1 =	sshrl.u32 s1, $0x2  }
0xbf: {  	s3 =	sand.u32 $0x4000, s31;
	s1 =	sadd.s32 s1, s30  }
0xc0: {  	s0 =	sor.u32 s3, s0;
	s1 =	sshll.u32 s1, $0x11  }
0xc1: {  	s0 =	sor.u32 s1, s0  }
0xc2: {  	s0 =	sadd.s32 $0x8F2B, s0  }
0xc3: {  	[sflag:s0] =	ssyncadd.remote.s32 $0x1  }
0xc4: {  	_ =	sfence.sel $0xFFFF  }
0xc5: {  	[dreg:$0x0] =	wrdreg $0xFFFFFFFF;
	(pc) =	sbr.abs _section_cstart, $3  }
0xc6: {  	[dreg:$0x1] =	wrdreg $0xFFFFFFFF  }
0xc7: {  	_ =	task.clear_ibuf [dreg:s10], $0x2FFFF;
	_ =	strace $0x9FFFFFFF  }
0xc8: {  	(tm) =	ssettm $0x7FFFFFFF  }
0xc9: {  	_ =	shalt  }
tec
execute0_lowered:
.L_overlay_start_1:
0x0: {  	(tag) =	ssettag $0x1  }
0x1: {  	s0 =	rddreg [dreg:$0x0]  }
0x2: {  	s1 =	rddreg [dreg:$0x1]  }
0x3: {  	s2 =	rddreg [dreg:$0x2]  }
0x4: {  	s3 =	rddreg [dreg:$0x3]  }
0x5: {  	s5 =	rddreg [dreg:$0x4]  }
0x6: {  	s6 =	simm.s32 $0x0;
	s7 =	srdreg.scid;
	s4 =	stileid.u32  }
0x7: {  	s11 =	simm.s32 $0x1;
	s12 =	simm.s32 $0x80;
	s13 =	simm.s32 $0x100  }
0x8: {  	s14 =	simm.s32 $0x180;
	s15 =	simm.s32 $0x200;
	s16 =	simm.s32 $0x280  }
0x9: {  	s17 =	simm.s32 $0x300;
	s18 =	simm.s32 $0x6400;
	s19 =	simm.s32 $0x400  }
0xa: {  	s21 =	simm.s32 $0x1400;
	s22 =	simm.s32 $0x1C00;
	s23 =	simm.s32 $0x2400  }
0xb: {  	s24 =	simm.s32 $0x2C00;
	s28 =	simm.s32 $0x4400;
	s29 =	simm.s32 $0x4C00  }
0xc: {  	s30 =	simm.s32 $0x5400;
	s31 =	simm.s32 $0x5C00;
	[smem:$0x7FF] =	sst s6  }
0xd: {  	v8 =	vlaneseq.u32;
	s7 =	sand.u32 $0x1, s7;
	s8 =	sshll.u32 s4, $0x1;
	s9 =	sadd.s32 $0x2200, s0  }
0xe: {  	v1 =	vmul.u32 $0x20, v8;
	_ =	strace $0x80000047;
	s20 =	sor.u32 s7, s8;
	s7 =	ssub.s32 $0x2, s7  }
0xf: {  	[dreg:$0x6] =	wrdreg s9;
	s8 =	smul.u32 $0xC00, s20;
	s10 =	sshll.u32 s20, $0x3  }
0x10: {  	vm0 =	vmmov $0xffff;
	s26 =	sshrl.u32 s7, $0x1;
	v1 =	vor.u32 s20, v1;
	s20 =	simm.s32 $0xC00;
	s25 =	sadd.s32 s10, s0  }
0x11: {  	v2 =	vimm.f32 $0.0e+00;
	v0 =	vmul.u32 $0x4, v8;
	v7 =	vshrl.u32 v8, $0x3;
	s10 =	ssub.s32 s7, s26;
	s26 =	simm.s32 $0x3C00;
	s0 =	sadd.s32 s8, s0  }
0x12: {  	v6 =	vand.u32 $0x7, v8;
	v8 =	vor.u32 $0x8, v8;
	v7 =	vmul.u32 $0x8, v7;
	s7 =	sadd.s32 $0x2400, s25;
	s8 =	sadd.s32 $0x100, s5;
	s10 =	smax.u32 s10, $0x1  }
0x13: {  	v3 =	vor.u32 $0x1, v0;
	v4 =	vor.u32 $0x2, v0;
	v5 =	vor.u32 $0x3, v0;
	s25 =	simm.s32 $0x3400;
	s9 =	sadd.s32 $0x2600, s0;
	s0 =	simm.s32 $0x2  }
.LBB2_1:
0x14: {  	s4 =	rddreg [dreg:$0x6]  }
0x15: {  	[tilespmem:s6], [sflag:$0x1] =	stream.indirect_vreg.gather [hbm4b:s4+s6], $0x1, v1, vm0, $0xb8;
	[tilespmem:$0x6480] =	vst v63  }
0x16: {  	_ =	swait.ge [sflag:s11], $0x10  }
0x17: {  	[sflag:s11] =	ssyncset.done $0x0  }
0x18: {  	[sflag:s11] =	ssyncadd.s32 $0xFFFFFFF0  }
0x19: {  	v9 =	vld [tilespmem:$0x0];
	_ =	sdelay $0x4  }
0x1a: {  	vm1 =	vgt.s32 v9, $0x2001  }
0x1b: {  	v10 =	vnsel vm1, $0x2001, v9  }
0x1c: {  	v11 =	vadd.s32 $0xFFFFFFFF, v9;
	v12 =	vadd.s32 $0xFFFFDFFF, v10  }
0x1d: {  	vm1 =	vlt.u32 v11, $0x2000  }
0x1e: {  	v11 =	vnsel vm1, $0x0, v11;
	_ =	sdelay $0x2  }
0x1f: {  	[tilespmem:s12], [sflag:$0x1] =	stream.indirect_vreg.gather [hbm4b:s2+s6], $0x1, v12, vm0, $0xb8;
	[tilespmem:$0x6480] =	vst v63  }
0x20: {  	v10 =	vadd.s32 $0xFFFFEFFF, v10  }
0x21: {  	[tilespmem:s13], [sflag:$0x1] =	stream.indirect_vreg.gather [hbm4b:s1+s6], $0x1, v11, vm0, $0xb8;
	[tilespmem:$0x6480] =	vst v63  }
0x22: {  	_ = 	snop  }
0x23: {  	[tilespmem:s14], [sflag:$0x1] =	stream.indirect_vreg.gather [hbm4b:s3+s6], $0x1, v12, vm0, $0xb8;
	[tilespmem:$0x6480] =	vst v63  }
0x24: {  	_ = 	snop  }
0x25: {  	[tilespmem:s15], [sflag:$0x1] =	stream.indirect_vreg.gather [hbm4b:s3+s6], $0x1, v10, vm0, $0xb8;
	[tilespmem:$0x6480] =	vst v63  }
0x26: {  	_ =	swait.ge [sflag:s11], $0x10  }
0x27: {  	[sflag:s11] =	ssyncset.done $0x0  }
0x28: {  	[sflag:s11] =	ssyncadd.s32 $0xFFFFFFF0  }
0x29: {  	_ =	swait.ge [sflag:s11], $0x10  }
0x2a: {  	[sflag:s11] =	ssyncset.done $0x0  }
0x2b: {  	[sflag:s11] =	ssyncadd.s32 $0xFFFFFFF0  }
0x2c: {  	_ =	swait.ge [sflag:s11], $0x10  }
0x2d: {  	[sflag:s11] =	ssyncset.done $0x0  }
0x2e: {  	[sflag:s11] =	ssyncadd.s32 $0xFFFFFFF0  }
0x2f: {  	_ =	swait.ge [sflag:s11], $0x10  }
0x30: {  	[sflag:s11] =	ssyncset.done $0x0  }
0x31: {  	[sflag:s11] =	ssyncadd.s32 $0xFFFFFFF0  }
0x32: {  	v10 =	vld [tilespmem:$0x180];
	_ =	sdelay $0x1  }
0x33: {  	v11 =	vld [tilespmem:$0x200];
	_ =	sdelay $0x2  }
0x34: {  	vm1 =	vgt.s32 v9, $0x2000;
	vm2 =	vgt.s32 v10, $0x0  }
0x35: {  	v10 =	vadd.s32 $0xFFFFFFFF, v10;
	vm2 =	vmand vm1, vm2  }
0x36: {  	vm3 =	vgt.s32 v11, $0x0;
	v10 =	vnsel vm2, $0x0, v10  }
0x37: {  	v62 =	vld [tilespmem:$0x80];
	v11 =	vadd.s32 $0xFFFFFFFF, v11;
	vm3 =	vmand vm1, vm3  }
0x38: {  	v13 =	vld [tilespmem:$0x100];
	v11 =	vnsel vm3, $0x0, v11;
	_ =	sdelay $0x2  }
0x39: {  	[tilespmem:s16], [sflag:$0x1] =	stream.indirect_vreg.gather [hbm4b:s1+s6], $0x1, v10, vm0, $0xb8;
	[tilespmem:$0x6480] =	vst v63  }
0x3a: {  	_ = 	snop  }
0x3b: {  	vm4 =	vgt.s32 v9, $0x0;
	v9 =	vsel vm1, v62, v13;
	[tilespmem:s17], [sflag:$0x1] =	stream.indirect_vreg.gather [hbm4b:s1+s6], $0x1, v11, vm0, $0xb8;
	[tilespmem:$0x6480] =	vst v63  }
0x3c: {  	[tilespmem:$0x380] =	vst v9;
	v9 =	vsel vm4, $0x3F800000, v2  }
0x3d: {  	[tilespmem:v0+s18+$0x0] =	vst.idx.msk $0xffff, v9;
	v9 =	vsel vm2, $0x3F800000, v2  }
0x3e: {  	[tilespmem:v3+s18+$0x0] =	vst.idx.msk $0xffff, v9;
	v9 =	vsel vm3, $0x3F800000, v2  }
0x3f: {  	[tilespmem:v4+s18+$0x0] =	vst.idx.msk $0xffff, v9;
	v9 =	vsel vm1, $0x3F800000, v2  }
0x40: {  	[tilespmem:v5+s18+$0x0] =	vst.idx.msk $0xffff, v9  }
0x41: {  	[hbm4b:s7+s6] =	stream.linear.scatter [tilespmem:s18], [sflag:$0x2], $0x40, $0x38;
	[tilespmem:$0x6480] =	vst v63  }
0x42: {  	_ =	swait.ge [sflag:s11], $0x10  }
0x43: {  	[sflag:s11] =	ssyncset.done $0x0  }
0x44: {  	[sflag:s11] =	ssyncadd.s32 $0xFFFFFFF0  }
0x45: {  	_ =	swait.ge [sflag:s11], $0x10  }
0x46: {  	[sflag:s11] =	ssyncset.done $0x0  }
0x47: {  	[sflag:s11] =	ssyncadd.s32 $0xFFFFFFF0  }
0x48: {  	v9 =	vld [tilespmem:$0x380];
	_ =	sdelay $0x4  }
0x49: {  	v10 =	vshll.u32 v9, $0x2  }
0x4a: {  	v9 =	vand.u32 $0x7, v9;
	v10 =	vand.u32 $0xFFFFFFE0, v10  }
0x4b: {  	v9 =	vor.u32 v9, v10  }
0x4c: {  	v63 =	vld [tilespmem:$0x300];
	v11 =	vperm.xlane v9, v6  }
0x4d: {  	v10 =	vld [tilespmem:$0x280]  }
0x4e: {  	v11 =	vadd.s32 v7, v11;
	_ =	sdelay $0x1  }
0x4f: {  	v9 =	vperm.xlane v9, v8  }
0x50: {  	[tilespmem:$0x3A0] =	vst v63  }
0x51: {  	v9 =	vadd.s32 v7, v9;
	[tilespmem:$0x390] =	vst v10  }
0x52: {  	[tilespmem:s19], [sflag:$0x1] =	stream.indirect_vreg.gather [hbm4b:s5+s6], $0x80, v11, vm0, $0xb8;
	[tilespmem:$0x6480] =	vst v63  }
0x53: {  	_ = 	snop  }
0x54: {  	[tilespmem:s20], [sflag:$0x1] =	stream.indirect_vreg.gather [hbm4b:s8+s6], $0x80, v11, vm0, $0xb8;
	[tilespmem:$0x6480] =	vst v63  }
0x55: {  	_ = 	snop  }
0x56: {  	[tilespmem:s21], [sflag:$0x1] =	stream.indirect_vreg.gather [hbm4b:s5+s6], $0x80, v9, vm0, $0xb8;
	[tilespmem:$0x6480] =	vst v63  }
0x57: {  	_ = 	snop  }
0x58: {  	[tilespmem:s22], [sflag:$0x1] =	stream.indirect_vreg.gather [hbm4b:s8+s6], $0x80, v9, vm0, $0xb8;
	[tilespmem:$0x6480] =	vst v63  }
0x59: {  	v9 =	vld [tilespmem:$0x390];
	_ =	sdelay $0x4  }
0x5a: {  	v10 =	vshll.u32 v9, $0x2  }
0x5b: {  	v9 =	vand.u32 $0x7, v9;
	v10 =	vand.u32 $0xFFFFFFE0, v10  }
0x5c: {  	v9 =	vor.u32 v9, v10  }
0x5d: {  	v10 =	vperm.xlane v9, v6;
	_ =	sdelay $0x1  }
0x5e: {  	v10 =	vadd.s32 v7, v10;
	_ =	sdelay $0x1  }
0x5f: {  	v9 =	vperm.xlane v9, v8;
	_ =	sdelay $0x1  }
0x60: {  	v9 =	vadd.s32 v7, v9  }
0x61: {  	[tilespmem:s23], [sflag:$0x1] =	stream.indirect_vreg.gather [hbm4b:s5+s6], $0x80, v10, vm0, $0xb8;
	[tilespmem:$0x6480] =	vst v63  }
0x62: {  	_ = 	snop  }
0x63: {  	[tilespmem:s24], [sflag:$0x1] =	stream.indirect_vreg.gather [hbm4b:s8+s6], $0x80, v10, vm0, $0xb8;
	[tilespmem:$0x6480] =	vst v63  }
0x64: {  	_ = 	snop  }
0x65: {  	[tilespmem:s25], [sflag:$0x1] =	stream.indirect_vreg.gather [hbm4b:s5+s6], $0x80, v9, vm0, $0xb8;
	[tilespmem:$0x6480] =	vst v63  }
0x66: {  	_ = 	snop  }
0x67: {  	[tilespmem:s26], [sflag:$0x1] =	stream.indirect_vreg.gather [hbm4b:s8+s6], $0x80, v9, vm0, $0xb8;
	[tilespmem:$0x6480] =	vst v63  }
0x68: {  	v9 =	vld [tilespmem:$0x3A0];
	_ =	sdelay $0x4  }
0x69: {  	v10 =	vshll.u32 v9, $0x2  }
0x6a: {  	v9 =	vand.u32 $0x7, v9;
	v10 =	vand.u32 $0xFFFFFFE0, v10  }
0x6b: {  	v9 =	vor.u32 v9, v10  }
0x6c: {  	v10 =	vperm.xlane v9, v6;
	_ =	sdelay $0x1  }
0x6d: {  	v10 =	vadd.s32 v7, v10;
	_ =	sdelay $0x1  }
0x6e: {  	v9 =	vperm.xlane v9, v8;
	_ =	sdelay $0x1  }
0x6f: {  	v9 =	vadd.s32 v7, v9  }
0x70: {  	[tilespmem:s28], [sflag:$0x1] =	stream.indirect_vreg.gather [hbm4b:s5+s6], $0x80, v10, vm0, $0xb8;
	[tilespmem:$0x6480] =	vst v63  }
0x71: {  	_ = 	snop  }
0x72: {  	[tilespmem:s29], [sflag:$0x1] =	stream.indirect_vreg.gather [hbm4b:s8+s6], $0x80, v10, vm0, $0xb8;
	[tilespmem:$0x6480] =	vst v63  }
0x73: {  	_ = 	snop  }
0x74: {  	[tilespmem:s30], [sflag:$0x1] =	stream.indirect_vreg.gather [hbm4b:s5+s6], $0x80, v9, vm0, $0xb8;
	[tilespmem:$0x6480] =	vst v63  }
0x75: {  	_ = 	snop  }
0x76: {  	[tilespmem:s31], [sflag:$0x1] =	stream.indirect_vreg.gather [hbm4b:s8+s6], $0x80, v9, vm0, $0xb8;
	[tilespmem:$0x6480] =	vst v63  }
0x77: {  	_ =	swait.ge [sflag:s11], $0x6000  }
0x78: {  	[sflag:s11] =	ssyncset.done $0x0  }
0x79: {  	[sflag:s11] =	ssyncadd.s32 $0xFFFFA000  }
0x7a: {  	[hbm4b:s9+s6] =	stream.linear.scatter [tilespmem:s19], [sflag:$0x2], $0x6000, $0x38;
	[tilespmem:$0x6480] =	vst v63  }
0x7b: {  	p0 =	sne.s32 s10, $0x1;
	_ =	swait.ge [sflag:s0], $0x40  }
.Ltmp0:
0x7c: {  	[sflag:s0] =	ssyncset.done $0x0;
	(pc) =	sbr.rel @p0 .LBB2_1-.Ltmp0, $4  }
0x7d: {  	[sflag:s0] =	ssyncadd.s32 $0xFFFFFFC0  }
0x7e: {  	_ =	swait.ge [sflag:s0], $0x6000  }
0x7f: {  	[sflag:s0] =	ssyncset.done $0x0  }
0x80: {  	s10 =	sadd.s32 $0xFFFFFFFF, s10;
	[sflag:s0] =	ssyncadd.s32 $0xFFFFA000  }
0x81: {  	_ =	sfence.sel $0x180000  }
0x82: {  	[bflag:$0x0] =	sbarrier.arrive $0xFFFF  }
0x83: {  	_ =	strace $0x90000047  }
0x84: {  	s0 =	stileid.u32;
	[bflag:$0x2] =	sbarrier.arrive $0xFFFF  }
0x85: {  	p0 =	sne.s32 s0, $0x0;
	s0 =	rddreg [dreg:$0x5]  }
0x86: {  	s0 =	sadd.s32 @!p0 $0x100000, s0  }
0x87: {  	[sflag:s0] =	ssyncadd.tile.s32 @!p0 $0x1;
	_ =	shalt  }
.Lfunc_end2:
_tile_overlayer_lowered:
.L_overlay_start_2:
0x88: {  	(tag) =	ssettag $0x2  }
0x89: {  	s0 =	rddreg [dreg:$0x0];
	s2 =	stileid.u32  }
0x8a: {  	s1 =	rddreg [dreg:$0x1];
	p0 =	sne.s32 s2, $0x0  }
0x8b: {  	s3 =	rddreg [dreg:$0x2];
	[bflag:$0x3] =	sbarrier.arrive $0xFFFF;
	s2 =	simm.s32 @!p0 $0x1C03  }
0x8c: {  	[timem:s3], [sflag:s2] =	dma.local @!p0 [hbm:s0], s1  }
0x8d: {  	s0 =	simm.s32 @!p0 $0x3  }
0x8e: {  	_ =	swait.ge @!p0 [sflag:s0], s1  }
0x8f: {  	s1 =	ssub.s32 @!p0 $0x0, s1;
	[sflag:s0] =	ssyncset.done @!p0 $0x0  }
0x90: {  	[sflag:s0] =	ssyncadd.s32 @!p0 s1  }
0x91: {  	[bflag:$0x3] =	sbarrier.arrive $0xFFFF  }
0x92: {  	_ =	shalt  }

</sc_bundles>
